<compile_context>
chip_gen: v7x
topology: tpu7x:2x2x1
jax: 0.10.2.dev20260603
libtpu: 0.0.44.dev20260713+nightly
codegen_flags: <defaults>
</compile_context>

<pallas_src>
import functools

import jax
import jax.numpy as jnp
from jax import lax
from jax.experimental import pallas as pl
from jax.experimental.pallas import tpu as pltpu
from jax.experimental.pallas import tpu_sc as plsc

_B, _N, _M, _D = 4, 4096, 16384, 3
_KX, _KS, _P, _H, _O = 256, 128, 128, 256, 128
_K = 16
_MB = 256
_W = 1536
_INF = jnp.inf

_NC, _NS, _L = 2, 16, 16
_CQ = 16



def _make_select_kernel(n):

  def body(start_ref, narrow_ref,
           posT_ref, bx_ref, ps_ref, bs_ref,
           idx_ref, wn_ref, cur_ref):
    i = pl.program_id(0)
    ps = ps_ref[...]
    py2 = jnp.sum(ps * ps, axis=1, keepdims=True)

    def run_path(width, s):
      if s is None:
        csl = slice(None)
        col0 = 0
      else:
        csl = pl.ds(s, width)
        col0 = s
      posTw = posT_ref[:, csl]
      px2 = jnp.sum(posTw * posTw, axis=0, keepdims=True)
      d2 = py2 + px2 - 2.0 * jnp.dot(ps, posTw,
                                     preferred_element_type=jnp.float32)
      d2 = jnp.where(bs_ref[...] != bx_ref[:, csl], _INF, d2)
      cols = jax.lax.broadcasted_iota(jnp.int32, (_MB, width), 1) + col0
      keys = (jax.lax.bitcast_convert_type(d2, jnp.int32)
              & (-4096)) | cols
      cur_ref[:, :width] = keys

      ms = []
      for _ in range(_K):
        c = cur_ref[:, :width]
        m = jnp.min(c, axis=1, keepdims=True)
        ms.append(m)
        cur_ref[:, :width] = jnp.where(c == m, 0x7FFFFFFF, c)
      k16 = jnp.concatenate(ms, axis=1)
      idx_ref[...] = k16 & 0xFFF
      d2k = jax.lax.bitcast_convert_type(k16 & (-4096), jnp.float32)
      w = 1.0 / jnp.maximum(d2k, 1e-16)
      wn = w / jnp.sum(w, axis=1, keepdims=True)
      erow = jax.lax.broadcasted_iota(jnp.int32, (_K, _K * _L), 0)
      ecol = jax.lax.broadcasted_iota(jnp.int32, (_K, _K * _L), 1)
      expand = jnp.where(erow == ecol // _L, 1.0, 0.0)
      wn_ref[...] = jnp.dot(wn, expand, preferred_element_type=jnp.float32)

    @pl.when(narrow_ref[i] == 1)
    def _():
      run_path(_W, pl.multiple_of(start_ref[i], 128))

    @pl.when(narrow_ref[i] == 0)
    def _():
      run_path(n, None)

  return body


def _select(posT, bx, pos_skip, bs, start, narrow, M, N):
    nblocks = M // _MB
    const = lambda i: (0, 0)
    smem = lambda shape: pl.BlockSpec(shape, lambda i: tuple(0 for _ in shape),
                                      memory_space=pltpu.SMEM)
    return pl.pallas_call(
        _make_select_kernel(N),
        grid=(nblocks,),
        in_specs=[
            smem((nblocks,)), smem((nblocks,)),
            pl.BlockSpec((_D, N), const),
            pl.BlockSpec((1, N), const),
            pl.BlockSpec((_MB, _D), lambda i: (i, 0)),
            pl.BlockSpec((_MB, 1), lambda i: (i, 0)),
        ],
        out_specs=[pl.BlockSpec((_MB, _K), lambda i: (i, 0)),
                   pl.BlockSpec((_MB, _K * _L), lambda i: (i, 0))],
        out_shape=[jax.ShapeDtypeStruct((M, _K), jnp.int32),
                   jax.ShapeDtypeStruct((M, _K * _L), jnp.float32)],
        scratch_shapes=[pltpu.VMEM((_MB, N), jnp.int32)],
    )(start, narrow, posT, bx, pos_skip, bs)



def _sc_gather(x, idx, wn):
    M = idx.shape[0]
    q_per_w = M // (_NC * _NS)
    nchunks = q_per_w // _CQ
    mesh = plsc.VectorSubcoreMesh(core_axis_name="c", subcore_axis_name="s")

    @functools.partial(
        pl.kernel, mesh=mesh,
        out_type=jax.ShapeDtypeStruct((M, _KX), jnp.float32),
        scratch_types=[
            pltpu.VMEM((_CQ, _K), jnp.int32),
            pltpu.VMEM((_CQ, _K * _L), jnp.float32),
            pltpu.VMEM((_CQ * _K,), jnp.int32),
            pltpu.VMEM((_CQ * _K, _KX), jnp.float32),
            pltpu.VMEM((_CQ, _KX), jnp.float32),
            pltpu.SemaphoreType.DMA,
        ],
    )
    def k(x_hbm, idx_hbm, wn_hbm, out_hbm,
          idxc_v, wnc_v, flat_v, rows_v, xi_v, sem):
        wid = lax.axis_index("s") * _NC + lax.axis_index("c")
        base = wid * q_per_w

        def chunk(c, carry):
            q0 = base + c * _CQ
            pltpu.sync_copy(idx_hbm.at[pl.ds(q0, _CQ), :], idxc_v)
            pltpu.sync_copy(wn_hbm.at[pl.ds(q0, _CQ), :], wnc_v)

            def flatten(q, carry2):
                flat_v[pl.ds(q * _K, _K)] = idxc_v[q, :]
                return carry2

            lax.fori_loop(0, _CQ, flatten, 0)
            pltpu.async_copy(x_hbm.at[flat_v], rows_v, sem).wait()

            def pool(q, carry2):
                wj = [wnc_v[q, pl.ds(j * _L, _L)] for j in range(_K)]
                for f in range(_KX // _L):
                    fs = pl.ds(f * _L, _L)
                    acc = jnp.zeros((_L,), jnp.float32)
                    for j in range(_K):
                        acc = acc + wj[j] * rows_v[q * _K + j, fs]
                    xi_v[q, fs] = acc
                return carry2

            lax.fori_loop(0, _CQ, pool, 0)
            pltpu.sync_copy(xi_v, out_hbm.at[pl.ds(q0, _CQ), :])
            return carry

        lax.fori_loop(0, nchunks, chunk, 0)

    return k(x, idx, wn)



def _make_mlp_kernel(blocks_per_par):

  def body(par_ref, xi_ref, xs_ref,
           W1_ref, b1_ref, W2_ref, b2_ref, Wp_ref, bp_ref, out_ref):
    xc = jnp.concatenate([xi_ref[...], xs_ref[...]], axis=1)
    h = jnp.tanh(jnp.dot(xc, W1_ref[...], preferred_element_type=jnp.float32)
                 + b1_ref[...])
    h = jnp.dot(h, W2_ref[...], preferred_element_type=jnp.float32) + b2_ref[...]
    g_all = jnp.tanh(jnp.dot(par_ref[...], Wp_ref[...],
                             preferred_element_type=jnp.float32)
                     + bp_ref[...])
    pid = pl.program_id(0) // blocks_per_par
    rows = jax.lax.broadcasted_iota(jnp.int32, g_all.shape, 0)
    g = jnp.sum(jnp.where(rows == pid, g_all, 0.0), axis=0, keepdims=True)
    out_ref[...] = h * g

  return body


def _mlp(par_rows, xi, x_skip, W1, b1, W2, b2, Wp, bp, n_repeats):
    M = xi.shape[0]
    nblocks = M // _MB
    const = lambda i: (0, 0)
    return pl.pallas_call(
        _make_mlp_kernel(n_repeats // _MB),
        grid=(nblocks,),
        in_specs=[
            pl.BlockSpec((par_rows.shape[0], _P), const),
            pl.BlockSpec((_MB, _KX), lambda i: (i, 0)),
            pl.BlockSpec((_MB, _KS), lambda i: (i, 0)),
            pl.BlockSpec((_KX + _KS, _H), const),
            pl.BlockSpec((1, _H), const),
            pl.BlockSpec((_H, _O), const),
            pl.BlockSpec((1, _O), const),
            pl.BlockSpec((_P, _O), const),
            pl.BlockSpec((1, _O), const),
        ],
        out_specs=pl.BlockSpec((_MB, _O), lambda i: (i, 0)),
        out_shape=jax.ShapeDtypeStruct((M, _O), jnp.float32),
    )(par_rows, xi, x_skip,
      W1, b1.reshape(1, _H), W2, b2.reshape(1, _O), Wp, bp.reshape(1, _O))



def kernel(par_embedding, x, pos, batch, x_skip, pos_skip, batch_skip,
           W1, b1, W2, b2, Wp, bp):
    M, N = pos_skip.shape[0], pos.shape[0]
    n_repeats = M // par_embedding.shape[0]
    par_rows = par_embedding.reshape(par_embedding.shape[0], par_embedding.shape[-1])
    posT = pos.T
    batch = batch.astype(jnp.int32)
    batch_skip = batch_skip.astype(jnp.int32)
    bx = batch.astype(jnp.float32).reshape(1, N)
    bs = batch_skip.astype(jnp.float32).reshape(M, 1)

    nblocks = M // _MB
    blk_lo = batch_skip[:: _MB]
    blk_hi = batch_skip[_MB - 1:: _MB]
    col_lo = jnp.searchsorted(batch, blk_lo, side="left").astype(jnp.int32)
    col_hi = (jnp.searchsorted(batch, blk_hi, side="right") - 1).astype(jnp.int32)
    a = (col_lo // 128) * 128
    narrow = ((col_hi - a + 1) <= _W).astype(jnp.int32)
    start = jnp.minimum(a, N - _W).astype(jnp.int32)

    idx, wn = _select(posT, bx, pos_skip, bs, start, narrow, M, N)
    xi = _sc_gather(x, idx, wn)
    out = _mlp(par_rows, xi, x_skip, W1, b1, W2, b2, Wp, bp, n_repeats)
    return (out, pos_skip, batch_skip)

# --- scband reference (transcript-rebuilt; emitter-appended) ---
"""Pipeline reference for scband-feature-propagation-neural-operator-seq-2989297238653 (READ-ONLY COPY).

The authoritative reference and input builder live on the scoring server;
editing this copy changes nothing except your own understanding.
"""

import jax, jax.numpy as jnp
import numpy as np

B, N, M, D = 4, 4096, 16384, 3
KX, KS, P, H, O = 256, 128, 128, 256, 128
KNN_K = 16


def setup_inputs(seed: int = 0) -> dict:
    key = jax.random.key(seed)
    ks = jax.random.split(key, 16)
    par_embedding = jax.random.normal(ks[0], (B, 1, P), dtype=jnp.float32)
    x = jax.random.normal(ks[1], (N, KX), dtype=jnp.float32)
    pos = jax.random.uniform(ks[2], (N, D), dtype=jnp.float32)
    batch = jnp.sort(jax.random.randint(ks[3], (N,), 0, B))
    x_skip = jax.random.normal(ks[4], (M, KS), dtype=jnp.float32)
    pos_skip = jax.random.uniform(ks[5], (M, D), dtype=jnp.float32)
    batch_skip = jnp.sort(jax.random.randint(ks[6], (M,), 0, B))
    # MLP([384, 256, 128], act=Tanh, plain_last=True) parameters
    W1 = jax.random.normal(ks[7], (KX + KS, H), dtype=jnp.float32) / np.sqrt(KX + KS)
    b1 = jnp.zeros((H,), dtype=jnp.float32)
    W2 = jax.random.normal(ks[8], (H, O), dtype=jnp.float32) / np.sqrt(H)
    b2 = jnp.zeros((O,), dtype=jnp.float32)
    # par_reduce_mlp: Linear(par_size, 128) + Tanh
    Wp = jax.random.normal(ks[9], (P, O), dtype=jnp.float32) / np.sqrt(P)
    bp = jnp.zeros((O,), dtype=jnp.float32)
    return {"par_embedding": par_embedding, "x": x, "pos": pos, "batch": batch,
            "x_skip": x_skip, "pos_skip": pos_skip, "batch_skip": batch_skip,
            "W1": W1, "b1": b1, "W2": W2, "b2": b2, "Wp": Wp, "bp": bp}


def knn_interpolate(x, pos_x, pos_y, batch_x, batch_y, k):
    # squared pairwise distances (M, N) via expansion
    d2 = (jnp.sum(pos_y * pos_y, axis=1, keepdims=True)
          + jnp.sum(pos_x * pos_x, axis=1)[None, :]
          - 2.0 * (pos_y @ pos_x.T))
    mask = batch_y[:, None] != batch_x[None, :]
    d2 = jnp.where(mask, jnp.inf, d2)
    neg_d2k, idx = jax.lax.top_k(-d2, k)
    d2k = -neg_d2k
    # torch_geometric computes weights under no_grad
    w = jax.lax.stop_gradient(1.0 / jnp.maximum(d2k, 1e-16))  # (M, k)
    gathered = x[idx]  # (M, k, F) gather
    y = jnp.sum(gathered * w[..., None], axis=1) / jnp.sum(w, axis=1, keepdims=True)
    return y


def reference(par_embedding, x, pos, batch, x_skip, pos_skip, batch_skip,
              W1, b1, W2, b2, Wp, bp):
    # single FeaturePropagationNeuralOperator layer (one skip)
    xi = knn_interpolate(x, pos, pos_skip, batch, batch_skip, KNN_K)
    xc = jnp.concatenate([xi, x_skip], axis=1)
    # MLP: Linear -> Tanh -> Linear (plain_last)
    h = jnp.tanh(xc @ W1 + b1)
    h = h @ W2 + b2
    bsz = par_embedding.shape[0]
    n_repeats = h.shape[0] // bsz
    layer_par = jnp.repeat(par_embedding, n_repeats, axis=1)
    layer_par = layer_par.reshape(-1, par_embedding.shape[-1])
    out = h * jnp.tanh(layer_par @ Wp + bp)
    return (out, pos_skip, batch_skip)

if __name__ == "__main__":
    import jax
    _d = setup_inputs()
    print(jax.jit(kernel)(*tuple(_d.values())))

</pallas_src>

<mosaic_0001>
#map = affine_map<(d0, d1) -> (0, 0)>
module attributes {stable_mosaic.version = 14 : i64} {
  func.func @k(%arg0: i32, %arg1: i32, %arg2: memref<4096x256xf32, #tpu.memory_space<hbm>>, %arg3: memref<16384x16xi32, #tpu.memory_space<hbm>>, %arg4: memref<16384x256xf32, #tpu.memory_space<hbm>>, %arg5: memref<16384x256xf32, #tpu.memory_space<hbm>>, %arg6: memref<16x16xi32, #tpu.memory_space<vmem>>, %arg7: memref<16x256xf32, #tpu.memory_space<vmem>>, %arg8: memref<256xi32, #tpu.memory_space<vmem>>, %arg9: memref<256x256xf32, #tpu.memory_space<vmem>>, %arg10: memref<16x256xf32, #tpu.memory_space<vmem>>, %arg11: memref<!tpu.dma_semaphore, #tpu.memory_space<semaphore_mem>>) attributes {dimension_semantics = [#tpu.dimension_semantics<core_parallel>, #tpu.dimension_semantics<subcore_parallel>], iteration_bounds = array<i64: 2, 16>, scalar_prefetch = 0 : i64, scratch_operands = 6 : i64, tpu.core_type = #tpu.core_type<sc_vector_subcore>, window_params = [{transform_indices = #map}, {transform_indices = #map}, {transform_indices = #map}, {transform_indices = #map}]} {
    %mul3A = arith.constant 2 : i32
    %mul3A_0 = arith.muli %arg1, %mul3A : i32
    %add3A = arith.addi %mul3A_0, %arg0 : i32
    %mul3A_1 = arith.constant 512 : i32
    %mul3A_2 = arith.muli %add3A, %mul3A_1 : i32
    %scan3A = arith.constant 0 : i32
    %scan3A_3 = arith.constant 0 : i32
    %scan3A_4 = arith.constant 32 : i32
    %scan3A_5 = arith.addi %scan3A_3, %scan3A_4 : i32
    %scan3A_6 = arith.constant 1 : i32
    scf.for %scan3A_8 = %scan3A_3 to %scan3A_5 step %scan3A_6  : i32 {
      %mul3A_9 = arith.constant 16 : i32
      %mul3A_10 = arith.muli %scan3A_8, %mul3A_9 : i32
      %add3A_11 = arith.addi %mul3A_2, %mul3A_10 : i32
      "tpu.region"() ({
        %run_scoped3A = tpu.sem_alloc : memref<!tpu.dma_semaphore, #tpu.memory_space<semaphore_mem>>
        %dma_start3A_28 = arith.constant 0 : i32
        %dma_start3A_29 = tpu.memref_slice %arg3[%add3A_11, %dma_start3A_28] : memref<16384x16xi32, #tpu.memory_space<hbm>> -> memref<16x16xi32, #tpu.memory_space<hbm>>
        %dma_start3A_30 = arith.constant 0 : i32
        %dma_start3A_31 = tpu.memref_slice %arg3[%add3A_11, %dma_start3A_30] : memref<16384x16xi32, #tpu.memory_space<hbm>> -> memref<16x16xi32, #tpu.memory_space<hbm>>
        tpu.enqueue_dma source(%dma_start3A_31 : memref<16x16xi32, #tpu.memory_space<hbm>>) target(%arg6 : memref<16x16xi32, #tpu.memory_space<vmem>>) target_semaphore(%run_scoped3A : memref<!tpu.dma_semaphore, #tpu.memory_space<semaphore_mem>>)
        %dma_wait3A_32 = arith.constant 0 : i32
        %dma_wait3A_33 = tpu.memref_slice %arg3[%add3A_11, %dma_wait3A_32] : memref<16384x16xi32, #tpu.memory_space<hbm>> -> memref<16x16xi32, #tpu.memory_space<hbm>>
        %dma_wait3A_34 = arith.constant 0 : i32
        %dma_wait3A_35 = tpu.memref_slice %arg3[%add3A_11, %dma_wait3A_34] : memref<16384x16xi32, #tpu.memory_space<hbm>> -> memref<16x16xi32, #tpu.memory_space<hbm>>
        tpu.wait_dma2 semaphore(%run_scoped3A : memref<!tpu.dma_semaphore, #tpu.memory_space<semaphore_mem>>) src(%dma_wait3A_35 : memref<16x16xi32, #tpu.memory_space<hbm>>) dst(%arg6 : memref<16x16xi32, #tpu.memory_space<vmem>>)
        tpu.yield
      }) : () -> ()
      "tpu.region"() ({
        %run_scoped3A = tpu.sem_alloc : memref<!tpu.dma_semaphore, #tpu.memory_space<semaphore_mem>>
        %dma_start3A_28 = arith.constant 0 : i32
        %dma_start3A_29 = tpu.memref_slice %arg4[%add3A_11, %dma_start3A_28] : memref<16384x256xf32, #tpu.memory_space<hbm>> -> memref<16x256xf32, #tpu.memory_space<hbm>>
        %dma_start3A_30 = arith.constant 0 : i32
        %dma_start3A_31 = tpu.memref_slice %arg4[%add3A_11, %dma_start3A_30] : memref<16384x256xf32, #tpu.memory_space<hbm>> -> memref<16x256xf32, #tpu.memory_space<hbm>>
        tpu.enqueue_dma source(%dma_start3A_31 : memref<16x256xf32, #tpu.memory_space<hbm>>) target(%arg7 : memref<16x256xf32, #tpu.memory_space<vmem>>) target_semaphore(%run_scoped3A : memref<!tpu.dma_semaphore, #tpu.memory_space<semaphore_mem>>)
        %dma_wait3A_32 = arith.constant 0 : i32
        %dma_wait3A_33 = tpu.memref_slice %arg4[%add3A_11, %dma_wait3A_32] : memref<16384x256xf32, #tpu.memory_space<hbm>> -> memref<16x256xf32, #tpu.memory_space<hbm>>
        %dma_wait3A_34 = arith.constant 0 : i32
        %dma_wait3A_35 = tpu.memref_slice %arg4[%add3A_11, %dma_wait3A_34] : memref<16384x256xf32, #tpu.memory_space<hbm>> -> memref<16x256xf32, #tpu.memory_space<hbm>>
        tpu.wait_dma2 semaphore(%run_scoped3A : memref<!tpu.dma_semaphore, #tpu.memory_space<semaphore_mem>>) src(%dma_wait3A_35 : memref<16x256xf32, #tpu.memory_space<hbm>>) dst(%arg7 : memref<16x256xf32, #tpu.memory_space<vmem>>)
        tpu.yield
      }) : () -> ()
      %scan3A_12 = arith.constant 0 : i32
      %scan3A_13 = arith.constant 0 : i32
      %scan3A_14 = arith.constant 16 : i32
      %scan3A_15 = arith.addi %scan3A_13, %scan3A_14 : i32
      %scan3A_16 = arith.constant 1 : i32
      scf.for %scan3A_28 = %scan3A_13 to %scan3A_15 step %scan3A_16  : i32 {
        %get3A = arith.index_cast %scan3A_28 : i32 to index
        %get3A_29 = arith.constant 0 : index
        %get3A_30 = tpu.vector_load %arg6[%get3A, %get3A_29] {strides = array<i32>} : memref<16x16xi32, #tpu.memory_space<vmem>>, vector<1x16xi32>,
        %get3A_31 = vector.shape_cast %get3A_30 : vector<1x16xi32> to vector<16xi32>
        %mul3A_32 = arith.constant 16 : i32
        %mul3A_33 = arith.muli %scan3A_28, %mul3A_32 : i32
        %swap3A = arith.index_cast %mul3A_33 : i32 to index
        %swap3A_34 = tpu.vector_load %arg8[%swap3A] {strides = array<i32>} : memref<256xi32, #tpu.memory_space<vmem>>, vector<16xi32>,
        %swap3A_35 = vector.shape_cast %swap3A_34 : vector<16xi32> to vector<16xi32>
        %swap3A_36 = vector.shape_cast %get3A_31 : vector<16xi32> to vector<16xi32>
        tpu.vector_store %arg8[%swap3A], %swap3A_36 {strides = array<i32>} : memref<256xi32, #tpu.memory_space<vmem>>, vector<16xi32>,
      }
      %scan3A_17 = arith.constant 16 : i32
      %dma_start3A = arith.constant 0 : i32
      %dma_start3A_18 = arith.constant 0 : i32
      %dma_start3A_19 = tpu.memref_slice %arg2[%dma_start3A, %dma_start3A_18] : memref<4096x256xf32, #tpu.memory_space<hbm>> -> memref<4096x256xf32, #tpu.memory_space<hbm>>
      tpu.enqueue_indirect_dma source(%dma_start3A_19 : memref<4096x256xf32, #tpu.memory_space<hbm>>) target(%arg9 : memref<256x256xf32, #tpu.memory_space<vmem>>) offsets(%arg8 : memref<256xi32, #tpu.memory_space<vmem>>) semaphore(%arg11 : memref<!tpu.dma_semaphore, #tpu.memory_space<semaphore_mem>>)
      %dma_wait3A = arith.constant 0 : i32
      %dma_wait3A_20 = arith.constant 0 : i32
      %dma_wait3A_21 = tpu.memref_slice %arg2[%dma_wait3A, %dma_wait3A_20] : memref<4096x256xf32, #tpu.memory_space<hbm>> -> memref<4096x256xf32, #tpu.memory_space<hbm>>
      tpu.wait_indirect_dma semaphore(%arg11 : memref<!tpu.dma_semaphore, #tpu.memory_space<semaphore_mem>>) src(%dma_wait3A_21 : memref<4096x256xf32, #tpu.memory_space<hbm>>) dst(%arg9 : memref<256x256xf32, #tpu.memory_space<vmem>>)
      %scan3A_22 = arith.constant 0 : i32
      %scan3A_23 = arith.constant 0 : i32
      %scan3A_24 = arith.constant 16 : i32
      %scan3A_25 = arith.addi %scan3A_23, %scan3A_24 : i32
      %scan3A_26 = arith.constant 1 : i32
      scf.for %scan3A_28 = %scan3A_23 to %scan3A_25 step %scan3A_26  : i32 {
        %get3A = arith.index_cast %scan3A_28 : i32 to index
        %get3A_29 = arith.constant 0 : index
        %get3A_30 = tpu.vector_load %arg7[%get3A, %get3A_29] {strides = array<i32>} : memref<16x256xf32, #tpu.memory_space<vmem>>, vector<1x16xf32>,
        %get3A_31 = vector.shape_cast %get3A_30 : vector<1x16xf32> to vector<16xf32>
        %get3A_32 = arith.index_cast %scan3A_28 : i32 to index
        %get3A_33 = arith.constant 16 : index
        %get3A_34 = tpu.vector_load %arg7[%get3A_32, %get3A_33] {strides = array<i32>} : memref<16x256xf32, #tpu.memory_space<vmem>>, vector<1x16xf32>,
        %get3A_35 = vector.shape_cast %get3A_34 : vector<1x16xf32> to vector<16xf32>
        %get3A_36 = arith.index_cast %scan3A_28 : i32 to index
        %get3A_37 = arith.constant 32 : index
        %get3A_38 = tpu.vector_load %arg7[%get3A_36, %get3A_37] {strides = array<i32>} : memref<16x256xf32, #tpu.memory_space<vmem>>, vector<1x16xf32>,
        %get3A_39 = vector.shape_cast %get3A_38 : vector<1x16xf32> to vector<16xf32>
        %get3A_40 = arith.index_cast %scan3A_28 : i32 to index
        %get3A_41 = arith.constant 48 : index
        %get3A_42 = tpu.vector_load %arg7[%get3A_40, %get3A_41] {strides = array<i32>} : memref<16x256xf32, #tpu.memory_space<vmem>>, vector<1x16xf32>,
        %get3A_43 = vector.shape_cast %get3A_42 : vector<1x16xf32> to vector<16xf32>
        %get3A_44 = arith.index_cast %scan3A_28 : i32 to index
        %get3A_45 = arith.constant 64 : index
        %get3A_46 = tpu.vector_load %arg7[%get3A_44, %get3A_45] {strides = array<i32>} : memref<16x256xf32, #tpu.memory_space<vmem>>, vector<1x16xf32>,
        %get3A_47 = vector.shape_cast %get3A_46 : vector<1x16xf32> to vector<16xf32>
        %get3A_48 = arith.index_cast %scan3A_28 : i32 to index
        %get3A_49 = arith.constant 80 : index
        %get3A_50 = tpu.vector_load %arg7[%get3A_48, %get3A_49] {strides = array<i32>} : memref<16x256xf32, #tpu.memory_space<vmem>>, vector<1x16xf32>,
        %get3A_51 = vector.shape_cast %get3A_50 : vector<1x16xf32> to vector<16xf32>
        %get3A_52 = arith.index_cast %scan3A_28 : i32 to index
        %get3A_53 = arith.constant 96 : index
        %get3A_54 = tpu.vector_load %arg7[%get3A_52, %get3A_53] {strides = array<i32>} : memref<16x256xf32, #tpu.memory_space<vmem>>, vector<1x16xf32>,
        %get3A_55 = vector.shape_cast %get3A_54 : vector<1x16xf32> to vector<16xf32>
        %get3A_56 = arith.index_cast %scan3A_28 : i32 to index
        %get3A_57 = arith.constant 112 : index
        %get3A_58 = tpu.vector_load %arg7[%get3A_56, %get3A_57] {strides = array<i32>} : memref<16x256xf32, #tpu.memory_space<vmem>>, vector<1x16xf32>,
        %get3A_59 = vector.shape_cast %get3A_58 : vector<1x16xf32> to vector<16xf32>
        %get3A_60 = arith.index_cast %scan3A_28 : i32 to index
        %get3A_61 = arith.constant 128 : index
        %get3A_62 = tpu.vector_load %arg7[%get3A_60, %get3A_61] {strides = array<i32>} : memref<16x256xf32, #tpu.memory_space<vmem>>, vector<1x16xf32>,
        %get3A_63 = vector.shape_cast %get3A_62 : vector<1x16xf32> to vector<16xf32>
        %get3A_64 = arith.index_cast %scan3A_28 : i32 to index
        %get3A_65 = arith.constant 144 : index
        %get3A_66 = tpu.vector_load %arg7[%get3A_64, %get3A_65] {strides = array<i32>} : memref<16x256xf32, #tpu.memory_space<vmem>>, vector<1x16xf32>,
        %get3A_67 = vector.shape_cast %get3A_66 : vector<1x16xf32> to vector<16xf32>
        %get3A_68 = arith.index_cast %scan3A_28 : i32 to index
        %get3A_69 = arith.constant 160 : index
        %get3A_70 = tpu.vector_load %arg7[%get3A_68, %get3A_69] {strides = array<i32>} : memref<16x256xf32, #tpu.memory_space<vmem>>, vector<1x16xf32>,
        %get3A_71 = vector.shape_cast %get3A_70 : vector<1x16xf32> to vector<16xf32>
        %get3A_72 = arith.index_cast %scan3A_28 : i32 to index
        %get3A_73 = arith.constant 176 : index
        %get3A_74 = tpu.vector_load %arg7[%get3A_72, %get3A_73] {strides = array<i32>} : memref<16x256xf32, #tpu.memory_space<vmem>>, vector<1x16xf32>,
        %get3A_75 = vector.shape_cast %get3A_74 : vector<1x16xf32> to vector<16xf32>
        %get3A_76 = arith.index_cast %scan3A_28 : i32 to index
        %get3A_77 = arith.constant 192 : index
        %get3A_78 = tpu.vector_load %arg7[%get3A_76, %get3A_77] {strides = array<i32>} : memref<16x256xf32, #tpu.memory_space<vmem>>, vector<1x16xf32>,
        %get3A_79 = vector.shape_cast %get3A_78 : vector<1x16xf32> to vector<16xf32>
        %get3A_80 = arith.index_cast %scan3A_28 : i32 to index
        %get3A_81 = arith.constant 208 : index
        %get3A_82 = tpu.vector_load %arg7[%get3A_80, %get3A_81] {strides = array<i32>} : memref<16x256xf32, #tpu.memory_space<vmem>>, vector<1x16xf32>,
        %get3A_83 = vector.shape_cast %get3A_82 : vector<1x16xf32> to vector<16xf32>
        %get3A_84 = arith.index_cast %scan3A_28 : i32 to index
        %get3A_85 = arith.constant 224 : index
        %get3A_86 = tpu.vector_load %arg7[%get3A_84, %get3A_85] {strides = array<i32>} : memref<16x256xf32, #tpu.memory_space<vmem>>, vector<1x16xf32>,
        %get3A_87 = vector.shape_cast %get3A_86 : vector<1x16xf32> to vector<16xf32>
        %get3A_88 = arith.index_cast %scan3A_28 : i32 to index
        %get3A_89 = arith.constant 240 : index
        %get3A_90 = tpu.vector_load %arg7[%get3A_88, %get3A_89] {strides = array<i32>} : memref<16x256xf32, #tpu.memory_space<vmem>>, vector<1x16xf32>,
        %get3A_91 = vector.shape_cast %get3A_90 : vector<1x16xf32> to vector<16xf32>
        %broadcast_in_dim3A = arith.constant 0.000000e+00 : f32
        %broadcast_in_dim3A_92 = vector.broadcast %broadcast_in_dim3A : f32 to vector<16xf32>
        %mul3A_93 = arith.constant 16 : i32
        %mul3A_94 = arith.muli %scan3A_28, %mul3A_93 : i32
        %add3A_95 = arith.constant 0 : i32
        %add3A_96 = arith.addi %mul3A_94, %add3A_95 : i32
        %get3A_97 = arith.index_cast %add3A_96 : i32 to index
        %get3A_98 = arith.constant 0 : index
        %get3A_99 = tpu.vector_load %arg9[%get3A_97, %get3A_98] {strides = array<i32>} : memref<256x256xf32, #tpu.memory_space<vmem>>, vector<1x16xf32>,
        %get3A_100 = vector.shape_cast %get3A_99 : vector<1x16xf32> to vector<16xf32>
        %mul3A_101 = arith.mulf %get3A_31, %get3A_100 : vector<16xf32>
        %add3A_102 = arith.addf %broadcast_in_dim3A_92, %mul3A_101 : vector<16xf32>
        %mul3A_103 = arith.constant 16 : i32
        %mul3A_104 = arith.muli %scan3A_28, %mul3A_103 : i32
        %add3A_105 = arith.constant 1 : i32
        %add3A_106 = arith.addi %mul3A_104, %add3A_105 : i32
        %get3A_107 = arith.index_cast %add3A_106 : i32 to index
        %get3A_108 = arith.constant 0 : index
        %get3A_109 = tpu.vector_load %arg9[%get3A_107, %get3A_108] {strides = array<i32>} : memref<256x256xf32, #tpu.memory_space<vmem>>, vector<1x16xf32>,
        %get3A_110 = vector.shape_cast %get3A_109 : vector<1x16xf32> to vector<16xf32>
        %mul3A_111 = arith.mulf %get3A_35, %get3A_110 : vector<16xf32>
        %add3A_112 = arith.addf %add3A_102, %mul3A_111 : vector<16xf32>
        %mul3A_113 = arith.constant 16 : i32
        %mul3A_114 = arith.muli %scan3A_28, %mul3A_113 : i32
        %add3A_115 = arith.constant 2 : i32
        %add3A_116 = arith.addi %mul3A_114, %add3A_115 : i32
        %get3A_117 = arith.index_cast %add3A_116 : i32 to index
        %get3A_118 = arith.constant 0 : index
        %get3A_119 = tpu.vector_load %arg9[%get3A_117, %get3A_118] {strides = array<i32>} : memref<256x256xf32, #tpu.memory_space<vmem>>, vector<1x16xf32>,
        %get3A_120 = vector.shape_cast %get3A_119 : vector<1x16xf32> to vector<16xf32>
        %mul3A_121 = arith.mulf %get3A_39, %get3A_120 : vector<16xf32>
        %add3A_122 = arith.addf %add3A_112, %mul3A_121 : vector<16xf32>
        %mul3A_123 = arith.constant 16 : i32
        %mul3A_124 = arith.muli %scan3A_28, %mul3A_123 : i32
        %add3A_125 = arith.constant 3 : i32
        %add3A_126 = arith.addi %mul3A_124, %add3A_125 : i32
        %get3A_127 = arith.index_cast %add3A_126 : i32 to index
        %get3A_128 = arith.constant 0 : index
        %get3A_129 = tpu.vector_load %arg9[%get3A_127, %get3A_128] {strides = array<i32>} : memref<256x256xf32, #tpu.memory_space<vmem>>, vector<1x16xf32>,
        %get3A_130 = vector.shape_cast %get3A_129 : vector<1x16xf32> to vector<16xf32>
        %mul3A_131 = arith.mulf %get3A_43, %get3A_130 : vector<16xf32>
        %add3A_132 = arith.addf %add3A_122, %mul3A_131 : vector<16xf32>
        %mul3A_133 = arith.constant 16 : i32
        %mul3A_134 = arith.muli %scan3A_28, %mul3A_133 : i32
        %add3A_135 = arith.constant 4 : i32
        %add3A_136 = arith.addi %mul3A_134, %add3A_135 : i32
        %get3A_137 = arith.index_cast %add3A_136 : i32 to index
        %get3A_138 = arith.constant 0 : index
        %get3A_139 = tpu.vector_load %arg9[%get3A_137, %get3A_138] {strides = array<i32>} : memref<256x256xf32, #tpu.memory_space<vmem>>, vector<1x16xf32>,
        %get3A_140 = vector.shape_cast %get3A_139 : vector<1x16xf32> to vector<16xf32>
        %mul3A_141 = arith.mulf %get3A_47, %get3A_140 : vector<16xf32>
        %add3A_142 = arith.addf %add3A_132, %mul3A_141 : vector<16xf32>
        %mul3A_143 = arith.constant 16 : i32
        %mul3A_144 = arith.muli %scan3A_28, %mul3A_143 : i32
        %add3A_145 = arith.constant 5 : i32
        %add3A_146 = arith.addi %mul3A_144, %add3A_145 : i32
        %get3A_147 = arith.index_cast %add3A_146 : i32 to index
        %get3A_148 = arith.constant 0 : index
        %get3A_149 = tpu.vector_load %arg9[%get3A_147, %get3A_148] {strides = array<i32>} : memref<256x256xf32, #tpu.memory_space<vmem>>, vector<1x16xf32>,
        %get3A_150 = vector.shape_cast %get3A_149 : vector<1x16xf32> to vector<16xf32>
        %mul3A_151 = arith.mulf %get3A_51, %get3A_150 : vector<16xf32>
        %add3A_152 = arith.addf %add3A_142, %mul3A_151 : vector<16xf32>
        %mul3A_153 = arith.constant 16 : i32
        %mul3A_154 = arith.muli %scan3A_28, %mul3A_153 : i32
        %add3A_155 = arith.constant 6 : i32
        %add3A_156 = arith.addi %mul3A_154, %add3A_155 : i32
        %get3A_157 = arith.index_cast %add3A_156 : i32 to index
        %get3A_158 = arith.constant 0 : index
        %get3A_159 = tpu.vector_load %arg9[%get3A_157, %get3A_158] {strides = array<i32>} : memref<256x256xf32, #tpu.memory_space<vmem>>, vector<1x16xf32>,
        %get3A_160 = vector.shape_cast %get3A_159 : vector<1x16xf32> to vector<16xf32>
        %mul3A_161 = arith.mulf %get3A_55, %get3A_160 : vector<16xf32>
        %add3A_162 = arith.addf %add3A_152, %mul3A_161 : vector<16xf32>
        %mul3A_163 = arith.constant 16 : i32
        %mul3A_164 = arith.muli %scan3A_28, %mul3A_163 : i32
        %add3A_165 = arith.constant 7 : i32
        %add3A_166 = arith.addi %mul3A_164, %add3A_165 : i32
        %get3A_167 = arith.index_cast %add3A_166 : i32 to index
        %get3A_168 = arith.constant 0 : index
        %get3A_169 = tpu.vector_load %arg9[%get3A_167, %get3A_168] {strides = array<i32>} : memref<256x256xf32, #tpu.memory_space<vmem>>, vector<1x16xf32>,
        %get3A_170 = vector.shape_cast %get3A_169 : vector<1x16xf32> to vector<16xf32>
        %mul3A_171 = arith.mulf %get3A_59, %get3A_170 : vector<16xf32>
        %add3A_172 = arith.addf %add3A_162, %mul3A_171 : vector<16xf32>
        %mul3A_173 = arith.constant 16 : i32
        %mul3A_174 = arith.muli %scan3A_28, %mul3A_173 : i32
        %add3A_175 = arith.constant 8 : i32
        %add3A_176 = arith.addi %mul3A_174, %add3A_175 : i32
        %get3A_177 = arith.index_cast %add3A_176 : i32 to index
        %get3A_178 = arith.constant 0 : index
        %get3A_179 = tpu.vector_load %arg9[%get3A_177, %get3A_178] {strides = array<i32>} : memref<256x256xf32, #tpu.memory_space<vmem>>, vector<1x16xf32>,
        %get3A_180 = vector.shape_cast %get3A_179 : vector<1x16xf32> to vector<16xf32>
        %mul3A_181 = arith.mulf %get3A_63, %get3A_180 : vector<16xf32>
        %add3A_182 = arith.addf %add3A_172, %mul3A_181 : vector<16xf32>
        %mul3A_183 = arith.constant 16 : i32
        %mul3A_184 = arith.muli %scan3A_28, %mul3A_183 : i32
        %add3A_185 = arith.constant 9 : i32
        %add3A_186 = arith.addi %mul3A_184, %add3A_185 : i32
        %get3A_187 = arith.index_cast %add3A_186 : i32 to index
        %get3A_188 = arith.constant 0 : index
        %get3A_189 = tpu.vector_load %arg9[%get3A_187, %get3A_188] {strides = array<i32>} : memref<256x256xf32, #tpu.memory_space<vmem>>, vector<1x16xf32>,
        %get3A_190 = vector.shape_cast %get3A_189 : vector<1x16xf32> to vector<16xf32>
        %mul3A_191 = arith.mulf %get3A_67, %get3A_190 : vector<16xf32>
        %add3A_192 = arith.addf %add3A_182, %mul3A_191 : vector<16xf32>
        %mul3A_193 = arith.constant 16 : i32
        %mul3A_194 = arith.muli %scan3A_28, %mul3A_193 : i32
        %add3A_195 = arith.constant 10 : i32
        %add3A_196 = arith.addi %mul3A_194, %add3A_195 : i32
        %get3A_197 = arith.index_cast %add3A_196 : i32 to index
        %get3A_198 = arith.constant 0 : index
        %get3A_199 = tpu.vector_load %arg9[%get3A_197, %get3A_198] {strides = array<i32>} : memref<256x256xf32, #tpu.memory_space<vmem>>, vector<1x16xf32>,
        %get3A_200 = vector.shape_cast %get3A_199 : vector<1x16xf32> to vector<16xf32>
        %mul3A_201 = arith.mulf %get3A_71, %get3A_200 : vector<16xf32>
        %add3A_202 = arith.addf %add3A_192, %mul3A_201 : vector<16xf32>
        %mul3A_203 = arith.constant 16 : i32
        %mul3A_204 = arith.muli %scan3A_28, %mul3A_203 : i32
        %add3A_205 = arith.constant 11 : i32
        %add3A_206 = arith.addi %mul3A_204, %add3A_205 : i32
        %get3A_207 = arith.index_cast %add3A_206 : i32 to index
        %get3A_208 = arith.constant 0 : index
        %get3A_209 = tpu.vector_load %arg9[%get3A_207, %get3A_208] {strides = array<i32>} : memref<256x256xf32, #tpu.memory_space<vmem>>, vector<1x16xf32>,
        %get3A_210 = vector.shape_cast %get3A_209 : vector<1x16xf32> to vector<16xf32>
        %mul3A_211 = arith.mulf %get3A_75, %get3A_210 : vector<16xf32>
        %add3A_212 = arith.addf %add3A_202, %mul3A_211 : vector<16xf32>
        %mul3A_213 = arith.constant 16 : i32
        %mul3A_214 = arith.muli %scan3A_28, %mul3A_213 : i32
        %add3A_215 = arith.constant 12 : i32
        %add3A_216 = arith.addi %mul3A_214, %add3A_215 : i32
        %get3A_217 = arith.index_cast %add3A_216 : i32 to index
        %get3A_218 = arith.constant 0 : index
        %get3A_219 = tpu.vector_load %arg9[%get3A_217, %get3A_218] {strides = array<i32>} : memref<256x256xf32, #tpu.memory_space<vmem>>, vector<1x16xf32>,
        %get3A_220 = vector.shape_cast %get3A_219 : vector<1x16xf32> to vector<16xf32>
        %mul3A_221 = arith.mulf %get3A_79, %get3A_220 : vector<16xf32>
        %add3A_222 = arith.addf %add3A_212, %mul3A_221 : vector<16xf32>
        %mul3A_223 = arith.constant 16 : i32
        %mul3A_224 = arith.muli %scan3A_28, %mul3A_223 : i32
        %add3A_225 = arith.constant 13 : i32
        %add3A_226 = arith.addi %mul3A_224, %add3A_225 : i32
        %get3A_227 = arith.index_cast %add3A_226 : i32 to index
        %get3A_228 = arith.constant 0 : index
        %get3A_229 = tpu.vector_load %arg9[%get3A_227, %get3A_228] {strides = array<i32>} : memref<256x256xf32, #tpu.memory_space<vmem>>, vector<1x16xf32>,
        %get3A_230 = vector.shape_cast %get3A_229 : vector<1x16xf32> to vector<16xf32>
        %mul3A_231 = arith.mulf %get3A_83, %get3A_230 : vector<16xf32>
        %add3A_232 = arith.addf %add3A_222, %mul3A_231 : vector<16xf32>
        %mul3A_233 = arith.constant 16 : i32
        %mul3A_234 = arith.muli %scan3A_28, %mul3A_233 : i32
        %add3A_235 = arith.constant 14 : i32
        %add3A_236 = arith.addi %mul3A_234, %add3A_235 : i32
        %get3A_237 = arith.index_cast %add3A_236 : i32 to index
        %get3A_238 = arith.constant 0 : index
        %get3A_239 = tpu.vector_load %arg9[%get3A_237, %get3A_238] {strides = array<i32>} : memref<256x256xf32, #tpu.memory_space<vmem>>, vector<1x16xf32>,
        %get3A_240 = vector.shape_cast %get3A_239 : vector<1x16xf32> to vector<16xf32>
        %mul3A_241 = arith.mulf %get3A_87, %get3A_240 : vector<16xf32>
        %add3A_242 = arith.addf %add3A_232, %mul3A_241 : vector<16xf32>
        %mul3A_243 = arith.constant 16 : i32
        %mul3A_244 = arith.muli %scan3A_28, %mul3A_243 : i32
        %add3A_245 = arith.constant 15 : i32
        %add3A_246 = arith.addi %mul3A_244, %add3A_245 : i32
        %get3A_247 = arith.index_cast %add3A_246 : i32 to index
        %get3A_248 = arith.constant 0 : index
        %get3A_249 = tpu.vector_load %arg9[%get3A_247, %get3A_248] {strides = array<i32>} : memref<256x256xf32, #tpu.memory_space<vmem>>, vector<1x16xf32>,
        %get3A_250 = vector.shape_cast %get3A_249 : vector<1x16xf32> to vector<16xf32>
        %mul3A_251 = arith.mulf %get3A_91, %get3A_250 : vector<16xf32>
        %add3A_252 = arith.addf %add3A_242, %mul3A_251 : vector<16xf32>
        %swap3A = arith.index_cast %scan3A_28 : i32 to index
        %swap3A_253 = arith.constant 0 : index
        %swap3A_254 = tpu.vector_load %arg10[%swap3A, %swap3A_253] {strides = array<i32>} : memref<16x256xf32, #tpu.memory_space<vmem>>, vector<1x16xf32>,
        %swap3A_255 = vector.shape_cast %swap3A_254 : vector<1x16xf32> to vector<16xf32>
        %swap3A_256 = vector.shape_cast %add3A_252 : vector<16xf32> to vector<1x16xf32>
        tpu.vector_store %arg10[%swap3A, %swap3A_253], %swap3A_256 {strides = array<i32>} : memref<16x256xf32, #tpu.memory_space<vmem>>, vector<1x16xf32>,
        %broadcast_in_dim3A_257 = arith.constant 0.000000e+00 : f32
        %broadcast_in_dim3A_258 = vector.broadcast %broadcast_in_dim3A_257 : f32 to vector<16xf32>
        %mul3A_259 = arith.constant 16 : i32
        %mul3A_260 = arith.muli %scan3A_28, %mul3A_259 : i32
        %add3A_261 = arith.constant 0 : i32
        %add3A_262 = arith.addi %mul3A_260, %add3A_261 : i32
        %get3A_263 = arith.index_cast %add3A_262 : i32 to index
        %get3A_264 = arith.constant 16 : index
        %get3A_265 = tpu.vector_load %arg9[%get3A_263, %get3A_264] {strides = array<i32>} : memref<256x256xf32, #tpu.memory_space<vmem>>, vector<1x16xf32>,
        %get3A_266 = vector.shape_cast %get3A_265 : vector<1x16xf32> to vector<16xf32>
        %mul3A_267 = arith.mulf %get3A_31, %get3A_266 : vector<16xf32>
        %add3A_268 = arith.addf %broadcast_in_dim3A_258, %mul3A_267 : vector<16xf32>
        %mul3A_269 = arith.constant 16 : i32
        %mul3A_270 = arith.muli %scan3A_28, %mul3A_269 : i32
        %add3A_271 = arith.constant 1 : i32
        %add3A_272 = arith.addi %mul3A_270, %add3A_271 : i32
        %get3A_273 = arith.index_cast %add3A_272 : i32 to index
        %get3A_274 = arith.constant 16 : index
        %get3A_275 = tpu.vector_load %arg9[%get3A_273, %get3A_274] {strides = array<i32>} : memref<256x256xf32, #tpu.memory_space<vmem>>, vector<1x16xf32>,
        %get3A_276 = vector.shape_cast %get3A_275 : vector<1x16xf32> to vector<16xf32>
        %mul3A_277 = arith.mulf %get3A_35, %get3A_276 : vector<16xf32>
        %add3A_278 = arith.addf %add3A_268, %mul3A_277 : vector<16xf32>
        %mul3A_279 = arith.constant 16 : i32
        %mul3A_280 = arith.muli %scan3A_28, %mul3A_279 : i32
        %add3A_281 = arith.constant 2 : i32
        %add3A_282 = arith.addi %mul3A_280, %add3A_281 : i32
        %get3A_283 = arith.index_cast %add3A_282 : i32 to index
        %get3A_284 = arith.constant 16 : index
        %get3A_285 = tpu.vector_load %arg9[%get3A_283, %get3A_284] {strides = array<i32>} : memref<256x256xf32, #tpu.memory_space<vmem>>, vector<1x16xf32>,
        %get3A_286 = vector.shape_cast %get3A_285 : vector<1x16xf32> to vector<16xf32>
        %mul3A_287 = arith.mulf %get3A_39, %get3A_286 : vector<16xf32>
        %add3A_288 = arith.addf %add3A_278, %mul3A_287 : vector<16xf32>
        %mul3A_289 = arith.constant 16 : i32
        %mul3A_290 = arith.muli %scan3A_28, %mul3A_289 : i32
        %add3A_291 = arith.constant 3 : i32
        %add3A_292 = arith.addi %mul3A_290, %add3A_291 : i32
        %get3A_293 = arith.index_cast %add3A_292 : i32 to index
        %get3A_294 = arith.constant 16 : index
        %get3A_295 = tpu.vector_load %arg9[%get3A_293, %get3A_294] {strides = array<i32>} : memref<256x256xf32, #tpu.memory_space<vmem>>, vector<1x16xf32>,
        %get3A_296 = vector.shape_cast %get3A_295 : vector<1x16xf32> to vector<16xf32>
        %mul3A_297 = arith.mulf %get3A_43, %get3A_296 : vector<16xf32>
        %add3A_298 = arith.addf %add3A_288, %mul3A_297 : vector<16xf32>
        %mul3A_299 = arith.constant 16 : i32
        %mul3A_300 = arith.muli %scan3A_28, %mul3A_299 : i32
        %add3A_301 = arith.constant 4 : i32
        %add3A_302 = arith.addi %mul3A_300, %add3A_301 : i32
        %get3A_303 = arith.index_cast %add3A_302 : i32 to index
        %get3A_304 = arith.constant 16 : index
        %get3A_305 = tpu.vector_load %arg9[%get3A_303, %get3A_304] {strides = array<i32>} : memref<256x256xf32, #tpu.memory_space<vmem>>, vector<1x16xf32>,
        %get3A_306 = vector.shape_cast %get3A_305 : vector<1x16xf32> to vector<16xf32>
        %mul3A_307 = arith.mulf %get3A_47, %get3A_306 : vector<16xf32>
        %add3A_308 = arith.addf %add3A_298, %mul3A_307 : vector<16xf32>
        %mul3A_309 = arith.constant 16 : i32
        %mul3A_310 = arith.muli %scan3A_28, %mul3A_309 : i32
        %add3A_311 = arith.constant 5 : i32
        %add3A_312 = arith.addi %mul3A_310, %add3A_311 : i32
        %get3A_313 = arith.index_cast %add3A_312 : i32 to index
        %get3A_314 = arith.constant 16 : index
        %get3A_315 = tpu.vector_load %arg9[%get3A_313, %get3A_314] {strides = array<i32>} : memref<256x256xf32, #tpu.memory_space<vmem>>, vector<1x16xf32>,
        %get3A_316 = vector.shape_cast %get3A_315 : vector<1x16xf32> to vector<16xf32>
        %mul3A_317 = arith.mulf %get3A_51, %get3A_316 : vector<16xf32>
        %add3A_318 = arith.addf %add3A_308, %mul3A_317 : vector<16xf32>
        %mul3A_319 = arith.constant 16 : i32
        %mul3A_320 = arith.muli %scan3A_28, %mul3A_319 : i32
        %add3A_321 = arith.constant 6 : i32
        %add3A_322 = arith.addi %mul3A_320, %add3A_321 : i32
        %get3A_323 = arith.index_cast %add3A_322 : i32 to index
        %get3A_324 = arith.constant 16 : index
        %get3A_325 = tpu.vector_load %arg9[%get3A_323, %get3A_324] {strides = array<i32>} : memref<256x256xf32, #tpu.memory_space<vmem>>, vector<1x16xf32>,
        %get3A_326 = vector.shape_cast %get3A_325 : vector<1x16xf32> to vector<16xf32>
        %mul3A_327 = arith.mulf %get3A_55, %get3A_326 : vector<16xf32>
        %add3A_328 = arith.addf %add3A_318, %mul3A_327 : vector<16xf32>
        %mul3A_329 = arith.constant 16 : i32
        %mul3A_330 = arith.muli %scan3A_28, %mul3A_329 : i32
        %add3A_331 = arith.constant 7 : i32
        %add3A_332 = arith.addi %mul3A_330, %add3A_331 : i32
        %get3A_333 = arith.index_cast %add3A_332 : i32 to index
        %get3A_334 = arith.constant 16 : index
        %get3A_335 = tpu.vector_load %arg9[%get3A_333, %get3A_334] {strides = array<i32>} : memref<256x256xf32, #tpu.memory_space<vmem>>, vector<1x16xf32>,
        %get3A_336 = vector.shape_cast %get3A_335 : vector<1x16xf32> to vector<16xf32>
        %mul3A_337 = arith.mulf %get3A_59, %get3A_336 : vector<16xf32>
        %add3A_338 = arith.addf %add3A_328, %mul3A_337 : vector<16xf32>
        %mul3A_339 = arith.constant 16 : i32
        %mul3A_340 = arith.muli %scan3A_28, %mul3A_339 : i32
        %add3A_341 = arith.constant 8 : i32
        %add3A_342 = arith.addi %mul3A_340, %add3A_341 : i32
        %get3A_343 = arith.index_cast %add3A_342 : i32 to index
        %get3A_344 = arith.constant 16 : index
        %get3A_345 = tpu.vector_load %arg9[%get3A_343, %get3A_344] {strides = array<i32>} : memref<256x256xf32, #tpu.memory_space<vmem>>, vector<1x16xf32>,
        %get3A_346 = vector.shape_cast %get3A_345 : vector<1x16xf32> to vector<16xf32>
        %mul3A_347 = arith.mulf %get3A_63, %get3A_346 : vector<16xf32>
        %add3A_348 = arith.addf %add3A_338, %mul3A_347 : vector<16xf32>
        %mul3A_349 = arith.constant 16 : i32
        %mul3A_350 = arith.muli %scan3A_28, %mul3A_349 : i32
        %add3A_351 = arith.constant 9 : i32
        %add3A_352 = arith.addi %mul3A_350, %add3A_351 : i32
        %get3A_353 = arith.index_cast %add3A_352 : i32 to index
        %get3A_354 = arith.constant 16 : index
        %get3A_355 = tpu.vector_load %arg9[%get3A_353, %get3A_354] {strides = array<i32>} : memref<256x256xf32, #tpu.memory_space<vmem>>, vector<1x16xf32>,
        %get3A_356 = vector.shape_cast %get3A_355 : vector<1x16xf32> to vector<16xf32>
        %mul3A_357 = arith.mulf %get3A_67, %get3A_356 : vector<16xf32>
        %add3A_358 = arith.addf %add3A_348, %mul3A_357 : vector<16xf32>
        %mul3A_359 = arith.constant 16 : i32
        %mul3A_360 = arith.muli %scan3A_28, %mul3A_359 : i32
        %add3A_361 = arith.constant 10 : i32
        %add3A_362 = arith.addi %mul3A_360, %add3A_361 : i32
        %get3A_363 = arith.index_cast %add3A_362 : i32 to index
        %get3A_364 = arith.constant 16 : index
        %get3A_365 = tpu.vector_load %arg9[%get3A_363, %get3A_364] {strides = array<i32>} : memref<256x256xf32, #tpu.memory_space<vmem>>, vector<1x16xf32>,
        %get3A_366 = vector.shape_cast %get3A_365 : vector<1x16xf32> to vector<16xf32>
        %mul3A_367 = arith.mulf %get3A_71, %get3A_366 : vector<16xf32>
        %add3A_368 = arith.addf %add3A_358, %mul3A_367 : vector<16xf32>
        %mul3A_369 = arith.constant 16 : i32
        %mul3A_370 = arith.muli %scan3A_28, %mul3A_369 : i32
        %add3A_371 = arith.constant 11 : i32
        %add3A_372 = arith.addi %mul3A_370, %add3A_371 : i32
        %get3A_373 = arith.index_cast %add3A_372 : i32 to index
        %get3A_374 = arith.constant 16 : index
        %get3A_375 = tpu.vector_load %arg9[%get3A_373, %get3A_374] {strides = array<i32>} : memref<256x256xf32, #tpu.memory_space<vmem>>, vector<1x16xf32>,
        %get3A_376 = vector.shape_cast %get3A_375 : vector<1x16xf32> to vector<16xf32>
        %mul3A_377 = arith.mulf %get3A_75, %get3A_376 : vector<16xf32>
        %add3A_378 = arith.addf %add3A_368, %mul3A_377 : vector<16xf32>
        %mul3A_379 = arith.constant 16 : i32
        %mul3A_380 = arith.muli %scan3A_28, %mul3A_379 : i32
        %add3A_381 = arith.constant 12 : i32
        %add3A_382 = arith.addi %mul3A_380, %add3A_381 : i32
        %get3A_383 = arith.index_cast %add3A_382 : i32 to index
        %get3A_384 = arith.constant 16 : index
        %get3A_385 = tpu.vector_load %arg9[%get3A_383, %get3A_384] {strides = array<i32>} : memref<256x256xf32, #tpu.memory_space<vmem>>, vector<1x16xf32>,
        %get3A_386 = vector.shape_cast %get3A_385 : vector<1x16xf32> to vector<16xf32>
        %mul3A_387 = arith.mulf %get3A_79, %get3A_386 : vector<16xf32>
        %add3A_388 = arith.addf %add3A_378, %mul3A_387 : vector<16xf32>
        %mul3A_389 = arith.constant 16 : i32
        %mul3A_390 = arith.muli %scan3A_28, %mul3A_389 : i32
        %add3A_391 = arith.constant 13 : i32
        %add3A_392 = arith.addi %mul3A_390, %add3A_391 : i32
        %get3A_393 = arith.index_cast %add3A_392 : i32 to index
        %get3A_394 = arith.constant 16 : index
        %get3A_395 = tpu.vector_load %arg9[%get3A_393, %get3A_394] {strides = array<i32>} : memref<256x256xf32, #tpu.memory_space<vmem>>, vector<1x16xf32>,
        %get3A_396 = vector.shape_cast %get3A_395 : vector<1x16xf32> to vector<16xf32>
        %mul3A_397 = arith.mulf %get3A_83, %get3A_396 : vector<16xf32>
        %add3A_398 = arith.addf %add3A_388, %mul3A_397 : vector<16xf32>
        %mul3A_399 = arith.constant 16 : i32
        %mul3A_400 = arith.muli %scan3A_28, %mul3A_399 : i32
        %add3A_401 = arith.constant 14 : i32
        %add3A_402 = arith.addi %mul3A_400, %add3A_401 : i32
        %get3A_403 = arith.index_cast %add3A_402 : i32 to index
        %get3A_404 = arith.constant 16 : index
        %get3A_405 = tpu.vector_load %arg9[%get3A_403, %get3A_404] {strides = array<i32>} : memref<256x256xf32, #tpu.memory_space<vmem>>, vector<1x16xf32>,
        %get3A_406 = vector.shape_cast %get3A_405 : vector<1x16xf32> to vector<16xf32>
        %mul3A_407 = arith.mulf %get3A_87, %get3A_406 : vector<16xf32>
        %add3A_408 = arith.addf %add3A_398, %mul3A_407 : vector<16xf32>
        %mul3A_409 = arith.constant 16 : i32
        %mul3A_410 = arith.muli %scan3A_28, %mul3A_409 : i32
        %add3A_411 = arith.constant 15 : i32
        %add3A_412 = arith.addi %mul3A_410, %add3A_411 : i32
        %get3A_413 = arith.index_cast %add3A_412 : i32 to index
        %get3A_414 = arith.constant 16 : index
        %get3A_415 = tpu.vector_load %arg9[%get3A_413, %get3A_414] {strides = array<i32>} : memref<256x256xf32, #tpu.memory_space<vmem>>, vector<1x16xf32>,
        %get3A_416 = vector.shape_cast %get3A_415 : vector<1x16xf32> to vector<16xf32>
        %mul3A_417 = arith.mulf %get3A_91, %get3A_416 : vector<16xf32>
        %add3A_418 = arith.addf %add3A_408, %mul3A_417 : vector<16xf32>
        %swap3A_419 = arith.index_cast %scan3A_28 : i32 to index
        %swap3A_420 = arith.constant 16 : index
        %swap3A_421 = tpu.vector_load %arg10[%swap3A_419, %swap3A_420] {strides = array<i32>} : memref<16x256xf32, #tpu.memory_space<vmem>>, vector<1x16xf32>,
        %swap3A_422 = vector.shape_cast %swap3A_421 : vector<1x16xf32> to vector<16xf32>
        %swap3A_423 = vector.shape_cast %add3A_418 : vector<16xf32> to vector<1x16xf32>
        tpu.vector_store %arg10[%swap3A_419, %swap3A_420], %swap3A_423 {strides = array<i32>} : memref<16x256xf32, #tpu.memory_space<vmem>>, vector<1x16xf32>,
        %broadcast_in_dim3A_424 = arith.constant 0.000000e+00 : f32
        %broadcast_in_dim3A_425 = vector.broadcast %broadcast_in_dim3A_424 : f32 to vector<16xf32>
        %mul3A_426 = arith.constant 16 : i32
        %mul3A_427 = arith.muli %scan3A_28, %mul3A_426 : i32
        %add3A_428 = arith.constant 0 : i32
        %add3A_429 = arith.addi %mul3A_427, %add3A_428 : i32
        %get3A_430 = arith.index_cast %add3A_429 : i32 to index
        %get3A_431 = arith.constant 32 : index
        %get3A_432 = tpu.vector_load %arg9[%get3A_430, %get3A_431] {strides = array<i32>} : memref<256x256xf32, #tpu.memory_space<vmem>>, vector<1x16xf32>,
        %get3A_433 = vector.shape_cast %get3A_432 : vector<1x16xf32> to vector<16xf32>
        %mul3A_434 = arith.mulf %get3A_31, %get3A_433 : vector<16xf32>
        %add3A_435 = arith.addf %broadcast_in_dim3A_425, %mul3A_434 : vector<16xf32>
        %mul3A_436 = arith.constant 16 : i32
        %mul3A_437 = arith.muli %scan3A_28, %mul3A_436 : i32
        %add3A_438 = arith.constant 1 : i32
        %add3A_439 = arith.addi %mul3A_437, %add3A_438 : i32
        %get3A_440 = arith.index_cast %add3A_439 : i32 to index
        %get3A_441 = arith.constant 32 : index
        %get3A_442 = tpu.vector_load %arg9[%get3A_440, %get3A_441] {strides = array<i32>} : memref<256x256xf32, #tpu.memory_space<vmem>>, vector<1x16xf32>,
        %get3A_443 = vector.shape_cast %get3A_442 : vector<1x16xf32> to vector<16xf32>
        %mul3A_444 = arith.mulf %get3A_35, %get3A_443 : vector<16xf32>
        %add3A_445 = arith.addf %add3A_435, %mul3A_444 : vector<16xf32>
        %mul3A_446 = arith.constant 16 : i32
        %mul3A_447 = arith.muli %scan3A_28, %mul3A_446 : i32
        %add3A_448 = arith.constant 2 : i32
        %add3A_449 = arith.addi %mul3A_447, %add3A_448 : i32
        %get3A_450 = arith.index_cast %add3A_449 : i32 to index
        %get3A_451 = arith.constant 32 : index
        %get3A_452 = tpu.vector_load %arg9[%get3A_450, %get3A_451] {strides = array<i32>} : memref<256x256xf32, #tpu.memory_space<vmem>>, vector<1x16xf32>,
        %get3A_453 = vector.shape_cast %get3A_452 : vector<1x16xf32> to vector<16xf32>
        %mul3A_454 = arith.mulf %get3A_39, %get3A_453 : vector<16xf32>
        %add3A_455 = arith.addf %add3A_445, %mul3A_454 : vector<16xf32>
        %mul3A_456 = arith.constant 16 : i32
        %mul3A_457 = arith.muli %scan3A_28, %mul3A_456 : i32
        %add3A_458 = arith.constant 3 : i32
        %add3A_459 = arith.addi %mul3A_457, %add3A_458 : i32
        %get3A_460 = arith.index_cast %add3A_459 : i32 to index
        %get3A_461 = arith.constant 32 : index
        %get3A_462 = tpu.vector_load %arg9[%get3A_460, %get3A_461] {strides = array<i32>} : memref<256x256xf32, #tpu.memory_space<vmem>>, vector<1x16xf32>,
        %get3A_463 = vector.shape_cast %get3A_462 : vector<1x16xf32> to vector<16xf32>
        %mul3A_464 = arith.mulf %get3A_43, %get3A_463 : vector<16xf32>
        %add3A_465 = arith.addf %add3A_455, %mul3A_464 : vector<16xf32>
        %mul3A_466 = arith.constant 16 : i32
        %mul3A_467 = arith.muli %scan3A_28, %mul3A_466 : i32
        %add3A_468 = arith.constant 4 : i32
        %add3A_469 = arith.addi %mul3A_467, %add3A_468 : i32
        %get3A_470 = arith.index_cast %add3A_469 : i32 to index
        %get3A_471 = arith.constant 32 : index
        %get3A_472 = tpu.vector_load %arg9[%get3A_470, %get3A_471] {strides = array<i32>} : memref<256x256xf32, #tpu.memory_space<vmem>>, vector<1x16xf32>,
        %get3A_473 = vector.shape_cast %get3A_472 : vector<1x16xf32> to vector<16xf32>
        %mul3A_474 = arith.mulf %get3A_47, %get3A_473 : vector<16xf32>
        %add3A_475 = arith.addf %add3A_465, %mul3A_474 : vector<16xf32>
        %mul3A_476 = arith.constant 16 : i32
        %mul3A_477 = arith.muli %scan3A_28, %mul3A_476 : i32
        %add3A_478 = arith.constant 5 : i32
        %add3A_479 = arith.addi %mul3A_477, %add3A_478 : i32
        %get3A_480 = arith.index_cast %add3A_479 : i32 to index
        %get3A_481 = arith.constant 32 : index
        %get3A_482 = tpu.vector_load %arg9[%get3A_480, %get3A_481] {strides = array<i32>} : memref<256x256xf32, #tpu.memory_space<vmem>>, vector<1x16xf32>,
        %get3A_483 = vector.shape_cast %get3A_482 : vector<1x16xf32> to vector<16xf32>
        %mul3A_484 = arith.mulf %get3A_51, %get3A_483 : vector<16xf32>
        %add3A_485 = arith.addf %add3A_475, %mul3A_484 : vector<16xf32>
        %mul3A_486 = arith.constant 16 : i32
        %mul3A_487 = arith.muli %scan3A_28, %mul3A_486 : i32
        %add3A_488 = arith.constant 6 : i32
        %add3A_489 = arith.addi %mul3A_487, %add3A_488 : i32
        %get3A_490 = arith.index_cast %add3A_489 : i32 to index
        %get3A_491 = arith.constant 32 : index
        %get3A_492 = tpu.vector_load %arg9[%get3A_490, %get3A_491] {strides = array<i32>} : memref<256x256xf32, #tpu.memory_space<vmem>>, vector<1x16xf32>,
        %get3A_493 = vector.shape_cast %get3A_492 : vector<1x16xf32> to vector<16xf32>
        %mul3A_494 = arith.mulf %get3A_55, %get3A_493 : vector<16xf32>
        %add3A_495 = arith.addf %add3A_485, %mul3A_494 : vector<16xf32>
        %mul3A_496 = arith.constant 16 : i32
        %mul3A_497 = arith.muli %scan3A_28, %mul3A_496 : i32
        %add3A_498 = arith.constant 7 : i32
        %add3A_499 = arith.addi %mul3A_497, %add3A_498 : i32
        %get3A_500 = arith.index_cast %add3A_499 : i32 to index
        %get3A_501 = arith.constant 32 : index
        %get3A_502 = tpu.vector_load %arg9[%get3A_500, %get3A_501] {strides = array<i32>} : memref<256x256xf32, #tpu.memory_space<vmem>>, vector<1x16xf32>,
        %get3A_503 = vector.shape_cast %get3A_502 : vector<1x16xf32> to vector<16xf32>
        %mul3A_504 = arith.mulf %get3A_59, %get3A_503 : vector<16xf32>
        %add3A_505 = arith.addf %add3A_495, %mul3A_504 : vector<16xf32>
        %mul3A_506 = arith.constant 16 : i32
        %mul3A_507 = arith.muli %scan3A_28, %mul3A_506 : i32
        %add3A_508 = arith.constant 8 : i32
        %add3A_509 = arith.addi %mul3A_507, %add3A_508 : i32
        %get3A_510 = arith.index_cast %add3A_509 : i32 to index
        %get3A_511 = arith.constant 32 : index
        %get3A_512 = tpu.vector_load %arg9[%get3A_510, %get3A_511] {strides = array<i32>} : memref<256x256xf32, #tpu.memory_space<vmem>>, vector<1x16xf32>,
        %get3A_513 = vector.shape_cast %get3A_512 : vector<1x16xf32> to vector<16xf32>
        %mul3A_514 = arith.mulf %get3A_63, %get3A_513 : vector<16xf32>
        %add3A_515 = arith.addf %add3A_505, %mul3A_514 : vector<16xf32>
        %mul3A_516 = arith.constant 16 : i32
        %mul3A_517 = arith.muli %scan3A_28, %mul3A_516 : i32
        %add3A_518 = arith.constant 9 : i32
        %add3A_519 = arith.addi %mul3A_517, %add3A_518 : i32
        %get3A_520 = arith.index_cast %add3A_519 : i32 to index
        %get3A_521 = arith.constant 32 : index
        %get3A_522 = tpu.vector_load %arg9[%get3A_520, %get3A_521] {strides = array<i32>} : memref<256x256xf32, #tpu.memory_space<vmem>>, vector<1x16xf32>,
        %get3A_523 = vector.shape_cast %get3A_522 : vector<1x16xf32> to vector<16xf32>
        %mul3A_524 = arith.mulf %get3A_67, %get3A_523 : vector<16xf32>
        %add3A_525 = arith.addf %add3A_515, %mul3A_524 : vector<16xf32>
        %mul3A_526 = arith.constant 16 : i32
        %mul3A_527 = arith.muli %scan3A_28, %mul3A_526 : i32
        %add3A_528 = arith.constant 10 : i32
        %add3A_529 = arith.addi %mul3A_527, %add3A_528 : i32
        %get3A_530 = arith.index_cast %add3A_529 : i32 to index
        %get3A_531 = arith.constant 32 : index
        %get3A_532 = tpu.vector_load %arg9[%get3A_530, %get3A_531] {strides = array<i32>} : memref<256x256xf32, #tpu.memory_space<vmem>>, vector<1x16xf32>,
        %get3A_533 = vector.shape_cast %get3A_532 : vector<1x16xf32> to vector<16xf32>
        %mul3A_534 = arith.mulf %get3A_71, %get3A_533 : vector<16xf32>
        %add3A_535 = arith.addf %add3A_525, %mul3A_534 : vector<16xf32>
        %mul3A_536 = arith.constant 16 : i32
        %mul3A_537 = arith.muli %scan3A_28, %mul3A_536 : i32
        %add3A_538 = arith.constant 11 : i32
        %add3A_539 = arith.addi %mul3A_537, %add3A_538 : i32
        %get3A_540 = arith.index_cast %add3A_539 : i32 to index
        %get3A_541 = arith.constant 32 : index
        %get3A_542 = tpu.vector_load %arg9[%get3A_540, %get3A_541] {strides = array<i32>} : memref<256x256xf32, #tpu.memory_space<vmem>>, vector<1x16xf32>,
        %get3A_543 = vector.shape_cast %get3A_542 : vector<1x16xf32> to vector<16xf32>
        %mul3A_544 = arith.mulf %get3A_75, %get3A_543 : vector<16xf32>
        %add3A_545 = arith.addf %add3A_535, %mul3A_544 : vector<16xf32>
        %mul3A_546 = arith.constant 16 : i32
        %mul3A_547 = arith.muli %scan3A_28, %mul3A_546 : i32
        %add3A_548 = arith.constant 12 : i32
        %add3A_549 = arith.addi %mul3A_547, %add3A_548 : i32
        %get3A_550 = arith.index_cast %add3A_549 : i32 to index
        %get3A_551 = arith.constant 32 : index
        %get3A_552 = tpu.vector_load %arg9[%get3A_550, %get3A_551] {strides = array<i32>} : memref<256x256xf32, #tpu.memory_space<vmem>>, vector<1x16xf32>,
        %get3A_553 = vector.shape_cast %get3A_552 : vector<1x16xf32> to vector<16xf32>
        %mul3A_554 = arith.mulf %get3A_79, %get3A_553 : vector<16xf32>
        %add3A_555 = arith.addf %add3A_545, %mul3A_554 : vector<16xf32>
        %mul3A_556 = arith.constant 16 : i32
        %mul3A_557 = arith.muli %scan3A_28, %mul3A_556 : i32
        %add3A_558 = arith.constant 13 : i32
        %add3A_559 = arith.addi %mul3A_557, %add3A_558 : i32
        %get3A_560 = arith.index_cast %add3A_559 : i32 to index
        %get3A_561 = arith.constant 32 : index
        %get3A_562 = tpu.vector_load %arg9[%get3A_560, %get3A_561] {strides = array<i32>} : memref<256x256xf32, #tpu.memory_space<vmem>>, vector<1x16xf32>,
        %get3A_563 = vector.shape_cast %get3A_562 : vector<1x16xf32> to vector<16xf32>
        %mul3A_564 = arith.mulf %get3A_83, %get3A_563 : vector<16xf32>
        %add3A_565 = arith.addf %add3A_555, %mul3A_564 : vector<16xf32>
        %mul3A_566 = arith.constant 16 : i32
        %mul3A_567 = arith.muli %scan3A_28, %mul3A_566 : i32
        %add3A_568 = arith.constant 14 : i32
        %add3A_569 = arith.addi %mul3A_567, %add3A_568 : i32
        %get3A_570 = arith.index_cast %add3A_569 : i32 to index
        %get3A_571 = arith.constant 32 : index
        %get3A_572 = tpu.vector_load %arg9[%get3A_570, %get3A_571] {strides = array<i32>} : memref<256x256xf32, #tpu.memory_space<vmem>>, vector<1x16xf32>,
        %get3A_573 = vector.shape_cast %get3A_572 : vector<1x16xf32> to vector<16xf32>
        %mul3A_574 = arith.mulf %get3A_87, %get3A_573 : vector<16xf32>
        %add3A_575 = arith.addf %add3A_565, %mul3A_574 : vector<16xf32>
        %mul3A_576 = arith.constant 16 : i32
        %mul3A_577 = arith.muli %scan3A_28, %mul3A_576 : i32
        %add3A_578 = arith.constant 15 : i32
        %add3A_579 = arith.addi %mul3A_577, %add3A_578 : i32
        %get3A_580 = arith.index_cast %add3A_579 : i32 to index
        %get3A_581 = arith.constant 32 : index
        %get3A_582 = tpu.vector_load %arg9[%get3A_580, %get3A_581] {strides = array<i32>} : memref<256x256xf32, #tpu.memory_space<vmem>>, vector<1x16xf32>,
        %get3A_583 = vector.shape_cast %get3A_582 : vector<1x16xf32> to vector<16xf32>
        %mul3A_584 = arith.mulf %get3A_91, %get3A_583 : vector<16xf32>
        %add3A_585 = arith.addf %add3A_575, %mul3A_584 : vector<16xf32>
        %swap3A_586 = arith.index_cast %scan3A_28 : i32 to index
        %swap3A_587 = arith.constant 32 : index
        %swap3A_588 = tpu.vector_load %arg10[%swap3A_586, %swap3A_587] {strides = array<i32>} : memref<16x256xf32, #tpu.memory_space<vmem>>, vector<1x16xf32>,
        %swap3A_589 = vector.shape_cast %swap3A_588 : vector<1x16xf32> to vector<16xf32>
        %swap3A_590 = vector.shape_cast %add3A_585 : vector<16xf32> to vector<1x16xf32>
        tpu.vector_store %arg10[%swap3A_586, %swap3A_587], %swap3A_590 {strides = array<i32>} : memref<16x256xf32, #tpu.memory_space<vmem>>, vector<1x16xf32>,
        %broadcast_in_dim3A_591 = arith.constant 0.000000e+00 : f32
        %broadcast_in_dim3A_592 = vector.broadcast %broadcast_in_dim3A_591 : f32 to vector<16xf32>
        %mul3A_593 = arith.constant 16 : i32
        %mul3A_594 = arith.muli %scan3A_28, %mul3A_593 : i32
        %add3A_595 = arith.constant 0 : i32
        %add3A_596 = arith.addi %mul3A_594, %add3A_595 : i32
        %get3A_597 = arith.index_cast %add3A_596 : i32 to index
        %get3A_598 = arith.constant 48 : index
        %get3A_599 = tpu.vector_load %arg9[%get3A_597, %get3A_598] {strides = array<i32>} : memref<256x256xf32, #tpu.memory_space<vmem>>, vector<1x16xf32>,
        %get3A_600 = vector.shape_cast %get3A_599 : vector<1x16xf32> to vector<16xf32>
        %mul3A_601 = arith.mulf %get3A_31, %get3A_600 : vector<16xf32>
        %add3A_602 = arith.addf %broadcast_in_dim3A_592, %mul3A_601 : vector<16xf32>
        %mul3A_603 = arith.constant 16 : i32
        %mul3A_604 = arith.muli %scan3A_28, %mul3A_603 : i32
        %add3A_605 = arith.constant 1 : i32
        %add3A_606 = arith.addi %mul3A_604, %add3A_605 : i32
        %get3A_607 = arith.index_cast %add3A_606 : i32 to index
        %get3A_608 = arith.constant 48 : index
        %get3A_609 = tpu.vector_load %arg9[%get3A_607, %get3A_608] {strides = array<i32>} : memref<256x256xf32, #tpu.memory_space<vmem>>, vector<1x16xf32>,
        %get3A_610 = vector.shape_cast %get3A_609 : vector<1x16xf32> to vector<16xf32>
        %mul3A_611 = arith.mulf %get3A_35, %get3A_610 : vector<16xf32>
        %add3A_612 = arith.addf %add3A_602, %mul3A_611 : vector<16xf32>
        %mul3A_613 = arith.constant 16 : i32
        %mul3A_614 = arith.muli %scan3A_28, %mul3A_613 : i32
        %add3A_615 = arith.constant 2 : i32
        %add3A_616 = arith.addi %mul3A_614, %add3A_615 : i32
        %get3A_617 = arith.index_cast %add3A_616 : i32 to index
        %get3A_618 = arith.constant 48 : index
        %get3A_619 = tpu.vector_load %arg9[%get3A_617, %get3A_618] {strides = array<i32>} : memref<256x256xf32, #tpu.memory_space<vmem>>, vector<1x16xf32>,
        %get3A_620 = vector.shape_cast %get3A_619 : vector<1x16xf32> to vector<16xf32>
        %mul3A_621 = arith.mulf %get3A_39, %get3A_620 : vector<16xf32>
        %add3A_622 = arith.addf %add3A_612, %mul3A_621 : vector<16xf32>
        %mul3A_623 = arith.constant 16 : i32
        %mul3A_624 = arith.muli %scan3A_28, %mul3A_623 : i32
        %add3A_625 = arith.constant 3 : i32
        %add3A_626 = arith.addi %mul3A_624, %add3A_625 : i32
        %get3A_627 = arith.index_cast %add3A_626 : i32 to index
        %get3A_628 = arith.constant 48 : index
        %get3A_629 = tpu.vector_load %arg9[%get3A_627, %get3A_628] {strides = array<i32>} : memref<256x256xf32, #tpu.memory_space<vmem>>, vector<1x16xf32>,
        %get3A_630 = vector.shape_cast %get3A_629 : vector<1x16xf32> to vector<16xf32>
        %mul3A_631 = arith.mulf %get3A_43, %get3A_630 : vector<16xf32>
        %add3A_632 = arith.addf %add3A_622, %mul3A_631 : vector<16xf32>
        %mul3A_633 = arith.constant 16 : i32
        %mul3A_634 = arith.muli %scan3A_28, %mul3A_633 : i32
        %add3A_635 = arith.constant 4 : i32
        %add3A_636 = arith.addi %mul3A_634, %add3A_635 : i32
        %get3A_637 = arith.index_cast %add3A_636 : i32 to index
        %get3A_638 = arith.constant 48 : index
        %get3A_639 = tpu.vector_load %arg9[%get3A_637, %get3A_638] {strides = array<i32>} : memref<256x256xf32, #tpu.memory_space<vmem>>, vector<1x16xf32>,
        %get3A_640 = vector.shape_cast %get3A_639 : vector<1x16xf32> to vector<16xf32>
        %mul3A_641 = arith.mulf %get3A_47, %get3A_640 : vector<16xf32>
        %add3A_642 = arith.addf %add3A_632, %mul3A_641 : vector<16xf32>
        %mul3A_643 = arith.constant 16 : i32
        %mul3A_644 = arith.muli %scan3A_28, %mul3A_643 : i32
        %add3A_645 = arith.constant 5 : i32
        %add3A_646 = arith.addi %mul3A_644, %add3A_645 : i32
        %get3A_647 = arith.index_cast %add3A_646 : i32 to index
        %get3A_648 = arith.constant 48 : index
        %get3A_649 = tpu.vector_load %arg9[%get3A_647, %get3A_648] {strides = array<i32>} : memref<256x256xf32, #tpu.memory_space<vmem>>, vector<1x16xf32>,
        %get3A_650 = vector.shape_cast %get3A_649 : vector<1x16xf32> to vector<16xf32>
        %mul3A_651 = arith.mulf %get3A_51, %get3A_650 : vector<16xf32>
        %add3A_652 = arith.addf %add3A_642, %mul3A_651 : vector<16xf32>
        %mul3A_653 = arith.constant 16 : i32
        %mul3A_654 = arith.muli %scan3A_28, %mul3A_653 : i32
        %add3A_655 = arith.constant 6 : i32
        %add3A_656 = arith.addi %mul3A_654, %add3A_655 : i32
        %get3A_657 = arith.index_cast %add3A_656 : i32 to index
        %get3A_658 = arith.constant 48 : index
        %get3A_659 = tpu.vector_load %arg9[%get3A_657, %get3A_658] {strides = array<i32>} : memref<256x256xf32, #tpu.memory_space<vmem>>, vector<1x16xf32>,
        %get3A_660 = vector.shape_cast %get3A_659 : vector<1x16xf32> to vector<16xf32>
        %mul3A_661 = arith.mulf %get3A_55, %get3A_660 : vector<16xf32>
        %add3A_662 = arith.addf %add3A_652, %mul3A_661 : vector<16xf32>
        %mul3A_663 = arith.constant 16 : i32
        %mul3A_664 = arith.muli %scan3A_28, %mul3A_663 : i32
        %add3A_665 = arith.constant 7 : i32
        %add3A_666 = arith.addi %mul3A_664, %add3A_665 : i32
        %get3A_667 = arith.index_cast %add3A_666 : i32 to index
        %get3A_668 = arith.constant 48 : index
        %get3A_669 = tpu.vector_load %arg9[%get3A_667, %get3A_668] {strides = array<i32>} : memref<256x256xf32, #tpu.memory_space<vmem>>, vector<1x16xf32>,
        %get3A_670 = vector.shape_cast %get3A_669 : vector<1x16xf32> to vector<16xf32>
        %mul3A_671 = arith.mulf %get3A_59, %get3A_670 : vector<16xf32>
        %add3A_672 = arith.addf %add3A_662, %mul3A_671 : vector<16xf32>
        %mul3A_673 = arith.constant 16 : i32
        %mul3A_674 = arith.muli %scan3A_28, %mul3A_673 : i32
        %add3A_675 = arith.constant 8 : i32
        %add3A_676 = arith.addi %mul3A_674, %add3A_675 : i32
        %get3A_677 = arith.index_cast %add3A_676 : i32 to index
        %get3A_678 = arith.constant 48 : index
        %get3A_679 = tpu.vector_load %arg9[%get3A_677, %get3A_678] {strides = array<i32>} : memref<256x256xf32, #tpu.memory_space<vmem>>, vector<1x16xf32>,
        %get3A_680 = vector.shape_cast %get3A_679 : vector<1x16xf32> to vector<16xf32>
        %mul3A_681 = arith.mulf %get3A_63, %get3A_680 : vector<16xf32>
        %add3A_682 = arith.addf %add3A_672, %mul3A_681 : vector<16xf32>
        %mul3A_683 = arith.constant 16 : i32
        %mul3A_684 = arith.muli %scan3A_28, %mul3A_683 : i32
        %add3A_685 = arith.constant 9 : i32
        %add3A_686 = arith.addi %mul3A_684, %add3A_685 : i32
        %get3A_687 = arith.index_cast %add3A_686 : i32 to index
        %get3A_688 = arith.constant 48 : index
        %get3A_689 = tpu.vector_load %arg9[%get3A_687, %get3A_688] {strides = array<i32>} : memref<256x256xf32, #tpu.memory_space<vmem>>, vector<1x16xf32>,
        %get3A_690 = vector.shape_cast %get3A_689 : vector<1x16xf32> to vector<16xf32>
        %mul3A_691 = arith.mulf %get3A_67, %get3A_690 : vector<16xf32>
        %add3A_692 = arith.addf %add3A_682, %mul3A_691 : vector<16xf32>
        %mul3A_693 = arith.constant 16 : i32
        %mul3A_694 = arith.muli %scan3A_28, %mul3A_693 : i32
        %add3A_695 = arith.constant 10 : i32
        %add3A_696 = arith.addi %mul3A_694, %add3A_695 : i32
        %get3A_697 = arith.index_cast %add3A_696 : i32 to index
        %get3A_698 = arith.constant 48 : index
        %get3A_699 = tpu.vector_load %arg9[%get3A_697, %get3A_698] {strides = array<i32>} : memref<256x256xf32, #tpu.memory_space<vmem>>, vector<1x16xf32>,
        %get3A_700 = vector.shape_cast %get3A_699 : vector<1x16xf32> to vector<16xf32>
        %mul3A_701 = arith.mulf %get3A_71, %get3A_700 : vector<16xf32>
        %add3A_702 = arith.addf %add3A_692, %mul3A_701 : vector<16xf32>
        %mul3A_703 = arith.constant 16 : i32
        %mul3A_704 = arith.muli %scan3A_28, %mul3A_703 : i32
        %add3A_705 = arith.constant 11 : i32
        %add3A_706 = arith.addi %mul3A_704, %add3A_705 : i32
        %get3A_707 = arith.index_cast %add3A_706 : i32 to index
        %get3A_708 = arith.constant 48 : index
        %get3A_709 = tpu.vector_load %arg9[%get3A_707, %get3A_708] {strides = array<i32>} : memref<256x256xf32, #tpu.memory_space<vmem>>, vector<1x16xf32>,
        %get3A_710 = vector.shape_cast %get3A_709 : vector<1x16xf32> to vector<16xf32>
        %mul3A_711 = arith.mulf %get3A_75, %get3A_710 : vector<16xf32>
        %add3A_712 = arith.addf %add3A_702, %mul3A_711 : vector<16xf32>
        %mul3A_713 = arith.constant 16 : i32
        %mul3A_714 = arith.muli %scan3A_28, %mul3A_713 : i32
        %add3A_715 = arith.constant 12 : i32
        %add3A_716 = arith.addi %mul3A_714, %add3A_715 : i32
        %get3A_717 = arith.index_cast %add3A_716 : i32 to index
        %get3A_718 = arith.constant 48 : index
        %get3A_719 = tpu.vector_load %arg9[%get3A_717, %get3A_718] {strides = array<i32>} : memref<256x256xf32, #tpu.memory_space<vmem>>, vector<1x16xf32>,
        %get3A_720 = vector.shape_cast %get3A_719 : vector<1x16xf32> to vector<16xf32>
        %mul3A_721 = arith.mulf %get3A_79, %get3A_720 : vector<16xf32>
        %add3A_722 = arith.addf %add3A_712, %mul3A_721 : vector<16xf32>
        %mul3A_723 = arith.constant 16 : i32
        %mul3A_724 = arith.muli %scan3A_28, %mul3A_723 : i32
        %add3A_725 = arith.constant 13 : i32
        %add3A_726 = arith.addi %mul3A_724, %add3A_725 : i32
        %get3A_727 = arith.index_cast %add3A_726 : i32 to index
        %get3A_728 = arith.constant 48 : index
        %get3A_729 = tpu.vector_load %arg9[%get3A_727, %get3A_728] {strides = array<i32>} : memref<256x256xf32, #tpu.memory_space<vmem>>, vector<1x16xf32>,
        %get3A_730 = vector.shape_cast %get3A_729 : vector<1x16xf32> to vector<16xf32>
        %mul3A_731 = arith.mulf %get3A_83, %get3A_730 : vector<16xf32>
        %add3A_732 = arith.addf %add3A_722, %mul3A_731 : vector<16xf32>
        %mul3A_733 = arith.constant 16 : i32
        %mul3A_734 = arith.muli %scan3A_28, %mul3A_733 : i32
        %add3A_735 = arith.constant 14 : i32
        %add3A_736 = arith.addi %mul3A_734, %add3A_735 : i32
        %get3A_737 = arith.index_cast %add3A_736 : i32 to index
        %get3A_738 = arith.constant 48 : index
        %get3A_739 = tpu.vector_load %arg9[%get3A_737, %get3A_738] {strides = array<i32>} : memref<256x256xf32, #tpu.memory_space<vmem>>, vector<1x16xf32>,
        %get3A_740 = vector.shape_cast %get3A_739 : vector<1x16xf32> to vector<16xf32>
        %mul3A_741 = arith.mulf %get3A_87, %get3A_740 : vector<16xf32>
        %add3A_742 = arith.addf %add3A_732, %mul3A_741 : vector<16xf32>
        %mul3A_743 = arith.constant 16 : i32
        %mul3A_744 = arith.muli %scan3A_28, %mul3A_743 : i32
        %add3A_745 = arith.constant 15 : i32
        %add3A_746 = arith.addi %mul3A_744, %add3A_745 : i32
        %get3A_747 = arith.index_cast %add3A_746 : i32 to index
        %get3A_748 = arith.constant 48 : index
        %get3A_749 = tpu.vector_load %arg9[%get3A_747, %get3A_748] {strides = array<i32>} : memref<256x256xf32, #tpu.memory_space<vmem>>, vector<1x16xf32>,
        %get3A_750 = vector.shape_cast %get3A_749 : vector<1x16xf32> to vector<16xf32>
        %mul3A_751 = arith.mulf %get3A_91, %get3A_750 : vector<16xf32>
        %add3A_752 = arith.addf %add3A_742, %mul3A_751 : vector<16xf32>
        %swap3A_753 = arith.index_cast %scan3A_28 : i32 to index
        %swap3A_754 = arith.constant 48 : index
        %swap3A_755 = tpu.vector_load %arg10[%swap3A_753, %swap3A_754] {strides = array<i32>} : memref<16x256xf32, #tpu.memory_space<vmem>>, vector<1x16xf32>,
        %swap3A_756 = vector.shape_cast %swap3A_755 : vector<1x16xf32> to vector<16xf32>
        %swap3A_757 = vector.shape_cast %add3A_752 : vector<16xf32> to vector<1x16xf32>
        tpu.vector_store %arg10[%swap3A_753, %swap3A_754], %swap3A_757 {strides = array<i32>} : memref<16x256xf32, #tpu.memory_space<vmem>>, vector<1x16xf32>,
        %broadcast_in_dim3A_758 = arith.constant 0.000000e+00 : f32
        %broadcast_in_dim3A_759 = vector.broadcast %broadcast_in_dim3A_758 : f32 to vector<16xf32>
        %mul3A_760 = arith.constant 16 : i32
        %mul3A_761 = arith.muli %scan3A_28, %mul3A_760 : i32
        %add3A_762 = arith.constant 0 : i32
        %add3A_763 = arith.addi %mul3A_761, %add3A_762 : i32
        %get3A_764 = arith.index_cast %add3A_763 : i32 to index
        %get3A_765 = arith.constant 64 : index
        %get3A_766 = tpu.vector_load %arg9[%get3A_764, %get3A_765] {strides = array<i32>} : memref<256x256xf32, #tpu.memory_space<vmem>>, vector<1x16xf32>,
        %get3A_767 = vector.shape_cast %get3A_766 : vector<1x16xf32> to vector<16xf32>
        %mul3A_768 = arith.mulf %get3A_31, %get3A_767 : vector<16xf32>
        %add3A_769 = arith.addf %broadcast_in_dim3A_759, %mul3A_768 : vector<16xf32>
        %mul3A_770 = arith.constant 16 : i32
        %mul3A_771 = arith.muli %scan3A_28, %mul3A_770 : i32
        %add3A_772 = arith.constant 1 : i32
        %add3A_773 = arith.addi %mul3A_771, %add3A_772 : i32
        %get3A_774 = arith.index_cast %add3A_773 : i32 to index
        %get3A_775 = arith.constant 64 : index
        %get3A_776 = tpu.vector_load %arg9[%get3A_774, %get3A_775] {strides = array<i32>} : memref<256x256xf32, #tpu.memory_space<vmem>>, vector<1x16xf32>,
        %get3A_777 = vector.shape_cast %get3A_776 : vector<1x16xf32> to vector<16xf32>
        %mul3A_778 = arith.mulf %get3A_35, %get3A_777 : vector<16xf32>
        %add3A_779 = arith.addf %add3A_769, %mul3A_778 : vector<16xf32>
        %mul3A_780 = arith.constant 16 : i32
        %mul3A_781 = arith.muli %scan3A_28, %mul3A_780 : i32
        %add3A_782 = arith.constant 2 : i32
        %add3A_783 = arith.addi %mul3A_781, %add3A_782 : i32
        %get3A_784 = arith.index_cast %add3A_783 : i32 to index
        %get3A_785 = arith.constant 64 : index
        %get3A_786 = tpu.vector_load %arg9[%get3A_784, %get3A_785] {strides = array<i32>} : memref<256x256xf32, #tpu.memory_space<vmem>>, vector<1x16xf32>,
        %get3A_787 = vector.shape_cast %get3A_786 : vector<1x16xf32> to vector<16xf32>
        %mul3A_788 = arith.mulf %get3A_39, %get3A_787 : vector<16xf32>
        %add3A_789 = arith.addf %add3A_779, %mul3A_788 : vector<16xf32>
        %mul3A_790 = arith.constant 16 : i32
        %mul3A_791 = arith.muli %scan3A_28, %mul3A_790 : i32
        %add3A_792 = arith.constant 3 : i32
        %add3A_793 = arith.addi %mul3A_791, %add3A_792 : i32
        %get3A_794 = arith.index_cast %add3A_793 : i32 to index
        %get3A_795 = arith.constant 64 : index
        %get3A_796 = tpu.vector_load %arg9[%get3A_794, %get3A_795] {strides = array<i32>} : memref<256x256xf32, #tpu.memory_space<vmem>>, vector<1x16xf32>,
        %get3A_797 = vector.shape_cast %get3A_796 : vector<1x16xf32> to vector<16xf32>
        %mul3A_798 = arith.mulf %get3A_43, %get3A_797 : vector<16xf32>
        %add3A_799 = arith.addf %add3A_789, %mul3A_798 : vector<16xf32>
        %mul3A_800 = arith.constant 16 : i32
        %mul3A_801 = arith.muli %scan3A_28, %mul3A_800 : i32
        %add3A_802 = arith.constant 4 : i32
        %add3A_803 = arith.addi %mul3A_801, %add3A_802 : i32
        %get3A_804 = arith.index_cast %add3A_803 : i32 to index
        %get3A_805 = arith.constant 64 : index
        %get3A_806 = tpu.vector_load %arg9[%get3A_804, %get3A_805] {strides = array<i32>} : memref<256x256xf32, #tpu.memory_space<vmem>>, vector<1x16xf32>,
        %get3A_807 = vector.shape_cast %get3A_806 : vector<1x16xf32> to vector<16xf32>
        %mul3A_808 = arith.mulf %get3A_47, %get3A_807 : vector<16xf32>
        %add3A_809 = arith.addf %add3A_799, %mul3A_808 : vector<16xf32>
        %mul3A_810 = arith.constant 16 : i32
        %mul3A_811 = arith.muli %scan3A_28, %mul3A_810 : i32
        %add3A_812 = arith.constant 5 : i32
        %add3A_813 = arith.addi %mul3A_811, %add3A_812 : i32
        %get3A_814 = arith.index_cast %add3A_813 : i32 to index
        %get3A_815 = arith.constant 64 : index
        %get3A_816 = tpu.vector_load %arg9[%get3A_814, %get3A_815] {strides = array<i32>} : memref<256x256xf32, #tpu.memory_space<vmem>>, vector<1x16xf32>,
        %get3A_817 = vector.shape_cast %get3A_816 : vector<1x16xf32> to vector<16xf32>
        %mul3A_818 = arith.mulf %get3A_51, %get3A_817 : vector<16xf32>
        %add3A_819 = arith.addf %add3A_809, %mul3A_818 : vector<16xf32>
        %mul3A_820 = arith.constant 16 : i32
        %mul3A_821 = arith.muli %scan3A_28, %mul3A_820 : i32
        %add3A_822 = arith.constant 6 : i32
        %add3A_823 = arith.addi %mul3A_821, %add3A_822 : i32
        %get3A_824 = arith.index_cast %add3A_823 : i32 to index
        %get3A_825 = arith.constant 64 : index
        %get3A_826 = tpu.vector_load %arg9[%get3A_824, %get3A_825] {strides = array<i32>} : memref<256x256xf32, #tpu.memory_space<vmem>>, vector<1x16xf32>,
        %get3A_827 = vector.shape_cast %get3A_826 : vector<1x16xf32> to vector<16xf32>
        %mul3A_828 = arith.mulf %get3A_55, %get3A_827 : vector<16xf32>
        %add3A_829 = arith.addf %add3A_819, %mul3A_828 : vector<16xf32>
        %mul3A_830 = arith.constant 16 : i32
        %mul3A_831 = arith.muli %scan3A_28, %mul3A_830 : i32
        %add3A_832 = arith.constant 7 : i32
        %add3A_833 = arith.addi %mul3A_831, %add3A_832 : i32
        %get3A_834 = arith.index_cast %add3A_833 : i32 to index
        %get3A_835 = arith.constant 64 : index
        %get3A_836 = tpu.vector_load %arg9[%get3A_834, %get3A_835] {strides = array<i32>} : memref<256x256xf32, #tpu.memory_space<vmem>>, vector<1x16xf32>,
        %get3A_837 = vector.shape_cast %get3A_836 : vector<1x16xf32> to vector<16xf32>
        %mul3A_838 = arith.mulf %get3A_59, %get3A_837 : vector<16xf32>
        %add3A_839 = arith.addf %add3A_829, %mul3A_838 : vector<16xf32>
        %mul3A_840 = arith.constant 16 : i32
        %mul3A_841 = arith.muli %scan3A_28, %mul3A_840 : i32
        %add3A_842 = arith.constant 8 : i32
        %add3A_843 = arith.addi %mul3A_841, %add3A_842 : i32
        %get3A_844 = arith.index_cast %add3A_843 : i32 to index
        %get3A_845 = arith.constant 64 : index
        %get3A_846 = tpu.vector_load %arg9[%get3A_844, %get3A_845] {strides = array<i32>} : memref<256x256xf32, #tpu.memory_space<vmem>>, vector<1x16xf32>,
        %get3A_847 = vector.shape_cast %get3A_846 : vector<1x16xf32> to vector<16xf32>
        %mul3A_848 = arith.mulf %get3A_63, %get3A_847 : vector<16xf32>
        %add3A_849 = arith.addf %add3A_839, %mul3A_848 : vector<16xf32>
        %mul3A_850 = arith.constant 16 : i32
        %mul3A_851 = arith.muli %scan3A_28, %mul3A_850 : i32
        %add3A_852 = arith.constant 9 : i32
        %add3A_853 = arith.addi %mul3A_851, %add3A_852 : i32
        %get3A_854 = arith.index_cast %add3A_853 : i32 to index
        %get3A_855 = arith.constant 64 : index
        %get3A_856 = tpu.vector_load %arg9[%get3A_854, %get3A_855] {strides = array<i32>} : memref<256x256xf32, #tpu.memory_space<vmem>>, vector<1x16xf32>,
        %get3A_857 = vector.shape_cast %get3A_856 : vector<1x16xf32> to vector<16xf32>
        %mul3A_858 = arith.mulf %get3A_67, %get3A_857 : vector<16xf32>
        %add3A_859 = arith.addf %add3A_849, %mul3A_858 : vector<16xf32>
        %mul3A_860 = arith.constant 16 : i32
        %mul3A_861 = arith.muli %scan3A_28, %mul3A_860 : i32
        %add3A_862 = arith.constant 10 : i32
        %add3A_863 = arith.addi %mul3A_861, %add3A_862 : i32
        %get3A_864 = arith.index_cast %add3A_863 : i32 to index
        %get3A_865 = arith.constant 64 : index
        %get3A_866 = tpu.vector_load %arg9[%get3A_864, %get3A_865] {strides = array<i32>} : memref<256x256xf32, #tpu.memory_space<vmem>>, vector<1x16xf32>,
        %get3A_867 = vector.shape_cast %get3A_866 : vector<1x16xf32> to vector<16xf32>
        %mul3A_868 = arith.mulf %get3A_71, %get3A_867 : vector<16xf32>
        %add3A_869 = arith.addf %add3A_859, %mul3A_868 : vector<16xf32>
        %mul3A_870 = arith.constant 16 : i32
        %mul3A_871 = arith.muli %scan3A_28, %mul3A_870 : i32
        %add3A_872 = arith.constant 11 : i32
        %add3A_873 = arith.addi %mul3A_871, %add3A_872 : i32
        %get3A_874 = arith.index_cast %add3A_873 : i32 to index
        %get3A_875 = arith.constant 64 : index
        %get3A_876 = tpu.vector_load %arg9[%get3A_874, %get3A_875] {strides = array<i32>} : memref<256x256xf32, #tpu.memory_space<vmem>>, vector<1x16xf32>,
        %get3A_877 = vector.shape_cast %get3A_876 : vector<1x16xf32> to vector<16xf32>
        %mul3A_878 = arith.mulf %get3A_75, %get3A_877 : vector<16xf32>
        %add3A_879 = arith.addf %add3A_869, %mul3A_878 : vector<16xf32>
        %mul3A_880 = arith.constant 16 : i32
        %mul3A_881 = arith.muli %scan3A_28, %mul3A_880 : i32
        %add3A_882 = arith.constant 12 : i32
        %add3A_883 = arith.addi %mul3A_881, %add3A_882 : i32
        %get3A_884 = arith.index_cast %add3A_883 : i32 to index
        %get3A_885 = arith.constant 64 : index
        %get3A_886 = tpu.vector_load %arg9[%get3A_884, %get3A_885] {strides = array<i32>} : memref<256x256xf32, #tpu.memory_space<vmem>>, vector<1x16xf32>,
        %get3A_887 = vector.shape_cast %get3A_886 : vector<1x16xf32> to vector<16xf32>
        %mul3A_888 = arith.mulf %get3A_79, %get3A_887 : vector<16xf32>
        %add3A_889 = arith.addf %add3A_879, %mul3A_888 : vector<16xf32>
        %mul3A_890 = arith.constant 16 : i32
        %mul3A_891 = arith.muli %scan3A_28, %mul3A_890 : i32
        %add3A_892 = arith.constant 13 : i32
        %add3A_893 = arith.addi %mul3A_891, %add3A_892 : i32
        %get3A_894 = arith.index_cast %add3A_893 : i32 to index
        %get3A_895 = arith.constant 64 : index
        %get3A_896 = tpu.vector_load %arg9[%get3A_894, %get3A_895] {strides = array<i32>} : memref<256x256xf32, #tpu.memory_space<vmem>>, vector<1x16xf32>,
        %get3A_897 = vector.shape_cast %get3A_896 : vector<1x16xf32> to vector<16xf32>
        %mul3A_898 = arith.mulf %get3A_83, %get3A_897 : vector<16xf32>
        %add3A_899 = arith.addf %add3A_889, %mul3A_898 : vector<16xf32>
        %mul3A_900 = arith.constant 16 : i32
        %mul3A_901 = arith.muli %scan3A_28, %mul3A_900 : i32
        %add3A_902 = arith.constant 14 : i32
        %add3A_903 = arith.addi %mul3A_901, %add3A_902 : i32
        %get3A_904 = arith.index_cast %add3A_903 : i32 to index
        %get3A_905 = arith.constant 64 : index
        %get3A_906 = tpu.vector_load %arg9[%get3A_904, %get3A_905] {strides = array<i32>} : memref<256x256xf32, #tpu.memory_space<vmem>>, vector<1x16xf32>,
        %get3A_907 = vector.shape_cast %get3A_906 : vector<1x16xf32> to vector<16xf32>
        %mul3A_908 = arith.mulf %get3A_87, %get3A_907 : vector<16xf32>
        %add3A_909 = arith.addf %add3A_899, %mul3A_908 : vector<16xf32>
        %mul3A_910 = arith.constant 16 : i32
        %mul3A_911 = arith.muli %scan3A_28, %mul3A_910 : i32
        %add3A_912 = arith.constant 15 : i32
        %add3A_913 = arith.addi %mul3A_911, %add3A_912 : i32
        %get3A_914 = arith.index_cast %add3A_913 : i32 to index
        %get3A_915 = arith.constant 64 : index
        %get3A_916 = tpu.vector_load %arg9[%get3A_914, %get3A_915] {strides = array<i32>} : memref<256x256xf32, #tpu.memory_space<vmem>>, vector<1x16xf32>,
        %get3A_917 = vector.shape_cast %get3A_916 : vector<1x16xf32> to vector<16xf32>
        %mul3A_918 = arith.mulf %get3A_91, %get3A_917 : vector<16xf32>
        %add3A_919 = arith.addf %add3A_909, %mul3A_918 : vector<16xf32>
        %swap3A_920 = arith.index_cast %scan3A_28 : i32 to index
        %swap3A_921 = arith.constant 64 : index
        %swap3A_922 = tpu.vector_load %arg10[%swap3A_920, %swap3A_921] {strides = array<i32>} : memref<16x256xf32, #tpu.memory_space<vmem>>, vector<1x16xf32>,
        %swap3A_923 = vector.shape_cast %swap3A_922 : vector<1x16xf32> to vector<16xf32>
        %swap3A_924 = vector.shape_cast %add3A_919 : vector<16xf32> to vector<1x16xf32>
        tpu.vector_store %arg10[%swap3A_920, %swap3A_921], %swap3A_924 {strides = array<i32>} : memref<16x256xf32, #tpu.memory_space<vmem>>, vector<1x16xf32>,
        %broadcast_in_dim3A_925 = arith.constant 0.000000e+00 : f32
        %broadcast_in_dim3A_926 = vector.broadcast %broadcast_in_dim3A_925 : f32 to vector<16xf32>
        %mul3A_927 = arith.constant 16 : i32
        %mul3A_928 = arith.muli %scan3A_28, %mul3A_927 : i32
        %add3A_929 = arith.constant 0 : i32
        %add3A_930 = arith.addi %mul3A_928, %add3A_929 : i32
        %get3A_931 = arith.index_cast %add3A_930 : i32 to index
        %get3A_932 = arith.constant 80 : index
        %get3A_933 = tpu.vector_load %arg9[%get3A_931, %get3A_932] {strides = array<i32>} : memref<256x256xf32, #tpu.memory_space<vmem>>, vector<1x16xf32>,
        %get3A_934 = vector.shape_cast %get3A_933 : vector<1x16xf32> to vector<16xf32>
        %mul3A_935 = arith.mulf %get3A_31, %get3A_934 : vector<16xf32>
        %add3A_936 = arith.addf %broadcast_in_dim3A_926, %mul3A_935 : vector<16xf32>
        %mul3A_937 = arith.constant 16 : i32
        %mul3A_938 = arith.muli %scan3A_28, %mul3A_937 : i32
        %add3A_939 = arith.constant 1 : i32
        %add3A_940 = arith.addi %mul3A_938, %add3A_939 : i32
        %get3A_941 = arith.index_cast %add3A_940 : i32 to index
        %get3A_942 = arith.constant 80 : index
        %get3A_943 = tpu.vector_load %arg9[%get3A_941, %get3A_942] {strides = array<i32>} : memref<256x256xf32, #tpu.memory_space<vmem>>, vector<1x16xf32>,
        %get3A_944 = vector.shape_cast %get3A_943 : vector<1x16xf32> to vector<16xf32>
        %mul3A_945 = arith.mulf %get3A_35, %get3A_944 : vector<16xf32>
        %add3A_946 = arith.addf %add3A_936, %mul3A_945 : vector<16xf32>
        %mul3A_947 = arith.constant 16 : i32
        %mul3A_948 = arith.muli %scan3A_28, %mul3A_947 : i32
        %add3A_949 = arith.constant 2 : i32
        %add3A_950 = arith.addi %mul3A_948, %add3A_949 : i32
        %get3A_951 = arith.index_cast %add3A_950 : i32 to index
        %get3A_952 = arith.constant 80 : index
        %get3A_953 = tpu.vector_load %arg9[%get3A_951, %get3A_952] {strides = array<i32>} : memref<256x256xf32, #tpu.memory_space<vmem>>, vector<1x16xf32>,
        %get3A_954 = vector.shape_cast %get3A_953 : vector<1x16xf32> to vector<16xf32>
        %mul3A_955 = arith.mulf %get3A_39, %get3A_954 : vector<16xf32>
        %add3A_956 = arith.addf %add3A_946, %mul3A_955 : vector<16xf32>
        %mul3A_957 = arith.constant 16 : i32
        %mul3A_958 = arith.muli %scan3A_28, %mul3A_957 : i32
        %add3A_959 = arith.constant 3 : i32
        %add3A_960 = arith.addi %mul3A_958, %add3A_959 : i32
        %get3A_961 = arith.index_cast %add3A_960 : i32 to index
        %get3A_962 = arith.constant 80 : index
        %get3A_963 = tpu.vector_load %arg9[%get3A_961, %get3A_962] {strides = array<i32>} : memref<256x256xf32, #tpu.memory_space<vmem>>, vector<1x16xf32>,
        %get3A_964 = vector.shape_cast %get3A_963 : vector<1x16xf32> to vector<16xf32>
        %mul3A_965 = arith.mulf %get3A_43, %get3A_964 : vector<16xf32>
        %add3A_966 = arith.addf %add3A_956, %mul3A_965 : vector<16xf32>
        %mul3A_967 = arith.constant 16 : i32
        %mul3A_968 = arith.muli %scan3A_28, %mul3A_967 : i32
        %add3A_969 = arith.constant 4 : i32
        %add3A_970 = arith.addi %mul3A_968, %add3A_969 : i32
        %get3A_971 = arith.index_cast %add3A_970 : i32 to index
        %get3A_972 = arith.constant 80 : index
        %get3A_973 = tpu.vector_load %arg9[%get3A_971, %get3A_972] {strides = array<i32>} : memref<256x256xf32, #tpu.memory_space<vmem>>, vector<1x16xf32>,
        %get3A_974 = vector.shape_cast %get3A_973 : vector<1x16xf32> to vector<16xf32>
        %mul3A_975 = arith.mulf %get3A_47, %get3A_974 : vector<16xf32>
        %add3A_976 = arith.addf %add3A_966, %mul3A_975 : vector<16xf32>
        %mul3A_977 = arith.constant 16 : i32
        %mul3A_978 = arith.muli %scan3A_28, %mul3A_977 : i32
        %add3A_979 = arith.constant 5 : i32
        %add3A_980 = arith.addi %mul3A_978, %add3A_979 : i32
        %get3A_981 = arith.index_cast %add3A_980 : i32 to index
        %get3A_982 = arith.constant 80 : index
        %get3A_983 = tpu.vector_load %arg9[%get3A_981, %get3A_982] {strides = array<i32>} : memref<256x256xf32, #tpu.memory_space<vmem>>, vector<1x16xf32>,
        %get3A_984 = vector.shape_cast %get3A_983 : vector<1x16xf32> to vector<16xf32>
        %mul3A_985 = arith.mulf %get3A_51, %get3A_984 : vector<16xf32>
        %add3A_986 = arith.addf %add3A_976, %mul3A_985 : vector<16xf32>
        %mul3A_987 = arith.constant 16 : i32
        %mul3A_988 = arith.muli %scan3A_28, %mul3A_987 : i32
        %add3A_989 = arith.constant 6 : i32
        %add3A_990 = arith.addi %mul3A_988, %add3A_989 : i32
        %get3A_991 = arith.index_cast %add3A_990 : i32 to index
        %get3A_992 = arith.constant 80 : index
        %get3A_993 = tpu.vector_load %arg9[%get3A_991, %get3A_992] {strides = array<i32>} : memref<256x256xf32, #tpu.memory_space<vmem>>, vector<1x16xf32>,
        %get3A_994 = vector.shape_cast %get3A_993 : vector<1x16xf32> to vector<16xf32>
        %mul3A_995 = arith.mulf %get3A_55, %get3A_994 : vector<16xf32>
        %add3A_996 = arith.addf %add3A_986, %mul3A_995 : vector<16xf32>
        %mul3A_997 = arith.constant 16 : i32
        %mul3A_998 = arith.muli %scan3A_28, %mul3A_997 : i32
        %add3A_999 = arith.constant 7 : i32
        %add3A_1000 = arith.addi %mul3A_998, %add3A_999 : i32
        %get3A_1001 = arith.index_cast %add3A_1000 : i32 to index
        %get3A_1002 = arith.constant 80 : index
        %get3A_1003 = tpu.vector_load %arg9[%get3A_1001, %get3A_1002] {strides = array<i32>} : memref<256x256xf32, #tpu.memory_space<vmem>>, vector<1x16xf32>,
        %get3A_1004 = vector.shape_cast %get3A_1003 : vector<1x16xf32> to vector<16xf32>
        %mul3A_1005 = arith.mulf %get3A_59, %get3A_1004 : vector<16xf32>
        %add3A_1006 = arith.addf %add3A_996, %mul3A_1005 : vector<16xf32>
        %mul3A_1007 = arith.constant 16 : i32
        %mul3A_1008 = arith.muli %scan3A_28, %mul3A_1007 : i32
        %add3A_1009 = arith.constant 8 : i32
        %add3A_1010 = arith.addi %mul3A_1008, %add3A_1009 : i32
        %get3A_1011 = arith.index_cast %add3A_1010 : i32 to index
        %get3A_1012 = arith.constant 80 : index
        %get3A_1013 = tpu.vector_load %arg9[%get3A_1011, %get3A_1012] {strides = array<i32>} : memref<256x256xf32, #tpu.memory_space<vmem>>, vector<1x16xf32>,
        %get3A_1014 = vector.shape_cast %get3A_1013 : vector<1x16xf32> to vector<16xf32>
        %mul3A_1015 = arith.mulf %get3A_63, %get3A_1014 : vector<16xf32>
        %add3A_1016 = arith.addf %add3A_1006, %mul3A_1015 : vector<16xf32>
        %mul3A_1017 = arith.constant 16 : i32
        %mul3A_1018 = arith.muli %scan3A_28, %mul3A_1017 : i32
        %add3A_1019 = arith.constant 9 : i32
        %add3A_1020 = arith.addi %mul3A_1018, %add3A_1019 : i32
        %get3A_1021 = arith.index_cast %add3A_1020 : i32 to index
        %get3A_1022 = arith.constant 80 : index
        %get3A_1023 = tpu.vector_load %arg9[%get3A_1021, %get3A_1022] {strides = array<i32>} : memref<256x256xf32, #tpu.memory_space<vmem>>, vector<1x16xf32>,
        %get3A_1024 = vector.shape_cast %get3A_1023 : vector<1x16xf32> to vector<16xf32>
        %mul3A_1025 = arith.mulf %get3A_67, %get3A_1024 : vector<16xf32>
        %add3A_1026 = arith.addf %add3A_1016, %mul3A_1025 : vector<16xf32>
        %mul3A_1027 = arith.constant 16 : i32
        %mul3A_1028 = arith.muli %scan3A_28, %mul3A_1027 : i32
        %add3A_1029 = arith.constant 10 : i32
        %add3A_1030 = arith.addi %mul3A_1028, %add3A_1029 : i32
        %get3A_1031 = arith.index_cast %add3A_1030 : i32 to index
        %get3A_1032 = arith.constant 80 : index
        %get3A_1033 = tpu.vector_load %arg9[%get3A_1031, %get3A_1032] {strides = array<i32>} : memref<256x256xf32, #tpu.memory_space<vmem>>, vector<1x16xf32>,
        %get3A_1034 = vector.shape_cast %get3A_1033 : vector<1x16xf32> to vector<16xf32>
        %mul3A_1035 = arith.mulf %get3A_71, %get3A_1034 : vector<16xf32>
        %add3A_1036 = arith.addf %add3A_1026, %mul3A_1035 : vector<16xf32>
        %mul3A_1037 = arith.constant 16 : i32
        %mul3A_1038 = arith.muli %scan3A_28, %mul3A_1037 : i32
        %add3A_1039 = arith.constant 11 : i32
        %add3A_1040 = arith.addi %mul3A_1038, %add3A_1039 : i32
        %get3A_1041 = arith.index_cast %add3A_1040 : i32 to index
        %get3A_1042 = arith.constant 80 : index
        %get3A_1043 = tpu.vector_load %arg9[%get3A_1041, %get3A_1042] {strides = array<i32>} : memref<256x256xf32, #tpu.memory_space<vmem>>, vector<1x16xf32>,
        %get3A_1044 = vector.shape_cast %get3A_1043 : vector<1x16xf32> to vector<16xf32>
        %mul3A_1045 = arith.mulf %get3A_75, %get3A_1044 : vector<16xf32>
        %add3A_1046 = arith.addf %add3A_1036, %mul3A_1045 : vector<16xf32>
        %mul3A_1047 = arith.constant 16 : i32
        %mul3A_1048 = arith.muli %scan3A_28, %mul3A_1047 : i32
        %add3A_1049 = arith.constant 12 : i32
        %add3A_1050 = arith.addi %mul3A_1048, %add3A_1049 : i32
        %get3A_1051 = arith.index_cast %add3A_1050 : i32 to index
        %get3A_1052 = arith.constant 80 : index
        %get3A_1053 = tpu.vector_load %arg9[%get3A_1051, %get3A_1052] {strides = array<i32>} : memref<256x256xf32, #tpu.memory_space<vmem>>, vector<1x16xf32>,
        %get3A_1054 = vector.shape_cast %get3A_1053 : vector<1x16xf32> to vector<16xf32>
        %mul3A_1055 = arith.mulf %get3A_79, %get3A_1054 : vector<16xf32>
        %add3A_1056 = arith.addf %add3A_1046, %mul3A_1055 : vector<16xf32>
        %mul3A_1057 = arith.constant 16 : i32
        %mul3A_1058 = arith.muli %scan3A_28, %mul3A_1057 : i32
        %add3A_1059 = arith.constant 13 : i32
        %add3A_1060 = arith.addi %mul3A_1058, %add3A_1059 : i32
        %get3A_1061 = arith.index_cast %add3A_1060 : i32 to index
        %get3A_1062 = arith.constant 80 : index
        %get3A_1063 = tpu.vector_load %arg9[%get3A_1061, %get3A_1062] {strides = array<i32>} : memref<256x256xf32, #tpu.memory_space<vmem>>, vector<1x16xf32>,
        %get3A_1064 = vector.shape_cast %get3A_1063 : vector<1x16xf32> to vector<16xf32>
        %mul3A_1065 = arith.mulf %get3A_83, %get3A_1064 : vector<16xf32>
        %add3A_1066 = arith.addf %add3A_1056, %mul3A_1065 : vector<16xf32>
        %mul3A_1067 = arith.constant 16 : i32
        %mul3A_1068 = arith.muli %scan3A_28, %mul3A_1067 : i32
        %add3A_1069 = arith.constant 14 : i32
        %add3A_1070 = arith.addi %mul3A_1068, %add3A_1069 : i32
        %get3A_1071 = arith.index_cast %add3A_1070 : i32 to index
        %get3A_1072 = arith.constant 80 : index
        %get3A_1073 = tpu.vector_load %arg9[%get3A_1071, %get3A_1072] {strides = array<i32>} : memref<256x256xf32, #tpu.memory_space<vmem>>, vector<1x16xf32>,
        %get3A_1074 = vector.shape_cast %get3A_1073 : vector<1x16xf32> to vector<16xf32>
        %mul3A_1075 = arith.mulf %get3A_87, %get3A_1074 : vector<16xf32>
        %add3A_1076 = arith.addf %add3A_1066, %mul3A_1075 : vector<16xf32>
        %mul3A_1077 = arith.constant 16 : i32
        %mul3A_1078 = arith.muli %scan3A_28, %mul3A_1077 : i32
        %add3A_1079 = arith.constant 15 : i32
        %add3A_1080 = arith.addi %mul3A_1078, %add3A_1079 : i32
        %get3A_1081 = arith.index_cast %add3A_1080 : i32 to index
        %get3A_1082 = arith.constant 80 : index
        %get3A_1083 = tpu.vector_load %arg9[%get3A_1081, %get3A_1082] {strides = array<i32>} : memref<256x256xf32, #tpu.memory_space<vmem>>, vector<1x16xf32>,
        %get3A_1084 = vector.shape_cast %get3A_1083 : vector<1x16xf32> to vector<16xf32>
        %mul3A_1085 = arith.mulf %get3A_91, %get3A_1084 : vector<16xf32>
        %add3A_1086 = arith.addf %add3A_1076, %mul3A_1085 : vector<16xf32>
        %swap3A_1087 = arith.index_cast %scan3A_28 : i32 to index
        %swap3A_1088 = arith.constant 80 : index
        %swap3A_1089 = tpu.vector_load %arg10[%swap3A_1087, %swap3A_1088] {strides = array<i32>} : memref<16x256xf32, #tpu.memory_space<vmem>>, vector<1x16xf32>,
        %swap3A_1090 = vector.shape_cast %swap3A_1089 : vector<1x16xf32> to vector<16xf32>
        %swap3A_1091 = vector.shape_cast %add3A_1086 : vector<16xf32> to vector<1x16xf32>
        tpu.vector_store %arg10[%swap3A_1087, %swap3A_1088], %swap3A_1091 {strides = array<i32>} : memref<16x256xf32, #tpu.memory_space<vmem>>, vector<1x16xf32>,
        %broadcast_in_dim3A_1092 = arith.constant 0.000000e+00 : f32
        %broadcast_in_dim3A_1093 = vector.broadcast %broadcast_in_dim3A_1092 : f32 to vector<16xf32>
        %mul3A_1094 = arith.constant 16 : i32
        %mul3A_1095 = arith.muli %scan3A_28, %mul3A_1094 : i32
        %add3A_1096 = arith.constant 0 : i32
        %add3A_1097 = arith.addi %mul3A_1095, %add3A_1096 : i32
        %get3A_1098 = arith.index_cast %add3A_1097 : i32 to index
        %get3A_1099 = arith.constant 96 : index
        %get3A_1100 = tpu.vector_load %arg9[%get3A_1098, %get3A_1099] {strides = array<i32>} : memref<256x256xf32, #tpu.memory_space<vmem>>, vector<1x16xf32>,
        %get3A_1101 = vector.shape_cast %get3A_1100 : vector<1x16xf32> to vector<16xf32>
        %mul3A_1102 = arith.mulf %get3A_31, %get3A_1101 : vector<16xf32>
        %add3A_1103 = arith.addf %broadcast_in_dim3A_1093, %mul3A_1102 : vector<16xf32>
        %mul3A_1104 = arith.constant 16 : i32
        %mul3A_1105 = arith.muli %scan3A_28, %mul3A_1104 : i32
        %add3A_1106 = arith.constant 1 : i32
        %add3A_1107 = arith.addi %mul3A_1105, %add3A_1106 : i32
        %get3A_1108 = arith.index_cast %add3A_1107 : i32 to index
        %get3A_1109 = arith.constant 96 : index
        %get3A_1110 = tpu.vector_load %arg9[%get3A_1108, %get3A_1109] {strides = array<i32>} : memref<256x256xf32, #tpu.memory_space<vmem>>, vector<1x16xf32>,
        %get3A_1111 = vector.shape_cast %get3A_1110 : vector<1x16xf32> to vector<16xf32>
        %mul3A_1112 = arith.mulf %get3A_35, %get3A_1111 : vector<16xf32>
        %add3A_1113 = arith.addf %add3A_1103, %mul3A_1112 : vector<16xf32>
        %mul3A_1114 = arith.constant 16 : i32
        %mul3A_1115 = arith.muli %scan3A_28, %mul3A_1114 : i32
        %add3A_1116 = arith.constant 2 : i32
        %add3A_1117 = arith.addi %mul3A_1115, %add3A_1116 : i32
        %get3A_1118 = arith.index_cast %add3A_1117 : i32 to index
        %get3A_1119 = arith.constant 96 : index
        %get3A_1120 = tpu.vector_load %arg9[%get3A_1118, %get3A_1119] {strides = array<i32>} : memref<256x256xf32, #tpu.memory_space<vmem>>, vector<1x16xf32>,
        %get3A_1121 = vector.shape_cast %get3A_1120 : vector<1x16xf32> to vector<16xf32>
        %mul3A_1122 = arith.mulf %get3A_39, %get3A_1121 : vector<16xf32>
        %add3A_1123 = arith.addf %add3A_1113, %mul3A_1122 : vector<16xf32>
        %mul3A_1124 = arith.constant 16 : i32
        %mul3A_1125 = arith.muli %scan3A_28, %mul3A_1124 : i32
        %add3A_1126 = arith.constant 3 : i32
        %add3A_1127 = arith.addi %mul3A_1125, %add3A_1126 : i32
        %get3A_1128 = arith.index_cast %add3A_1127 : i32 to index
        %get3A_1129 = arith.constant 96 : index
        %get3A_1130 = tpu.vector_load %arg9[%get3A_1128, %get3A_1129] {strides = array<i32>} : memref<256x256xf32, #tpu.memory_space<vmem>>, vector<1x16xf32>,
        %get3A_1131 = vector.shape_cast %get3A_1130 : vector<1x16xf32> to vector<16xf32>
        %mul3A_1132 = arith.mulf %get3A_43, %get3A_1131 : vector<16xf32>
        %add3A_1133 = arith.addf %add3A_1123, %mul3A_1132 : vector<16xf32>
        %mul3A_1134 = arith.constant 16 : i32
        %mul3A_1135 = arith.muli %scan3A_28, %mul3A_1134 : i32
        %add3A_1136 = arith.constant 4 : i32
        %add3A_1137 = arith.addi %mul3A_1135, %add3A_1136 : i32
        %get3A_1138 = arith.index_cast %add3A_1137 : i32 to index
        %get3A_1139 = arith.constant 96 : index
        %get3A_1140 = tpu.vector_load %arg9[%get3A_1138, %get3A_1139] {strides = array<i32>} : memref<256x256xf32, #tpu.memory_space<vmem>>, vector<1x16xf32>,
        %get3A_1141 = vector.shape_cast %get3A_1140 : vector<1x16xf32> to vector<16xf32>
        %mul3A_1142 = arith.mulf %get3A_47, %get3A_1141 : vector<16xf32>
        %add3A_1143 = arith.addf %add3A_1133, %mul3A_1142 : vector<16xf32>
        %mul3A_1144 = arith.constant 16 : i32
        %mul3A_1145 = arith.muli %scan3A_28, %mul3A_1144 : i32
        %add3A_1146 = arith.constant 5 : i32
        %add3A_1147 = arith.addi %mul3A_1145, %add3A_1146 : i32
        %get3A_1148 = arith.index_cast %add3A_1147 : i32 to index
        %get3A_1149 = arith.constant 96 : index
        %get3A_1150 = tpu.vector_load %arg9[%get3A_1148, %get3A_1149] {strides = array<i32>} : memref<256x256xf32, #tpu.memory_space<vmem>>, vector<1x16xf32>,
        %get3A_1151 = vector.shape_cast %get3A_1150 : vector<1x16xf32> to vector<16xf32>
        %mul3A_1152 = arith.mulf %get3A_51, %get3A_1151 : vector<16xf32>
        %add3A_1153 = arith.addf %add3A_1143, %mul3A_1152 : vector<16xf32>
        %mul3A_1154 = arith.constant 16 : i32
        %mul3A_1155 = arith.muli %scan3A_28, %mul3A_1154 : i32
        %add3A_1156 = arith.constant 6 : i32
        %add3A_1157 = arith.addi %mul3A_1155, %add3A_1156 : i32
        %get3A_1158 = arith.index_cast %add3A_1157 : i32 to index
        %get3A_1159 = arith.constant 96 : index
        %get3A_1160 = tpu.vector_load %arg9[%get3A_1158, %get3A_1159] {strides = array<i32>} : memref<256x256xf32, #tpu.memory_space<vmem>>, vector<1x16xf32>,
        %get3A_1161 = vector.shape_cast %get3A_1160 : vector<1x16xf32> to vector<16xf32>
        %mul3A_1162 = arith.mulf %get3A_55, %get3A_1161 : vector<16xf32>
        %add3A_1163 = arith.addf %add3A_1153, %mul3A_1162 : vector<16xf32>
        %mul3A_1164 = arith.constant 16 : i32
        %mul3A_1165 = arith.muli %scan3A_28, %mul3A_1164 : i32
        %add3A_1166 = arith.constant 7 : i32
        %add3A_1167 = arith.addi %mul3A_1165, %add3A_1166 : i32
        %get3A_1168 = arith.index_cast %add3A_1167 : i32 to index
        %get3A_1169 = arith.constant 96 : index
        %get3A_1170 = tpu.vector_load %arg9[%get3A_1168, %get3A_1169] {strides = array<i32>} : memref<256x256xf32, #tpu.memory_space<vmem>>, vector<1x16xf32>,
        %get3A_1171 = vector.shape_cast %get3A_1170 : vector<1x16xf32> to vector<16xf32>
        %mul3A_1172 = arith.mulf %get3A_59, %get3A_1171 : vector<16xf32>
        %add3A_1173 = arith.addf %add3A_1163, %mul3A_1172 : vector<16xf32>
        %mul3A_1174 = arith.constant 16 : i32
        %mul3A_1175 = arith.muli %scan3A_28, %mul3A_1174 : i32
        %add3A_1176 = arith.constant 8 : i32
        %add3A_1177 = arith.addi %mul3A_1175, %add3A_1176 : i32
        %get3A_1178 = arith.index_cast %add3A_1177 : i32 to index
        %get3A_1179 = arith.constant 96 : index
        %get3A_1180 = tpu.vector_load %arg9[%get3A_1178, %get3A_1179] {strides = array<i32>} : memref<256x256xf32, #tpu.memory_space<vmem>>, vector<1x16xf32>,
        %get3A_1181 = vector.shape_cast %get3A_1180 : vector<1x16xf32> to vector<16xf32>
        %mul3A_1182 = arith.mulf %get3A_63, %get3A_1181 : vector<16xf32>
        %add3A_1183 = arith.addf %add3A_1173, %mul3A_1182 : vector<16xf32>
        %mul3A_1184 = arith.constant 16 : i32
        %mul3A_1185 = arith.muli %scan3A_28, %mul3A_1184 : i32
        %add3A_1186 = arith.constant 9 : i32
        %add3A_1187 = arith.addi %mul3A_1185, %add3A_1186 : i32
        %get3A_1188 = arith.index_cast %add3A_1187 : i32 to index
        %get3A_1189 = arith.constant 96 : index
        %get3A_1190 = tpu.vector_load %arg9[%get3A_1188, %get3A_1189] {strides = array<i32>} : memref<256x256xf32, #tpu.memory_space<vmem>>, vector<1x16xf32>,
        %get3A_1191 = vector.shape_cast %get3A_1190 : vector<1x16xf32> to vector<16xf32>
        %mul3A_1192 = arith.mulf %get3A_67, %get3A_1191 : vector<16xf32>
        %add3A_1193 = arith.addf %add3A_1183, %mul3A_1192 : vector<16xf32>
        %mul3A_1194 = arith.constant 16 : i32
        %mul3A_1195 = arith.muli %scan3A_28, %mul3A_1194 : i32
        %add3A_1196 = arith.constant 10 : i32
        %add3A_1197 = arith.addi %mul3A_1195, %add3A_1196 : i32
        %get3A_1198 = arith.index_cast %add3A_1197 : i32 to index
        %get3A_1199 = arith.constant 96 : index
        %get3A_1200 = tpu.vector_load %arg9[%get3A_1198, %get3A_1199] {strides = array<i32>} : memref<256x256xf32, #tpu.memory_space<vmem>>, vector<1x16xf32>,
        %get3A_1201 = vector.shape_cast %get3A_1200 : vector<1x16xf32> to vector<16xf32>
        %mul3A_1202 = arith.mulf %get3A_71, %get3A_1201 : vector<16xf32>
        %add3A_1203 = arith.addf %add3A_1193, %mul3A_1202 : vector<16xf32>
        %mul3A_1204 = arith.constant 16 : i32
        %mul3A_1205 = arith.muli %scan3A_28, %mul3A_1204 : i32
        %add3A_1206 = arith.constant 11 : i32
        %add3A_1207 = arith.addi %mul3A_1205, %add3A_1206 : i32
        %get3A_1208 = arith.index_cast %add3A_1207 : i32 to index
        %get3A_1209 = arith.constant 96 : index
        %get3A_1210 = tpu.vector_load %arg9[%get3A_1208, %get3A_1209] {strides = array<i32>} : memref<256x256xf32, #tpu.memory_space<vmem>>, vector<1x16xf32>,
        %get3A_1211 = vector.shape_cast %get3A_1210 : vector<1x16xf32> to vector<16xf32>
        %mul3A_1212 = arith.mulf %get3A_75, %get3A_1211 : vector<16xf32>
        %add3A_1213 = arith.addf %add3A_1203, %mul3A_1212 : vector<16xf32>
        %mul3A_1214 = arith.constant 16 : i32
        %mul3A_1215 = arith.muli %scan3A_28, %mul3A_1214 : i32
        %add3A_1216 = arith.constant 12 : i32
        %add3A_1217 = arith.addi %mul3A_1215, %add3A_1216 : i32
        %get3A_1218 = arith.index_cast %add3A_1217 : i32 to index
        %get3A_1219 = arith.constant 96 : index
        %get3A_1220 = tpu.vector_load %arg9[%get3A_1218, %get3A_1219] {strides = array<i32>} : memref<256x256xf32, #tpu.memory_space<vmem>>, vector<1x16xf32>,
        %get3A_1221 = vector.shape_cast %get3A_1220 : vector<1x16xf32> to vector<16xf32>
        %mul3A_1222 = arith.mulf %get3A_79, %get3A_1221 : vector<16xf32>
        %add3A_1223 = arith.addf %add3A_1213, %mul3A_1222 : vector<16xf32>
        %mul3A_1224 = arith.constant 16 : i32
        %mul3A_1225 = arith.muli %scan3A_28, %mul3A_1224 : i32
        %add3A_1226 = arith.constant 13 : i32
        %add3A_1227 = arith.addi %mul3A_1225, %add3A_1226 : i32
        %get3A_1228 = arith.index_cast %add3A_1227 : i32 to index
        %get3A_1229 = arith.constant 96 : index
        %get3A_1230 = tpu.vector_load %arg9[%get3A_1228, %get3A_1229] {strides = array<i32>} : memref<256x256xf32, #tpu.memory_space<vmem>>, vector<1x16xf32>,
        %get3A_1231 = vector.shape_cast %get3A_1230 : vector<1x16xf32> to vector<16xf32>
        %mul3A_1232 = arith.mulf %get3A_83, %get3A_1231 : vector<16xf32>
        %add3A_1233 = arith.addf %add3A_1223, %mul3A_1232 : vector<16xf32>
        %mul3A_1234 = arith.constant 16 : i32
        %mul3A_1235 = arith.muli %scan3A_28, %mul3A_1234 : i32
        %add3A_1236 = arith.constant 14 : i32
        %add3A_1237 = arith.addi %mul3A_1235, %add3A_1236 : i32
        %get3A_1238 = arith.index_cast %add3A_1237 : i32 to index
        %get3A_1239 = arith.constant 96 : index
        %get3A_1240 = tpu.vector_load %arg9[%get3A_1238, %get3A_1239] {strides = array<i32>} : memref<256x256xf32, #tpu.memory_space<vmem>>, vector<1x16xf32>,
        %get3A_1241 = vector.shape_cast %get3A_1240 : vector<1x16xf32> to vector<16xf32>
        %mul3A_1242 = arith.mulf %get3A_87, %get3A_1241 : vector<16xf32>
        %add3A_1243 = arith.addf %add3A_1233, %mul3A_1242 : vector<16xf32>
        %mul3A_1244 = arith.constant 16 : i32
        %mul3A_1245 = arith.muli %scan3A_28, %mul3A_1244 : i32
        %add3A_1246 = arith.constant 15 : i32
        %add3A_1247 = arith.addi %mul3A_1245, %add3A_1246 : i32
        %get3A_1248 = arith.index_cast %add3A_1247 : i32 to index
        %get3A_1249 = arith.constant 96 : index
        %get3A_1250 = tpu.vector_load %arg9[%get3A_1248, %get3A_1249] {strides = array<i32>} : memref<256x256xf32, #tpu.memory_space<vmem>>, vector<1x16xf32>,
        %get3A_1251 = vector.shape_cast %get3A_1250 : vector<1x16xf32> to vector<16xf32>
        %mul3A_1252 = arith.mulf %get3A_91, %get3A_1251 : vector<16xf32>
        %add3A_1253 = arith.addf %add3A_1243, %mul3A_1252 : vector<16xf32>
        %swap3A_1254 = arith.index_cast %scan3A_28 : i32 to index
        %swap3A_1255 = arith.constant 96 : index
        %swap3A_1256 = tpu.vector_load %arg10[%swap3A_1254, %swap3A_1255] {strides = array<i32>} : memref<16x256xf32, #tpu.memory_space<vmem>>, vector<1x16xf32>,
        %swap3A_1257 = vector.shape_cast %swap3A_1256 : vector<1x16xf32> to vector<16xf32>
        %swap3A_1258 = vector.shape_cast %add3A_1253 : vector<16xf32> to vector<1x16xf32>
        tpu.vector_store %arg10[%swap3A_1254, %swap3A_1255], %swap3A_1258 {strides = array<i32>} : memref<16x256xf32, #tpu.memory_space<vmem>>, vector<1x16xf32>,
        %broadcast_in_dim3A_1259 = arith.constant 0.000000e+00 : f32
        %broadcast_in_dim3A_1260 = vector.broadcast %broadcast_in_dim3A_1259 : f32 to vector<16xf32>
        %mul3A_1261 = arith.constant 16 : i32
        %mul3A_1262 = arith.muli %scan3A_28, %mul3A_1261 : i32
        %add3A_1263 = arith.constant 0 : i32
        %add3A_1264 = arith.addi %mul3A_1262, %add3A_1263 : i32
        %get3A_1265 = arith.index_cast %add3A_1264 : i32 to index
        %get3A_1266 = arith.constant 112 : index
        %get3A_1267 = tpu.vector_load %arg9[%get3A_1265, %get3A_1266] {strides = array<i32>} : memref<256x256xf32, #tpu.memory_space<vmem>>, vector<1x16xf32>,
        %get3A_1268 = vector.shape_cast %get3A_1267 : vector<1x16xf32> to vector<16xf32>
        %mul3A_1269 = arith.mulf %get3A_31, %get3A_1268 : vector<16xf32>
        %add3A_1270 = arith.addf %broadcast_in_dim3A_1260, %mul3A_1269 : vector<16xf32>
        %mul3A_1271 = arith.constant 16 : i32
        %mul3A_1272 = arith.muli %scan3A_28, %mul3A_1271 : i32
        %add3A_1273 = arith.constant 1 : i32
        %add3A_1274 = arith.addi %mul3A_1272, %add3A_1273 : i32
        %get3A_1275 = arith.index_cast %add3A_1274 : i32 to index
        %get3A_1276 = arith.constant 112 : index
        %get3A_1277 = tpu.vector_load %arg9[%get3A_1275, %get3A_1276] {strides = array<i32>} : memref<256x256xf32, #tpu.memory_space<vmem>>, vector<1x16xf32>,
        %get3A_1278 = vector.shape_cast %get3A_1277 : vector<1x16xf32> to vector<16xf32>
        %mul3A_1279 = arith.mulf %get3A_35, %get3A_1278 : vector<16xf32>
        %add3A_1280 = arith.addf %add3A_1270, %mul3A_1279 : vector<16xf32>
        %mul3A_1281 = arith.constant 16 : i32
        %mul3A_1282 = arith.muli %scan3A_28, %mul3A_1281 : i32
        %add3A_1283 = arith.constant 2 : i32
        %add3A_1284 = arith.addi %mul3A_1282, %add3A_1283 : i32
        %get3A_1285 = arith.index_cast %add3A_1284 : i32 to index
        %get3A_1286 = arith.constant 112 : index
        %get3A_1287 = tpu.vector_load %arg9[%get3A_1285, %get3A_1286] {strides = array<i32>} : memref<256x256xf32, #tpu.memory_space<vmem>>, vector<1x16xf32>,
        %get3A_1288 = vector.shape_cast %get3A_1287 : vector<1x16xf32> to vector<16xf32>
        %mul3A_1289 = arith.mulf %get3A_39, %get3A_1288 : vector<16xf32>
        %add3A_1290 = arith.addf %add3A_1280, %mul3A_1289 : vector<16xf32>
        %mul3A_1291 = arith.constant 16 : i32
        %mul3A_1292 = arith.muli %scan3A_28, %mul3A_1291 : i32
        %add3A_1293 = arith.constant 3 : i32
        %add3A_1294 = arith.addi %mul3A_1292, %add3A_1293 : i32
        %get3A_1295 = arith.index_cast %add3A_1294 : i32 to index
        %get3A_1296 = arith.constant 112 : index
        %get3A_1297 = tpu.vector_load %arg9[%get3A_1295, %get3A_1296] {strides = array<i32>} : memref<256x256xf32, #tpu.memory_space<vmem>>, vector<1x16xf32>,
        %get3A_1298 = vector.shape_cast %get3A_1297 : vector<1x16xf32> to vector<16xf32>
        %mul3A_1299 = arith.mulf %get3A_43, %get3A_1298 : vector<16xf32>
        %add3A_1300 = arith.addf %add3A_1290, %mul3A_1299 : vector<16xf32>
        %mul3A_1301 = arith.constant 16 : i32
        %mul3A_1302 = arith.muli %scan3A_28, %mul3A_1301 : i32
        %add3A_1303 = arith.constant 4 : i32
        %add3A_1304 = arith.addi %mul3A_1302, %add3A_1303 : i32
        %get3A_1305 = arith.index_cast %add3A_1304 : i32 to index
        %get3A_1306 = arith.constant 112 : index
        %get3A_1307 = tpu.vector_load %arg9[%get3A_1305, %get3A_1306] {strides = array<i32>} : memref<256x256xf32, #tpu.memory_space<vmem>>, vector<1x16xf32>,
        %get3A_1308 = vector.shape_cast %get3A_1307 : vector<1x16xf32> to vector<16xf32>
        %mul3A_1309 = arith.mulf %get3A_47, %get3A_1308 : vector<16xf32>
        %add3A_1310 = arith.addf %add3A_1300, %mul3A_1309 : vector<16xf32>
        %mul3A_1311 = arith.constant 16 : i32
        %mul3A_1312 = arith.muli %scan3A_28, %mul3A_1311 : i32
        %add3A_1313 = arith.constant 5 : i32
        %add3A_1314 = arith.addi %mul3A_1312, %add3A_1313 : i32
        %get3A_1315 = arith.index_cast %add3A_1314 : i32 to index
        %get3A_1316 = arith.constant 112 : index
        %get3A_1317 = tpu.vector_load %arg9[%get3A_1315, %get3A_1316] {strides = array<i32>} : memref<256x256xf32, #tpu.memory_space<vmem>>, vector<1x16xf32>,
        %get3A_1318 = vector.shape_cast %get3A_1317 : vector<1x16xf32> to vector<16xf32>
        %mul3A_1319 = arith.mulf %get3A_51, %get3A_1318 : vector<16xf32>
        %add3A_1320 = arith.addf %add3A_1310, %mul3A_1319 : vector<16xf32>
        %mul3A_1321 = arith.constant 16 : i32
        %mul3A_1322 = arith.muli %scan3A_28, %mul3A_1321 : i32
        %add3A_1323 = arith.constant 6 : i32
        %add3A_1324 = arith.addi %mul3A_1322, %add3A_1323 : i32
        %get3A_1325 = arith.index_cast %add3A_1324 : i32 to index
        %get3A_1326 = arith.constant 112 : index
        %get3A_1327 = tpu.vector_load %arg9[%get3A_1325, %get3A_1326] {strides = array<i32>} : memref<256x256xf32, #tpu.memory_space<vmem>>, vector<1x16xf32>,
        %get3A_1328 = vector.shape_cast %get3A_1327 : vector<1x16xf32> to vector<16xf32>
        %mul3A_1329 = arith.mulf %get3A_55, %get3A_1328 : vector<16xf32>
        %add3A_1330 = arith.addf %add3A_1320, %mul3A_1329 : vector<16xf32>
        %mul3A_1331 = arith.constant 16 : i32
        %mul3A_1332 = arith.muli %scan3A_28, %mul3A_1331 : i32
        %add3A_1333 = arith.constant 7 : i32
        %add3A_1334 = arith.addi %mul3A_1332, %add3A_1333 : i32
        %get3A_1335 = arith.index_cast %add3A_1334 : i32 to index
        %get3A_1336 = arith.constant 112 : index
        %get3A_1337 = tpu.vector_load %arg9[%get3A_1335, %get3A_1336] {strides = array<i32>} : memref<256x256xf32, #tpu.memory_space<vmem>>, vector<1x16xf32>,
        %get3A_1338 = vector.shape_cast %get3A_1337 : vector<1x16xf32> to vector<16xf32>
        %mul3A_1339 = arith.mulf %get3A_59, %get3A_1338 : vector<16xf32>
        %add3A_1340 = arith.addf %add3A_1330, %mul3A_1339 : vector<16xf32>
        %mul3A_1341 = arith.constant 16 : i32
        %mul3A_1342 = arith.muli %scan3A_28, %mul3A_1341 : i32
        %add3A_1343 = arith.constant 8 : i32
        %add3A_1344 = arith.addi %mul3A_1342, %add3A_1343 : i32
        %get3A_1345 = arith.index_cast %add3A_1344 : i32 to index
        %get3A_1346 = arith.constant 112 : index
        %get3A_1347 = tpu.vector_load %arg9[%get3A_1345, %get3A_1346] {strides = array<i32>} : memref<256x256xf32, #tpu.memory_space<vmem>>, vector<1x16xf32>,
        %get3A_1348 = vector.shape_cast %get3A_1347 : vector<1x16xf32> to vector<16xf32>
        %mul3A_1349 = arith.mulf %get3A_63, %get3A_1348 : vector<16xf32>
        %add3A_1350 = arith.addf %add3A_1340, %mul3A_1349 : vector<16xf32>
        %mul3A_1351 = arith.constant 16 : i32
        %mul3A_1352 = arith.muli %scan3A_28, %mul3A_1351 : i32
        %add3A_1353 = arith.constant 9 : i32
        %add3A_1354 = arith.addi %mul3A_1352, %add3A_1353 : i32
        %get3A_1355 = arith.index_cast %add3A_1354 : i32 to index
        %get3A_1356 = arith.constant 112 : index
        %get3A_1357 = tpu.vector_load %arg9[%get3A_1355, %get3A_1356] {strides = array<i32>} : memref<256x256xf32, #tpu.memory_space<vmem>>, vector<1x16xf32>,
        %get3A_1358 = vector.shape_cast %get3A_1357 : vector<1x16xf32> to vector<16xf32>
        %mul3A_1359 = arith.mulf %get3A_67, %get3A_1358 : vector<16xf32>
        %add3A_1360 = arith.addf %add3A_1350, %mul3A_1359 : vector<16xf32>
        %mul3A_1361 = arith.constant 16 : i32
        %mul3A_1362 = arith.muli %scan3A_28, %mul3A_1361 : i32
        %add3A_1363 = arith.constant 10 : i32
        %add3A_1364 = arith.addi %mul3A_1362, %add3A_1363 : i32
        %get3A_1365 = arith.index_cast %add3A_1364 : i32 to index
        %get3A_1366 = arith.constant 112 : index
        %get3A_1367 = tpu.vector_load %arg9[%get3A_1365, %get3A_1366] {strides = array<i32>} : memref<256x256xf32, #tpu.memory_space<vmem>>, vector<1x16xf32>,
        %get3A_1368 = vector.shape_cast %get3A_1367 : vector<1x16xf32> to vector<16xf32>
        %mul3A_1369 = arith.mulf %get3A_71, %get3A_1368 : vector<16xf32>
        %add3A_1370 = arith.addf %add3A_1360, %mul3A_1369 : vector<16xf32>
        %mul3A_1371 = arith.constant 16 : i32
        %mul3A_1372 = arith.muli %scan3A_28, %mul3A_1371 : i32
        %add3A_1373 = arith.constant 11 : i32
        %add3A_1374 = arith.addi %mul3A_1372, %add3A_1373 : i32
        %get3A_1375 = arith.index_cast %add3A_1374 : i32 to index
        %get3A_1376 = arith.constant 112 : index
        %get3A_1377 = tpu.vector_load %arg9[%get3A_1375, %get3A_1376] {strides = array<i32>} : memref<256x256xf32, #tpu.memory_space<vmem>>, vector<1x16xf32>,
        %get3A_1378 = vector.shape_cast %get3A_1377 : vector<1x16xf32> to vector<16xf32>
        %mul3A_1379 = arith.mulf %get3A_75, %get3A_1378 : vector<16xf32>
        %add3A_1380 = arith.addf %add3A_1370, %mul3A_1379 : vector<16xf32>
        %mul3A_1381 = arith.constant 16 : i32
        %mul3A_1382 = arith.muli %scan3A_28, %mul3A_1381 : i32
        %add3A_1383 = arith.constant 12 : i32
        %add3A_1384 = arith.addi %mul3A_1382, %add3A_1383 : i32
        %get3A_1385 = arith.index_cast %add3A_1384 : i32 to index
        %get3A_1386 = arith.constant 112 : index
        %get3A_1387 = tpu.vector_load %arg9[%get3A_1385, %get3A_1386] {strides = array<i32>} : memref<256x256xf32, #tpu.memory_space<vmem>>, vector<1x16xf32>,
        %get3A_1388 = vector.shape_cast %get3A_1387 : vector<1x16xf32> to vector<16xf32>
        %mul3A_1389 = arith.mulf %get3A_79, %get3A_1388 : vector<16xf32>
        %add3A_1390 = arith.addf %add3A_1380, %mul3A_1389 : vector<16xf32>
        %mul3A_1391 = arith.constant 16 : i32
        %mul3A_1392 = arith.muli %scan3A_28, %mul3A_1391 : i32
        %add3A_1393 = arith.constant 13 : i32
        %add3A_1394 = arith.addi %mul3A_1392, %add3A_1393 : i32
        %get3A_1395 = arith.index_cast %add3A_1394 : i32 to index
        %get3A_1396 = arith.constant 112 : index
        %get3A_1397 = tpu.vector_load %arg9[%get3A_1395, %get3A_1396] {strides = array<i32>} : memref<256x256xf32, #tpu.memory_space<vmem>>, vector<1x16xf32>,
        %get3A_1398 = vector.shape_cast %get3A_1397 : vector<1x16xf32> to vector<16xf32>
        %mul3A_1399 = arith.mulf %get3A_83, %get3A_1398 : vector<16xf32>
        %add3A_1400 = arith.addf %add3A_1390, %mul3A_1399 : vector<16xf32>
        %mul3A_1401 = arith.constant 16 : i32
        %mul3A_1402 = arith.muli %scan3A_28, %mul3A_1401 : i32
        %add3A_1403 = arith.constant 14 : i32
        %add3A_1404 = arith.addi %mul3A_1402, %add3A_1403 : i32
        %get3A_1405 = arith.index_cast %add3A_1404 : i32 to index
        %get3A_1406 = arith.constant 112 : index
        %get3A_1407 = tpu.vector_load %arg9[%get3A_1405, %get3A_1406] {strides = array<i32>} : memref<256x256xf32, #tpu.memory_space<vmem>>, vector<1x16xf32>,
        %get3A_1408 = vector.shape_cast %get3A_1407 : vector<1x16xf32> to vector<16xf32>
        %mul3A_1409 = arith.mulf %get3A_87, %get3A_1408 : vector<16xf32>
        %add3A_1410 = arith.addf %add3A_1400, %mul3A_1409 : vector<16xf32>
        %mul3A_1411 = arith.constant 16 : i32
        %mul3A_1412 = arith.muli %scan3A_28, %mul3A_1411 : i32
        %add3A_1413 = arith.constant 15 : i32
        %add3A_1414 = arith.addi %mul3A_1412, %add3A_1413 : i32
        %get3A_1415 = arith.index_cast %add3A_1414 : i32 to index
        %get3A_1416 = arith.constant 112 : index
        %get3A_1417 = tpu.vector_load %arg9[%get3A_1415, %get3A_1416] {strides = array<i32>} : memref<256x256xf32, #tpu.memory_space<vmem>>, vector<1x16xf32>,
        %get3A_1418 = vector.shape_cast %get3A_1417 : vector<1x16xf32> to vector<16xf32>
        %mul3A_1419 = arith.mulf %get3A_91, %get3A_1418 : vector<16xf32>
        %add3A_1420 = arith.addf %add3A_1410, %mul3A_1419 : vector<16xf32>
        %swap3A_1421 = arith.index_cast %scan3A_28 : i32 to index
        %swap3A_1422 = arith.constant 112 : index
        %swap3A_1423 = tpu.vector_load %arg10[%swap3A_1421, %swap3A_1422] {strides = array<i32>} : memref<16x256xf32, #tpu.memory_space<vmem>>, vector<1x16xf32>,
        %swap3A_1424 = vector.shape_cast %swap3A_1423 : vector<1x16xf32> to vector<16xf32>
        %swap3A_1425 = vector.shape_cast %add3A_1420 : vector<16xf32> to vector<1x16xf32>
        tpu.vector_store %arg10[%swap3A_1421, %swap3A_1422], %swap3A_1425 {strides = array<i32>} : memref<16x256xf32, #tpu.memory_space<vmem>>, vector<1x16xf32>,
        %broadcast_in_dim3A_1426 = arith.constant 0.000000e+00 : f32
        %broadcast_in_dim3A_1427 = vector.broadcast %broadcast_in_dim3A_1426 : f32 to vector<16xf32>
        %mul3A_1428 = arith.constant 16 : i32
        %mul3A_1429 = arith.muli %scan3A_28, %mul3A_1428 : i32
        %add3A_1430 = arith.constant 0 : i32
        %add3A_1431 = arith.addi %mul3A_1429, %add3A_1430 : i32
        %get3A_1432 = arith.index_cast %add3A_1431 : i32 to index
        %get3A_1433 = arith.constant 128 : index
        %get3A_1434 = tpu.vector_load %arg9[%get3A_1432, %get3A_1433] {strides = array<i32>} : memref<256x256xf32, #tpu.memory_space<vmem>>, vector<1x16xf32>,
        %get3A_1435 = vector.shape_cast %get3A_1434 : vector<1x16xf32> to vector<16xf32>
        %mul3A_1436 = arith.mulf %get3A_31, %get3A_1435 : vector<16xf32>
        %add3A_1437 = arith.addf %broadcast_in_dim3A_1427, %mul3A_1436 : vector<16xf32>
        %mul3A_1438 = arith.constant 16 : i32
        %mul3A_1439 = arith.muli %scan3A_28, %mul3A_1438 : i32
        %add3A_1440 = arith.constant 1 : i32
        %add3A_1441 = arith.addi %mul3A_1439, %add3A_1440 : i32
        %get3A_1442 = arith.index_cast %add3A_1441 : i32 to index
        %get3A_1443 = arith.constant 128 : index
        %get3A_1444 = tpu.vector_load %arg9[%get3A_1442, %get3A_1443] {strides = array<i32>} : memref<256x256xf32, #tpu.memory_space<vmem>>, vector<1x16xf32>,
        %get3A_1445 = vector.shape_cast %get3A_1444 : vector<1x16xf32> to vector<16xf32>
        %mul3A_1446 = arith.mulf %get3A_35, %get3A_1445 : vector<16xf32>
        %add3A_1447 = arith.addf %add3A_1437, %mul3A_1446 : vector<16xf32>
        %mul3A_1448 = arith.constant 16 : i32
        %mul3A_1449 = arith.muli %scan3A_28, %mul3A_1448 : i32
        %add3A_1450 = arith.constant 2 : i32
        %add3A_1451 = arith.addi %mul3A_1449, %add3A_1450 : i32
        %get3A_1452 = arith.index_cast %add3A_1451 : i32 to index
        %get3A_1453 = arith.constant 128 : index
        %get3A_1454 = tpu.vector_load %arg9[%get3A_1452, %get3A_1453] {strides = array<i32>} : memref<256x256xf32, #tpu.memory_space<vmem>>, vector<1x16xf32>,
        %get3A_1455 = vector.shape_cast %get3A_1454 : vector<1x16xf32> to vector<16xf32>
        %mul3A_1456 = arith.mulf %get3A_39, %get3A_1455 : vector<16xf32>
        %add3A_1457 = arith.addf %add3A_1447, %mul3A_1456 : vector<16xf32>
        %mul3A_1458 = arith.constant 16 : i32
        %mul3A_1459 = arith.muli %scan3A_28, %mul3A_1458 : i32
        %add3A_1460 = arith.constant 3 : i32
        %add3A_1461 = arith.addi %mul3A_1459, %add3A_1460 : i32
        %get3A_1462 = arith.index_cast %add3A_1461 : i32 to index
        %get3A_1463 = arith.constant 128 : index
        %get3A_1464 = tpu.vector_load %arg9[%get3A_1462, %get3A_1463] {strides = array<i32>} : memref<256x256xf32, #tpu.memory_space<vmem>>, vector<1x16xf32>,
        %get3A_1465 = vector.shape_cast %get3A_1464 : vector<1x16xf32> to vector<16xf32>
        %mul3A_1466 = arith.mulf %get3A_43, %get3A_1465 : vector<16xf32>
        %add3A_1467 = arith.addf %add3A_1457, %mul3A_1466 : vector<16xf32>
        %mul3A_1468 = arith.constant 16 : i32
        %mul3A_1469 = arith.muli %scan3A_28, %mul3A_1468 : i32
        %add3A_1470 = arith.constant 4 : i32
        %add3A_1471 = arith.addi %mul3A_1469, %add3A_1470 : i32
        %get3A_1472 = arith.index_cast %add3A_1471 : i32 to index
        %get3A_1473 = arith.constant 128 : index
        %get3A_1474 = tpu.vector_load %arg9[%get3A_1472, %get3A_1473] {strides = array<i32>} : memref<256x256xf32, #tpu.memory_space<vmem>>, vector<1x16xf32>,
        %get3A_1475 = vector.shape_cast %get3A_1474 : vector<1x16xf32> to vector<16xf32>
        %mul3A_1476 = arith.mulf %get3A_47, %get3A_1475 : vector<16xf32>
        %add3A_1477 = arith.addf %add3A_1467, %mul3A_1476 : vector<16xf32>
        %mul3A_1478 = arith.constant 16 : i32
        %mul3A_1479 = arith.muli %scan3A_28, %mul3A_1478 : i32
        %add3A_1480 = arith.constant 5 : i32
        %add3A_1481 = arith.addi %mul3A_1479, %add3A_1480 : i32
        %get3A_1482 = arith.index_cast %add3A_1481 : i32 to index
        %get3A_1483 = arith.constant 128 : index
        %get3A_1484 = tpu.vector_load %arg9[%get3A_1482, %get3A_1483] {strides = array<i32>} : memref<256x256xf32, #tpu.memory_space<vmem>>, vector<1x16xf32>,
        %get3A_1485 = vector.shape_cast %get3A_1484 : vector<1x16xf32> to vector<16xf32>
        %mul3A_1486 = arith.mulf %get3A_51, %get3A_1485 : vector<16xf32>
        %add3A_1487 = arith.addf %add3A_1477, %mul3A_1486 : vector<16xf32>
        %mul3A_1488 = arith.constant 16 : i32
        %mul3A_1489 = arith.muli %scan3A_28, %mul3A_1488 : i32
        %add3A_1490 = arith.constant 6 : i32
        %add3A_1491 = arith.addi %mul3A_1489, %add3A_1490 : i32
        %get3A_1492 = arith.index_cast %add3A_1491 : i32 to index
        %get3A_1493 = arith.constant 128 : index
        %get3A_1494 = tpu.vector_load %arg9[%get3A_1492, %get3A_1493] {strides = array<i32>} : memref<256x256xf32, #tpu.memory_space<vmem>>, vector<1x16xf32>,
        %get3A_1495 = vector.shape_cast %get3A_1494 : vector<1x16xf32> to vector<16xf32>
        %mul3A_1496 = arith.mulf %get3A_55, %get3A_1495 : vector<16xf32>
        %add3A_1497 = arith.addf %add3A_1487, %mul3A_1496 : vector<16xf32>
        %mul3A_1498 = arith.constant 16 : i32
        %mul3A_1499 = arith.muli %scan3A_28, %mul3A_1498 : i32
        %add3A_1500 = arith.constant 7 : i32
        %add3A_1501 = arith.addi %mul3A_1499, %add3A_1500 : i32
        %get3A_1502 = arith.index_cast %add3A_1501 : i32 to index
        %get3A_1503 = arith.constant 128 : index
        %get3A_1504 = tpu.vector_load %arg9[%get3A_1502, %get3A_1503] {strides = array<i32>} : memref<256x256xf32, #tpu.memory_space<vmem>>, vector<1x16xf32>,
        %get3A_1505 = vector.shape_cast %get3A_1504 : vector<1x16xf32> to vector<16xf32>
        %mul3A_1506 = arith.mulf %get3A_59, %get3A_1505 : vector<16xf32>
        %add3A_1507 = arith.addf %add3A_1497, %mul3A_1506 : vector<16xf32>
        %mul3A_1508 = arith.constant 16 : i32
        %mul3A_1509 = arith.muli %scan3A_28, %mul3A_1508 : i32
        %add3A_1510 = arith.constant 8 : i32
        %add3A_1511 = arith.addi %mul3A_1509, %add3A_1510 : i32
        %get3A_1512 = arith.index_cast %add3A_1511 : i32 to index
        %get3A_1513 = arith.constant 128 : index
        %get3A_1514 = tpu.vector_load %arg9[%get3A_1512, %get3A_1513] {strides = array<i32>} : memref<256x256xf32, #tpu.memory_space<vmem>>, vector<1x16xf32>,
        %get3A_1515 = vector.shape_cast %get3A_1514 : vector<1x16xf32> to vector<16xf32>
        %mul3A_1516 = arith.mulf %get3A_63, %get3A_1515 : vector<16xf32>
        %add3A_1517 = arith.addf %add3A_1507, %mul3A_1516 : vector<16xf32>
        %mul3A_1518 = arith.constant 16 : i32
        %mul3A_1519 = arith.muli %scan3A_28, %mul3A_1518 : i32
        %add3A_1520 = arith.constant 9 : i32
        %add3A_1521 = arith.addi %mul3A_1519, %add3A_1520 : i32
        %get3A_1522 = arith.index_cast %add3A_1521 : i32 to index
        %get3A_1523 = arith.constant 128 : index
        %get3A_1524 = tpu.vector_load %arg9[%get3A_1522, %get3A_1523] {strides = array<i32>} : memref<256x256xf32, #tpu.memory_space<vmem>>, vector<1x16xf32>,
        %get3A_1525 = vector.shape_cast %get3A_1524 : vector<1x16xf32> to vector<16xf32>
        %mul3A_1526 = arith.mulf %get3A_67, %get3A_1525 : vector<16xf32>
        %add3A_1527 = arith.addf %add3A_1517, %mul3A_1526 : vector<16xf32>
        %mul3A_1528 = arith.constant 16 : i32
        %mul3A_1529 = arith.muli %scan3A_28, %mul3A_1528 : i32
        %add3A_1530 = arith.constant 10 : i32
        %add3A_1531 = arith.addi %mul3A_1529, %add3A_1530 : i32
        %get3A_1532 = arith.index_cast %add3A_1531 : i32 to index
        %get3A_1533 = arith.constant 128 : index
        %get3A_1534 = tpu.vector_load %arg9[%get3A_1532, %get3A_1533] {strides = array<i32>} : memref<256x256xf32, #tpu.memory_space<vmem>>, vector<1x16xf32>,
        %get3A_1535 = vector.shape_cast %get3A_1534 : vector<1x16xf32> to vector<16xf32>
        %mul3A_1536 = arith.mulf %get3A_71, %get3A_1535 : vector<16xf32>
        %add3A_1537 = arith.addf %add3A_1527, %mul3A_1536 : vector<16xf32>
        %mul3A_1538 = arith.constant 16 : i32
        %mul3A_1539 = arith.muli %scan3A_28, %mul3A_1538 : i32
        %add3A_1540 = arith.constant 11 : i32
        %add3A_1541 = arith.addi %mul3A_1539, %add3A_1540 : i32
        %get3A_1542 = arith.index_cast %add3A_1541 : i32 to index
        %get3A_1543 = arith.constant 128 : index
        %get3A_1544 = tpu.vector_load %arg9[%get3A_1542, %get3A_1543] {strides = array<i32>} : memref<256x256xf32, #tpu.memory_space<vmem>>, vector<1x16xf32>,
        %get3A_1545 = vector.shape_cast %get3A_1544 : vector<1x16xf32> to vector<16xf32>
        %mul3A_1546 = arith.mulf %get3A_75, %get3A_1545 : vector<16xf32>
        %add3A_1547 = arith.addf %add3A_1537, %mul3A_1546 : vector<16xf32>
        %mul3A_1548 = arith.constant 16 : i32
        %mul3A_1549 = arith.muli %scan3A_28, %mul3A_1548 : i32
        %add3A_1550 = arith.constant 12 : i32
        %add3A_1551 = arith.addi %mul3A_1549, %add3A_1550 : i32
        %get3A_1552 = arith.index_cast %add3A_1551 : i32 to index
        %get3A_1553 = arith.constant 128 : index
        %get3A_1554 = tpu.vector_load %arg9[%get3A_1552, %get3A_1553] {strides = array<i32>} : memref<256x256xf32, #tpu.memory_space<vmem>>, vector<1x16xf32>,
        %get3A_1555 = vector.shape_cast %get3A_1554 : vector<1x16xf32> to vector<16xf32>
        %mul3A_1556 = arith.mulf %get3A_79, %get3A_1555 : vector<16xf32>
        %add3A_1557 = arith.addf %add3A_1547, %mul3A_1556 : vector<16xf32>
        %mul3A_1558 = arith.constant 16 : i32
        %mul3A_1559 = arith.muli %scan3A_28, %mul3A_1558 : i32
        %add3A_1560 = arith.constant 13 : i32
        %add3A_1561 = arith.addi %mul3A_1559, %add3A_1560 : i32
        %get3A_1562 = arith.index_cast %add3A_1561 : i32 to index
        %get3A_1563 = arith.constant 128 : index
        %get3A_1564 = tpu.vector_load %arg9[%get3A_1562, %get3A_1563] {strides = array<i32>} : memref<256x256xf32, #tpu.memory_space<vmem>>, vector<1x16xf32>,
        %get3A_1565 = vector.shape_cast %get3A_1564 : vector<1x16xf32> to vector<16xf32>
        %mul3A_1566 = arith.mulf %get3A_83, %get3A_1565 : vector<16xf32>
        %add3A_1567 = arith.addf %add3A_1557, %mul3A_1566 : vector<16xf32>
        %mul3A_1568 = arith.constant 16 : i32
        %mul3A_1569 = arith.muli %scan3A_28, %mul3A_1568 : i32
        %add3A_1570 = arith.constant 14 : i32
        %add3A_1571 = arith.addi %mul3A_1569, %add3A_1570 : i32
        %get3A_1572 = arith.index_cast %add3A_1571 : i32 to index
        %get3A_1573 = arith.constant 128 : index
        %get3A_1574 = tpu.vector_load %arg9[%get3A_1572, %get3A_1573] {strides = array<i32>} : memref<256x256xf32, #tpu.memory_space<vmem>>, vector<1x16xf32>,
        %get3A_1575 = vector.shape_cast %get3A_1574 : vector<1x16xf32> to vector<16xf32>
        %mul3A_1576 = arith.mulf %get3A_87, %get3A_1575 : vector<16xf32>
        %add3A_1577 = arith.addf %add3A_1567, %mul3A_1576 : vector<16xf32>
        %mul3A_1578 = arith.constant 16 : i32
        %mul3A_1579 = arith.muli %scan3A_28, %mul3A_1578 : i32
        %add3A_1580 = arith.constant 15 : i32
        %add3A_1581 = arith.addi %mul3A_1579, %add3A_1580 : i32
        %get3A_1582 = arith.index_cast %add3A_1581 : i32 to index
        %get3A_1583 = arith.constant 128 : index
        %get3A_1584 = tpu.vector_load %arg9[%get3A_1582, %get3A_1583] {strides = array<i32>} : memref<256x256xf32, #tpu.memory_space<vmem>>, vector<1x16xf32>,
        %get3A_1585 = vector.shape_cast %get3A_1584 : vector<1x16xf32> to vector<16xf32>
        %mul3A_1586 = arith.mulf %get3A_91, %get3A_1585 : vector<16xf32>
        %add3A_1587 = arith.addf %add3A_1577, %mul3A_1586 : vector<16xf32>
        %swap3A_1588 = arith.index_cast %scan3A_28 : i32 to index
        %swap3A_1589 = arith.constant 128 : index
        %swap3A_1590 = tpu.vector_load %arg10[%swap3A_1588, %swap3A_1589] {strides = array<i32>} : memref<16x256xf32, #tpu.memory_space<vmem>>, vector<1x16xf32>,
        %swap3A_1591 = vector.shape_cast %swap3A_1590 : vector<1x16xf32> to vector<16xf32>
        %swap3A_1592 = vector.shape_cast %add3A_1587 : vector<16xf32> to vector<1x16xf32>
        tpu.vector_store %arg10[%swap3A_1588, %swap3A_1589], %swap3A_1592 {strides = array<i32>} : memref<16x256xf32, #tpu.memory_space<vmem>>, vector<1x16xf32>,
        %broadcast_in_dim3A_1593 = arith.constant 0.000000e+00 : f32
        %broadcast_in_dim3A_1594 = vector.broadcast %broadcast_in_dim3A_1593 : f32 to vector<16xf32>
        %mul3A_1595 = arith.constant 16 : i32
        %mul3A_1596 = arith.muli %scan3A_28, %mul3A_1595 : i32
        %add3A_1597 = arith.constant 0 : i32
        %add3A_1598 = arith.addi %mul3A_1596, %add3A_1597 : i32
        %get3A_1599 = arith.index_cast %add3A_1598 : i32 to index
        %get3A_1600 = arith.constant 144 : index
        %get3A_1601 = tpu.vector_load %arg9[%get3A_1599, %get3A_1600] {strides = array<i32>} : memref<256x256xf32, #tpu.memory_space<vmem>>, vector<1x16xf32>,
        %get3A_1602 = vector.shape_cast %get3A_1601 : vector<1x16xf32> to vector<16xf32>
        %mul3A_1603 = arith.mulf %get3A_31, %get3A_1602 : vector<16xf32>
        %add3A_1604 = arith.addf %broadcast_in_dim3A_1594, %mul3A_1603 : vector<16xf32>
        %mul3A_1605 = arith.constant 16 : i32
        %mul3A_1606 = arith.muli %scan3A_28, %mul3A_1605 : i32
        %add3A_1607 = arith.constant 1 : i32
        %add3A_1608 = arith.addi %mul3A_1606, %add3A_1607 : i32
        %get3A_1609 = arith.index_cast %add3A_1608 : i32 to index
        %get3A_1610 = arith.constant 144 : index
        %get3A_1611 = tpu.vector_load %arg9[%get3A_1609, %get3A_1610] {strides = array<i32>} : memref<256x256xf32, #tpu.memory_space<vmem>>, vector<1x16xf32>,
        %get3A_1612 = vector.shape_cast %get3A_1611 : vector<1x16xf32> to vector<16xf32>
        %mul3A_1613 = arith.mulf %get3A_35, %get3A_1612 : vector<16xf32>
        %add3A_1614 = arith.addf %add3A_1604, %mul3A_1613 : vector<16xf32>
        %mul3A_1615 = arith.constant 16 : i32
        %mul3A_1616 = arith.muli %scan3A_28, %mul3A_1615 : i32
        %add3A_1617 = arith.constant 2 : i32
        %add3A_1618 = arith.addi %mul3A_1616, %add3A_1617 : i32
        %get3A_1619 = arith.index_cast %add3A_1618 : i32 to index
        %get3A_1620 = arith.constant 144 : index
        %get3A_1621 = tpu.vector_load %arg9[%get3A_1619, %get3A_1620] {strides = array<i32>} : memref<256x256xf32, #tpu.memory_space<vmem>>, vector<1x16xf32>,
        %get3A_1622 = vector.shape_cast %get3A_1621 : vector<1x16xf32> to vector<16xf32>
        %mul3A_1623 = arith.mulf %get3A_39, %get3A_1622 : vector<16xf32>
        %add3A_1624 = arith.addf %add3A_1614, %mul3A_1623 : vector<16xf32>
        %mul3A_1625 = arith.constant 16 : i32
        %mul3A_1626 = arith.muli %scan3A_28, %mul3A_1625 : i32
        %add3A_1627 = arith.constant 3 : i32
        %add3A_1628 = arith.addi %mul3A_1626, %add3A_1627 : i32
        %get3A_1629 = arith.index_cast %add3A_1628 : i32 to index
        %get3A_1630 = arith.constant 144 : index
        %get3A_1631 = tpu.vector_load %arg9[%get3A_1629, %get3A_1630] {strides = array<i32>} : memref<256x256xf32, #tpu.memory_space<vmem>>, vector<1x16xf32>,
        %get3A_1632 = vector.shape_cast %get3A_1631 : vector<1x16xf32> to vector<16xf32>
        %mul3A_1633 = arith.mulf %get3A_43, %get3A_1632 : vector<16xf32>
        %add3A_1634 = arith.addf %add3A_1624, %mul3A_1633 : vector<16xf32>
        %mul3A_1635 = arith.constant 16 : i32
        %mul3A_1636 = arith.muli %scan3A_28, %mul3A_1635 : i32
        %add3A_1637 = arith.constant 4 : i32
        %add3A_1638 = arith.addi %mul3A_1636, %add3A_1637 : i32
        %get3A_1639 = arith.index_cast %add3A_1638 : i32 to index
        %get3A_1640 = arith.constant 144 : index
        %get3A_1641 = tpu.vector_load %arg9[%get3A_1639, %get3A_1640] {strides = array<i32>} : memref<256x256xf32, #tpu.memory_space<vmem>>, vector<1x16xf32>,
        %get3A_1642 = vector.shape_cast %get3A_1641 : vector<1x16xf32> to vector<16xf32>
        %mul3A_1643 = arith.mulf %get3A_47, %get3A_1642 : vector<16xf32>
        %add3A_1644 = arith.addf %add3A_1634, %mul3A_1643 : vector<16xf32>
        %mul3A_1645 = arith.constant 16 : i32
        %mul3A_1646 = arith.muli %scan3A_28, %mul3A_1645 : i32
        %add3A_1647 = arith.constant 5 : i32
        %add3A_1648 = arith.addi %mul3A_1646, %add3A_1647 : i32
        %get3A_1649 = arith.index_cast %add3A_1648 : i32 to index
        %get3A_1650 = arith.constant 144 : index
        %get3A_1651 = tpu.vector_load %arg9[%get3A_1649, %get3A_1650] {strides = array<i32>} : memref<256x256xf32, #tpu.memory_space<vmem>>, vector<1x16xf32>,
        %get3A_1652 = vector.shape_cast %get3A_1651 : vector<1x16xf32> to vector<16xf32>
        %mul3A_1653 = arith.mulf %get3A_51, %get3A_1652 : vector<16xf32>
        %add3A_1654 = arith.addf %add3A_1644, %mul3A_1653 : vector<16xf32>
        %mul3A_1655 = arith.constant 16 : i32
        %mul3A_1656 = arith.muli %scan3A_28, %mul3A_1655 : i32
        %add3A_1657 = arith.constant 6 : i32
        %add3A_1658 = arith.addi %mul3A_1656, %add3A_1657 : i32
        %get3A_1659 = arith.index_cast %add3A_1658 : i32 to index
        %get3A_1660 = arith.constant 144 : index
        %get3A_1661 = tpu.vector_load %arg9[%get3A_1659, %get3A_1660] {strides = array<i32>} : memref<256x256xf32, #tpu.memory_space<vmem>>, vector<1x16xf32>,
        %get3A_1662 = vector.shape_cast %get3A_1661 : vector<1x16xf32> to vector<16xf32>
        %mul3A_1663 = arith.mulf %get3A_55, %get3A_1662 : vector<16xf32>
        %add3A_1664 = arith.addf %add3A_1654, %mul3A_1663 : vector<16xf32>
        %mul3A_1665 = arith.constant 16 : i32
        %mul3A_1666 = arith.muli %scan3A_28, %mul3A_1665 : i32
        %add3A_1667 = arith.constant 7 : i32
        %add3A_1668 = arith.addi %mul3A_1666, %add3A_1667 : i32
        %get3A_1669 = arith.index_cast %add3A_1668 : i32 to index
        %get3A_1670 = arith.constant 144 : index
        %get3A_1671 = tpu.vector_load %arg9[%get3A_1669, %get3A_1670] {strides = array<i32>} : memref<256x256xf32, #tpu.memory_space<vmem>>, vector<1x16xf32>,
        %get3A_1672 = vector.shape_cast %get3A_1671 : vector<1x16xf32> to vector<16xf32>
        %mul3A_1673 = arith.mulf %get3A_59, %get3A_1672 : vector<16xf32>
        %add3A_1674 = arith.addf %add3A_1664, %mul3A_1673 : vector<16xf32>
        %mul3A_1675 = arith.constant 16 : i32
        %mul3A_1676 = arith.muli %scan3A_28, %mul3A_1675 : i32
        %add3A_1677 = arith.constant 8 : i32
        %add3A_1678 = arith.addi %mul3A_1676, %add3A_1677 : i32
        %get3A_1679 = arith.index_cast %add3A_1678 : i32 to index
        %get3A_1680 = arith.constant 144 : index
        %get3A_1681 = tpu.vector_load %arg9[%get3A_1679, %get3A_1680] {strides = array<i32>} : memref<256x256xf32, #tpu.memory_space<vmem>>, vector<1x16xf32>,
        %get3A_1682 = vector.shape_cast %get3A_1681 : vector<1x16xf32> to vector<16xf32>
        %mul3A_1683 = arith.mulf %get3A_63, %get3A_1682 : vector<16xf32>
        %add3A_1684 = arith.addf %add3A_1674, %mul3A_1683 : vector<16xf32>
        %mul3A_1685 = arith.constant 16 : i32
        %mul3A_1686 = arith.muli %scan3A_28, %mul3A_1685 : i32
        %add3A_1687 = arith.constant 9 : i32
        %add3A_1688 = arith.addi %mul3A_1686, %add3A_1687 : i32
        %get3A_1689 = arith.index_cast %add3A_1688 : i32 to index
        %get3A_1690 = arith.constant 144 : index
        %get3A_1691 = tpu.vector_load %arg9[%get3A_1689, %get3A_1690] {strides = array<i32>} : memref<256x256xf32, #tpu.memory_space<vmem>>, vector<1x16xf32>,
        %get3A_1692 = vector.shape_cast %get3A_1691 : vector<1x16xf32> to vector<16xf32>
        %mul3A_1693 = arith.mulf %get3A_67, %get3A_1692 : vector<16xf32>
        %add3A_1694 = arith.addf %add3A_1684, %mul3A_1693 : vector<16xf32>
        %mul3A_1695 = arith.constant 16 : i32
        %mul3A_1696 = arith.muli %scan3A_28, %mul3A_1695 : i32
        %add3A_1697 = arith.constant 10 : i32
        %add3A_1698 = arith.addi %mul3A_1696, %add3A_1697 : i32
        %get3A_1699 = arith.index_cast %add3A_1698 : i32 to index
        %get3A_1700 = arith.constant 144 : index
        %get3A_1701 = tpu.vector_load %arg9[%get3A_1699, %get3A_1700] {strides = array<i32>} : memref<256x256xf32, #tpu.memory_space<vmem>>, vector<1x16xf32>,
        %get3A_1702 = vector.shape_cast %get3A_1701 : vector<1x16xf32> to vector<16xf32>
        %mul3A_1703 = arith.mulf %get3A_71, %get3A_1702 : vector<16xf32>
        %add3A_1704 = arith.addf %add3A_1694, %mul3A_1703 : vector<16xf32>
        %mul3A_1705 = arith.constant 16 : i32
        %mul3A_1706 = arith.muli %scan3A_28, %mul3A_1705 : i32
        %add3A_1707 = arith.constant 11 : i32
        %add3A_1708 = arith.addi %mul3A_1706, %add3A_1707 : i32
        %get3A_1709 = arith.index_cast %add3A_1708 : i32 to index
        %get3A_1710 = arith.constant 144 : index
        %get3A_1711 = tpu.vector_load %arg9[%get3A_1709, %get3A_1710] {strides = array<i32>} : memref<256x256xf32, #tpu.memory_space<vmem>>, vector<1x16xf32>,
        %get3A_1712 = vector.shape_cast %get3A_1711 : vector<1x16xf32> to vector<16xf32>
        %mul3A_1713 = arith.mulf %get3A_75, %get3A_1712 : vector<16xf32>
        %add3A_1714 = arith.addf %add3A_1704, %mul3A_1713 : vector<16xf32>
        %mul3A_1715 = arith.constant 16 : i32
        %mul3A_1716 = arith.muli %scan3A_28, %mul3A_1715 : i32
        %add3A_1717 = arith.constant 12 : i32
        %add3A_1718 = arith.addi %mul3A_1716, %add3A_1717 : i32
        %get3A_1719 = arith.index_cast %add3A_1718 : i32 to index
        %get3A_1720 = arith.constant 144 : index
        %get3A_1721 = tpu.vector_load %arg9[%get3A_1719, %get3A_1720] {strides = array<i32>} : memref<256x256xf32, #tpu.memory_space<vmem>>, vector<1x16xf32>,
        %get3A_1722 = vector.shape_cast %get3A_1721 : vector<1x16xf32> to vector<16xf32>
        %mul3A_1723 = arith.mulf %get3A_79, %get3A_1722 : vector<16xf32>
        %add3A_1724 = arith.addf %add3A_1714, %mul3A_1723 : vector<16xf32>
        %mul3A_1725 = arith.constant 16 : i32
        %mul3A_1726 = arith.muli %scan3A_28, %mul3A_1725 : i32
        %add3A_1727 = arith.constant 13 : i32
        %add3A_1728 = arith.addi %mul3A_1726, %add3A_1727 : i32
        %get3A_1729 = arith.index_cast %add3A_1728 : i32 to index
        %get3A_1730 = arith.constant 144 : index
        %get3A_1731 = tpu.vector_load %arg9[%get3A_1729, %get3A_1730] {strides = array<i32>} : memref<256x256xf32, #tpu.memory_space<vmem>>, vector<1x16xf32>,
        %get3A_1732 = vector.shape_cast %get3A_1731 : vector<1x16xf32> to vector<16xf32>
        %mul3A_1733 = arith.mulf %get3A_83, %get3A_1732 : vector<16xf32>
        %add3A_1734 = arith.addf %add3A_1724, %mul3A_1733 : vector<16xf32>
        %mul3A_1735 = arith.constant 16 : i32
        %mul3A_1736 = arith.muli %scan3A_28, %mul3A_1735 : i32
        %add3A_1737 = arith.constant 14 : i32
        %add3A_1738 = arith.addi %mul3A_1736, %add3A_1737 : i32
        %get3A_1739 = arith.index_cast %add3A_1738 : i32 to index
        %get3A_1740 = arith.constant 144 : index
        %get3A_1741 = tpu.vector_load %arg9[%get3A_1739, %get3A_1740] {strides = array<i32>} : memref<256x256xf32, #tpu.memory_space<vmem>>, vector<1x16xf32>,
        %get3A_1742 = vector.shape_cast %get3A_1741 : vector<1x16xf32> to vector<16xf32>
        %mul3A_1743 = arith.mulf %get3A_87, %get3A_1742 : vector<16xf32>
        %add3A_1744 = arith.addf %add3A_1734, %mul3A_1743 : vector<16xf32>
        %mul3A_1745 = arith.constant 16 : i32
        %mul3A_1746 = arith.muli %scan3A_28, %mul3A_1745 : i32
        %add3A_1747 = arith.constant 15 : i32
        %add3A_1748 = arith.addi %mul3A_1746, %add3A_1747 : i32
        %get3A_1749 = arith.index_cast %add3A_1748 : i32 to index
        %get3A_1750 = arith.constant 144 : index
        %get3A_1751 = tpu.vector_load %arg9[%get3A_1749, %get3A_1750] {strides = array<i32>} : memref<256x256xf32, #tpu.memory_space<vmem>>, vector<1x16xf32>,
        %get3A_1752 = vector.shape_cast %get3A_1751 : vector<1x16xf32> to vector<16xf32>
        %mul3A_1753 = arith.mulf %get3A_91, %get3A_1752 : vector<16xf32>
        %add3A_1754 = arith.addf %add3A_1744, %mul3A_1753 : vector<16xf32>
        %swap3A_1755 = arith.index_cast %scan3A_28 : i32 to index
        %swap3A_1756 = arith.constant 144 : index
        %swap3A_1757 = tpu.vector_load %arg10[%swap3A_1755, %swap3A_1756] {strides = array<i32>} : memref<16x256xf32, #tpu.memory_space<vmem>>, vector<1x16xf32>,
        %swap3A_1758 = vector.shape_cast %swap3A_1757 : vector<1x16xf32> to vector<16xf32>
        %swap3A_1759 = vector.shape_cast %add3A_1754 : vector<16xf32> to vector<1x16xf32>
        tpu.vector_store %arg10[%swap3A_1755, %swap3A_1756], %swap3A_1759 {strides = array<i32>} : memref<16x256xf32, #tpu.memory_space<vmem>>, vector<1x16xf32>,
        %broadcast_in_dim3A_1760 = arith.constant 0.000000e+00 : f32
        %broadcast_in_dim3A_1761 = vector.broadcast %broadcast_in_dim3A_1760 : f32 to vector<16xf32>
        %mul3A_1762 = arith.constant 16 : i32
        %mul3A_1763 = arith.muli %scan3A_28, %mul3A_1762 : i32
        %add3A_1764 = arith.constant 0 : i32
        %add3A_1765 = arith.addi %mul3A_1763, %add3A_1764 : i32
        %get3A_1766 = arith.index_cast %add3A_1765 : i32 to index
        %get3A_1767 = arith.constant 160 : index
        %get3A_1768 = tpu.vector_load %arg9[%get3A_1766, %get3A_1767] {strides = array<i32>} : memref<256x256xf32, #tpu.memory_space<vmem>>, vector<1x16xf32>,
        %get3A_1769 = vector.shape_cast %get3A_1768 : vector<1x16xf32> to vector<16xf32>
        %mul3A_1770 = arith.mulf %get3A_31, %get3A_1769 : vector<16xf32>
        %add3A_1771 = arith.addf %broadcast_in_dim3A_1761, %mul3A_1770 : vector<16xf32>
        %mul3A_1772 = arith.constant 16 : i32
        %mul3A_1773 = arith.muli %scan3A_28, %mul3A_1772 : i32
        %add3A_1774 = arith.constant 1 : i32
        %add3A_1775 = arith.addi %mul3A_1773, %add3A_1774 : i32
        %get3A_1776 = arith.index_cast %add3A_1775 : i32 to index
        %get3A_1777 = arith.constant 160 : index
        %get3A_1778 = tpu.vector_load %arg9[%get3A_1776, %get3A_1777] {strides = array<i32>} : memref<256x256xf32, #tpu.memory_space<vmem>>, vector<1x16xf32>,
        %get3A_1779 = vector.shape_cast %get3A_1778 : vector<1x16xf32> to vector<16xf32>
        %mul3A_1780 = arith.mulf %get3A_35, %get3A_1779 : vector<16xf32>
        %add3A_1781 = arith.addf %add3A_1771, %mul3A_1780 : vector<16xf32>
        %mul3A_1782 = arith.constant 16 : i32
        %mul3A_1783 = arith.muli %scan3A_28, %mul3A_1782 : i32
        %add3A_1784 = arith.constant 2 : i32
        %add3A_1785 = arith.addi %mul3A_1783, %add3A_1784 : i32
        %get3A_1786 = arith.index_cast %add3A_1785 : i32 to index
        %get3A_1787 = arith.constant 160 : index
        %get3A_1788 = tpu.vector_load %arg9[%get3A_1786, %get3A_1787] {strides = array<i32>} : memref<256x256xf32, #tpu.memory_space<vmem>>, vector<1x16xf32>,
        %get3A_1789 = vector.shape_cast %get3A_1788 : vector<1x16xf32> to vector<16xf32>
        %mul3A_1790 = arith.mulf %get3A_39, %get3A_1789 : vector<16xf32>
        %add3A_1791 = arith.addf %add3A_1781, %mul3A_1790 : vector<16xf32>
        %mul3A_1792 = arith.constant 16 : i32
        %mul3A_1793 = arith.muli %scan3A_28, %mul3A_1792 : i32
        %add3A_1794 = arith.constant 3 : i32
        %add3A_1795 = arith.addi %mul3A_1793, %add3A_1794 : i32
        %get3A_1796 = arith.index_cast %add3A_1795 : i32 to index
        %get3A_1797 = arith.constant 160 : index
        %get3A_1798 = tpu.vector_load %arg9[%get3A_1796, %get3A_1797] {strides = array<i32>} : memref<256x256xf32, #tpu.memory_space<vmem>>, vector<1x16xf32>,
        %get3A_1799 = vector.shape_cast %get3A_1798 : vector<1x16xf32> to vector<16xf32>
        %mul3A_1800 = arith.mulf %get3A_43, %get3A_1799 : vector<16xf32>
        %add3A_1801 = arith.addf %add3A_1791, %mul3A_1800 : vector<16xf32>
        %mul3A_1802 = arith.constant 16 : i32
        %mul3A_1803 = arith.muli %scan3A_28, %mul3A_1802 : i32
        %add3A_1804 = arith.constant 4 : i32
        %add3A_1805 = arith.addi %mul3A_1803, %add3A_1804 : i32
        %get3A_1806 = arith.index_cast %add3A_1805 : i32 to index
        %get3A_1807 = arith.constant 160 : index
        %get3A_1808 = tpu.vector_load %arg9[%get3A_1806, %get3A_1807] {strides = array<i32>} : memref<256x256xf32, #tpu.memory_space<vmem>>, vector<1x16xf32>,
        %get3A_1809 = vector.shape_cast %get3A_1808 : vector<1x16xf32> to vector<16xf32>
        %mul3A_1810 = arith.mulf %get3A_47, %get3A_1809 : vector<16xf32>
        %add3A_1811 = arith.addf %add3A_1801, %mul3A_1810 : vector<16xf32>
        %mul3A_1812 = arith.constant 16 : i32
        %mul3A_1813 = arith.muli %scan3A_28, %mul3A_1812 : i32
        %add3A_1814 = arith.constant 5 : i32
        %add3A_1815 = arith.addi %mul3A_1813, %add3A_1814 : i32
        %get3A_1816 = arith.index_cast %add3A_1815 : i32 to index
        %get3A_1817 = arith.constant 160 : index
        %get3A_1818 = tpu.vector_load %arg9[%get3A_1816, %get3A_1817] {strides = array<i32>} : memref<256x256xf32, #tpu.memory_space<vmem>>, vector<1x16xf32>,
        %get3A_1819 = vector.shape_cast %get3A_1818 : vector<1x16xf32> to vector<16xf32>
        %mul3A_1820 = arith.mulf %get3A_51, %get3A_1819 : vector<16xf32>
        %add3A_1821 = arith.addf %add3A_1811, %mul3A_1820 : vector<16xf32>
        %mul3A_1822 = arith.constant 16 : i32
        %mul3A_1823 = arith.muli %scan3A_28, %mul3A_1822 : i32
        %add3A_1824 = arith.constant 6 : i32
        %add3A_1825 = arith.addi %mul3A_1823, %add3A_1824 : i32
        %get3A_1826 = arith.index_cast %add3A_1825 : i32 to index
        %get3A_1827 = arith.constant 160 : index
        %get3A_1828 = tpu.vector_load %arg9[%get3A_1826, %get3A_1827] {strides = array<i32>} : memref<256x256xf32, #tpu.memory_space<vmem>>, vector<1x16xf32>,
        %get3A_1829 = vector.shape_cast %get3A_1828 : vector<1x16xf32> to vector<16xf32>
        %mul3A_1830 = arith.mulf %get3A_55, %get3A_1829 : vector<16xf32>
        %add3A_1831 = arith.addf %add3A_1821, %mul3A_1830 : vector<16xf32>
        %mul3A_1832 = arith.constant 16 : i32
        %mul3A_1833 = arith.muli %scan3A_28, %mul3A_1832 : i32
        %add3A_1834 = arith.constant 7 : i32
        %add3A_1835 = arith.addi %mul3A_1833, %add3A_1834 : i32
        %get3A_1836 = arith.index_cast %add3A_1835 : i32 to index
        %get3A_1837 = arith.constant 160 : index
        %get3A_1838 = tpu.vector_load %arg9[%get3A_1836, %get3A_1837] {strides = array<i32>} : memref<256x256xf32, #tpu.memory_space<vmem>>, vector<1x16xf32>,
        %get3A_1839 = vector.shape_cast %get3A_1838 : vector<1x16xf32> to vector<16xf32>
        %mul3A_1840 = arith.mulf %get3A_59, %get3A_1839 : vector<16xf32>
        %add3A_1841 = arith.addf %add3A_1831, %mul3A_1840 : vector<16xf32>
        %mul3A_1842 = arith.constant 16 : i32
        %mul3A_1843 = arith.muli %scan3A_28, %mul3A_1842 : i32
        %add3A_1844 = arith.constant 8 : i32
        %add3A_1845 = arith.addi %mul3A_1843, %add3A_1844 : i32
        %get3A_1846 = arith.index_cast %add3A_1845 : i32 to index
        %get3A_1847 = arith.constant 160 : index
        %get3A_1848 = tpu.vector_load %arg9[%get3A_1846, %get3A_1847] {strides = array<i32>} : memref<256x256xf32, #tpu.memory_space<vmem>>, vector<1x16xf32>,
        %get3A_1849 = vector.shape_cast %get3A_1848 : vector<1x16xf32> to vector<16xf32>
        %mul3A_1850 = arith.mulf %get3A_63, %get3A_1849 : vector<16xf32>
        %add3A_1851 = arith.addf %add3A_1841, %mul3A_1850 : vector<16xf32>
        %mul3A_1852 = arith.constant 16 : i32
        %mul3A_1853 = arith.muli %scan3A_28, %mul3A_1852 : i32
        %add3A_1854 = arith.constant 9 : i32
        %add3A_1855 = arith.addi %mul3A_1853, %add3A_1854 : i32
        %get3A_1856 = arith.index_cast %add3A_1855 : i32 to index
        %get3A_1857 = arith.constant 160 : index
        %get3A_1858 = tpu.vector_load %arg9[%get3A_1856, %get3A_1857] {strides = array<i32>} : memref<256x256xf32, #tpu.memory_space<vmem>>, vector<1x16xf32>,
        %get3A_1859 = vector.shape_cast %get3A_1858 : vector<1x16xf32> to vector<16xf32>
        %mul3A_1860 = arith.mulf %get3A_67, %get3A_1859 : vector<16xf32>
        %add3A_1861 = arith.addf %add3A_1851, %mul3A_1860 : vector<16xf32>
        %mul3A_1862 = arith.constant 16 : i32
        %mul3A_1863 = arith.muli %scan3A_28, %mul3A_1862 : i32
        %add3A_1864 = arith.constant 10 : i32
        %add3A_1865 = arith.addi %mul3A_1863, %add3A_1864 : i32
        %get3A_1866 = arith.index_cast %add3A_1865 : i32 to index
        %get3A_1867 = arith.constant 160 : index
        %get3A_1868 = tpu.vector_load %arg9[%get3A_1866, %get3A_1867] {strides = array<i32>} : memref<256x256xf32, #tpu.memory_space<vmem>>, vector<1x16xf32>,
        %get3A_1869 = vector.shape_cast %get3A_1868 : vector<1x16xf32> to vector<16xf32>
        %mul3A_1870 = arith.mulf %get3A_71, %get3A_1869 : vector<16xf32>
        %add3A_1871 = arith.addf %add3A_1861, %mul3A_1870 : vector<16xf32>
        %mul3A_1872 = arith.constant 16 : i32
        %mul3A_1873 = arith.muli %scan3A_28, %mul3A_1872 : i32
        %add3A_1874 = arith.constant 11 : i32
        %add3A_1875 = arith.addi %mul3A_1873, %add3A_1874 : i32
        %get3A_1876 = arith.index_cast %add3A_1875 : i32 to index
        %get3A_1877 = arith.constant 160 : index
        %get3A_1878 = tpu.vector_load %arg9[%get3A_1876, %get3A_1877] {strides = array<i32>} : memref<256x256xf32, #tpu.memory_space<vmem>>, vector<1x16xf32>,
        %get3A_1879 = vector.shape_cast %get3A_1878 : vector<1x16xf32> to vector<16xf32>
        %mul3A_1880 = arith.mulf %get3A_75, %get3A_1879 : vector<16xf32>
        %add3A_1881 = arith.addf %add3A_1871, %mul3A_1880 : vector<16xf32>
        %mul3A_1882 = arith.constant 16 : i32
        %mul3A_1883 = arith.muli %scan3A_28, %mul3A_1882 : i32
        %add3A_1884 = arith.constant 12 : i32
        %add3A_1885 = arith.addi %mul3A_1883, %add3A_1884 : i32
        %get3A_1886 = arith.index_cast %add3A_1885 : i32 to index
        %get3A_1887 = arith.constant 160 : index
        %get3A_1888 = tpu.vector_load %arg9[%get3A_1886, %get3A_1887] {strides = array<i32>} : memref<256x256xf32, #tpu.memory_space<vmem>>, vector<1x16xf32>,
        %get3A_1889 = vector.shape_cast %get3A_1888 : vector<1x16xf32> to vector<16xf32>
        %mul3A_1890 = arith.mulf %get3A_79, %get3A_1889 : vector<16xf32>
        %add3A_1891 = arith.addf %add3A_1881, %mul3A_1890 : vector<16xf32>
        %mul3A_1892 = arith.constant 16 : i32
        %mul3A_1893 = arith.muli %scan3A_28, %mul3A_1892 : i32
        %add3A_1894 = arith.constant 13 : i32
        %add3A_1895 = arith.addi %mul3A_1893, %add3A_1894 : i32
        %get3A_1896 = arith.index_cast %add3A_1895 : i32 to index
        %get3A_1897 = arith.constant 160 : index
        %get3A_1898 = tpu.vector_load %arg9[%get3A_1896, %get3A_1897] {strides = array<i32>} : memref<256x256xf32, #tpu.memory_space<vmem>>, vector<1x16xf32>,
        %get3A_1899 = vector.shape_cast %get3A_1898 : vector<1x16xf32> to vector<16xf32>
        %mul3A_1900 = arith.mulf %get3A_83, %get3A_1899 : vector<16xf32>
        %add3A_1901 = arith.addf %add3A_1891, %mul3A_1900 : vector<16xf32>
        %mul3A_1902 = arith.constant 16 : i32
        %mul3A_1903 = arith.muli %scan3A_28, %mul3A_1902 : i32
        %add3A_1904 = arith.constant 14 : i32
        %add3A_1905 = arith.addi %mul3A_1903, %add3A_1904 : i32
        %get3A_1906 = arith.index_cast %add3A_1905 : i32 to index
        %get3A_1907 = arith.constant 160 : index
        %get3A_1908 = tpu.vector_load %arg9[%get3A_1906, %get3A_1907] {strides = array<i32>} : memref<256x256xf32, #tpu.memory_space<vmem>>, vector<1x16xf32>,
        %get3A_1909 = vector.shape_cast %get3A_1908 : vector<1x16xf32> to vector<16xf32>
        %mul3A_1910 = arith.mulf %get3A_87, %get3A_1909 : vector<16xf32>
        %add3A_1911 = arith.addf %add3A_1901, %mul3A_1910 : vector<16xf32>
        %mul3A_1912 = arith.constant 16 : i32
        %mul3A_1913 = arith.muli %scan3A_28, %mul3A_1912 : i32
        %add3A_1914 = arith.constant 15 : i32
        %add3A_1915 = arith.addi %mul3A_1913, %add3A_1914 : i32
        %get3A_1916 = arith.index_cast %add3A_1915 : i32 to index
        %get3A_1917 = arith.constant 160 : index
        %get3A_1918 = tpu.vector_load %arg9[%get3A_1916, %get3A_1917] {strides = array<i32>} : memref<256x256xf32, #tpu.memory_space<vmem>>, vector<1x16xf32>,
        %get3A_1919 = vector.shape_cast %get3A_1918 : vector<1x16xf32> to vector<16xf32>
        %mul3A_1920 = arith.mulf %get3A_91, %get3A_1919 : vector<16xf32>
        %add3A_1921 = arith.addf %add3A_1911, %mul3A_1920 : vector<16xf32>
        %swap3A_1922 = arith.index_cast %scan3A_28 : i32 to index
        %swap3A_1923 = arith.constant 160 : index
        %swap3A_1924 = tpu.vector_load %arg10[%swap3A_1922, %swap3A_1923] {strides = array<i32>} : memref<16x256xf32, #tpu.memory_space<vmem>>, vector<1x16xf32>,
        %swap3A_1925 = vector.shape_cast %swap3A_1924 : vector<1x16xf32> to vector<16xf32>
        %swap3A_1926 = vector.shape_cast %add3A_1921 : vector<16xf32> to vector<1x16xf32>
        tpu.vector_store %arg10[%swap3A_1922, %swap3A_1923], %swap3A_1926 {strides = array<i32>} : memref<16x256xf32, #tpu.memory_space<vmem>>, vector<1x16xf32>,
        %broadcast_in_dim3A_1927 = arith.constant 0.000000e+00 : f32
        %broadcast_in_dim3A_1928 = vector.broadcast %broadcast_in_dim3A_1927 : f32 to vector<16xf32>
        %mul3A_1929 = arith.constant 16 : i32
        %mul3A_1930 = arith.muli %scan3A_28, %mul3A_1929 : i32
        %add3A_1931 = arith.constant 0 : i32
        %add3A_1932 = arith.addi %mul3A_1930, %add3A_1931 : i32
        %get3A_1933 = arith.index_cast %add3A_1932 : i32 to index
        %get3A_1934 = arith.constant 176 : index
        %get3A_1935 = tpu.vector_load %arg9[%get3A_1933, %get3A_1934] {strides = array<i32>} : memref<256x256xf32, #tpu.memory_space<vmem>>, vector<1x16xf32>,
        %get3A_1936 = vector.shape_cast %get3A_1935 : vector<1x16xf32> to vector<16xf32>
        %mul3A_1937 = arith.mulf %get3A_31, %get3A_1936 : vector<16xf32>
        %add3A_1938 = arith.addf %broadcast_in_dim3A_1928, %mul3A_1937 : vector<16xf32>
        %mul3A_1939 = arith.constant 16 : i32
        %mul3A_1940 = arith.muli %scan3A_28, %mul3A_1939 : i32
        %add3A_1941 = arith.constant 1 : i32
        %add3A_1942 = arith.addi %mul3A_1940, %add3A_1941 : i32
        %get3A_1943 = arith.index_cast %add3A_1942 : i32 to index
        %get3A_1944 = arith.constant 176 : index
        %get3A_1945 = tpu.vector_load %arg9[%get3A_1943, %get3A_1944] {strides = array<i32>} : memref<256x256xf32, #tpu.memory_space<vmem>>, vector<1x16xf32>,
        %get3A_1946 = vector.shape_cast %get3A_1945 : vector<1x16xf32> to vector<16xf32>
        %mul3A_1947 = arith.mulf %get3A_35, %get3A_1946 : vector<16xf32>
        %add3A_1948 = arith.addf %add3A_1938, %mul3A_1947 : vector<16xf32>
        %mul3A_1949 = arith.constant 16 : i32
        %mul3A_1950 = arith.muli %scan3A_28, %mul3A_1949 : i32
        %add3A_1951 = arith.constant 2 : i32
        %add3A_1952 = arith.addi %mul3A_1950, %add3A_1951 : i32
        %get3A_1953 = arith.index_cast %add3A_1952 : i32 to index
        %get3A_1954 = arith.constant 176 : index
        %get3A_1955 = tpu.vector_load %arg9[%get3A_1953, %get3A_1954] {strides = array<i32>} : memref<256x256xf32, #tpu.memory_space<vmem>>, vector<1x16xf32>,
        %get3A_1956 = vector.shape_cast %get3A_1955 : vector<1x16xf32> to vector<16xf32>
        %mul3A_1957 = arith.mulf %get3A_39, %get3A_1956 : vector<16xf32>
        %add3A_1958 = arith.addf %add3A_1948, %mul3A_1957 : vector<16xf32>
        %mul3A_1959 = arith.constant 16 : i32
        %mul3A_1960 = arith.muli %scan3A_28, %mul3A_1959 : i32
        %add3A_1961 = arith.constant 3 : i32
        %add3A_1962 = arith.addi %mul3A_1960, %add3A_1961 : i32
        %get3A_1963 = arith.index_cast %add3A_1962 : i32 to index
        %get3A_1964 = arith.constant 176 : index
        %get3A_1965 = tpu.vector_load %arg9[%get3A_1963, %get3A_1964] {strides = array<i32>} : memref<256x256xf32, #tpu.memory_space<vmem>>, vector<1x16xf32>,
        %get3A_1966 = vector.shape_cast %get3A_1965 : vector<1x16xf32> to vector<16xf32>
        %mul3A_1967 = arith.mulf %get3A_43, %get3A_1966 : vector<16xf32>
        %add3A_1968 = arith.addf %add3A_1958, %mul3A_1967 : vector<16xf32>
        %mul3A_1969 = arith.constant 16 : i32
        %mul3A_1970 = arith.muli %scan3A_28, %mul3A_1969 : i32
        %add3A_1971 = arith.constant 4 : i32
        %add3A_1972 = arith.addi %mul3A_1970, %add3A_1971 : i32
        %get3A_1973 = arith.index_cast %add3A_1972 : i32 to index
        %get3A_1974 = arith.constant 176 : index
        %get3A_1975 = tpu.vector_load %arg9[%get3A_1973, %get3A_1974] {strides = array<i32>} : memref<256x256xf32, #tpu.memory_space<vmem>>, vector<1x16xf32>,
        %get3A_1976 = vector.shape_cast %get3A_1975 : vector<1x16xf32> to vector<16xf32>
        %mul3A_1977 = arith.mulf %get3A_47, %get3A_1976 : vector<16xf32>
        %add3A_1978 = arith.addf %add3A_1968, %mul3A_1977 : vector<16xf32>
        %mul3A_1979 = arith.constant 16 : i32
        %mul3A_1980 = arith.muli %scan3A_28, %mul3A_1979 : i32
        %add3A_1981 = arith.constant 5 : i32
        %add3A_1982 = arith.addi %mul3A_1980, %add3A_1981 : i32
        %get3A_1983 = arith.index_cast %add3A_1982 : i32 to index
        %get3A_1984 = arith.constant 176 : index
        %get3A_1985 = tpu.vector_load %arg9[%get3A_1983, %get3A_1984] {strides = array<i32>} : memref<256x256xf32, #tpu.memory_space<vmem>>, vector<1x16xf32>,
        %get3A_1986 = vector.shape_cast %get3A_1985 : vector<1x16xf32> to vector<16xf32>
        %mul3A_1987 = arith.mulf %get3A_51, %get3A_1986 : vector<16xf32>
        %add3A_1988 = arith.addf %add3A_1978, %mul3A_1987 : vector<16xf32>
        %mul3A_1989 = arith.constant 16 : i32
        %mul3A_1990 = arith.muli %scan3A_28, %mul3A_1989 : i32
        %add3A_1991 = arith.constant 6 : i32
        %add3A_1992 = arith.addi %mul3A_1990, %add3A_1991 : i32
        %get3A_1993 = arith.index_cast %add3A_1992 : i32 to index
        %get3A_1994 = arith.constant 176 : index
        %get3A_1995 = tpu.vector_load %arg9[%get3A_1993, %get3A_1994] {strides = array<i32>} : memref<256x256xf32, #tpu.memory_space<vmem>>, vector<1x16xf32>,
        %get3A_1996 = vector.shape_cast %get3A_1995 : vector<1x16xf32> to vector<16xf32>
        %mul3A_1997 = arith.mulf %get3A_55, %get3A_1996 : vector<16xf32>
        %add3A_1998 = arith.addf %add3A_1988, %mul3A_1997 : vector<16xf32>
        %mul3A_1999 = arith.constant 16 : i32
        %mul3A_2000 = arith.muli %scan3A_28, %mul3A_1999 : i32
        %add3A_2001 = arith.constant 7 : i32
        %add3A_2002 = arith.addi %mul3A_2000, %add3A_2001 : i32
        %get3A_2003 = arith.index_cast %add3A_2002 : i32 to index
        %get3A_2004 = arith.constant 176 : index
        %get3A_2005 = tpu.vector_load %arg9[%get3A_2003, %get3A_2004] {strides = array<i32>} : memref<256x256xf32, #tpu.memory_space<vmem>>, vector<1x16xf32>,
        %get3A_2006 = vector.shape_cast %get3A_2005 : vector<1x16xf32> to vector<16xf32>
        %mul3A_2007 = arith.mulf %get3A_59, %get3A_2006 : vector<16xf32>
        %add3A_2008 = arith.addf %add3A_1998, %mul3A_2007 : vector<16xf32>
        %mul3A_2009 = arith.constant 16 : i32
        %mul3A_2010 = arith.muli %scan3A_28, %mul3A_2009 : i32
        %add3A_2011 = arith.constant 8 : i32
        %add3A_2012 = arith.addi %mul3A_2010, %add3A_2011 : i32
        %get3A_2013 = arith.index_cast %add3A_2012 : i32 to index
        %get3A_2014 = arith.constant 176 : index
        %get3A_2015 = tpu.vector_load %arg9[%get3A_2013, %get3A_2014] {strides = array<i32>} : memref<256x256xf32, #tpu.memory_space<vmem>>, vector<1x16xf32>,
        %get3A_2016 = vector.shape_cast %get3A_2015 : vector<1x16xf32> to vector<16xf32>
        %mul3A_2017 = arith.mulf %get3A_63, %get3A_2016 : vector<16xf32>
        %add3A_2018 = arith.addf %add3A_2008, %mul3A_2017 : vector<16xf32>
        %mul3A_2019 = arith.constant 16 : i32
        %mul3A_2020 = arith.muli %scan3A_28, %mul3A_2019 : i32
        %add3A_2021 = arith.constant 9 : i32
        %add3A_2022 = arith.addi %mul3A_2020, %add3A_2021 : i32
        %get3A_2023 = arith.index_cast %add3A_2022 : i32 to index
        %get3A_2024 = arith.constant 176 : index
        %get3A_2025 = tpu.vector_load %arg9[%get3A_2023, %get3A_2024] {strides = array<i32>} : memref<256x256xf32, #tpu.memory_space<vmem>>, vector<1x16xf32>,
        %get3A_2026 = vector.shape_cast %get3A_2025 : vector<1x16xf32> to vector<16xf32>
        %mul3A_2027 = arith.mulf %get3A_67, %get3A_2026 : vector<16xf32>
        %add3A_2028 = arith.addf %add3A_2018, %mul3A_2027 : vector<16xf32>
        %mul3A_2029 = arith.constant 16 : i32
        %mul3A_2030 = arith.muli %scan3A_28, %mul3A_2029 : i32
        %add3A_2031 = arith.constant 10 : i32
        %add3A_2032 = arith.addi %mul3A_2030, %add3A_2031 : i32
        %get3A_2033 = arith.index_cast %add3A_2032 : i32 to index
        %get3A_2034 = arith.constant 176 : index
        %get3A_2035 = tpu.vector_load %arg9[%get3A_2033, %get3A_2034] {strides = array<i32>} : memref<256x256xf32, #tpu.memory_space<vmem>>, vector<1x16xf32>,
        %get3A_2036 = vector.shape_cast %get3A_2035 : vector<1x16xf32> to vector<16xf32>
        %mul3A_2037 = arith.mulf %get3A_71, %get3A_2036 : vector<16xf32>
        %add3A_2038 = arith.addf %add3A_2028, %mul3A_2037 : vector<16xf32>
        %mul3A_2039 = arith.constant 16 : i32
        %mul3A_2040 = arith.muli %scan3A_28, %mul3A_2039 : i32
        %add3A_2041 = arith.constant 11 : i32
        %add3A_2042 = arith.addi %mul3A_2040, %add3A_2041 : i32
        %get3A_2043 = arith.index_cast %add3A_2042 : i32 to index
        %get3A_2044 = arith.constant 176 : index
        %get3A_2045 = tpu.vector_load %arg9[%get3A_2043, %get3A_2044] {strides = array<i32>} : memref<256x256xf32, #tpu.memory_space<vmem>>, vector<1x16xf32>,
        %get3A_2046 = vector.shape_cast %get3A_2045 : vector<1x16xf32> to vector<16xf32>
        %mul3A_2047 = arith.mulf %get3A_75, %get3A_2046 : vector<16xf32>
        %add3A_2048 = arith.addf %add3A_2038, %mul3A_2047 : vector<16xf32>
        %mul3A_2049 = arith.constant 16 : i32
        %mul3A_2050 = arith.muli %scan3A_28, %mul3A_2049 : i32
        %add3A_2051 = arith.constant 12 : i32
        %add3A_2052 = arith.addi %mul3A_2050, %add3A_2051 : i32
        %get3A_2053 = arith.index_cast %add3A_2052 : i32 to index
        %get3A_2054 = arith.constant 176 : index
        %get3A_2055 = tpu.vector_load %arg9[%get3A_2053, %get3A_2054] {strides = array<i32>} : memref<256x256xf32, #tpu.memory_space<vmem>>, vector<1x16xf32>,
        %get3A_2056 = vector.shape_cast %get3A_2055 : vector<1x16xf32> to vector<16xf32>
        %mul3A_2057 = arith.mulf %get3A_79, %get3A_2056 : vector<16xf32>
        %add3A_2058 = arith.addf %add3A_2048, %mul3A_2057 : vector<16xf32>
        %mul3A_2059 = arith.constant 16 : i32
        %mul3A_2060 = arith.muli %scan3A_28, %mul3A_2059 : i32
        %add3A_2061 = arith.constant 13 : i32
        %add3A_2062 = arith.addi %mul3A_2060, %add3A_2061 : i32
        %get3A_2063 = arith.index_cast %add3A_2062 : i32 to index
        %get3A_2064 = arith.constant 176 : index
        %get3A_2065 = tpu.vector_load %arg9[%get3A_2063, %get3A_2064] {strides = array<i32>} : memref<256x256xf32, #tpu.memory_space<vmem>>, vector<1x16xf32>,
        %get3A_2066 = vector.shape_cast %get3A_2065 : vector<1x16xf32> to vector<16xf32>
        %mul3A_2067 = arith.mulf %get3A_83, %get3A_2066 : vector<16xf32>
        %add3A_2068 = arith.addf %add3A_2058, %mul3A_2067 : vector<16xf32>
        %mul3A_2069 = arith.constant 16 : i32
        %mul3A_2070 = arith.muli %scan3A_28, %mul3A_2069 : i32
        %add3A_2071 = arith.constant 14 : i32
        %add3A_2072 = arith.addi %mul3A_2070, %add3A_2071 : i32
        %get3A_2073 = arith.index_cast %add3A_2072 : i32 to index
        %get3A_2074 = arith.constant 176 : index
        %get3A_2075 = tpu.vector_load %arg9[%get3A_2073, %get3A_2074] {strides = array<i32>} : memref<256x256xf32, #tpu.memory_space<vmem>>, vector<1x16xf32>,
        %get3A_2076 = vector.shape_cast %get3A_2075 : vector<1x16xf32> to vector<16xf32>
        %mul3A_2077 = arith.mulf %get3A_87, %get3A_2076 : vector<16xf32>
        %add3A_2078 = arith.addf %add3A_2068, %mul3A_2077 : vector<16xf32>
        %mul3A_2079 = arith.constant 16 : i32
        %mul3A_2080 = arith.muli %scan3A_28, %mul3A_2079 : i32
        %add3A_2081 = arith.constant 15 : i32
        %add3A_2082 = arith.addi %mul3A_2080, %add3A_2081 : i32
        %get3A_2083 = arith.index_cast %add3A_2082 : i32 to index
        %get3A_2084 = arith.constant 176 : index
        %get3A_2085 = tpu.vector_load %arg9[%get3A_2083, %get3A_2084] {strides = array<i32>} : memref<256x256xf32, #tpu.memory_space<vmem>>, vector<1x16xf32>,
        %get3A_2086 = vector.shape_cast %get3A_2085 : vector<1x16xf32> to vector<16xf32>
        %mul3A_2087 = arith.mulf %get3A_91, %get3A_2086 : vector<16xf32>
        %add3A_2088 = arith.addf %add3A_2078, %mul3A_2087 : vector<16xf32>
        %swap3A_2089 = arith.index_cast %scan3A_28 : i32 to index
        %swap3A_2090 = arith.constant 176 : index
        %swap3A_2091 = tpu.vector_load %arg10[%swap3A_2089, %swap3A_2090] {strides = array<i32>} : memref<16x256xf32, #tpu.memory_space<vmem>>, vector<1x16xf32>,
        %swap3A_2092 = vector.shape_cast %swap3A_2091 : vector<1x16xf32> to vector<16xf32>
        %swap3A_2093 = vector.shape_cast %add3A_2088 : vector<16xf32> to vector<1x16xf32>
        tpu.vector_store %arg10[%swap3A_2089, %swap3A_2090], %swap3A_2093 {strides = array<i32>} : memref<16x256xf32, #tpu.memory_space<vmem>>, vector<1x16xf32>,
        %broadcast_in_dim3A_2094 = arith.constant 0.000000e+00 : f32
        %broadcast_in_dim3A_2095 = vector.broadcast %broadcast_in_dim3A_2094 : f32 to vector<16xf32>
        %mul3A_2096 = arith.constant 16 : i32
        %mul3A_2097 = arith.muli %scan3A_28, %mul3A_2096 : i32
        %add3A_2098 = arith.constant 0 : i32
        %add3A_2099 = arith.addi %mul3A_2097, %add3A_2098 : i32
        %get3A_2100 = arith.index_cast %add3A_2099 : i32 to index
        %get3A_2101 = arith.constant 192 : index
        %get3A_2102 = tpu.vector_load %arg9[%get3A_2100, %get3A_2101] {strides = array<i32>} : memref<256x256xf32, #tpu.memory_space<vmem>>, vector<1x16xf32>,
        %get3A_2103 = vector.shape_cast %get3A_2102 : vector<1x16xf32> to vector<16xf32>
        %mul3A_2104 = arith.mulf %get3A_31, %get3A_2103 : vector<16xf32>
        %add3A_2105 = arith.addf %broadcast_in_dim3A_2095, %mul3A_2104 : vector<16xf32>
        %mul3A_2106 = arith.constant 16 : i32
        %mul3A_2107 = arith.muli %scan3A_28, %mul3A_2106 : i32
        %add3A_2108 = arith.constant 1 : i32
        %add3A_2109 = arith.addi %mul3A_2107, %add3A_2108 : i32
        %get3A_2110 = arith.index_cast %add3A_2109 : i32 to index
        %get3A_2111 = arith.constant 192 : index
        %get3A_2112 = tpu.vector_load %arg9[%get3A_2110, %get3A_2111] {strides = array<i32>} : memref<256x256xf32, #tpu.memory_space<vmem>>, vector<1x16xf32>,
        %get3A_2113 = vector.shape_cast %get3A_2112 : vector<1x16xf32> to vector<16xf32>
        %mul3A_2114 = arith.mulf %get3A_35, %get3A_2113 : vector<16xf32>
        %add3A_2115 = arith.addf %add3A_2105, %mul3A_2114 : vector<16xf32>
        %mul3A_2116 = arith.constant 16 : i32
        %mul3A_2117 = arith.muli %scan3A_28, %mul3A_2116 : i32
        %add3A_2118 = arith.constant 2 : i32
        %add3A_2119 = arith.addi %mul3A_2117, %add3A_2118 : i32
        %get3A_2120 = arith.index_cast %add3A_2119 : i32 to index
        %get3A_2121 = arith.constant 192 : index
        %get3A_2122 = tpu.vector_load %arg9[%get3A_2120, %get3A_2121] {strides = array<i32>} : memref<256x256xf32, #tpu.memory_space<vmem>>, vector<1x16xf32>,
        %get3A_2123 = vector.shape_cast %get3A_2122 : vector<1x16xf32> to vector<16xf32>
        %mul3A_2124 = arith.mulf %get3A_39, %get3A_2123 : vector<16xf32>
        %add3A_2125 = arith.addf %add3A_2115, %mul3A_2124 : vector<16xf32>
        %mul3A_2126 = arith.constant 16 : i32
        %mul3A_2127 = arith.muli %scan3A_28, %mul3A_2126 : i32
        %add3A_2128 = arith.constant 3 : i32
        %add3A_2129 = arith.addi %mul3A_2127, %add3A_2128 : i32
        %get3A_2130 = arith.index_cast %add3A_2129 : i32 to index
        %get3A_2131 = arith.constant 192 : index
        %get3A_2132 = tpu.vector_load %arg9[%get3A_2130, %get3A_2131] {strides = array<i32>} : memref<256x256xf32, #tpu.memory_space<vmem>>, vector<1x16xf32>,
        %get3A_2133 = vector.shape_cast %get3A_2132 : vector<1x16xf32> to vector<16xf32>
        %mul3A_2134 = arith.mulf %get3A_43, %get3A_2133 : vector<16xf32>
        %add3A_2135 = arith.addf %add3A_2125, %mul3A_2134 : vector<16xf32>
        %mul3A_2136 = arith.constant 16 : i32
        %mul3A_2137 = arith.muli %scan3A_28, %mul3A_2136 : i32
        %add3A_2138 = arith.constant 4 : i32
        %add3A_2139 = arith.addi %mul3A_2137, %add3A_2138 : i32
        %get3A_2140 = arith.index_cast %add3A_2139 : i32 to index
        %get3A_2141 = arith.constant 192 : index
        %get3A_2142 = tpu.vector_load %arg9[%get3A_2140, %get3A_2141] {strides = array<i32>} : memref<256x256xf32, #tpu.memory_space<vmem>>, vector<1x16xf32>,
        %get3A_2143 = vector.shape_cast %get3A_2142 : vector<1x16xf32> to vector<16xf32>
        %mul3A_2144 = arith.mulf %get3A_47, %get3A_2143 : vector<16xf32>
        %add3A_2145 = arith.addf %add3A_2135, %mul3A_2144 : vector<16xf32>
        %mul3A_2146 = arith.constant 16 : i32
        %mul3A_2147 = arith.muli %scan3A_28, %mul3A_2146 : i32
        %add3A_2148 = arith.constant 5 : i32
        %add3A_2149 = arith.addi %mul3A_2147, %add3A_2148 : i32
        %get3A_2150 = arith.index_cast %add3A_2149 : i32 to index
        %get3A_2151 = arith.constant 192 : index
        %get3A_2152 = tpu.vector_load %arg9[%get3A_2150, %get3A_2151] {strides = array<i32>} : memref<256x256xf32, #tpu.memory_space<vmem>>, vector<1x16xf32>,
        %get3A_2153 = vector.shape_cast %get3A_2152 : vector<1x16xf32> to vector<16xf32>
        %mul3A_2154 = arith.mulf %get3A_51, %get3A_2153 : vector<16xf32>
        %add3A_2155 = arith.addf %add3A_2145, %mul3A_2154 : vector<16xf32>
        %mul3A_2156 = arith.constant 16 : i32
        %mul3A_2157 = arith.muli %scan3A_28, %mul3A_2156 : i32
        %add3A_2158 = arith.constant 6 : i32
        %add3A_2159 = arith.addi %mul3A_2157, %add3A_2158 : i32
        %get3A_2160 = arith.index_cast %add3A_2159 : i32 to index
        %get3A_2161 = arith.constant 192 : index
        %get3A_2162 = tpu.vector_load %arg9[%get3A_2160, %get3A_2161] {strides = array<i32>} : memref<256x256xf32, #tpu.memory_space<vmem>>, vector<1x16xf32>,
        %get3A_2163 = vector.shape_cast %get3A_2162 : vector<1x16xf32> to vector<16xf32>
        %mul3A_2164 = arith.mulf %get3A_55, %get3A_2163 : vector<16xf32>
        %add3A_2165 = arith.addf %add3A_2155, %mul3A_2164 : vector<16xf32>
        %mul3A_2166 = arith.constant 16 : i32
        %mul3A_2167 = arith.muli %scan3A_28, %mul3A_2166 : i32
        %add3A_2168 = arith.constant 7 : i32
        %add3A_2169 = arith.addi %mul3A_2167, %add3A_2168 : i32
        %get3A_2170 = arith.index_cast %add3A_2169 : i32 to index
        %get3A_2171 = arith.constant 192 : index
        %get3A_2172 = tpu.vector_load %arg9[%get3A_2170, %get3A_2171] {strides = array<i32>} : memref<256x256xf32, #tpu.memory_space<vmem>>, vector<1x16xf32>,
        %get3A_2173 = vector.shape_cast %get3A_2172 : vector<1x16xf32> to vector<16xf32>
        %mul3A_2174 = arith.mulf %get3A_59, %get3A_2173 : vector<16xf32>
        %add3A_2175 = arith.addf %add3A_2165, %mul3A_2174 : vector<16xf32>
        %mul3A_2176 = arith.constant 16 : i32
        %mul3A_2177 = arith.muli %scan3A_28, %mul3A_2176 : i32
        %add3A_2178 = arith.constant 8 : i32
        %add3A_2179 = arith.addi %mul3A_2177, %add3A_2178 : i32
        %get3A_2180 = arith.index_cast %add3A_2179 : i32 to index
        %get3A_2181 = arith.constant 192 : index
        %get3A_2182 = tpu.vector_load %arg9[%get3A_2180, %get3A_2181] {strides = array<i32>} : memref<256x256xf32, #tpu.memory_space<vmem>>, vector<1x16xf32>,
        %get3A_2183 = vector.shape_cast %get3A_2182 : vector<1x16xf32> to vector<16xf32>
        %mul3A_2184 = arith.mulf %get3A_63, %get3A_2183 : vector<16xf32>
        %add3A_2185 = arith.addf %add3A_2175, %mul3A_2184 : vector<16xf32>
        %mul3A_2186 = arith.constant 16 : i32
        %mul3A_2187 = arith.muli %scan3A_28, %mul3A_2186 : i32
        %add3A_2188 = arith.constant 9 : i32
        %add3A_2189 = arith.addi %mul3A_2187, %add3A_2188 : i32
        %get3A_2190 = arith.index_cast %add3A_2189 : i32 to index
        %get3A_2191 = arith.constant 192 : index
        %get3A_2192 = tpu.vector_load %arg9[%get3A_2190, %get3A_2191] {strides = array<i32>} : memref<256x256xf32, #tpu.memory_space<vmem>>, vector<1x16xf32>,
        %get3A_2193 = vector.shape_cast %get3A_2192 : vector<1x16xf32> to vector<16xf32>
        %mul3A_2194 = arith.mulf %get3A_67, %get3A_2193 : vector<16xf32>
        %add3A_2195 = arith.addf %add3A_2185, %mul3A_2194 : vector<16xf32>
        %mul3A_2196 = arith.constant 16 : i32
        %mul3A_2197 = arith.muli %scan3A_28, %mul3A_2196 : i32
        %add3A_2198 = arith.constant 10 : i32
        %add3A_2199 = arith.addi %mul3A_2197, %add3A_2198 : i32
        %get3A_2200 = arith.index_cast %add3A_2199 : i32 to index
        %get3A_2201 = arith.constant 192 : index
        %get3A_2202 = tpu.vector_load %arg9[%get3A_2200, %get3A_2201] {strides = array<i32>} : memref<256x256xf32, #tpu.memory_space<vmem>>, vector<1x16xf32>,
        %get3A_2203 = vector.shape_cast %get3A_2202 : vector<1x16xf32> to vector<16xf32>
        %mul3A_2204 = arith.mulf %get3A_71, %get3A_2203 : vector<16xf32>
        %add3A_2205 = arith.addf %add3A_2195, %mul3A_2204 : vector<16xf32>
        %mul3A_2206 = arith.constant 16 : i32
        %mul3A_2207 = arith.muli %scan3A_28, %mul3A_2206 : i32
        %add3A_2208 = arith.constant 11 : i32
        %add3A_2209 = arith.addi %mul3A_2207, %add3A_2208 : i32
        %get3A_2210 = arith.index_cast %add3A_2209 : i32 to index
        %get3A_2211 = arith.constant 192 : index
        %get3A_2212 = tpu.vector_load %arg9[%get3A_2210, %get3A_2211] {strides = array<i32>} : memref<256x256xf32, #tpu.memory_space<vmem>>, vector<1x16xf32>,
        %get3A_2213 = vector.shape_cast %get3A_2212 : vector<1x16xf32> to vector<16xf32>
        %mul3A_2214 = arith.mulf %get3A_75, %get3A_2213 : vector<16xf32>
        %add3A_2215 = arith.addf %add3A_2205, %mul3A_2214 : vector<16xf32>
        %mul3A_2216 = arith.constant 16 : i32
        %mul3A_2217 = arith.muli %scan3A_28, %mul3A_2216 : i32
        %add3A_2218 = arith.constant 12 : i32
        %add3A_2219 = arith.addi %mul3A_2217, %add3A_2218 : i32
        %get3A_2220 = arith.index_cast %add3A_2219 : i32 to index
        %get3A_2221 = arith.constant 192 : index
        %get3A_2222 = tpu.vector_load %arg9[%get3A_2220, %get3A_2221] {strides = array<i32>} : memref<256x256xf32, #tpu.memory_space<vmem>>, vector<1x16xf32>,
        %get3A_2223 = vector.shape_cast %get3A_2222 : vector<1x16xf32> to vector<16xf32>
        %mul3A_2224 = arith.mulf %get3A_79, %get3A_2223 : vector<16xf32>
        %add3A_2225 = arith.addf %add3A_2215, %mul3A_2224 : vector<16xf32>
        %mul3A_2226 = arith.constant 16 : i32
        %mul3A_2227 = arith.muli %scan3A_28, %mul3A_2226 : i32
        %add3A_2228 = arith.constant 13 : i32
        %add3A_2229 = arith.addi %mul3A_2227, %add3A_2228 : i32
        %get3A_2230 = arith.index_cast %add3A_2229 : i32 to index
        %get3A_2231 = arith.constant 192 : index
        %get3A_2232 = tpu.vector_load %arg9[%get3A_2230, %get3A_2231] {strides = array<i32>} : memref<256x256xf32, #tpu.memory_space<vmem>>, vector<1x16xf32>,
        %get3A_2233 = vector.shape_cast %get3A_2232 : vector<1x16xf32> to vector<16xf32>
        %mul3A_2234 = arith.mulf %get3A_83, %get3A_2233 : vector<16xf32>
        %add3A_2235 = arith.addf %add3A_2225, %mul3A_2234 : vector<16xf32>
        %mul3A_2236 = arith.constant 16 : i32
        %mul3A_2237 = arith.muli %scan3A_28, %mul3A_2236 : i32
        %add3A_2238 = arith.constant 14 : i32
        %add3A_2239 = arith.addi %mul3A_2237, %add3A_2238 : i32
        %get3A_2240 = arith.index_cast %add3A_2239 : i32 to index
        %get3A_2241 = arith.constant 192 : index
        %get3A_2242 = tpu.vector_load %arg9[%get3A_2240, %get3A_2241] {strides = array<i32>} : memref<256x256xf32, #tpu.memory_space<vmem>>, vector<1x16xf32>,
        %get3A_2243 = vector.shape_cast %get3A_2242 : vector<1x16xf32> to vector<16xf32>
        %mul3A_2244 = arith.mulf %get3A_87, %get3A_2243 : vector<16xf32>
        %add3A_2245 = arith.addf %add3A_2235, %mul3A_2244 : vector<16xf32>
        %mul3A_2246 = arith.constant 16 : i32
        %mul3A_2247 = arith.muli %scan3A_28, %mul3A_2246 : i32
        %add3A_2248 = arith.constant 15 : i32
        %add3A_2249 = arith.addi %mul3A_2247, %add3A_2248 : i32
        %get3A_2250 = arith.index_cast %add3A_2249 : i32 to index
        %get3A_2251 = arith.constant 192 : index
        %get3A_2252 = tpu.vector_load %arg9[%get3A_2250, %get3A_2251] {strides = array<i32>} : memref<256x256xf32, #tpu.memory_space<vmem>>, vector<1x16xf32>,
        %get3A_2253 = vector.shape_cast %get3A_2252 : vector<1x16xf32> to vector<16xf32>
        %mul3A_2254 = arith.mulf %get3A_91, %get3A_2253 : vector<16xf32>
        %add3A_2255 = arith.addf %add3A_2245, %mul3A_2254 : vector<16xf32>
        %swap3A_2256 = arith.index_cast %scan3A_28 : i32 to index
        %swap3A_2257 = arith.constant 192 : index
        %swap3A_2258 = tpu.vector_load %arg10[%swap3A_2256, %swap3A_2257] {strides = array<i32>} : memref<16x256xf32, #tpu.memory_space<vmem>>, vector<1x16xf32>,
        %swap3A_2259 = vector.shape_cast %swap3A_2258 : vector<1x16xf32> to vector<16xf32>
        %swap3A_2260 = vector.shape_cast %add3A_2255 : vector<16xf32> to vector<1x16xf32>
        tpu.vector_store %arg10[%swap3A_2256, %swap3A_2257], %swap3A_2260 {strides = array<i32>} : memref<16x256xf32, #tpu.memory_space<vmem>>, vector<1x16xf32>,
        %broadcast_in_dim3A_2261 = arith.constant 0.000000e+00 : f32
        %broadcast_in_dim3A_2262 = vector.broadcast %broadcast_in_dim3A_2261 : f32 to vector<16xf32>
        %mul3A_2263 = arith.constant 16 : i32
        %mul3A_2264 = arith.muli %scan3A_28, %mul3A_2263 : i32
        %add3A_2265 = arith.constant 0 : i32
        %add3A_2266 = arith.addi %mul3A_2264, %add3A_2265 : i32
        %get3A_2267 = arith.index_cast %add3A_2266 : i32 to index
        %get3A_2268 = arith.constant 208 : index
        %get3A_2269 = tpu.vector_load %arg9[%get3A_2267, %get3A_2268] {strides = array<i32>} : memref<256x256xf32, #tpu.memory_space<vmem>>, vector<1x16xf32>,
        %get3A_2270 = vector.shape_cast %get3A_2269 : vector<1x16xf32> to vector<16xf32>
        %mul3A_2271 = arith.mulf %get3A_31, %get3A_2270 : vector<16xf32>
        %add3A_2272 = arith.addf %broadcast_in_dim3A_2262, %mul3A_2271 : vector<16xf32>
        %mul3A_2273 = arith.constant 16 : i32
        %mul3A_2274 = arith.muli %scan3A_28, %mul3A_2273 : i32
        %add3A_2275 = arith.constant 1 : i32
        %add3A_2276 = arith.addi %mul3A_2274, %add3A_2275 : i32
        %get3A_2277 = arith.index_cast %add3A_2276 : i32 to index
        %get3A_2278 = arith.constant 208 : index
        %get3A_2279 = tpu.vector_load %arg9[%get3A_2277, %get3A_2278] {strides = array<i32>} : memref<256x256xf32, #tpu.memory_space<vmem>>, vector<1x16xf32>,
        %get3A_2280 = vector.shape_cast %get3A_2279 : vector<1x16xf32> to vector<16xf32>
        %mul3A_2281 = arith.mulf %get3A_35, %get3A_2280 : vector<16xf32>
        %add3A_2282 = arith.addf %add3A_2272, %mul3A_2281 : vector<16xf32>
        %mul3A_2283 = arith.constant 16 : i32
        %mul3A_2284 = arith.muli %scan3A_28, %mul3A_2283 : i32
        %add3A_2285 = arith.constant 2 : i32
        %add3A_2286 = arith.addi %mul3A_2284, %add3A_2285 : i32
        %get3A_2287 = arith.index_cast %add3A_2286 : i32 to index
        %get3A_2288 = arith.constant 208 : index
        %get3A_2289 = tpu.vector_load %arg9[%get3A_2287, %get3A_2288] {strides = array<i32>} : memref<256x256xf32, #tpu.memory_space<vmem>>, vector<1x16xf32>,
        %get3A_2290 = vector.shape_cast %get3A_2289 : vector<1x16xf32> to vector<16xf32>
        %mul3A_2291 = arith.mulf %get3A_39, %get3A_2290 : vector<16xf32>
        %add3A_2292 = arith.addf %add3A_2282, %mul3A_2291 : vector<16xf32>
        %mul3A_2293 = arith.constant 16 : i32
        %mul3A_2294 = arith.muli %scan3A_28, %mul3A_2293 : i32
        %add3A_2295 = arith.constant 3 : i32
        %add3A_2296 = arith.addi %mul3A_2294, %add3A_2295 : i32
        %get3A_2297 = arith.index_cast %add3A_2296 : i32 to index
        %get3A_2298 = arith.constant 208 : index
        %get3A_2299 = tpu.vector_load %arg9[%get3A_2297, %get3A_2298] {strides = array<i32>} : memref<256x256xf32, #tpu.memory_space<vmem>>, vector<1x16xf32>,
        %get3A_2300 = vector.shape_cast %get3A_2299 : vector<1x16xf32> to vector<16xf32>
        %mul3A_2301 = arith.mulf %get3A_43, %get3A_2300 : vector<16xf32>
        %add3A_2302 = arith.addf %add3A_2292, %mul3A_2301 : vector<16xf32>
        %mul3A_2303 = arith.constant 16 : i32
        %mul3A_2304 = arith.muli %scan3A_28, %mul3A_2303 : i32
        %add3A_2305 = arith.constant 4 : i32
        %add3A_2306 = arith.addi %mul3A_2304, %add3A_2305 : i32
        %get3A_2307 = arith.index_cast %add3A_2306 : i32 to index
        %get3A_2308 = arith.constant 208 : index
        %get3A_2309 = tpu.vector_load %arg9[%get3A_2307, %get3A_2308] {strides = array<i32>} : memref<256x256xf32, #tpu.memory_space<vmem>>, vector<1x16xf32>,
        %get3A_2310 = vector.shape_cast %get3A_2309 : vector<1x16xf32> to vector<16xf32>
        %mul3A_2311 = arith.mulf %get3A_47, %get3A_2310 : vector<16xf32>
        %add3A_2312 = arith.addf %add3A_2302, %mul3A_2311 : vector<16xf32>
        %mul3A_2313 = arith.constant 16 : i32
        %mul3A_2314 = arith.muli %scan3A_28, %mul3A_2313 : i32
        %add3A_2315 = arith.constant 5 : i32
        %add3A_2316 = arith.addi %mul3A_2314, %add3A_2315 : i32
        %get3A_2317 = arith.index_cast %add3A_2316 : i32 to index
        %get3A_2318 = arith.constant 208 : index
        %get3A_2319 = tpu.vector_load %arg9[%get3A_2317, %get3A_2318] {strides = array<i32>} : memref<256x256xf32, #tpu.memory_space<vmem>>, vector<1x16xf32>,
        %get3A_2320 = vector.shape_cast %get3A_2319 : vector<1x16xf32> to vector<16xf32>
        %mul3A_2321 = arith.mulf %get3A_51, %get3A_2320 : vector<16xf32>
        %add3A_2322 = arith.addf %add3A_2312, %mul3A_2321 : vector<16xf32>
        %mul3A_2323 = arith.constant 16 : i32
        %mul3A_2324 = arith.muli %scan3A_28, %mul3A_2323 : i32
        %add3A_2325 = arith.constant 6 : i32
        %add3A_2326 = arith.addi %mul3A_2324, %add3A_2325 : i32
        %get3A_2327 = arith.index_cast %add3A_2326 : i32 to index
        %get3A_2328 = arith.constant 208 : index
        %get3A_2329 = tpu.vector_load %arg9[%get3A_2327, %get3A_2328] {strides = array<i32>} : memref<256x256xf32, #tpu.memory_space<vmem>>, vector<1x16xf32>,
        %get3A_2330 = vector.shape_cast %get3A_2329 : vector<1x16xf32> to vector<16xf32>
        %mul3A_2331 = arith.mulf %get3A_55, %get3A_2330 : vector<16xf32>
        %add3A_2332 = arith.addf %add3A_2322, %mul3A_2331 : vector<16xf32>
        %mul3A_2333 = arith.constant 16 : i32
        %mul3A_2334 = arith.muli %scan3A_28, %mul3A_2333 : i32
        %add3A_2335 = arith.constant 7 : i32
        %add3A_2336 = arith.addi %mul3A_2334, %add3A_2335 : i32
        %get3A_2337 = arith.index_cast %add3A_2336 : i32 to index
        %get3A_2338 = arith.constant 208 : index
        %get3A_2339 = tpu.vector_load %arg9[%get3A_2337, %get3A_2338] {strides = array<i32>} : memref<256x256xf32, #tpu.memory_space<vmem>>, vector<1x16xf32>,
        %get3A_2340 = vector.shape_cast %get3A_2339 : vector<1x16xf32> to vector<16xf32>
        %mul3A_2341 = arith.mulf %get3A_59, %get3A_2340 : vector<16xf32>
        %add3A_2342 = arith.addf %add3A_2332, %mul3A_2341 : vector<16xf32>
        %mul3A_2343 = arith.constant 16 : i32
        %mul3A_2344 = arith.muli %scan3A_28, %mul3A_2343 : i32
        %add3A_2345 = arith.constant 8 : i32
        %add3A_2346 = arith.addi %mul3A_2344, %add3A_2345 : i32
        %get3A_2347 = arith.index_cast %add3A_2346 : i32 to index
        %get3A_2348 = arith.constant 208 : index
        %get3A_2349 = tpu.vector_load %arg9[%get3A_2347, %get3A_2348] {strides = array<i32>} : memref<256x256xf32, #tpu.memory_space<vmem>>, vector<1x16xf32>,
        %get3A_2350 = vector.shape_cast %get3A_2349 : vector<1x16xf32> to vector<16xf32>
        %mul3A_2351 = arith.mulf %get3A_63, %get3A_2350 : vector<16xf32>
        %add3A_2352 = arith.addf %add3A_2342, %mul3A_2351 : vector<16xf32>
        %mul3A_2353 = arith.constant 16 : i32
        %mul3A_2354 = arith.muli %scan3A_28, %mul3A_2353 : i32
        %add3A_2355 = arith.constant 9 : i32
        %add3A_2356 = arith.addi %mul3A_2354, %add3A_2355 : i32
        %get3A_2357 = arith.index_cast %add3A_2356 : i32 to index
        %get3A_2358 = arith.constant 208 : index
        %get3A_2359 = tpu.vector_load %arg9[%get3A_2357, %get3A_2358] {strides = array<i32>} : memref<256x256xf32, #tpu.memory_space<vmem>>, vector<1x16xf32>,
        %get3A_2360 = vector.shape_cast %get3A_2359 : vector<1x16xf32> to vector<16xf32>
        %mul3A_2361 = arith.mulf %get3A_67, %get3A_2360 : vector<16xf32>
        %add3A_2362 = arith.addf %add3A_2352, %mul3A_2361 : vector<16xf32>
        %mul3A_2363 = arith.constant 16 : i32
        %mul3A_2364 = arith.muli %scan3A_28, %mul3A_2363 : i32
        %add3A_2365 = arith.constant 10 : i32
        %add3A_2366 = arith.addi %mul3A_2364, %add3A_2365 : i32
        %get3A_2367 = arith.index_cast %add3A_2366 : i32 to index
        %get3A_2368 = arith.constant 208 : index
        %get3A_2369 = tpu.vector_load %arg9[%get3A_2367, %get3A_2368] {strides = array<i32>} : memref<256x256xf32, #tpu.memory_space<vmem>>, vector<1x16xf32>,
        %get3A_2370 = vector.shape_cast %get3A_2369 : vector<1x16xf32> to vector<16xf32>
        %mul3A_2371 = arith.mulf %get3A_71, %get3A_2370 : vector<16xf32>
        %add3A_2372 = arith.addf %add3A_2362, %mul3A_2371 : vector<16xf32>
        %mul3A_2373 = arith.constant 16 : i32
        %mul3A_2374 = arith.muli %scan3A_28, %mul3A_2373 : i32
        %add3A_2375 = arith.constant 11 : i32
        %add3A_2376 = arith.addi %mul3A_2374, %add3A_2375 : i32
        %get3A_2377 = arith.index_cast %add3A_2376 : i32 to index
        %get3A_2378 = arith.constant 208 : index
        %get3A_2379 = tpu.vector_load %arg9[%get3A_2377, %get3A_2378] {strides = array<i32>} : memref<256x256xf32, #tpu.memory_space<vmem>>, vector<1x16xf32>,
        %get3A_2380 = vector.shape_cast %get3A_2379 : vector<1x16xf32> to vector<16xf32>
        %mul3A_2381 = arith.mulf %get3A_75, %get3A_2380 : vector<16xf32>
        %add3A_2382 = arith.addf %add3A_2372, %mul3A_2381 : vector<16xf32>
        %mul3A_2383 = arith.constant 16 : i32
        %mul3A_2384 = arith.muli %scan3A_28, %mul3A_2383 : i32
        %add3A_2385 = arith.constant 12 : i32
        %add3A_2386 = arith.addi %mul3A_2384, %add3A_2385 : i32
        %get3A_2387 = arith.index_cast %add3A_2386 : i32 to index
        %get3A_2388 = arith.constant 208 : index
        %get3A_2389 = tpu.vector_load %arg9[%get3A_2387, %get3A_2388] {strides = array<i32>} : memref<256x256xf32, #tpu.memory_space<vmem>>, vector<1x16xf32>,
        %get3A_2390 = vector.shape_cast %get3A_2389 : vector<1x16xf32> to vector<16xf32>
        %mul3A_2391 = arith.mulf %get3A_79, %get3A_2390 : vector<16xf32>
        %add3A_2392 = arith.addf %add3A_2382, %mul3A_2391 : vector<16xf32>
        %mul3A_2393 = arith.constant 16 : i32
        %mul3A_2394 = arith.muli %scan3A_28, %mul3A_2393 : i32
        %add3A_2395 = arith.constant 13 : i32
        %add3A_2396 = arith.addi %mul3A_2394, %add3A_2395 : i32
        %get3A_2397 = arith.index_cast %add3A_2396 : i32 to index
        %get3A_2398 = arith.constant 208 : index
        %get3A_2399 = tpu.vector_load %arg9[%get3A_2397, %get3A_2398] {strides = array<i32>} : memref<256x256xf32, #tpu.memory_space<vmem>>, vector<1x16xf32>,
        %get3A_2400 = vector.shape_cast %get3A_2399 : vector<1x16xf32> to vector<16xf32>
        %mul3A_2401 = arith.mulf %get3A_83, %get3A_2400 : vector<16xf32>
        %add3A_2402 = arith.addf %add3A_2392, %mul3A_2401 : vector<16xf32>
        %mul3A_2403 = arith.constant 16 : i32
        %mul3A_2404 = arith.muli %scan3A_28, %mul3A_2403 : i32
        %add3A_2405 = arith.constant 14 : i32
        %add3A_2406 = arith.addi %mul3A_2404, %add3A_2405 : i32
        %get3A_2407 = arith.index_cast %add3A_2406 : i32 to index
        %get3A_2408 = arith.constant 208 : index
        %get3A_2409 = tpu.vector_load %arg9[%get3A_2407, %get3A_2408] {strides = array<i32>} : memref<256x256xf32, #tpu.memory_space<vmem>>, vector<1x16xf32>,
        %get3A_2410 = vector.shape_cast %get3A_2409 : vector<1x16xf32> to vector<16xf32>
        %mul3A_2411 = arith.mulf %get3A_87, %get3A_2410 : vector<16xf32>
        %add3A_2412 = arith.addf %add3A_2402, %mul3A_2411 : vector<16xf32>
        %mul3A_2413 = arith.constant 16 : i32
        %mul3A_2414 = arith.muli %scan3A_28, %mul3A_2413 : i32
        %add3A_2415 = arith.constant 15 : i32
        %add3A_2416 = arith.addi %mul3A_2414, %add3A_2415 : i32
        %get3A_2417 = arith.index_cast %add3A_2416 : i32 to index
        %get3A_2418 = arith.constant 208 : index
        %get3A_2419 = tpu.vector_load %arg9[%get3A_2417, %get3A_2418] {strides = array<i32>} : memref<256x256xf32, #tpu.memory_space<vmem>>, vector<1x16xf32>,
        %get3A_2420 = vector.shape_cast %get3A_2419 : vector<1x16xf32> to vector<16xf32>
        %mul3A_2421 = arith.mulf %get3A_91, %get3A_2420 : vector<16xf32>
        %add3A_2422 = arith.addf %add3A_2412, %mul3A_2421 : vector<16xf32>
        %swap3A_2423 = arith.index_cast %scan3A_28 : i32 to index
        %swap3A_2424 = arith.constant 208 : index
        %swap3A_2425 = tpu.vector_load %arg10[%swap3A_2423, %swap3A_2424] {strides = array<i32>} : memref<16x256xf32, #tpu.memory_space<vmem>>, vector<1x16xf32>,
        %swap3A_2426 = vector.shape_cast %swap3A_2425 : vector<1x16xf32> to vector<16xf32>
        %swap3A_2427 = vector.shape_cast %add3A_2422 : vector<16xf32> to vector<1x16xf32>
        tpu.vector_store %arg10[%swap3A_2423, %swap3A_2424], %swap3A_2427 {strides = array<i32>} : memref<16x256xf32, #tpu.memory_space<vmem>>, vector<1x16xf32>,
        %broadcast_in_dim3A_2428 = arith.constant 0.000000e+00 : f32
        %broadcast_in_dim3A_2429 = vector.broadcast %broadcast_in_dim3A_2428 : f32 to vector<16xf32>
        %mul3A_2430 = arith.constant 16 : i32
        %mul3A_2431 = arith.muli %scan3A_28, %mul3A_2430 : i32
        %add3A_2432 = arith.constant 0 : i32
        %add3A_2433 = arith.addi %mul3A_2431, %add3A_2432 : i32
        %get3A_2434 = arith.index_cast %add3A_2433 : i32 to index
        %get3A_2435 = arith.constant 224 : index
        %get3A_2436 = tpu.vector_load %arg9[%get3A_2434, %get3A_2435] {strides = array<i32>} : memref<256x256xf32, #tpu.memory_space<vmem>>, vector<1x16xf32>,
        %get3A_2437 = vector.shape_cast %get3A_2436 : vector<1x16xf32> to vector<16xf32>
        %mul3A_2438 = arith.mulf %get3A_31, %get3A_2437 : vector<16xf32>
        %add3A_2439 = arith.addf %broadcast_in_dim3A_2429, %mul3A_2438 : vector<16xf32>
        %mul3A_2440 = arith.constant 16 : i32
        %mul3A_2441 = arith.muli %scan3A_28, %mul3A_2440 : i32
        %add3A_2442 = arith.constant 1 : i32
        %add3A_2443 = arith.addi %mul3A_2441, %add3A_2442 : i32
        %get3A_2444 = arith.index_cast %add3A_2443 : i32 to index
        %get3A_2445 = arith.constant 224 : index
        %get3A_2446 = tpu.vector_load %arg9[%get3A_2444, %get3A_2445] {strides = array<i32>} : memref<256x256xf32, #tpu.memory_space<vmem>>, vector<1x16xf32>,
        %get3A_2447 = vector.shape_cast %get3A_2446 : vector<1x16xf32> to vector<16xf32>
        %mul3A_2448 = arith.mulf %get3A_35, %get3A_2447 : vector<16xf32>
        %add3A_2449 = arith.addf %add3A_2439, %mul3A_2448 : vector<16xf32>
        %mul3A_2450 = arith.constant 16 : i32
        %mul3A_2451 = arith.muli %scan3A_28, %mul3A_2450 : i32
        %add3A_2452 = arith.constant 2 : i32
        %add3A_2453 = arith.addi %mul3A_2451, %add3A_2452 : i32
        %get3A_2454 = arith.index_cast %add3A_2453 : i32 to index
        %get3A_2455 = arith.constant 224 : index
        %get3A_2456 = tpu.vector_load %arg9[%get3A_2454, %get3A_2455] {strides = array<i32>} : memref<256x256xf32, #tpu.memory_space<vmem>>, vector<1x16xf32>,
        %get3A_2457 = vector.shape_cast %get3A_2456 : vector<1x16xf32> to vector<16xf32>
        %mul3A_2458 = arith.mulf %get3A_39, %get3A_2457 : vector<16xf32>
        %add3A_2459 = arith.addf %add3A_2449, %mul3A_2458 : vector<16xf32>
        %mul3A_2460 = arith.constant 16 : i32
        %mul3A_2461 = arith.muli %scan3A_28, %mul3A_2460 : i32
        %add3A_2462 = arith.constant 3 : i32
        %add3A_2463 = arith.addi %mul3A_2461, %add3A_2462 : i32
        %get3A_2464 = arith.index_cast %add3A_2463 : i32 to index
        %get3A_2465 = arith.constant 224 : index
        %get3A_2466 = tpu.vector_load %arg9[%get3A_2464, %get3A_2465] {strides = array<i32>} : memref<256x256xf32, #tpu.memory_space<vmem>>, vector<1x16xf32>,
        %get3A_2467 = vector.shape_cast %get3A_2466 : vector<1x16xf32> to vector<16xf32>
        %mul3A_2468 = arith.mulf %get3A_43, %get3A_2467 : vector<16xf32>
        %add3A_2469 = arith.addf %add3A_2459, %mul3A_2468 : vector<16xf32>
        %mul3A_2470 = arith.constant 16 : i32
        %mul3A_2471 = arith.muli %scan3A_28, %mul3A_2470 : i32
        %add3A_2472 = arith.constant 4 : i32
        %add3A_2473 = arith.addi %mul3A_2471, %add3A_2472 : i32
        %get3A_2474 = arith.index_cast %add3A_2473 : i32 to index
        %get3A_2475 = arith.constant 224 : index
        %get3A_2476 = tpu.vector_load %arg9[%get3A_2474, %get3A_2475] {strides = array<i32>} : memref<256x256xf32, #tpu.memory_space<vmem>>, vector<1x16xf32>,
        %get3A_2477 = vector.shape_cast %get3A_2476 : vector<1x16xf32> to vector<16xf32>
        %mul3A_2478 = arith.mulf %get3A_47, %get3A_2477 : vector<16xf32>
        %add3A_2479 = arith.addf %add3A_2469, %mul3A_2478 : vector<16xf32>
        %mul3A_2480 = arith.constant 16 : i32
        %mul3A_2481 = arith.muli %scan3A_28, %mul3A_2480 : i32
        %add3A_2482 = arith.constant 5 : i32
        %add3A_2483 = arith.addi %mul3A_2481, %add3A_2482 : i32
        %get3A_2484 = arith.index_cast %add3A_2483 : i32 to index
        %get3A_2485 = arith.constant 224 : index
        %get3A_2486 = tpu.vector_load %arg9[%get3A_2484, %get3A_2485] {strides = array<i32>} : memref<256x256xf32, #tpu.memory_space<vmem>>, vector<1x16xf32>,
        %get3A_2487 = vector.shape_cast %get3A_2486 : vector<1x16xf32> to vector<16xf32>
        %mul3A_2488 = arith.mulf %get3A_51, %get3A_2487 : vector<16xf32>
        %add3A_2489 = arith.addf %add3A_2479, %mul3A_2488 : vector<16xf32>
        %mul3A_2490 = arith.constant 16 : i32
        %mul3A_2491 = arith.muli %scan3A_28, %mul3A_2490 : i32
        %add3A_2492 = arith.constant 6 : i32
        %add3A_2493 = arith.addi %mul3A_2491, %add3A_2492 : i32
        %get3A_2494 = arith.index_cast %add3A_2493 : i32 to index
        %get3A_2495 = arith.constant 224 : index
        %get3A_2496 = tpu.vector_load %arg9[%get3A_2494, %get3A_2495] {strides = array<i32>} : memref<256x256xf32, #tpu.memory_space<vmem>>, vector<1x16xf32>,
        %get3A_2497 = vector.shape_cast %get3A_2496 : vector<1x16xf32> to vector<16xf32>
        %mul3A_2498 = arith.mulf %get3A_55, %get3A_2497 : vector<16xf32>
        %add3A_2499 = arith.addf %add3A_2489, %mul3A_2498 : vector<16xf32>
        %mul3A_2500 = arith.constant 16 : i32
        %mul3A_2501 = arith.muli %scan3A_28, %mul3A_2500 : i32
        %add3A_2502 = arith.constant 7 : i32
        %add3A_2503 = arith.addi %mul3A_2501, %add3A_2502 : i32
        %get3A_2504 = arith.index_cast %add3A_2503 : i32 to index
        %get3A_2505 = arith.constant 224 : index
        %get3A_2506 = tpu.vector_load %arg9[%get3A_2504, %get3A_2505] {strides = array<i32>} : memref<256x256xf32, #tpu.memory_space<vmem>>, vector<1x16xf32>,
        %get3A_2507 = vector.shape_cast %get3A_2506 : vector<1x16xf32> to vector<16xf32>
        %mul3A_2508 = arith.mulf %get3A_59, %get3A_2507 : vector<16xf32>
        %add3A_2509 = arith.addf %add3A_2499, %mul3A_2508 : vector<16xf32>
        %mul3A_2510 = arith.constant 16 : i32
        %mul3A_2511 = arith.muli %scan3A_28, %mul3A_2510 : i32
        %add3A_2512 = arith.constant 8 : i32
        %add3A_2513 = arith.addi %mul3A_2511, %add3A_2512 : i32
        %get3A_2514 = arith.index_cast %add3A_2513 : i32 to index
        %get3A_2515 = arith.constant 224 : index
        %get3A_2516 = tpu.vector_load %arg9[%get3A_2514, %get3A_2515] {strides = array<i32>} : memref<256x256xf32, #tpu.memory_space<vmem>>, vector<1x16xf32>,
        %get3A_2517 = vector.shape_cast %get3A_2516 : vector<1x16xf32> to vector<16xf32>
        %mul3A_2518 = arith.mulf %get3A_63, %get3A_2517 : vector<16xf32>
        %add3A_2519 = arith.addf %add3A_2509, %mul3A_2518 : vector<16xf32>
        %mul3A_2520 = arith.constant 16 : i32
        %mul3A_2521 = arith.muli %scan3A_28, %mul3A_2520 : i32
        %add3A_2522 = arith.constant 9 : i32
        %add3A_2523 = arith.addi %mul3A_2521, %add3A_2522 : i32
        %get3A_2524 = arith.index_cast %add3A_2523 : i32 to index
        %get3A_2525 = arith.constant 224 : index
        %get3A_2526 = tpu.vector_load %arg9[%get3A_2524, %get3A_2525] {strides = array<i32>} : memref<256x256xf32, #tpu.memory_space<vmem>>, vector<1x16xf32>,
        %get3A_2527 = vector.shape_cast %get3A_2526 : vector<1x16xf32> to vector<16xf32>
        %mul3A_2528 = arith.mulf %get3A_67, %get3A_2527 : vector<16xf32>
        %add3A_2529 = arith.addf %add3A_2519, %mul3A_2528 : vector<16xf32>
        %mul3A_2530 = arith.constant 16 : i32
        %mul3A_2531 = arith.muli %scan3A_28, %mul3A_2530 : i32
        %add3A_2532 = arith.constant 10 : i32
        %add3A_2533 = arith.addi %mul3A_2531, %add3A_2532 : i32
        %get3A_2534 = arith.index_cast %add3A_2533 : i32 to index
        %get3A_2535 = arith.constant 224 : index
        %get3A_2536 = tpu.vector_load %arg9[%get3A_2534, %get3A_2535] {strides = array<i32>} : memref<256x256xf32, #tpu.memory_space<vmem>>, vector<1x16xf32>,
        %get3A_2537 = vector.shape_cast %get3A_2536 : vector<1x16xf32> to vector<16xf32>
        %mul3A_2538 = arith.mulf %get3A_71, %get3A_2537 : vector<16xf32>
        %add3A_2539 = arith.addf %add3A_2529, %mul3A_2538 : vector<16xf32>
        %mul3A_2540 = arith.constant 16 : i32
        %mul3A_2541 = arith.muli %scan3A_28, %mul3A_2540 : i32
        %add3A_2542 = arith.constant 11 : i32
        %add3A_2543 = arith.addi %mul3A_2541, %add3A_2542 : i32
        %get3A_2544 = arith.index_cast %add3A_2543 : i32 to index
        %get3A_2545 = arith.constant 224 : index
        %get3A_2546 = tpu.vector_load %arg9[%get3A_2544, %get3A_2545] {strides = array<i32>} : memref<256x256xf32, #tpu.memory_space<vmem>>, vector<1x16xf32>,
        %get3A_2547 = vector.shape_cast %get3A_2546 : vector<1x16xf32> to vector<16xf32>
        %mul3A_2548 = arith.mulf %get3A_75, %get3A_2547 : vector<16xf32>
        %add3A_2549 = arith.addf %add3A_2539, %mul3A_2548 : vector<16xf32>
        %mul3A_2550 = arith.constant 16 : i32
        %mul3A_2551 = arith.muli %scan3A_28, %mul3A_2550 : i32
        %add3A_2552 = arith.constant 12 : i32
        %add3A_2553 = arith.addi %mul3A_2551, %add3A_2552 : i32
        %get3A_2554 = arith.index_cast %add3A_2553 : i32 to index
        %get3A_2555 = arith.constant 224 : index
        %get3A_2556 = tpu.vector_load %arg9[%get3A_2554, %get3A_2555] {strides = array<i32>} : memref<256x256xf32, #tpu.memory_space<vmem>>, vector<1x16xf32>,
        %get3A_2557 = vector.shape_cast %get3A_2556 : vector<1x16xf32> to vector<16xf32>
        %mul3A_2558 = arith.mulf %get3A_79, %get3A_2557 : vector<16xf32>
        %add3A_2559 = arith.addf %add3A_2549, %mul3A_2558 : vector<16xf32>
        %mul3A_2560 = arith.constant 16 : i32
        %mul3A_2561 = arith.muli %scan3A_28, %mul3A_2560 : i32
        %add3A_2562 = arith.constant 13 : i32
        %add3A_2563 = arith.addi %mul3A_2561, %add3A_2562 : i32
        %get3A_2564 = arith.index_cast %add3A_2563 : i32 to index
        %get3A_2565 = arith.constant 224 : index
        %get3A_2566 = tpu.vector_load %arg9[%get3A_2564, %get3A_2565] {strides = array<i32>} : memref<256x256xf32, #tpu.memory_space<vmem>>, vector<1x16xf32>,
        %get3A_2567 = vector.shape_cast %get3A_2566 : vector<1x16xf32> to vector<16xf32>
        %mul3A_2568 = arith.mulf %get3A_83, %get3A_2567 : vector<16xf32>
        %add3A_2569 = arith.addf %add3A_2559, %mul3A_2568 : vector<16xf32>
        %mul3A_2570 = arith.constant 16 : i32
        %mul3A_2571 = arith.muli %scan3A_28, %mul3A_2570 : i32
        %add3A_2572 = arith.constant 14 : i32
        %add3A_2573 = arith.addi %mul3A_2571, %add3A_2572 : i32
        %get3A_2574 = arith.index_cast %add3A_2573 : i32 to index
        %get3A_2575 = arith.constant 224 : index
        %get3A_2576 = tpu.vector_load %arg9[%get3A_2574, %get3A_2575] {strides = array<i32>} : memref<256x256xf32, #tpu.memory_space<vmem>>, vector<1x16xf32>,
        %get3A_2577 = vector.shape_cast %get3A_2576 : vector<1x16xf32> to vector<16xf32>
        %mul3A_2578 = arith.mulf %get3A_87, %get3A_2577 : vector<16xf32>
        %add3A_2579 = arith.addf %add3A_2569, %mul3A_2578 : vector<16xf32>
        %mul3A_2580 = arith.constant 16 : i32
        %mul3A_2581 = arith.muli %scan3A_28, %mul3A_2580 : i32
        %add3A_2582 = arith.constant 15 : i32
        %add3A_2583 = arith.addi %mul3A_2581, %add3A_2582 : i32
        %get3A_2584 = arith.index_cast %add3A_2583 : i32 to index
        %get3A_2585 = arith.constant 224 : index
        %get3A_2586 = tpu.vector_load %arg9[%get3A_2584, %get3A_2585] {strides = array<i32>} : memref<256x256xf32, #tpu.memory_space<vmem>>, vector<1x16xf32>,
        %get3A_2587 = vector.shape_cast %get3A_2586 : vector<1x16xf32> to vector<16xf32>
        %mul3A_2588 = arith.mulf %get3A_91, %get3A_2587 : vector<16xf32>
        %add3A_2589 = arith.addf %add3A_2579, %mul3A_2588 : vector<16xf32>
        %swap3A_2590 = arith.index_cast %scan3A_28 : i32 to index
        %swap3A_2591 = arith.constant 224 : index
        %swap3A_2592 = tpu.vector_load %arg10[%swap3A_2590, %swap3A_2591] {strides = array<i32>} : memref<16x256xf32, #tpu.memory_space<vmem>>, vector<1x16xf32>,
        %swap3A_2593 = vector.shape_cast %swap3A_2592 : vector<1x16xf32> to vector<16xf32>
        %swap3A_2594 = vector.shape_cast %add3A_2589 : vector<16xf32> to vector<1x16xf32>
        tpu.vector_store %arg10[%swap3A_2590, %swap3A_2591], %swap3A_2594 {strides = array<i32>} : memref<16x256xf32, #tpu.memory_space<vmem>>, vector<1x16xf32>,
        %broadcast_in_dim3A_2595 = arith.constant 0.000000e+00 : f32
        %broadcast_in_dim3A_2596 = vector.broadcast %broadcast_in_dim3A_2595 : f32 to vector<16xf32>
        %mul3A_2597 = arith.constant 16 : i32
        %mul3A_2598 = arith.muli %scan3A_28, %mul3A_2597 : i32
        %add3A_2599 = arith.constant 0 : i32
        %add3A_2600 = arith.addi %mul3A_2598, %add3A_2599 : i32
        %get3A_2601 = arith.index_cast %add3A_2600 : i32 to index
        %get3A_2602 = arith.constant 240 : index
        %get3A_2603 = tpu.vector_load %arg9[%get3A_2601, %get3A_2602] {strides = array<i32>} : memref<256x256xf32, #tpu.memory_space<vmem>>, vector<1x16xf32>,
        %get3A_2604 = vector.shape_cast %get3A_2603 : vector<1x16xf32> to vector<16xf32>
        %mul3A_2605 = arith.mulf %get3A_31, %get3A_2604 : vector<16xf32>
        %add3A_2606 = arith.addf %broadcast_in_dim3A_2596, %mul3A_2605 : vector<16xf32>
        %mul3A_2607 = arith.constant 16 : i32
        %mul3A_2608 = arith.muli %scan3A_28, %mul3A_2607 : i32
        %add3A_2609 = arith.constant 1 : i32
        %add3A_2610 = arith.addi %mul3A_2608, %add3A_2609 : i32
        %get3A_2611 = arith.index_cast %add3A_2610 : i32 to index
        %get3A_2612 = arith.constant 240 : index
        %get3A_2613 = tpu.vector_load %arg9[%get3A_2611, %get3A_2612] {strides = array<i32>} : memref<256x256xf32, #tpu.memory_space<vmem>>, vector<1x16xf32>,
        %get3A_2614 = vector.shape_cast %get3A_2613 : vector<1x16xf32> to vector<16xf32>
        %mul3A_2615 = arith.mulf %get3A_35, %get3A_2614 : vector<16xf32>
        %add3A_2616 = arith.addf %add3A_2606, %mul3A_2615 : vector<16xf32>
        %mul3A_2617 = arith.constant 16 : i32
        %mul3A_2618 = arith.muli %scan3A_28, %mul3A_2617 : i32
        %add3A_2619 = arith.constant 2 : i32
        %add3A_2620 = arith.addi %mul3A_2618, %add3A_2619 : i32
        %get3A_2621 = arith.index_cast %add3A_2620 : i32 to index
        %get3A_2622 = arith.constant 240 : index
        %get3A_2623 = tpu.vector_load %arg9[%get3A_2621, %get3A_2622] {strides = array<i32>} : memref<256x256xf32, #tpu.memory_space<vmem>>, vector<1x16xf32>,
        %get3A_2624 = vector.shape_cast %get3A_2623 : vector<1x16xf32> to vector<16xf32>
        %mul3A_2625 = arith.mulf %get3A_39, %get3A_2624 : vector<16xf32>
        %add3A_2626 = arith.addf %add3A_2616, %mul3A_2625 : vector<16xf32>
        %mul3A_2627 = arith.constant 16 : i32
        %mul3A_2628 = arith.muli %scan3A_28, %mul3A_2627 : i32
        %add3A_2629 = arith.constant 3 : i32
        %add3A_2630 = arith.addi %mul3A_2628, %add3A_2629 : i32
        %get3A_2631 = arith.index_cast %add3A_2630 : i32 to index
        %get3A_2632 = arith.constant 240 : index
        %get3A_2633 = tpu.vector_load %arg9[%get3A_2631, %get3A_2632] {strides = array<i32>} : memref<256x256xf32, #tpu.memory_space<vmem>>, vector<1x16xf32>,
        %get3A_2634 = vector.shape_cast %get3A_2633 : vector<1x16xf32> to vector<16xf32>
        %mul3A_2635 = arith.mulf %get3A_43, %get3A_2634 : vector<16xf32>
        %add3A_2636 = arith.addf %add3A_2626, %mul3A_2635 : vector<16xf32>
        %mul3A_2637 = arith.constant 16 : i32
        %mul3A_2638 = arith.muli %scan3A_28, %mul3A_2637 : i32
        %add3A_2639 = arith.constant 4 : i32
        %add3A_2640 = arith.addi %mul3A_2638, %add3A_2639 : i32
        %get3A_2641 = arith.index_cast %add3A_2640 : i32 to index
        %get3A_2642 = arith.constant 240 : index
        %get3A_2643 = tpu.vector_load %arg9[%get3A_2641, %get3A_2642] {strides = array<i32>} : memref<256x256xf32, #tpu.memory_space<vmem>>, vector<1x16xf32>,
        %get3A_2644 = vector.shape_cast %get3A_2643 : vector<1x16xf32> to vector<16xf32>
        %mul3A_2645 = arith.mulf %get3A_47, %get3A_2644 : vector<16xf32>
        %add3A_2646 = arith.addf %add3A_2636, %mul3A_2645 : vector<16xf32>
        %mul3A_2647 = arith.constant 16 : i32
        %mul3A_2648 = arith.muli %scan3A_28, %mul3A_2647 : i32
        %add3A_2649 = arith.constant 5 : i32
        %add3A_2650 = arith.addi %mul3A_2648, %add3A_2649 : i32
        %get3A_2651 = arith.index_cast %add3A_2650 : i32 to index
        %get3A_2652 = arith.constant 240 : index
        %get3A_2653 = tpu.vector_load %arg9[%get3A_2651, %get3A_2652] {strides = array<i32>} : memref<256x256xf32, #tpu.memory_space<vmem>>, vector<1x16xf32>,
        %get3A_2654 = vector.shape_cast %get3A_2653 : vector<1x16xf32> to vector<16xf32>
        %mul3A_2655 = arith.mulf %get3A_51, %get3A_2654 : vector<16xf32>
        %add3A_2656 = arith.addf %add3A_2646, %mul3A_2655 : vector<16xf32>
        %mul3A_2657 = arith.constant 16 : i32
        %mul3A_2658 = arith.muli %scan3A_28, %mul3A_2657 : i32
        %add3A_2659 = arith.constant 6 : i32
        %add3A_2660 = arith.addi %mul3A_2658, %add3A_2659 : i32
        %get3A_2661 = arith.index_cast %add3A_2660 : i32 to index
        %get3A_2662 = arith.constant 240 : index
        %get3A_2663 = tpu.vector_load %arg9[%get3A_2661, %get3A_2662] {strides = array<i32>} : memref<256x256xf32, #tpu.memory_space<vmem>>, vector<1x16xf32>,
        %get3A_2664 = vector.shape_cast %get3A_2663 : vector<1x16xf32> to vector<16xf32>
        %mul3A_2665 = arith.mulf %get3A_55, %get3A_2664 : vector<16xf32>
        %add3A_2666 = arith.addf %add3A_2656, %mul3A_2665 : vector<16xf32>
        %mul3A_2667 = arith.constant 16 : i32
        %mul3A_2668 = arith.muli %scan3A_28, %mul3A_2667 : i32
        %add3A_2669 = arith.constant 7 : i32
        %add3A_2670 = arith.addi %mul3A_2668, %add3A_2669 : i32
        %get3A_2671 = arith.index_cast %add3A_2670 : i32 to index
        %get3A_2672 = arith.constant 240 : index
        %get3A_2673 = tpu.vector_load %arg9[%get3A_2671, %get3A_2672] {strides = array<i32>} : memref<256x256xf32, #tpu.memory_space<vmem>>, vector<1x16xf32>,
        %get3A_2674 = vector.shape_cast %get3A_2673 : vector<1x16xf32> to vector<16xf32>
        %mul3A_2675 = arith.mulf %get3A_59, %get3A_2674 : vector<16xf32>
        %add3A_2676 = arith.addf %add3A_2666, %mul3A_2675 : vector<16xf32>
        %mul3A_2677 = arith.constant 16 : i32
        %mul3A_2678 = arith.muli %scan3A_28, %mul3A_2677 : i32
        %add3A_2679 = arith.constant 8 : i32
        %add3A_2680 = arith.addi %mul3A_2678, %add3A_2679 : i32
        %get3A_2681 = arith.index_cast %add3A_2680 : i32 to index
        %get3A_2682 = arith.constant 240 : index
        %get3A_2683 = tpu.vector_load %arg9[%get3A_2681, %get3A_2682] {strides = array<i32>} : memref<256x256xf32, #tpu.memory_space<vmem>>, vector<1x16xf32>,
        %get3A_2684 = vector.shape_cast %get3A_2683 : vector<1x16xf32> to vector<16xf32>
        %mul3A_2685 = arith.mulf %get3A_63, %get3A_2684 : vector<16xf32>
        %add3A_2686 = arith.addf %add3A_2676, %mul3A_2685 : vector<16xf32>
        %mul3A_2687 = arith.constant 16 : i32
        %mul3A_2688 = arith.muli %scan3A_28, %mul3A_2687 : i32
        %add3A_2689 = arith.constant 9 : i32
        %add3A_2690 = arith.addi %mul3A_2688, %add3A_2689 : i32
        %get3A_2691 = arith.index_cast %add3A_2690 : i32 to index
        %get3A_2692 = arith.constant 240 : index
        %get3A_2693 = tpu.vector_load %arg9[%get3A_2691, %get3A_2692] {strides = array<i32>} : memref<256x256xf32, #tpu.memory_space<vmem>>, vector<1x16xf32>,
        %get3A_2694 = vector.shape_cast %get3A_2693 : vector<1x16xf32> to vector<16xf32>
        %mul3A_2695 = arith.mulf %get3A_67, %get3A_2694 : vector<16xf32>
        %add3A_2696 = arith.addf %add3A_2686, %mul3A_2695 : vector<16xf32>
        %mul3A_2697 = arith.constant 16 : i32
        %mul3A_2698 = arith.muli %scan3A_28, %mul3A_2697 : i32
        %add3A_2699 = arith.constant 10 : i32
        %add3A_2700 = arith.addi %mul3A_2698, %add3A_2699 : i32
        %get3A_2701 = arith.index_cast %add3A_2700 : i32 to index
        %get3A_2702 = arith.constant 240 : index
        %get3A_2703 = tpu.vector_load %arg9[%get3A_2701, %get3A_2702] {strides = array<i32>} : memref<256x256xf32, #tpu.memory_space<vmem>>, vector<1x16xf32>,
        %get3A_2704 = vector.shape_cast %get3A_2703 : vector<1x16xf32> to vector<16xf32>
        %mul3A_2705 = arith.mulf %get3A_71, %get3A_2704 : vector<16xf32>
        %add3A_2706 = arith.addf %add3A_2696, %mul3A_2705 : vector<16xf32>
        %mul3A_2707 = arith.constant 16 : i32
        %mul3A_2708 = arith.muli %scan3A_28, %mul3A_2707 : i32
        %add3A_2709 = arith.constant 11 : i32
        %add3A_2710 = arith.addi %mul3A_2708, %add3A_2709 : i32
        %get3A_2711 = arith.index_cast %add3A_2710 : i32 to index
        %get3A_2712 = arith.constant 240 : index
        %get3A_2713 = tpu.vector_load %arg9[%get3A_2711, %get3A_2712] {strides = array<i32>} : memref<256x256xf32, #tpu.memory_space<vmem>>, vector<1x16xf32>,
        %get3A_2714 = vector.shape_cast %get3A_2713 : vector<1x16xf32> to vector<16xf32>
        %mul3A_2715 = arith.mulf %get3A_75, %get3A_2714 : vector<16xf32>
        %add3A_2716 = arith.addf %add3A_2706, %mul3A_2715 : vector<16xf32>
        %mul3A_2717 = arith.constant 16 : i32
        %mul3A_2718 = arith.muli %scan3A_28, %mul3A_2717 : i32
        %add3A_2719 = arith.constant 12 : i32
        %add3A_2720 = arith.addi %mul3A_2718, %add3A_2719 : i32
        %get3A_2721 = arith.index_cast %add3A_2720 : i32 to index
        %get3A_2722 = arith.constant 240 : index
        %get3A_2723 = tpu.vector_load %arg9[%get3A_2721, %get3A_2722] {strides = array<i32>} : memref<256x256xf32, #tpu.memory_space<vmem>>, vector<1x16xf32>,
        %get3A_2724 = vector.shape_cast %get3A_2723 : vector<1x16xf32> to vector<16xf32>
        %mul3A_2725 = arith.mulf %get3A_79, %get3A_2724 : vector<16xf32>
        %add3A_2726 = arith.addf %add3A_2716, %mul3A_2725 : vector<16xf32>
        %mul3A_2727 = arith.constant 16 : i32
        %mul3A_2728 = arith.muli %scan3A_28, %mul3A_2727 : i32
        %add3A_2729 = arith.constant 13 : i32
        %add3A_2730 = arith.addi %mul3A_2728, %add3A_2729 : i32
        %get3A_2731 = arith.index_cast %add3A_2730 : i32 to index
        %get3A_2732 = arith.constant 240 : index
        %get3A_2733 = tpu.vector_load %arg9[%get3A_2731, %get3A_2732] {strides = array<i32>} : memref<256x256xf32, #tpu.memory_space<vmem>>, vector<1x16xf32>,
        %get3A_2734 = vector.shape_cast %get3A_2733 : vector<1x16xf32> to vector<16xf32>
        %mul3A_2735 = arith.mulf %get3A_83, %get3A_2734 : vector<16xf32>
        %add3A_2736 = arith.addf %add3A_2726, %mul3A_2735 : vector<16xf32>
        %mul3A_2737 = arith.constant 16 : i32
        %mul3A_2738 = arith.muli %scan3A_28, %mul3A_2737 : i32
        %add3A_2739 = arith.constant 14 : i32
        %add3A_2740 = arith.addi %mul3A_2738, %add3A_2739 : i32
        %get3A_2741 = arith.index_cast %add3A_2740 : i32 to index
        %get3A_2742 = arith.constant 240 : index
        %get3A_2743 = tpu.vector_load %arg9[%get3A_2741, %get3A_2742] {strides = array<i32>} : memref<256x256xf32, #tpu.memory_space<vmem>>, vector<1x16xf32>,
        %get3A_2744 = vector.shape_cast %get3A_2743 : vector<1x16xf32> to vector<16xf32>
        %mul3A_2745 = arith.mulf %get3A_87, %get3A_2744 : vector<16xf32>
        %add3A_2746 = arith.addf %add3A_2736, %mul3A_2745 : vector<16xf32>
        %mul3A_2747 = arith.constant 16 : i32
        %mul3A_2748 = arith.muli %scan3A_28, %mul3A_2747 : i32
        %add3A_2749 = arith.constant 15 : i32
        %add3A_2750 = arith.addi %mul3A_2748, %add3A_2749 : i32
        %get3A_2751 = arith.index_cast %add3A_2750 : i32 to index
        %get3A_2752 = arith.constant 240 : index
        %get3A_2753 = tpu.vector_load %arg9[%get3A_2751, %get3A_2752] {strides = array<i32>} : memref<256x256xf32, #tpu.memory_space<vmem>>, vector<1x16xf32>,
        %get3A_2754 = vector.shape_cast %get3A_2753 : vector<1x16xf32> to vector<16xf32>
        %mul3A_2755 = arith.mulf %get3A_91, %get3A_2754 : vector<16xf32>
        %add3A_2756 = arith.addf %add3A_2746, %mul3A_2755 : vector<16xf32>
        %swap3A_2757 = arith.index_cast %scan3A_28 : i32 to index
        %swap3A_2758 = arith.constant 240 : index
        %swap3A_2759 = tpu.vector_load %arg10[%swap3A_2757, %swap3A_2758] {strides = array<i32>} : memref<16x256xf32, #tpu.memory_space<vmem>>, vector<1x16xf32>,
        %swap3A_2760 = vector.shape_cast %swap3A_2759 : vector<1x16xf32> to vector<16xf32>
        %swap3A_2761 = vector.shape_cast %add3A_2756 : vector<16xf32> to vector<1x16xf32>
        tpu.vector_store %arg10[%swap3A_2757, %swap3A_2758], %swap3A_2761 {strides = array<i32>} : memref<16x256xf32, #tpu.memory_space<vmem>>, vector<1x16xf32>,
      }
      %scan3A_27 = arith.constant 16 : i32
      "tpu.region"() ({
        %run_scoped3A = tpu.sem_alloc : memref<!tpu.dma_semaphore, #tpu.memory_space<semaphore_mem>>
        %dma_start3A_28 = arith.constant 0 : i32
        %dma_start3A_29 = tpu.memref_slice %arg5[%add3A_11, %dma_start3A_28] : memref<16384x256xf32, #tpu.memory_space<hbm>> -> memref<16x256xf32, #tpu.memory_space<hbm>>
        %dma_start3A_30 = arith.constant 0 : i32
        %dma_start3A_31 = tpu.memref_slice %arg5[%add3A_11, %dma_start3A_30] : memref<16384x256xf32, #tpu.memory_space<hbm>> -> memref<16x256xf32, #tpu.memory_space<hbm>>
        tpu.enqueue_dma source(%arg10 : memref<16x256xf32, #tpu.memory_space<vmem>>) target(%dma_start3A_31 : memref<16x256xf32, #tpu.memory_space<hbm>>) target_semaphore(%run_scoped3A : memref<!tpu.dma_semaphore, #tpu.memory_space<semaphore_mem>>)
        %dma_wait3A_32 = arith.constant 0 : i32
        %dma_wait3A_33 = tpu.memref_slice %arg5[%add3A_11, %dma_wait3A_32] : memref<16384x256xf32, #tpu.memory_space<hbm>> -> memref<16x256xf32, #tpu.memory_space<hbm>>
        %dma_wait3A_34 = arith.constant 0 : i32
        %dma_wait3A_35 = tpu.memref_slice %arg5[%add3A_11, %dma_wait3A_34] : memref<16384x256xf32, #tpu.memory_space<hbm>> -> memref<16x256xf32, #tpu.memory_space<hbm>>
        tpu.wait_dma2 semaphore(%run_scoped3A : memref<!tpu.dma_semaphore, #tpu.memory_space<semaphore_mem>>) src(%arg10 : memref<16x256xf32, #tpu.memory_space<vmem>>) dst(%dma_wait3A_35 : memref<16x256xf32, #tpu.memory_space<hbm>>)
        tpu.yield
      }) : () -> ()
    }
    %scan3A_7 = arith.constant 32 : i32
    return
  }
}

module attributes {stable_mosaic.version = 14 : i64} {
  func.func @body(%arg0: i32, %arg1: memref<64xi32, #tpu.memory_space<smem>>, %arg2: memref<64xi32, #tpu.memory_space<smem>>, %arg3: memref<3x4096xf32, #tpu.memory_space<vmem>>, %arg4: memref<1x4096xf32, #tpu.memory_space<vmem>>, %arg5: memref<256x3xf32, #tpu.memory_space<vmem>>, %arg6: memref<256x1xf32, #tpu.memory_space<vmem>>, %arg7: memref<256x16xi32, #tpu.memory_space<vmem>>, %arg8: memref<256x256xf32, #tpu.memory_space<vmem>>, %arg9: memref<256x4096xi32, #tpu.memory_space<vmem>>) attributes {dimension_semantics = [#tpu.dimension_semantics<arbitrary>], iteration_bounds = array<i64: 64>, scalar_prefetch = 0 : i64, scratch_operands = 1 : i64, tpu.core_type = #tpu.core_type<tc>, window_params = [{transform_indices = @transform_0, window_bounds = array<i64: 64>}, {transform_indices = @transform_1, window_bounds = array<i64: 64>}, {pipeline_mode = #tpu.pipeline_mode<synchronous>, transform_indices = @transform_2, window_bounds = array<i64: 3, 4096>}, {pipeline_mode = #tpu.pipeline_mode<synchronous>, transform_indices = @transform_3, window_bounds = array<i64: 1, 4096>}, {transform_indices = @transform_4, window_bounds = array<i64: 256, 3>}, {transform_indices = @transform_5, window_bounds = array<i64: 256, 1>}, {transform_indices = @transform_6, window_bounds = array<i64: 256, 16>}, {transform_indices = @transform_7, window_bounds = array<i64: 256, 256>}]} {
    %get3A = arith.constant 0 : index
    %get3A_0 = arith.constant 0 : index
    %get3A_1 = vector.load %arg5[%get3A, %get3A_0] : memref<256x3xf32, #tpu.memory_space<vmem>>, vector<256x3xf32>
    %mul3A = arith.mulf %get3A_1, %get3A_1 : vector<256x3xf32>
    %reduce_sum3A = arith.constant dense<0.000000e+00> : vector<256xf32>
    %reduce_sum3A_2 = vector.multi_reduction <add>, %mul3A, %reduce_sum3A [1] : vector<256x3xf32> to vector<256xf32>
    %broadcast_in_dim3A = vector.shape_cast %reduce_sum3A_2 : vector<256xf32> to vector<256x1xf32>
    %get3A_3 = arith.index_cast %arg0 : i32 to index
    %get3A_4 = memref.load %arg2[%get3A_3] : memref<64xi32, #tpu.memory_space<smem>>
    %eq3A = arith.constant 1 : i32
    %eq3A_5 = arith.cmpi eq, %get3A_4, %eq3A : i32
    %convert_element_type3A = arith.extui %eq3A_5 : i1 to i32
    %cond3A = arith.constant 0 : i32
    %cond3A_6 = arith.cmpi ne, %convert_element_type3A, %cond3A : i32
    scf.if %cond3A_6 {
      %get3A_14 = arith.index_cast %arg0 : i32 to index
      %get3A_15 = memref.load %arg1[%get3A_14] : memref<64xi32, #tpu.memory_space<smem>>
      %multiple_of3A = tpu.assume_multiple %get3A_15, 128 : i32
      %get3A_16 = arith.constant 0 : index
      %get3A_17 = arith.index_cast %multiple_of3A : i32 to index
      %get3A_18 = vector.load %arg3[%get3A_16, %get3A_17] : memref<3x4096xf32, #tpu.memory_space<vmem>>, vector<3x1536xf32>
      %mul3A_19 = arith.mulf %get3A_18, %get3A_18 : vector<3x1536xf32>
      %reduce_sum3A_20 = arith.constant dense<0.000000e+00> : vector<1536xf32>
      %reduce_sum3A_21 = vector.multi_reduction <add>, %mul3A_19, %reduce_sum3A_20 [0] : vector<3x1536xf32> to vector<1536xf32>
      %broadcast_in_dim3A_22 = vector.shape_cast %reduce_sum3A_21 : vector<1536xf32> to vector<1x1536xf32>
      %add3A = vector.broadcast %broadcast_in_dim3A : vector<256x1xf32> to vector<256x1536xf32>
      %add3A_23 = vector.broadcast %broadcast_in_dim3A_22 : vector<1x1536xf32> to vector<256x1536xf32>
      %add3A_24 = arith.addf %add3A, %add3A_23 : vector<256x1536xf32>
      %dot_general3A = arith.constant dense<0.000000e+00> : vector<256x1536xf32>
      %dot_general3A_25 = tpu.matmul %get3A_1, %get3A_18, %dot_general3A {dimension_numbers = #tpu.dot_dimension_numbers<[1], [0], [0], [1], [0, 0, 1, 1], [], []>, transpose_lhs_hint = false} : vector<256x3xf32>, vector<3x1536xf32>, vector<256x1536xf32> -> vector<256x1536xf32>
      %mul3A_26 = arith.constant 2.000000e+00 : f32
      %mul3A_27 = vector.broadcast %mul3A_26 : f32 to vector<256x1536xf32>
      %mul3A_28 = arith.mulf %mul3A_27, %dot_general3A_25 : vector<256x1536xf32>
      %sub3A = arith.subf %add3A_24, %mul3A_28 : vector<256x1536xf32>
      %get3A_29 = arith.constant 0 : index
      %get3A_30 = arith.constant 0 : index
      %get3A_31 = vector.load %arg6[%get3A_29, %get3A_30] : memref<256x1xf32, #tpu.memory_space<vmem>>, vector<256x1xf32>
      %get3A_32 = arith.constant 0 : index
      %get3A_33 = arith.index_cast %multiple_of3A : i32 to index
      %get3A_34 = vector.load %arg4[%get3A_32, %get3A_33] : memref<1x4096xf32, #tpu.memory_space<vmem>>, vector<1x1536xf32>
      %ne3A = vector.broadcast %get3A_31 : vector<256x1xf32> to vector<256x1536xf32>
      %ne3A_35 = vector.broadcast %get3A_34 : vector<1x1536xf32> to vector<256x1536xf32>
      %ne3A_36 = arith.cmpf one, %ne3A, %ne3A_35 : vector<256x1536xf32>
      %jit3A = arith.constant 0x7F800000 : f32
      %broadcast_in_dim3A_37 = vector.broadcast %jit3A : f32 to vector<256x1536xf32>
      %select_n3A = arith.select %ne3A_36, %broadcast_in_dim3A_37, %sub3A : vector<256x1536xi1>, vector<256x1536xf32>
      %iota3A = tpu.iota {dimensions = array<i32: 1>} : vector<256x1536xi32>
      %add3A_38 = vector.broadcast %multiple_of3A : i32 to vector<256x1536xi32>
      %add3A_39 = arith.addi %iota3A, %add3A_38 : vector<256x1536xi32>
      %bitcast_convert_type3A = tpu.bitcast %select_n3A : vector<256x1536xf32> -> vector<256x1536xi32>
      %and3A = arith.constant -4096 : i32
      %and3A_40 = vector.broadcast %and3A : i32 to vector<256x1536xi32>
      %and3A_41 = arith.andi %bitcast_convert_type3A, %and3A_40 : vector<256x1536xi32>
      %or3A = arith.ori %and3A_41, %add3A_39 : vector<256x1536xi32>
      %swap3A = arith.constant 0 : index
      %swap3A_42 = arith.constant 0 : index
      %swap3A_43 = vector.load %arg9[%swap3A, %swap3A_42] : memref<256x4096xi32, #tpu.memory_space<vmem>>, vector<256x1536xi32>
      tpu.vector_store %arg9[%swap3A, %swap3A_42], %or3A {strides = array<i32>} : memref<256x4096xi32, #tpu.memory_space<vmem>>, vector<256x1536xi32>,
      %get3A_44 = arith.constant 0 : index
      %get3A_45 = arith.constant 0 : index
      %get3A_46 = vector.load %arg9[%get3A_44, %get3A_45] : memref<256x4096xi32, #tpu.memory_space<vmem>>, vector<256x1536xi32>
      %reduce_min3A = arith.constant dense<2147483647> : vector<256xi32>
      %reduce_min3A_47 = vector.multi_reduction <minsi>, %get3A_46, %reduce_min3A [1] : vector<256x1536xi32> to vector<256xi32>
      %broadcast_in_dim3A_48 = vector.shape_cast %reduce_min3A_47 : vector<256xi32> to vector<256x1xi32>
      %eq3A_49 = vector.broadcast %broadcast_in_dim3A_48 : vector<256x1xi32> to vector<256x1536xi32>
      %eq3A_50 = arith.cmpi eq, %get3A_46, %eq3A_49 : vector<256x1536xi32>
      %jit3A_51 = arith.constant 2147483647 : i32
      %broadcast_in_dim3A_52 = vector.broadcast %jit3A_51 : i32 to vector<256x1536xi32>
      %select_n3A_53 = arith.select %eq3A_50, %broadcast_in_dim3A_52, %get3A_46 : vector<256x1536xi1>, vector<256x1536xi32>
      %swap3A_54 = arith.constant 0 : index
      %swap3A_55 = arith.constant 0 : index
      %swap3A_56 = vector.load %arg9[%swap3A_54, %swap3A_55] : memref<256x4096xi32, #tpu.memory_space<vmem>>, vector<256x1536xi32>
      tpu.vector_store %arg9[%swap3A_54, %swap3A_55], %select_n3A_53 {strides = array<i32>} : memref<256x4096xi32, #tpu.memory_space<vmem>>, vector<256x1536xi32>,
      %get3A_57 = arith.constant 0 : index
      %get3A_58 = arith.constant 0 : index
      %get3A_59 = vector.load %arg9[%get3A_57, %get3A_58] : memref<256x4096xi32, #tpu.memory_space<vmem>>, vector<256x1536xi32>
      %reduce_min3A_60 = arith.constant dense<2147483647> : vector<256xi32>
      %reduce_min3A_61 = vector.multi_reduction <minsi>, %get3A_59, %reduce_min3A_60 [1] : vector<256x1536xi32> to vector<256xi32>
      %broadcast_in_dim3A_62 = vector.shape_cast %reduce_min3A_61 : vector<256xi32> to vector<256x1xi32>
      %eq3A_63 = vector.broadcast %broadcast_in_dim3A_62 : vector<256x1xi32> to vector<256x1536xi32>
      %eq3A_64 = arith.cmpi eq, %get3A_59, %eq3A_63 : vector<256x1536xi32>
      %jit3A_65 = arith.constant 2147483647 : i32
      %broadcast_in_dim3A_66 = vector.broadcast %jit3A_65 : i32 to vector<256x1536xi32>
      %select_n3A_67 = arith.select %eq3A_64, %broadcast_in_dim3A_66, %get3A_59 : vector<256x1536xi1>, vector<256x1536xi32>
      %swap3A_68 = arith.constant 0 : index
      %swap3A_69 = arith.constant 0 : index
      %swap3A_70 = vector.load %arg9[%swap3A_68, %swap3A_69] : memref<256x4096xi32, #tpu.memory_space<vmem>>, vector<256x1536xi32>
      tpu.vector_store %arg9[%swap3A_68, %swap3A_69], %select_n3A_67 {strides = array<i32>} : memref<256x4096xi32, #tpu.memory_space<vmem>>, vector<256x1536xi32>,
      %get3A_71 = arith.constant 0 : index
      %get3A_72 = arith.constant 0 : index
      %get3A_73 = vector.load %arg9[%get3A_71, %get3A_72] : memref<256x4096xi32, #tpu.memory_space<vmem>>, vector<256x1536xi32>
      %reduce_min3A_74 = arith.constant dense<2147483647> : vector<256xi32>
      %reduce_min3A_75 = vector.multi_reduction <minsi>, %get3A_73, %reduce_min3A_74 [1] : vector<256x1536xi32> to vector<256xi32>
      %broadcast_in_dim3A_76 = vector.shape_cast %reduce_min3A_75 : vector<256xi32> to vector<256x1xi32>
      %eq3A_77 = vector.broadcast %broadcast_in_dim3A_76 : vector<256x1xi32> to vector<256x1536xi32>
      %eq3A_78 = arith.cmpi eq, %get3A_73, %eq3A_77 : vector<256x1536xi32>
      %jit3A_79 = arith.constant 2147483647 : i32
      %broadcast_in_dim3A_80 = vector.broadcast %jit3A_79 : i32 to vector<256x1536xi32>
      %select_n3A_81 = arith.select %eq3A_78, %broadcast_in_dim3A_80, %get3A_73 : vector<256x1536xi1>, vector<256x1536xi32>
      %swap3A_82 = arith.constant 0 : index
      %swap3A_83 = arith.constant 0 : index
      %swap3A_84 = vector.load %arg9[%swap3A_82, %swap3A_83] : memref<256x4096xi32, #tpu.memory_space<vmem>>, vector<256x1536xi32>
      tpu.vector_store %arg9[%swap3A_82, %swap3A_83], %select_n3A_81 {strides = array<i32>} : memref<256x4096xi32, #tpu.memory_space<vmem>>, vector<256x1536xi32>,
      %get3A_85 = arith.constant 0 : index
      %get3A_86 = arith.constant 0 : index
      %get3A_87 = vector.load %arg9[%get3A_85, %get3A_86] : memref<256x4096xi32, #tpu.memory_space<vmem>>, vector<256x1536xi32>
      %reduce_min3A_88 = arith.constant dense<2147483647> : vector<256xi32>
      %reduce_min3A_89 = vector.multi_reduction <minsi>, %get3A_87, %reduce_min3A_88 [1] : vector<256x1536xi32> to vector<256xi32>
      %broadcast_in_dim3A_90 = vector.shape_cast %reduce_min3A_89 : vector<256xi32> to vector<256x1xi32>
      %eq3A_91 = vector.broadcast %broadcast_in_dim3A_90 : vector<256x1xi32> to vector<256x1536xi32>
      %eq3A_92 = arith.cmpi eq, %get3A_87, %eq3A_91 : vector<256x1536xi32>
      %jit3A_93 = arith.constant 2147483647 : i32
      %broadcast_in_dim3A_94 = vector.broadcast %jit3A_93 : i32 to vector<256x1536xi32>
      %select_n3A_95 = arith.select %eq3A_92, %broadcast_in_dim3A_94, %get3A_87 : vector<256x1536xi1>, vector<256x1536xi32>
      %swap3A_96 = arith.constant 0 : index
      %swap3A_97 = arith.constant 0 : index
      %swap3A_98 = vector.load %arg9[%swap3A_96, %swap3A_97] : memref<256x4096xi32, #tpu.memory_space<vmem>>, vector<256x1536xi32>
      tpu.vector_store %arg9[%swap3A_96, %swap3A_97], %select_n3A_95 {strides = array<i32>} : memref<256x4096xi32, #tpu.memory_space<vmem>>, vector<256x1536xi32>,
      %get3A_99 = arith.constant 0 : index
      %get3A_100 = arith.constant 0 : index
      %get3A_101 = vector.load %arg9[%get3A_99, %get3A_100] : memref<256x4096xi32, #tpu.memory_space<vmem>>, vector<256x1536xi32>
      %reduce_min3A_102 = arith.constant dense<2147483647> : vector<256xi32>
      %reduce_min3A_103 = vector.multi_reduction <minsi>, %get3A_101, %reduce_min3A_102 [1] : vector<256x1536xi32> to vector<256xi32>
      %broadcast_in_dim3A_104 = vector.shape_cast %reduce_min3A_103 : vector<256xi32> to vector<256x1xi32>
      %eq3A_105 = vector.broadcast %broadcast_in_dim3A_104 : vector<256x1xi32> to vector<256x1536xi32>
      %eq3A_106 = arith.cmpi eq, %get3A_101, %eq3A_105 : vector<256x1536xi32>
      %jit3A_107 = arith.constant 2147483647 : i32
      %broadcast_in_dim3A_108 = vector.broadcast %jit3A_107 : i32 to vector<256x1536xi32>
      %select_n3A_109 = arith.select %eq3A_106, %broadcast_in_dim3A_108, %get3A_101 : vector<256x1536xi1>, vector<256x1536xi32>
      %swap3A_110 = arith.constant 0 : index
      %swap3A_111 = arith.constant 0 : index
      %swap3A_112 = vector.load %arg9[%swap3A_110, %swap3A_111] : memref<256x4096xi32, #tpu.memory_space<vmem>>, vector<256x1536xi32>
      tpu.vector_store %arg9[%swap3A_110, %swap3A_111], %select_n3A_109 {strides = array<i32>} : memref<256x4096xi32, #tpu.memory_space<vmem>>, vector<256x1536xi32>,
      %get3A_113 = arith.constant 0 : index
      %get3A_114 = arith.constant 0 : index
      %get3A_115 = vector.load %arg9[%get3A_113, %get3A_114] : memref<256x4096xi32, #tpu.memory_space<vmem>>, vector<256x1536xi32>
      %reduce_min3A_116 = arith.constant dense<2147483647> : vector<256xi32>
      %reduce_min3A_117 = vector.multi_reduction <minsi>, %get3A_115, %reduce_min3A_116 [1] : vector<256x1536xi32> to vector<256xi32>
      %broadcast_in_dim3A_118 = vector.shape_cast %reduce_min3A_117 : vector<256xi32> to vector<256x1xi32>
      %eq3A_119 = vector.broadcast %broadcast_in_dim3A_118 : vector<256x1xi32> to vector<256x1536xi32>
      %eq3A_120 = arith.cmpi eq, %get3A_115, %eq3A_119 : vector<256x1536xi32>
      %jit3A_121 = arith.constant 2147483647 : i32
      %broadcast_in_dim3A_122 = vector.broadcast %jit3A_121 : i32 to vector<256x1536xi32>
      %select_n3A_123 = arith.select %eq3A_120, %broadcast_in_dim3A_122, %get3A_115 : vector<256x1536xi1>, vector<256x1536xi32>
      %swap3A_124 = arith.constant 0 : index
      %swap3A_125 = arith.constant 0 : index
      %swap3A_126 = vector.load %arg9[%swap3A_124, %swap3A_125] : memref<256x4096xi32, #tpu.memory_space<vmem>>, vector<256x1536xi32>
      tpu.vector_store %arg9[%swap3A_124, %swap3A_125], %select_n3A_123 {strides = array<i32>} : memref<256x4096xi32, #tpu.memory_space<vmem>>, vector<256x1536xi32>,
      %get3A_127 = arith.constant 0 : index
      %get3A_128 = arith.constant 0 : index
      %get3A_129 = vector.load %arg9[%get3A_127, %get3A_128] : memref<256x4096xi32, #tpu.memory_space<vmem>>, vector<256x1536xi32>
      %reduce_min3A_130 = arith.constant dense<2147483647> : vector<256xi32>
      %reduce_min3A_131 = vector.multi_reduction <minsi>, %get3A_129, %reduce_min3A_130 [1] : vector<256x1536xi32> to vector<256xi32>
      %broadcast_in_dim3A_132 = vector.shape_cast %reduce_min3A_131 : vector<256xi32> to vector<256x1xi32>
      %eq3A_133 = vector.broadcast %broadcast_in_dim3A_132 : vector<256x1xi32> to vector<256x1536xi32>
      %eq3A_134 = arith.cmpi eq, %get3A_129, %eq3A_133 : vector<256x1536xi32>
      %jit3A_135 = arith.constant 2147483647 : i32
      %broadcast_in_dim3A_136 = vector.broadcast %jit3A_135 : i32 to vector<256x1536xi32>
      %select_n3A_137 = arith.select %eq3A_134, %broadcast_in_dim3A_136, %get3A_129 : vector<256x1536xi1>, vector<256x1536xi32>
      %swap3A_138 = arith.constant 0 : index
      %swap3A_139 = arith.constant 0 : index
      %swap3A_140 = vector.load %arg9[%swap3A_138, %swap3A_139] : memref<256x4096xi32, #tpu.memory_space<vmem>>, vector<256x1536xi32>
      tpu.vector_store %arg9[%swap3A_138, %swap3A_139], %select_n3A_137 {strides = array<i32>} : memref<256x4096xi32, #tpu.memory_space<vmem>>, vector<256x1536xi32>,
      %get3A_141 = arith.constant 0 : index
      %get3A_142 = arith.constant 0 : index
      %get3A_143 = vector.load %arg9[%get3A_141, %get3A_142] : memref<256x4096xi32, #tpu.memory_space<vmem>>, vector<256x1536xi32>
      %reduce_min3A_144 = arith.constant dense<2147483647> : vector<256xi32>
      %reduce_min3A_145 = vector.multi_reduction <minsi>, %get3A_143, %reduce_min3A_144 [1] : vector<256x1536xi32> to vector<256xi32>
      %broadcast_in_dim3A_146 = vector.shape_cast %reduce_min3A_145 : vector<256xi32> to vector<256x1xi32>
      %eq3A_147 = vector.broadcast %broadcast_in_dim3A_146 : vector<256x1xi32> to vector<256x1536xi32>
      %eq3A_148 = arith.cmpi eq, %get3A_143, %eq3A_147 : vector<256x1536xi32>
      %jit3A_149 = arith.constant 2147483647 : i32
      %broadcast_in_dim3A_150 = vector.broadcast %jit3A_149 : i32 to vector<256x1536xi32>
      %select_n3A_151 = arith.select %eq3A_148, %broadcast_in_dim3A_150, %get3A_143 : vector<256x1536xi1>, vector<256x1536xi32>
      %swap3A_152 = arith.constant 0 : index
      %swap3A_153 = arith.constant 0 : index
      %swap3A_154 = vector.load %arg9[%swap3A_152, %swap3A_153] : memref<256x4096xi32, #tpu.memory_space<vmem>>, vector<256x1536xi32>
      tpu.vector_store %arg9[%swap3A_152, %swap3A_153], %select_n3A_151 {strides = array<i32>} : memref<256x4096xi32, #tpu.memory_space<vmem>>, vector<256x1536xi32>,
      %get3A_155 = arith.constant 0 : index
      %get3A_156 = arith.constant 0 : index
      %get3A_157 = vector.load %arg9[%get3A_155, %get3A_156] : memref<256x4096xi32, #tpu.memory_space<vmem>>, vector<256x1536xi32>
      %reduce_min3A_158 = arith.constant dense<2147483647> : vector<256xi32>
      %reduce_min3A_159 = vector.multi_reduction <minsi>, %get3A_157, %reduce_min3A_158 [1] : vector<256x1536xi32> to vector<256xi32>
      %broadcast_in_dim3A_160 = vector.shape_cast %reduce_min3A_159 : vector<256xi32> to vector<256x1xi32>
      %eq3A_161 = vector.broadcast %broadcast_in_dim3A_160 : vector<256x1xi32> to vector<256x1536xi32>
      %eq3A_162 = arith.cmpi eq, %get3A_157, %eq3A_161 : vector<256x1536xi32>
      %jit3A_163 = arith.constant 2147483647 : i32
      %broadcast_in_dim3A_164 = vector.broadcast %jit3A_163 : i32 to vector<256x1536xi32>
      %select_n3A_165 = arith.select %eq3A_162, %broadcast_in_dim3A_164, %get3A_157 : vector<256x1536xi1>, vector<256x1536xi32>
      %swap3A_166 = arith.constant 0 : index
      %swap3A_167 = arith.constant 0 : index
      %swap3A_168 = vector.load %arg9[%swap3A_166, %swap3A_167] : memref<256x4096xi32, #tpu.memory_space<vmem>>, vector<256x1536xi32>
      tpu.vector_store %arg9[%swap3A_166, %swap3A_167], %select_n3A_165 {strides = array<i32>} : memref<256x4096xi32, #tpu.memory_space<vmem>>, vector<256x1536xi32>,
      %get3A_169 = arith.constant 0 : index
      %get3A_170 = arith.constant 0 : index
      %get3A_171 = vector.load %arg9[%get3A_169, %get3A_170] : memref<256x4096xi32, #tpu.memory_space<vmem>>, vector<256x1536xi32>
      %reduce_min3A_172 = arith.constant dense<2147483647> : vector<256xi32>
      %reduce_min3A_173 = vector.multi_reduction <minsi>, %get3A_171, %reduce_min3A_172 [1] : vector<256x1536xi32> to vector<256xi32>
      %broadcast_in_dim3A_174 = vector.shape_cast %reduce_min3A_173 : vector<256xi32> to vector<256x1xi32>
      %eq3A_175 = vector.broadcast %broadcast_in_dim3A_174 : vector<256x1xi32> to vector<256x1536xi32>
      %eq3A_176 = arith.cmpi eq, %get3A_171, %eq3A_175 : vector<256x1536xi32>
      %jit3A_177 = arith.constant 2147483647 : i32
      %broadcast_in_dim3A_178 = vector.broadcast %jit3A_177 : i32 to vector<256x1536xi32>
      %select_n3A_179 = arith.select %eq3A_176, %broadcast_in_dim3A_178, %get3A_171 : vector<256x1536xi1>, vector<256x1536xi32>
      %swap3A_180 = arith.constant 0 : index
      %swap3A_181 = arith.constant 0 : index
      %swap3A_182 = vector.load %arg9[%swap3A_180, %swap3A_181] : memref<256x4096xi32, #tpu.memory_space<vmem>>, vector<256x1536xi32>
      tpu.vector_store %arg9[%swap3A_180, %swap3A_181], %select_n3A_179 {strides = array<i32>} : memref<256x4096xi32, #tpu.memory_space<vmem>>, vector<256x1536xi32>,
      %get3A_183 = arith.constant 0 : index
      %get3A_184 = arith.constant 0 : index
      %get3A_185 = vector.load %arg9[%get3A_183, %get3A_184] : memref<256x4096xi32, #tpu.memory_space<vmem>>, vector<256x1536xi32>
      %reduce_min3A_186 = arith.constant dense<2147483647> : vector<256xi32>
      %reduce_min3A_187 = vector.multi_reduction <minsi>, %get3A_185, %reduce_min3A_186 [1] : vector<256x1536xi32> to vector<256xi32>
      %broadcast_in_dim3A_188 = vector.shape_cast %reduce_min3A_187 : vector<256xi32> to vector<256x1xi32>
      %eq3A_189 = vector.broadcast %broadcast_in_dim3A_188 : vector<256x1xi32> to vector<256x1536xi32>
      %eq3A_190 = arith.cmpi eq, %get3A_185, %eq3A_189 : vector<256x1536xi32>
      %jit3A_191 = arith.constant 2147483647 : i32
      %broadcast_in_dim3A_192 = vector.broadcast %jit3A_191 : i32 to vector<256x1536xi32>
      %select_n3A_193 = arith.select %eq3A_190, %broadcast_in_dim3A_192, %get3A_185 : vector<256x1536xi1>, vector<256x1536xi32>
      %swap3A_194 = arith.constant 0 : index
      %swap3A_195 = arith.constant 0 : index
      %swap3A_196 = vector.load %arg9[%swap3A_194, %swap3A_195] : memref<256x4096xi32, #tpu.memory_space<vmem>>, vector<256x1536xi32>
      tpu.vector_store %arg9[%swap3A_194, %swap3A_195], %select_n3A_193 {strides = array<i32>} : memref<256x4096xi32, #tpu.memory_space<vmem>>, vector<256x1536xi32>,
      %get3A_197 = arith.constant 0 : index
      %get3A_198 = arith.constant 0 : index
      %get3A_199 = vector.load %arg9[%get3A_197, %get3A_198] : memref<256x4096xi32, #tpu.memory_space<vmem>>, vector<256x1536xi32>
      %reduce_min3A_200 = arith.constant dense<2147483647> : vector<256xi32>
      %reduce_min3A_201 = vector.multi_reduction <minsi>, %get3A_199, %reduce_min3A_200 [1] : vector<256x1536xi32> to vector<256xi32>
      %broadcast_in_dim3A_202 = vector.shape_cast %reduce_min3A_201 : vector<256xi32> to vector<256x1xi32>
      %eq3A_203 = vector.broadcast %broadcast_in_dim3A_202 : vector<256x1xi32> to vector<256x1536xi32>
      %eq3A_204 = arith.cmpi eq, %get3A_199, %eq3A_203 : vector<256x1536xi32>
      %jit3A_205 = arith.constant 2147483647 : i32
      %broadcast_in_dim3A_206 = vector.broadcast %jit3A_205 : i32 to vector<256x1536xi32>
      %select_n3A_207 = arith.select %eq3A_204, %broadcast_in_dim3A_206, %get3A_199 : vector<256x1536xi1>, vector<256x1536xi32>
      %swap3A_208 = arith.constant 0 : index
      %swap3A_209 = arith.constant 0 : index
      %swap3A_210 = vector.load %arg9[%swap3A_208, %swap3A_209] : memref<256x4096xi32, #tpu.memory_space<vmem>>, vector<256x1536xi32>
      tpu.vector_store %arg9[%swap3A_208, %swap3A_209], %select_n3A_207 {strides = array<i32>} : memref<256x4096xi32, #tpu.memory_space<vmem>>, vector<256x1536xi32>,
      %get3A_211 = arith.constant 0 : index
      %get3A_212 = arith.constant 0 : index
      %get3A_213 = vector.load %arg9[%get3A_211, %get3A_212] : memref<256x4096xi32, #tpu.memory_space<vmem>>, vector<256x1536xi32>
      %reduce_min3A_214 = arith.constant dense<2147483647> : vector<256xi32>
      %reduce_min3A_215 = vector.multi_reduction <minsi>, %get3A_213, %reduce_min3A_214 [1] : vector<256x1536xi32> to vector<256xi32>
      %broadcast_in_dim3A_216 = vector.shape_cast %reduce_min3A_215 : vector<256xi32> to vector<256x1xi32>
      %eq3A_217 = vector.broadcast %broadcast_in_dim3A_216 : vector<256x1xi32> to vector<256x1536xi32>
      %eq3A_218 = arith.cmpi eq, %get3A_213, %eq3A_217 : vector<256x1536xi32>
      %jit3A_219 = arith.constant 2147483647 : i32
      %broadcast_in_dim3A_220 = vector.broadcast %jit3A_219 : i32 to vector<256x1536xi32>
      %select_n3A_221 = arith.select %eq3A_218, %broadcast_in_dim3A_220, %get3A_213 : vector<256x1536xi1>, vector<256x1536xi32>
      %swap3A_222 = arith.constant 0 : index
      %swap3A_223 = arith.constant 0 : index
      %swap3A_224 = vector.load %arg9[%swap3A_222, %swap3A_223] : memref<256x4096xi32, #tpu.memory_space<vmem>>, vector<256x1536xi32>
      tpu.vector_store %arg9[%swap3A_222, %swap3A_223], %select_n3A_221 {strides = array<i32>} : memref<256x4096xi32, #tpu.memory_space<vmem>>, vector<256x1536xi32>,
      %get3A_225 = arith.constant 0 : index
      %get3A_226 = arith.constant 0 : index
      %get3A_227 = vector.load %arg9[%get3A_225, %get3A_226] : memref<256x4096xi32, #tpu.memory_space<vmem>>, vector<256x1536xi32>
      %reduce_min3A_228 = arith.constant dense<2147483647> : vector<256xi32>
      %reduce_min3A_229 = vector.multi_reduction <minsi>, %get3A_227, %reduce_min3A_228 [1] : vector<256x1536xi32> to vector<256xi32>
      %broadcast_in_dim3A_230 = vector.shape_cast %reduce_min3A_229 : vector<256xi32> to vector<256x1xi32>
      %eq3A_231 = vector.broadcast %broadcast_in_dim3A_230 : vector<256x1xi32> to vector<256x1536xi32>
      %eq3A_232 = arith.cmpi eq, %get3A_227, %eq3A_231 : vector<256x1536xi32>
      %jit3A_233 = arith.constant 2147483647 : i32
      %broadcast_in_dim3A_234 = vector.broadcast %jit3A_233 : i32 to vector<256x1536xi32>
      %select_n3A_235 = arith.select %eq3A_232, %broadcast_in_dim3A_234, %get3A_227 : vector<256x1536xi1>, vector<256x1536xi32>
      %swap3A_236 = arith.constant 0 : index
      %swap3A_237 = arith.constant 0 : index
      %swap3A_238 = vector.load %arg9[%swap3A_236, %swap3A_237] : memref<256x4096xi32, #tpu.memory_space<vmem>>, vector<256x1536xi32>
      tpu.vector_store %arg9[%swap3A_236, %swap3A_237], %select_n3A_235 {strides = array<i32>} : memref<256x4096xi32, #tpu.memory_space<vmem>>, vector<256x1536xi32>,
      %get3A_239 = arith.constant 0 : index
      %get3A_240 = arith.constant 0 : index
      %get3A_241 = vector.load %arg9[%get3A_239, %get3A_240] : memref<256x4096xi32, #tpu.memory_space<vmem>>, vector<256x1536xi32>
      %reduce_min3A_242 = arith.constant dense<2147483647> : vector<256xi32>
      %reduce_min3A_243 = vector.multi_reduction <minsi>, %get3A_241, %reduce_min3A_242 [1] : vector<256x1536xi32> to vector<256xi32>
      %broadcast_in_dim3A_244 = vector.shape_cast %reduce_min3A_243 : vector<256xi32> to vector<256x1xi32>
      %eq3A_245 = vector.broadcast %broadcast_in_dim3A_244 : vector<256x1xi32> to vector<256x1536xi32>
      %eq3A_246 = arith.cmpi eq, %get3A_241, %eq3A_245 : vector<256x1536xi32>
      %jit3A_247 = arith.constant 2147483647 : i32
      %broadcast_in_dim3A_248 = vector.broadcast %jit3A_247 : i32 to vector<256x1536xi32>
      %select_n3A_249 = arith.select %eq3A_246, %broadcast_in_dim3A_248, %get3A_241 : vector<256x1536xi1>, vector<256x1536xi32>
      %swap3A_250 = arith.constant 0 : index
      %swap3A_251 = arith.constant 0 : index
      %swap3A_252 = vector.load %arg9[%swap3A_250, %swap3A_251] : memref<256x4096xi32, #tpu.memory_space<vmem>>, vector<256x1536xi32>
      tpu.vector_store %arg9[%swap3A_250, %swap3A_251], %select_n3A_249 {strides = array<i32>} : memref<256x4096xi32, #tpu.memory_space<vmem>>, vector<256x1536xi32>,
      %get3A_253 = arith.constant 0 : index
      %get3A_254 = arith.constant 0 : index
      %get3A_255 = vector.load %arg9[%get3A_253, %get3A_254] : memref<256x4096xi32, #tpu.memory_space<vmem>>, vector<256x1536xi32>
      %reduce_min3A_256 = arith.constant dense<2147483647> : vector<256xi32>
      %reduce_min3A_257 = vector.multi_reduction <minsi>, %get3A_255, %reduce_min3A_256 [1] : vector<256x1536xi32> to vector<256xi32>
      %broadcast_in_dim3A_258 = vector.shape_cast %reduce_min3A_257 : vector<256xi32> to vector<256x1xi32>
      %eq3A_259 = vector.broadcast %broadcast_in_dim3A_258 : vector<256x1xi32> to vector<256x1536xi32>
      %eq3A_260 = arith.cmpi eq, %get3A_255, %eq3A_259 : vector<256x1536xi32>
      %jit3A_261 = arith.constant 2147483647 : i32
      %broadcast_in_dim3A_262 = vector.broadcast %jit3A_261 : i32 to vector<256x1536xi32>
      %select_n3A_263 = arith.select %eq3A_260, %broadcast_in_dim3A_262, %get3A_255 : vector<256x1536xi1>, vector<256x1536xi32>
      %swap3A_264 = arith.constant 0 : index
      %swap3A_265 = arith.constant 0 : index
      %swap3A_266 = vector.load %arg9[%swap3A_264, %swap3A_265] : memref<256x4096xi32, #tpu.memory_space<vmem>>, vector<256x1536xi32>
      tpu.vector_store %arg9[%swap3A_264, %swap3A_265], %select_n3A_263 {strides = array<i32>} : memref<256x4096xi32, #tpu.memory_space<vmem>>, vector<256x1536xi32>,
      %concatenate3A = tpu.concatenate %broadcast_in_dim3A_48, %broadcast_in_dim3A_62, %broadcast_in_dim3A_76, %broadcast_in_dim3A_90, %broadcast_in_dim3A_104, %broadcast_in_dim3A_118, %broadcast_in_dim3A_132, %broadcast_in_dim3A_146, %broadcast_in_dim3A_160, %broadcast_in_dim3A_174, %broadcast_in_dim3A_188, %broadcast_in_dim3A_202, %broadcast_in_dim3A_216, %broadcast_in_dim3A_230, %broadcast_in_dim3A_244, %broadcast_in_dim3A_258 in 1 : vector<256x1xi32>, vector<256x1xi32>, vector<256x1xi32>, vector<256x1xi32>, vector<256x1xi32>, vector<256x1xi32>, vector<256x1xi32>, vector<256x1xi32>, vector<256x1xi32>, vector<256x1xi32>, vector<256x1xi32>, vector<256x1xi32>, vector<256x1xi32>, vector<256x1xi32>, vector<256x1xi32>, vector<256x1xi32> -> vector<256x16xi32>
      %and3A_267 = arith.constant 4095 : i32
      %and3A_268 = vector.broadcast %and3A_267 : i32 to vector<256x16xi32>
      %and3A_269 = arith.andi %concatenate3A, %and3A_268 : vector<256x16xi32>
      %swap3A_270 = arith.constant 0 : index
      %swap3A_271 = arith.constant 0 : index
      %swap3A_272 = vector.load %arg7[%swap3A_270, %swap3A_271] : memref<256x16xi32, #tpu.memory_space<vmem>>, vector<256x16xi32>
      tpu.vector_store %arg7[%swap3A_270, %swap3A_271], %and3A_269 {strides = array<i32>} : memref<256x16xi32, #tpu.memory_space<vmem>>, vector<256x16xi32>,
      %and3A_273 = arith.constant -4096 : i32
      %and3A_274 = vector.broadcast %and3A_273 : i32 to vector<256x16xi32>
      %and3A_275 = arith.andi %concatenate3A, %and3A_274 : vector<256x16xi32>
      %bitcast_convert_type3A_276 = tpu.bitcast %and3A_275 : vector<256x16xi32> -> vector<256x16xf32>
      %max3A = arith.constant 1.000000e-16 : f32
      %max3A_277 = vector.broadcast %max3A : f32 to vector<256x16xf32>
      %max3A_278 = arith.maximumf %bitcast_convert_type3A_276, %max3A_277 : vector<256x16xf32>
      %div3A = arith.constant 1.000000e+00 : f32
      %div3A_279 = vector.broadcast %div3A : f32 to vector<256x16xf32>
      %div3A_280 = arith.divf %div3A_279, %max3A_278 : vector<256x16xf32>
      %reduce_sum3A_281 = arith.constant dense<0.000000e+00> : vector<256xf32>
      %reduce_sum3A_282 = vector.multi_reduction <add>, %div3A_280, %reduce_sum3A_281 [1] : vector<256x16xf32> to vector<256xf32>
      %broadcast_in_dim3A_283 = vector.shape_cast %reduce_sum3A_282 : vector<256xf32> to vector<256x1xf32>
      %div3A_284 = vector.broadcast %broadcast_in_dim3A_283 : vector<256x1xf32> to vector<256x16xf32>
      %div3A_285 = arith.divf %div3A_280, %div3A_284 : vector<256x16xf32>
      %iota3A_286 = tpu.iota {dimensions = array<i32: 0>} : vector<16x256xi32>
      %iota3A_287 = tpu.iota {dimensions = array<i32: 1>} : vector<16x256xi32>
      %jit3A_288 = arith.constant 16 : i32
      %div3A_289 = vector.broadcast %jit3A_288 : i32 to vector<16x256xi32>
      %div3A_290 = arith.divsi %iota3A_287, %div3A_289 : vector<16x256xi32>
      %sign3A = arith.constant 0 : i32
      %sign3A_291 = vector.broadcast %sign3A : i32 to vector<16x256xi32>
      %sign3A_292 = arith.cmpi sgt, %iota3A_287, %sign3A_291 : vector<16x256xi32>
      %sign3A_293 = arith.extui %sign3A_292 : vector<16x256xi1> to vector<16x256xi32>
      %sign3A_294 = arith.constant 0 : i32
      %sign3A_295 = vector.broadcast %sign3A_294 : i32 to vector<16x256xi32>
      %sign3A_296 = arith.cmpi slt, %iota3A_287, %sign3A_295 : vector<16x256xi32>
      %sign3A_297 = arith.extui %sign3A_296 : vector<16x256xi1> to vector<16x256xi32>
      %sign3A_298 = arith.subi %sign3A_293, %sign3A_297 : vector<16x256xi32>
      %sign3A_299 = arith.constant 0 : i32
      %sign3A_300 = arith.cmpi sgt, %jit3A_288, %sign3A_299 : i32
      %sign3A_301 = arith.extui %sign3A_300 : i1 to i32
      %sign3A_302 = arith.constant 0 : i32
      %sign3A_303 = arith.cmpi slt, %jit3A_288, %sign3A_302 : i32
      %sign3A_304 = arith.extui %sign3A_303 : i1 to i32
      %sign3A_305 = arith.subi %sign3A_301, %sign3A_304 : i32
      %ne3A_306 = vector.broadcast %sign3A_305 : i32 to vector<16x256xi32>
      %ne3A_307 = arith.cmpi ne, %sign3A_298, %ne3A_306 : vector<16x256xi32>
      %rem3A = vector.broadcast %jit3A_288 : i32 to vector<16x256xi32>
      %rem3A_308 = arith.remsi %iota3A_287, %rem3A : vector<16x256xi32>
      %ne3A_309 = arith.constant 0 : i32
      %ne3A_310 = vector.broadcast %ne3A_309 : i32 to vector<16x256xi32>
      %ne3A_311 = arith.cmpi ne, %rem3A_308, %ne3A_310 : vector<16x256xi32>
      %and3A_312 = arith.andi %ne3A_307, %ne3A_311 : vector<16x256xi1>
      %sub3A_313 = arith.constant 1 : i32
      %sub3A_314 = vector.broadcast %sub3A_313 : i32 to vector<16x256xi32>
      %sub3A_315 = arith.subi %div3A_290, %sub3A_314 : vector<16x256xi32>
      %select_n3A_316 = arith.select %and3A_312, %sub3A_315, %div3A_290 : vector<16x256xi1>, vector<16x256xi32>
      %eq3A_317 = arith.cmpi eq, %iota3A_286, %select_n3A_316 : vector<16x256xi32>
      %jit3A_318 = arith.constant 1.000000e+00 : f32
      %jit3A_319 = arith.constant 0.000000e+00 : f32
      %broadcast_in_dim3A_320 = vector.broadcast %jit3A_318 : f32 to vector<16x256xf32>
      %broadcast_in_dim3A_321 = vector.broadcast %jit3A_319 : f32 to vector<16x256xf32>
      %select_n3A_322 = arith.select %eq3A_317, %broadcast_in_dim3A_320, %broadcast_in_dim3A_321 : vector<16x256xi1>, vector<16x256xf32>
      %dot_general3A_323 = arith.constant dense<0.000000e+00> : vector<256x256xf32>
      %dot_general3A_324 = tpu.matmul %div3A_285, %select_n3A_322, %dot_general3A_323 {dimension_numbers = #tpu.dot_dimension_numbers<[1], [0], [0], [1], [0, 0, 1, 1], [], []>, transpose_lhs_hint = false} : vector<256x16xf32>, vector<16x256xf32>, vector<256x256xf32> -> vector<256x256xf32>
      %swap3A_325 = arith.constant 0 : index
      %swap3A_326 = arith.constant 0 : index
      %swap3A_327 = vector.load %arg8[%swap3A_325, %swap3A_326] : memref<256x256xf32, #tpu.memory_space<vmem>>, vector<256x256xf32>
      tpu.vector_store %arg8[%swap3A_325, %swap3A_326], %dot_general3A_324 {strides = array<i32>} : memref<256x256xf32, #tpu.memory_space<vmem>>, vector<256x256xf32>,
    } else {
    }
    %get3A_7 = arith.index_cast %arg0 : i32 to index
    %get3A_8 = memref.load %arg2[%get3A_7] : memref<64xi32, #tpu.memory_space<smem>>
    %eq3A_9 = arith.constant 0 : i32
    %eq3A_10 = arith.cmpi eq, %get3A_8, %eq3A_9 : i32
    %convert_element_type3A_11 = arith.extui %eq3A_10 : i1 to i32
    %cond3A_12 = arith.constant 0 : i32
    %cond3A_13 = arith.cmpi ne, %convert_element_type3A_11, %cond3A_12 : i32
    scf.if %cond3A_13 {
      %get3A_14 = arith.constant 0 : index
      %get3A_15 = arith.constant 0 : index
      %get3A_16 = vector.load %arg3[%get3A_14, %get3A_15] : memref<3x4096xf32, #tpu.memory_space<vmem>>, vector<3x4096xf32>
      %mul3A_17 = arith.mulf %get3A_16, %get3A_16 : vector<3x4096xf32>
      %reduce_sum3A_18 = arith.constant dense<0.000000e+00> : vector<4096xf32>
      %reduce_sum3A_19 = vector.multi_reduction <add>, %mul3A_17, %reduce_sum3A_18 [0] : vector<3x4096xf32> to vector<4096xf32>
      %broadcast_in_dim3A_20 = vector.shape_cast %reduce_sum3A_19 : vector<4096xf32> to vector<1x4096xf32>
      %add3A = vector.broadcast %broadcast_in_dim3A : vector<256x1xf32> to vector<256x4096xf32>
      %add3A_21 = vector.broadcast %broadcast_in_dim3A_20 : vector<1x4096xf32> to vector<256x4096xf32>
      %add3A_22 = arith.addf %add3A, %add3A_21 : vector<256x4096xf32>
      %dot_general3A = arith.constant dense<0.000000e+00> : vector<256x4096xf32>
      %dot_general3A_23 = tpu.matmul %get3A_1, %get3A_16, %dot_general3A {dimension_numbers = #tpu.dot_dimension_numbers<[1], [0], [0], [1], [0, 0, 1, 1], [], []>, transpose_lhs_hint = false} : vector<256x3xf32>, vector<3x4096xf32>, vector<256x4096xf32> -> vector<256x4096xf32>
      %mul3A_24 = arith.constant 2.000000e+00 : f32
      %mul3A_25 = vector.broadcast %mul3A_24 : f32 to vector<256x4096xf32>
      %mul3A_26 = arith.mulf %mul3A_25, %dot_general3A_23 : vector<256x4096xf32>
      %sub3A = arith.subf %add3A_22, %mul3A_26 : vector<256x4096xf32>
      %get3A_27 = arith.constant 0 : index
      %get3A_28 = arith.constant 0 : index
      %get3A_29 = vector.load %arg6[%get3A_27, %get3A_28] : memref<256x1xf32, #tpu.memory_space<vmem>>, vector<256x1xf32>
      %get3A_30 = arith.constant 0 : index
      %get3A_31 = arith.constant 0 : index
      %get3A_32 = vector.load %arg4[%get3A_30, %get3A_31] : memref<1x4096xf32, #tpu.memory_space<vmem>>, vector<1x4096xf32>
      %ne3A = vector.broadcast %get3A_29 : vector<256x1xf32> to vector<256x4096xf32>
      %ne3A_33 = vector.broadcast %get3A_32 : vector<1x4096xf32> to vector<256x4096xf32>
      %ne3A_34 = arith.cmpf one, %ne3A, %ne3A_33 : vector<256x4096xf32>
      %jit3A = arith.constant 0x7F800000 : f32
      %broadcast_in_dim3A_35 = vector.broadcast %jit3A : f32 to vector<256x4096xf32>
      %select_n3A = arith.select %ne3A_34, %broadcast_in_dim3A_35, %sub3A : vector<256x4096xi1>, vector<256x4096xf32>
      %iota3A = tpu.iota {dimensions = array<i32: 1>} : vector<256x4096xi32>
      %add3A_36 = arith.constant 0 : i32
      %add3A_37 = vector.broadcast %add3A_36 : i32 to vector<256x4096xi32>
      %add3A_38 = arith.addi %iota3A, %add3A_37 : vector<256x4096xi32>
      %bitcast_convert_type3A = tpu.bitcast %select_n3A : vector<256x4096xf32> -> vector<256x4096xi32>
      %and3A = arith.constant -4096 : i32
      %and3A_39 = vector.broadcast %and3A : i32 to vector<256x4096xi32>
      %and3A_40 = arith.andi %bitcast_convert_type3A, %and3A_39 : vector<256x4096xi32>
      %or3A = arith.ori %and3A_40, %add3A_38 : vector<256x4096xi32>
      %swap3A = arith.constant 0 : index
      %swap3A_41 = arith.constant 0 : index
      %swap3A_42 = vector.load %arg9[%swap3A, %swap3A_41] : memref<256x4096xi32, #tpu.memory_space<vmem>>, vector<256x4096xi32>
      tpu.vector_store %arg9[%swap3A, %swap3A_41], %or3A {strides = array<i32>} : memref<256x4096xi32, #tpu.memory_space<vmem>>, vector<256x4096xi32>,
      %get3A_43 = arith.constant 0 : index
      %get3A_44 = arith.constant 0 : index
      %get3A_45 = vector.load %arg9[%get3A_43, %get3A_44] : memref<256x4096xi32, #tpu.memory_space<vmem>>, vector<256x4096xi32>
      %reduce_min3A = arith.constant dense<2147483647> : vector<256xi32>
      %reduce_min3A_46 = vector.multi_reduction <minsi>, %get3A_45, %reduce_min3A [1] : vector<256x4096xi32> to vector<256xi32>
      %broadcast_in_dim3A_47 = vector.shape_cast %reduce_min3A_46 : vector<256xi32> to vector<256x1xi32>
      %eq3A_48 = vector.broadcast %broadcast_in_dim3A_47 : vector<256x1xi32> to vector<256x4096xi32>
      %eq3A_49 = arith.cmpi eq, %get3A_45, %eq3A_48 : vector<256x4096xi32>
      %jit3A_50 = arith.constant 2147483647 : i32
      %broadcast_in_dim3A_51 = vector.broadcast %jit3A_50 : i32 to vector<256x4096xi32>
      %select_n3A_52 = arith.select %eq3A_49, %broadcast_in_dim3A_51, %get3A_45 : vector<256x4096xi1>, vector<256x4096xi32>
      %swap3A_53 = arith.constant 0 : index
      %swap3A_54 = arith.constant 0 : index
      %swap3A_55 = vector.load %arg9[%swap3A_53, %swap3A_54] : memref<256x4096xi32, #tpu.memory_space<vmem>>, vector<256x4096xi32>
      tpu.vector_store %arg9[%swap3A_53, %swap3A_54], %select_n3A_52 {strides = array<i32>} : memref<256x4096xi32, #tpu.memory_space<vmem>>, vector<256x4096xi32>,
      %get3A_56 = arith.constant 0 : index
      %get3A_57 = arith.constant 0 : index
      %get3A_58 = vector.load %arg9[%get3A_56, %get3A_57] : memref<256x4096xi32, #tpu.memory_space<vmem>>, vector<256x4096xi32>
      %reduce_min3A_59 = arith.constant dense<2147483647> : vector<256xi32>
      %reduce_min3A_60 = vector.multi_reduction <minsi>, %get3A_58, %reduce_min3A_59 [1] : vector<256x4096xi32> to vector<256xi32>
      %broadcast_in_dim3A_61 = vector.shape_cast %reduce_min3A_60 : vector<256xi32> to vector<256x1xi32>
      %eq3A_62 = vector.broadcast %broadcast_in_dim3A_61 : vector<256x1xi32> to vector<256x4096xi32>
      %eq3A_63 = arith.cmpi eq, %get3A_58, %eq3A_62 : vector<256x4096xi32>
      %jit3A_64 = arith.constant 2147483647 : i32
      %broadcast_in_dim3A_65 = vector.broadcast %jit3A_64 : i32 to vector<256x4096xi32>
      %select_n3A_66 = arith.select %eq3A_63, %broadcast_in_dim3A_65, %get3A_58 : vector<256x4096xi1>, vector<256x4096xi32>
      %swap3A_67 = arith.constant 0 : index
      %swap3A_68 = arith.constant 0 : index
      %swap3A_69 = vector.load %arg9[%swap3A_67, %swap3A_68] : memref<256x4096xi32, #tpu.memory_space<vmem>>, vector<256x4096xi32>
      tpu.vector_store %arg9[%swap3A_67, %swap3A_68], %select_n3A_66 {strides = array<i32>} : memref<256x4096xi32, #tpu.memory_space<vmem>>, vector<256x4096xi32>,
      %get3A_70 = arith.constant 0 : index
      %get3A_71 = arith.constant 0 : index
      %get3A_72 = vector.load %arg9[%get3A_70, %get3A_71] : memref<256x4096xi32, #tpu.memory_space<vmem>>, vector<256x4096xi32>
      %reduce_min3A_73 = arith.constant dense<2147483647> : vector<256xi32>
      %reduce_min3A_74 = vector.multi_reduction <minsi>, %get3A_72, %reduce_min3A_73 [1] : vector<256x4096xi32> to vector<256xi32>
      %broadcast_in_dim3A_75 = vector.shape_cast %reduce_min3A_74 : vector<256xi32> to vector<256x1xi32>
      %eq3A_76 = vector.broadcast %broadcast_in_dim3A_75 : vector<256x1xi32> to vector<256x4096xi32>
      %eq3A_77 = arith.cmpi eq, %get3A_72, %eq3A_76 : vector<256x4096xi32>
      %jit3A_78 = arith.constant 2147483647 : i32
      %broadcast_in_dim3A_79 = vector.broadcast %jit3A_78 : i32 to vector<256x4096xi32>
      %select_n3A_80 = arith.select %eq3A_77, %broadcast_in_dim3A_79, %get3A_72 : vector<256x4096xi1>, vector<256x4096xi32>
      %swap3A_81 = arith.constant 0 : index
      %swap3A_82 = arith.constant 0 : index
      %swap3A_83 = vector.load %arg9[%swap3A_81, %swap3A_82] : memref<256x4096xi32, #tpu.memory_space<vmem>>, vector<256x4096xi32>
      tpu.vector_store %arg9[%swap3A_81, %swap3A_82], %select_n3A_80 {strides = array<i32>} : memref<256x4096xi32, #tpu.memory_space<vmem>>, vector<256x4096xi32>,
      %get3A_84 = arith.constant 0 : index
      %get3A_85 = arith.constant 0 : index
      %get3A_86 = vector.load %arg9[%get3A_84, %get3A_85] : memref<256x4096xi32, #tpu.memory_space<vmem>>, vector<256x4096xi32>
      %reduce_min3A_87 = arith.constant dense<2147483647> : vector<256xi32>
      %reduce_min3A_88 = vector.multi_reduction <minsi>, %get3A_86, %reduce_min3A_87 [1] : vector<256x4096xi32> to vector<256xi32>
      %broadcast_in_dim3A_89 = vector.shape_cast %reduce_min3A_88 : vector<256xi32> to vector<256x1xi32>
      %eq3A_90 = vector.broadcast %broadcast_in_dim3A_89 : vector<256x1xi32> to vector<256x4096xi32>
      %eq3A_91 = arith.cmpi eq, %get3A_86, %eq3A_90 : vector<256x4096xi32>
      %jit3A_92 = arith.constant 2147483647 : i32
      %broadcast_in_dim3A_93 = vector.broadcast %jit3A_92 : i32 to vector<256x4096xi32>
      %select_n3A_94 = arith.select %eq3A_91, %broadcast_in_dim3A_93, %get3A_86 : vector<256x4096xi1>, vector<256x4096xi32>
      %swap3A_95 = arith.constant 0 : index
      %swap3A_96 = arith.constant 0 : index
      %swap3A_97 = vector.load %arg9[%swap3A_95, %swap3A_96] : memref<256x4096xi32, #tpu.memory_space<vmem>>, vector<256x4096xi32>
      tpu.vector_store %arg9[%swap3A_95, %swap3A_96], %select_n3A_94 {strides = array<i32>} : memref<256x4096xi32, #tpu.memory_space<vmem>>, vector<256x4096xi32>,
      %get3A_98 = arith.constant 0 : index
      %get3A_99 = arith.constant 0 : index
      %get3A_100 = vector.load %arg9[%get3A_98, %get3A_99] : memref<256x4096xi32, #tpu.memory_space<vmem>>, vector<256x4096xi32>
      %reduce_min3A_101 = arith.constant dense<2147483647> : vector<256xi32>
      %reduce_min3A_102 = vector.multi_reduction <minsi>, %get3A_100, %reduce_min3A_101 [1] : vector<256x4096xi32> to vector<256xi32>
      %broadcast_in_dim3A_103 = vector.shape_cast %reduce_min3A_102 : vector<256xi32> to vector<256x1xi32>
      %eq3A_104 = vector.broadcast %broadcast_in_dim3A_103 : vector<256x1xi32> to vector<256x4096xi32>
      %eq3A_105 = arith.cmpi eq, %get3A_100, %eq3A_104 : vector<256x4096xi32>
      %jit3A_106 = arith.constant 2147483647 : i32
      %broadcast_in_dim3A_107 = vector.broadcast %jit3A_106 : i32 to vector<256x4096xi32>
      %select_n3A_108 = arith.select %eq3A_105, %broadcast_in_dim3A_107, %get3A_100 : vector<256x4096xi1>, vector<256x4096xi32>
      %swap3A_109 = arith.constant 0 : index
      %swap3A_110 = arith.constant 0 : index
      %swap3A_111 = vector.load %arg9[%swap3A_109, %swap3A_110] : memref<256x4096xi32, #tpu.memory_space<vmem>>, vector<256x4096xi32>
      tpu.vector_store %arg9[%swap3A_109, %swap3A_110], %select_n3A_108 {strides = array<i32>} : memref<256x4096xi32, #tpu.memory_space<vmem>>, vector<256x4096xi32>,
      %get3A_112 = arith.constant 0 : index
      %get3A_113 = arith.constant 0 : index
      %get3A_114 = vector.load %arg9[%get3A_112, %get3A_113] : memref<256x4096xi32, #tpu.memory_space<vmem>>, vector<256x4096xi32>
      %reduce_min3A_115 = arith.constant dense<2147483647> : vector<256xi32>
      %reduce_min3A_116 = vector.multi_reduction <minsi>, %get3A_114, %reduce_min3A_115 [1] : vector<256x4096xi32> to vector<256xi32>
      %broadcast_in_dim3A_117 = vector.shape_cast %reduce_min3A_116 : vector<256xi32> to vector<256x1xi32>
      %eq3A_118 = vector.broadcast %broadcast_in_dim3A_117 : vector<256x1xi32> to vector<256x4096xi32>
      %eq3A_119 = arith.cmpi eq, %get3A_114, %eq3A_118 : vector<256x4096xi32>
      %jit3A_120 = arith.constant 2147483647 : i32
      %broadcast_in_dim3A_121 = vector.broadcast %jit3A_120 : i32 to vector<256x4096xi32>
      %select_n3A_122 = arith.select %eq3A_119, %broadcast_in_dim3A_121, %get3A_114 : vector<256x4096xi1>, vector<256x4096xi32>
      %swap3A_123 = arith.constant 0 : index
      %swap3A_124 = arith.constant 0 : index
      %swap3A_125 = vector.load %arg9[%swap3A_123, %swap3A_124] : memref<256x4096xi32, #tpu.memory_space<vmem>>, vector<256x4096xi32>
      tpu.vector_store %arg9[%swap3A_123, %swap3A_124], %select_n3A_122 {strides = array<i32>} : memref<256x4096xi32, #tpu.memory_space<vmem>>, vector<256x4096xi32>,
      %get3A_126 = arith.constant 0 : index
      %get3A_127 = arith.constant 0 : index
      %get3A_128 = vector.load %arg9[%get3A_126, %get3A_127] : memref<256x4096xi32, #tpu.memory_space<vmem>>, vector<256x4096xi32>
      %reduce_min3A_129 = arith.constant dense<2147483647> : vector<256xi32>
      %reduce_min3A_130 = vector.multi_reduction <minsi>, %get3A_128, %reduce_min3A_129 [1] : vector<256x4096xi32> to vector<256xi32>
      %broadcast_in_dim3A_131 = vector.shape_cast %reduce_min3A_130 : vector<256xi32> to vector<256x1xi32>
      %eq3A_132 = vector.broadcast %broadcast_in_dim3A_131 : vector<256x1xi32> to vector<256x4096xi32>
      %eq3A_133 = arith.cmpi eq, %get3A_128, %eq3A_132 : vector<256x4096xi32>
      %jit3A_134 = arith.constant 2147483647 : i32
      %broadcast_in_dim3A_135 = vector.broadcast %jit3A_134 : i32 to vector<256x4096xi32>
      %select_n3A_136 = arith.select %eq3A_133, %broadcast_in_dim3A_135, %get3A_128 : vector<256x4096xi1>, vector<256x4096xi32>
      %swap3A_137 = arith.constant 0 : index
      %swap3A_138 = arith.constant 0 : index
      %swap3A_139 = vector.load %arg9[%swap3A_137, %swap3A_138] : memref<256x4096xi32, #tpu.memory_space<vmem>>, vector<256x4096xi32>
      tpu.vector_store %arg9[%swap3A_137, %swap3A_138], %select_n3A_136 {strides = array<i32>} : memref<256x4096xi32, #tpu.memory_space<vmem>>, vector<256x4096xi32>,
      %get3A_140 = arith.constant 0 : index
      %get3A_141 = arith.constant 0 : index
      %get3A_142 = vector.load %arg9[%get3A_140, %get3A_141] : memref<256x4096xi32, #tpu.memory_space<vmem>>, vector<256x4096xi32>
      %reduce_min3A_143 = arith.constant dense<2147483647> : vector<256xi32>
      %reduce_min3A_144 = vector.multi_reduction <minsi>, %get3A_142, %reduce_min3A_143 [1] : vector<256x4096xi32> to vector<256xi32>
      %broadcast_in_dim3A_145 = vector.shape_cast %reduce_min3A_144 : vector<256xi32> to vector<256x1xi32>
      %eq3A_146 = vector.broadcast %broadcast_in_dim3A_145 : vector<256x1xi32> to vector<256x4096xi32>
      %eq3A_147 = arith.cmpi eq, %get3A_142, %eq3A_146 : vector<256x4096xi32>
      %jit3A_148 = arith.constant 2147483647 : i32
      %broadcast_in_dim3A_149 = vector.broadcast %jit3A_148 : i32 to vector<256x4096xi32>
      %select_n3A_150 = arith.select %eq3A_147, %broadcast_in_dim3A_149, %get3A_142 : vector<256x4096xi1>, vector<256x4096xi32>
      %swap3A_151 = arith.constant 0 : index
      %swap3A_152 = arith.constant 0 : index
      %swap3A_153 = vector.load %arg9[%swap3A_151, %swap3A_152] : memref<256x4096xi32, #tpu.memory_space<vmem>>, vector<256x4096xi32>
      tpu.vector_store %arg9[%swap3A_151, %swap3A_152], %select_n3A_150 {strides = array<i32>} : memref<256x4096xi32, #tpu.memory_space<vmem>>, vector<256x4096xi32>,
      %get3A_154 = arith.constant 0 : index
      %get3A_155 = arith.constant 0 : index
      %get3A_156 = vector.load %arg9[%get3A_154, %get3A_155] : memref<256x4096xi32, #tpu.memory_space<vmem>>, vector<256x4096xi32>
      %reduce_min3A_157 = arith.constant dense<2147483647> : vector<256xi32>
      %reduce_min3A_158 = vector.multi_reduction <minsi>, %get3A_156, %reduce_min3A_157 [1] : vector<256x4096xi32> to vector<256xi32>
      %broadcast_in_dim3A_159 = vector.shape_cast %reduce_min3A_158 : vector<256xi32> to vector<256x1xi32>
      %eq3A_160 = vector.broadcast %broadcast_in_dim3A_159 : vector<256x1xi32> to vector<256x4096xi32>
      %eq3A_161 = arith.cmpi eq, %get3A_156, %eq3A_160 : vector<256x4096xi32>
      %jit3A_162 = arith.constant 2147483647 : i32
      %broadcast_in_dim3A_163 = vector.broadcast %jit3A_162 : i32 to vector<256x4096xi32>
      %select_n3A_164 = arith.select %eq3A_161, %broadcast_in_dim3A_163, %get3A_156 : vector<256x4096xi1>, vector<256x4096xi32>
      %swap3A_165 = arith.constant 0 : index
      %swap3A_166 = arith.constant 0 : index
      %swap3A_167 = vector.load %arg9[%swap3A_165, %swap3A_166] : memref<256x4096xi32, #tpu.memory_space<vmem>>, vector<256x4096xi32>
      tpu.vector_store %arg9[%swap3A_165, %swap3A_166], %select_n3A_164 {strides = array<i32>} : memref<256x4096xi32, #tpu.memory_space<vmem>>, vector<256x4096xi32>,
      %get3A_168 = arith.constant 0 : index
      %get3A_169 = arith.constant 0 : index
      %get3A_170 = vector.load %arg9[%get3A_168, %get3A_169] : memref<256x4096xi32, #tpu.memory_space<vmem>>, vector<256x4096xi32>
      %reduce_min3A_171 = arith.constant dense<2147483647> : vector<256xi32>
      %reduce_min3A_172 = vector.multi_reduction <minsi>, %get3A_170, %reduce_min3A_171 [1] : vector<256x4096xi32> to vector<256xi32>
      %broadcast_in_dim3A_173 = vector.shape_cast %reduce_min3A_172 : vector<256xi32> to vector<256x1xi32>
      %eq3A_174 = vector.broadcast %broadcast_in_dim3A_173 : vector<256x1xi32> to vector<256x4096xi32>
      %eq3A_175 = arith.cmpi eq, %get3A_170, %eq3A_174 : vector<256x4096xi32>
      %jit3A_176 = arith.constant 2147483647 : i32
      %broadcast_in_dim3A_177 = vector.broadcast %jit3A_176 : i32 to vector<256x4096xi32>
      %select_n3A_178 = arith.select %eq3A_175, %broadcast_in_dim3A_177, %get3A_170 : vector<256x4096xi1>, vector<256x4096xi32>
      %swap3A_179 = arith.constant 0 : index
      %swap3A_180 = arith.constant 0 : index
      %swap3A_181 = vector.load %arg9[%swap3A_179, %swap3A_180] : memref<256x4096xi32, #tpu.memory_space<vmem>>, vector<256x4096xi32>
      tpu.vector_store %arg9[%swap3A_179, %swap3A_180], %select_n3A_178 {strides = array<i32>} : memref<256x4096xi32, #tpu.memory_space<vmem>>, vector<256x4096xi32>,
      %get3A_182 = arith.constant 0 : index
      %get3A_183 = arith.constant 0 : index
      %get3A_184 = vector.load %arg9[%get3A_182, %get3A_183] : memref<256x4096xi32, #tpu.memory_space<vmem>>, vector<256x4096xi32>
      %reduce_min3A_185 = arith.constant dense<2147483647> : vector<256xi32>
      %reduce_min3A_186 = vector.multi_reduction <minsi>, %get3A_184, %reduce_min3A_185 [1] : vector<256x4096xi32> to vector<256xi32>
      %broadcast_in_dim3A_187 = vector.shape_cast %reduce_min3A_186 : vector<256xi32> to vector<256x1xi32>
      %eq3A_188 = vector.broadcast %broadcast_in_dim3A_187 : vector<256x1xi32> to vector<256x4096xi32>
      %eq3A_189 = arith.cmpi eq, %get3A_184, %eq3A_188 : vector<256x4096xi32>
      %jit3A_190 = arith.constant 2147483647 : i32
      %broadcast_in_dim3A_191 = vector.broadcast %jit3A_190 : i32 to vector<256x4096xi32>
      %select_n3A_192 = arith.select %eq3A_189, %broadcast_in_dim3A_191, %get3A_184 : vector<256x4096xi1>, vector<256x4096xi32>
      %swap3A_193 = arith.constant 0 : index
      %swap3A_194 = arith.constant 0 : index
      %swap3A_195 = vector.load %arg9[%swap3A_193, %swap3A_194] : memref<256x4096xi32, #tpu.memory_space<vmem>>, vector<256x4096xi32>
      tpu.vector_store %arg9[%swap3A_193, %swap3A_194], %select_n3A_192 {strides = array<i32>} : memref<256x4096xi32, #tpu.memory_space<vmem>>, vector<256x4096xi32>,
      %get3A_196 = arith.constant 0 : index
      %get3A_197 = arith.constant 0 : index
      %get3A_198 = vector.load %arg9[%get3A_196, %get3A_197] : memref<256x4096xi32, #tpu.memory_space<vmem>>, vector<256x4096xi32>
      %reduce_min3A_199 = arith.constant dense<2147483647> : vector<256xi32>
      %reduce_min3A_200 = vector.multi_reduction <minsi>, %get3A_198, %reduce_min3A_199 [1] : vector<256x4096xi32> to vector<256xi32>
      %broadcast_in_dim3A_201 = vector.shape_cast %reduce_min3A_200 : vector<256xi32> to vector<256x1xi32>
      %eq3A_202 = vector.broadcast %broadcast_in_dim3A_201 : vector<256x1xi32> to vector<256x4096xi32>
      %eq3A_203 = arith.cmpi eq, %get3A_198, %eq3A_202 : vector<256x4096xi32>
      %jit3A_204 = arith.constant 2147483647 : i32
      %broadcast_in_dim3A_205 = vector.broadcast %jit3A_204 : i32 to vector<256x4096xi32>
      %select_n3A_206 = arith.select %eq3A_203, %broadcast_in_dim3A_205, %get3A_198 : vector<256x4096xi1>, vector<256x4096xi32>
      %swap3A_207 = arith.constant 0 : index
      %swap3A_208 = arith.constant 0 : index
      %swap3A_209 = vector.load %arg9[%swap3A_207, %swap3A_208] : memref<256x4096xi32, #tpu.memory_space<vmem>>, vector<256x4096xi32>
      tpu.vector_store %arg9[%swap3A_207, %swap3A_208], %select_n3A_206 {strides = array<i32>} : memref<256x4096xi32, #tpu.memory_space<vmem>>, vector<256x4096xi32>,
      %get3A_210 = arith.constant 0 : index
      %get3A_211 = arith.constant 0 : index
      %get3A_212 = vector.load %arg9[%get3A_210, %get3A_211] : memref<256x4096xi32, #tpu.memory_space<vmem>>, vector<256x4096xi32>
      %reduce_min3A_213 = arith.constant dense<2147483647> : vector<256xi32>
      %reduce_min3A_214 = vector.multi_reduction <minsi>, %get3A_212, %reduce_min3A_213 [1] : vector<256x4096xi32> to vector<256xi32>
      %broadcast_in_dim3A_215 = vector.shape_cast %reduce_min3A_214 : vector<256xi32> to vector<256x1xi32>
      %eq3A_216 = vector.broadcast %broadcast_in_dim3A_215 : vector<256x1xi32> to vector<256x4096xi32>
      %eq3A_217 = arith.cmpi eq, %get3A_212, %eq3A_216 : vector<256x4096xi32>
      %jit3A_218 = arith.constant 2147483647 : i32
      %broadcast_in_dim3A_219 = vector.broadcast %jit3A_218 : i32 to vector<256x4096xi32>
      %select_n3A_220 = arith.select %eq3A_217, %broadcast_in_dim3A_219, %get3A_212 : vector<256x4096xi1>, vector<256x4096xi32>
      %swap3A_221 = arith.constant 0 : index
      %swap3A_222 = arith.constant 0 : index
      %swap3A_223 = vector.load %arg9[%swap3A_221, %swap3A_222] : memref<256x4096xi32, #tpu.memory_space<vmem>>, vector<256x4096xi32>
      tpu.vector_store %arg9[%swap3A_221, %swap3A_222], %select_n3A_220 {strides = array<i32>} : memref<256x4096xi32, #tpu.memory_space<vmem>>, vector<256x4096xi32>,
      %get3A_224 = arith.constant 0 : index
      %get3A_225 = arith.constant 0 : index
      %get3A_226 = vector.load %arg9[%get3A_224, %get3A_225] : memref<256x4096xi32, #tpu.memory_space<vmem>>, vector<256x4096xi32>
      %reduce_min3A_227 = arith.constant dense<2147483647> : vector<256xi32>
      %reduce_min3A_228 = vector.multi_reduction <minsi>, %get3A_226, %reduce_min3A_227 [1] : vector<256x4096xi32> to vector<256xi32>
      %broadcast_in_dim3A_229 = vector.shape_cast %reduce_min3A_228 : vector<256xi32> to vector<256x1xi32>
      %eq3A_230 = vector.broadcast %broadcast_in_dim3A_229 : vector<256x1xi32> to vector<256x4096xi32>
      %eq3A_231 = arith.cmpi eq, %get3A_226, %eq3A_230 : vector<256x4096xi32>
      %jit3A_232 = arith.constant 2147483647 : i32
      %broadcast_in_dim3A_233 = vector.broadcast %jit3A_232 : i32 to vector<256x4096xi32>
      %select_n3A_234 = arith.select %eq3A_231, %broadcast_in_dim3A_233, %get3A_226 : vector<256x4096xi1>, vector<256x4096xi32>
      %swap3A_235 = arith.constant 0 : index
      %swap3A_236 = arith.constant 0 : index
      %swap3A_237 = vector.load %arg9[%swap3A_235, %swap3A_236] : memref<256x4096xi32, #tpu.memory_space<vmem>>, vector<256x4096xi32>
      tpu.vector_store %arg9[%swap3A_235, %swap3A_236], %select_n3A_234 {strides = array<i32>} : memref<256x4096xi32, #tpu.memory_space<vmem>>, vector<256x4096xi32>,
      %get3A_238 = arith.constant 0 : index
      %get3A_239 = arith.constant 0 : index
      %get3A_240 = vector.load %arg9[%get3A_238, %get3A_239] : memref<256x4096xi32, #tpu.memory_space<vmem>>, vector<256x4096xi32>
      %reduce_min3A_241 = arith.constant dense<2147483647> : vector<256xi32>
      %reduce_min3A_242 = vector.multi_reduction <minsi>, %get3A_240, %reduce_min3A_241 [1] : vector<256x4096xi32> to vector<256xi32>
      %broadcast_in_dim3A_243 = vector.shape_cast %reduce_min3A_242 : vector<256xi32> to vector<256x1xi32>
      %eq3A_244 = vector.broadcast %broadcast_in_dim3A_243 : vector<256x1xi32> to vector<256x4096xi32>
      %eq3A_245 = arith.cmpi eq, %get3A_240, %eq3A_244 : vector<256x4096xi32>
      %jit3A_246 = arith.constant 2147483647 : i32
      %broadcast_in_dim3A_247 = vector.broadcast %jit3A_246 : i32 to vector<256x4096xi32>
      %select_n3A_248 = arith.select %eq3A_245, %broadcast_in_dim3A_247, %get3A_240 : vector<256x4096xi1>, vector<256x4096xi32>
      %swap3A_249 = arith.constant 0 : index
      %swap3A_250 = arith.constant 0 : index
      %swap3A_251 = vector.load %arg9[%swap3A_249, %swap3A_250] : memref<256x4096xi32, #tpu.memory_space<vmem>>, vector<256x4096xi32>
      tpu.vector_store %arg9[%swap3A_249, %swap3A_250], %select_n3A_248 {strides = array<i32>} : memref<256x4096xi32, #tpu.memory_space<vmem>>, vector<256x4096xi32>,
      %get3A_252 = arith.constant 0 : index
      %get3A_253 = arith.constant 0 : index
      %get3A_254 = vector.load %arg9[%get3A_252, %get3A_253] : memref<256x4096xi32, #tpu.memory_space<vmem>>, vector<256x4096xi32>
      %reduce_min3A_255 = arith.constant dense<2147483647> : vector<256xi32>
      %reduce_min3A_256 = vector.multi_reduction <minsi>, %get3A_254, %reduce_min3A_255 [1] : vector<256x4096xi32> to vector<256xi32>
      %broadcast_in_dim3A_257 = vector.shape_cast %reduce_min3A_256 : vector<256xi32> to vector<256x1xi32>
      %eq3A_258 = vector.broadcast %broadcast_in_dim3A_257 : vector<256x1xi32> to vector<256x4096xi32>
      %eq3A_259 = arith.cmpi eq, %get3A_254, %eq3A_258 : vector<256x4096xi32>
      %jit3A_260 = arith.constant 2147483647 : i32
      %broadcast_in_dim3A_261 = vector.broadcast %jit3A_260 : i32 to vector<256x4096xi32>
      %select_n3A_262 = arith.select %eq3A_259, %broadcast_in_dim3A_261, %get3A_254 : vector<256x4096xi1>, vector<256x4096xi32>
      %swap3A_263 = arith.constant 0 : index
      %swap3A_264 = arith.constant 0 : index
      %swap3A_265 = vector.load %arg9[%swap3A_263, %swap3A_264] : memref<256x4096xi32, #tpu.memory_space<vmem>>, vector<256x4096xi32>
      tpu.vector_store %arg9[%swap3A_263, %swap3A_264], %select_n3A_262 {strides = array<i32>} : memref<256x4096xi32, #tpu.memory_space<vmem>>, vector<256x4096xi32>,
      %concatenate3A = tpu.concatenate %broadcast_in_dim3A_47, %broadcast_in_dim3A_61, %broadcast_in_dim3A_75, %broadcast_in_dim3A_89, %broadcast_in_dim3A_103, %broadcast_in_dim3A_117, %broadcast_in_dim3A_131, %broadcast_in_dim3A_145, %broadcast_in_dim3A_159, %broadcast_in_dim3A_173, %broadcast_in_dim3A_187, %broadcast_in_dim3A_201, %broadcast_in_dim3A_215, %broadcast_in_dim3A_229, %broadcast_in_dim3A_243, %broadcast_in_dim3A_257 in 1 : vector<256x1xi32>, vector<256x1xi32>, vector<256x1xi32>, vector<256x1xi32>, vector<256x1xi32>, vector<256x1xi32>, vector<256x1xi32>, vector<256x1xi32>, vector<256x1xi32>, vector<256x1xi32>, vector<256x1xi32>, vector<256x1xi32>, vector<256x1xi32>, vector<256x1xi32>, vector<256x1xi32>, vector<256x1xi32> -> vector<256x16xi32>
      %and3A_266 = arith.constant 4095 : i32
      %and3A_267 = vector.broadcast %and3A_266 : i32 to vector<256x16xi32>
      %and3A_268 = arith.andi %concatenate3A, %and3A_267 : vector<256x16xi32>
      %swap3A_269 = arith.constant 0 : index
      %swap3A_270 = arith.constant 0 : index
      %swap3A_271 = vector.load %arg7[%swap3A_269, %swap3A_270] : memref<256x16xi32, #tpu.memory_space<vmem>>, vector<256x16xi32>
      tpu.vector_store %arg7[%swap3A_269, %swap3A_270], %and3A_268 {strides = array<i32>} : memref<256x16xi32, #tpu.memory_space<vmem>>, vector<256x16xi32>,
      %and3A_272 = arith.constant -4096 : i32
      %and3A_273 = vector.broadcast %and3A_272 : i32 to vector<256x16xi32>
      %and3A_274 = arith.andi %concatenate3A, %and3A_273 : vector<256x16xi32>
      %bitcast_convert_type3A_275 = tpu.bitcast %and3A_274 : vector<256x16xi32> -> vector<256x16xf32>
      %max3A = arith.constant 1.000000e-16 : f32
      %max3A_276 = vector.broadcast %max3A : f32 to vector<256x16xf32>
      %max3A_277 = arith.maximumf %bitcast_convert_type3A_275, %max3A_276 : vector<256x16xf32>
      %div3A = arith.constant 1.000000e+00 : f32
      %div3A_278 = vector.broadcast %div3A : f32 to vector<256x16xf32>
      %div3A_279 = arith.divf %div3A_278, %max3A_277 : vector<256x16xf32>
      %reduce_sum3A_280 = arith.constant dense<0.000000e+00> : vector<256xf32>
      %reduce_sum3A_281 = vector.multi_reduction <add>, %div3A_279, %reduce_sum3A_280 [1] : vector<256x16xf32> to vector<256xf32>
      %broadcast_in_dim3A_282 = vector.shape_cast %reduce_sum3A_281 : vector<256xf32> to vector<256x1xf32>
      %div3A_283 = vector.broadcast %broadcast_in_dim3A_282 : vector<256x1xf32> to vector<256x16xf32>
      %div3A_284 = arith.divf %div3A_279, %div3A_283 : vector<256x16xf32>
      %iota3A_285 = tpu.iota {dimensions = array<i32: 0>} : vector<16x256xi32>
      %iota3A_286 = tpu.iota {dimensions = array<i32: 1>} : vector<16x256xi32>
      %jit3A_287 = arith.constant 16 : i32
      %div3A_288 = vector.broadcast %jit3A_287 : i32 to vector<16x256xi32>
      %div3A_289 = arith.divsi %iota3A_286, %div3A_288 : vector<16x256xi32>
      %sign3A = arith.constant 0 : i32
      %sign3A_290 = vector.broadcast %sign3A : i32 to vector<16x256xi32>
      %sign3A_291 = arith.cmpi sgt, %iota3A_286, %sign3A_290 : vector<16x256xi32>
      %sign3A_292 = arith.extui %sign3A_291 : vector<16x256xi1> to vector<16x256xi32>
      %sign3A_293 = arith.constant 0 : i32
      %sign3A_294 = vector.broadcast %sign3A_293 : i32 to vector<16x256xi32>
      %sign3A_295 = arith.cmpi slt, %iota3A_286, %sign3A_294 : vector<16x256xi32>
      %sign3A_296 = arith.extui %sign3A_295 : vector<16x256xi1> to vector<16x256xi32>
      %sign3A_297 = arith.subi %sign3A_292, %sign3A_296 : vector<16x256xi32>
      %sign3A_298 = arith.constant 0 : i32
      %sign3A_299 = arith.cmpi sgt, %jit3A_287, %sign3A_298 : i32
      %sign3A_300 = arith.extui %sign3A_299 : i1 to i32
      %sign3A_301 = arith.constant 0 : i32
      %sign3A_302 = arith.cmpi slt, %jit3A_287, %sign3A_301 : i32
      %sign3A_303 = arith.extui %sign3A_302 : i1 to i32
      %sign3A_304 = arith.subi %sign3A_300, %sign3A_303 : i32
      %ne3A_305 = vector.broadcast %sign3A_304 : i32 to vector<16x256xi32>
      %ne3A_306 = arith.cmpi ne, %sign3A_297, %ne3A_305 : vector<16x256xi32>
      %rem3A = vector.broadcast %jit3A_287 : i32 to vector<16x256xi32>
      %rem3A_307 = arith.remsi %iota3A_286, %rem3A : vector<16x256xi32>
      %ne3A_308 = arith.constant 0 : i32
      %ne3A_309 = vector.broadcast %ne3A_308 : i32 to vector<16x256xi32>
      %ne3A_310 = arith.cmpi ne, %rem3A_307, %ne3A_309 : vector<16x256xi32>
      %and3A_311 = arith.andi %ne3A_306, %ne3A_310 : vector<16x256xi1>
      %sub3A_312 = arith.constant 1 : i32
      %sub3A_313 = vector.broadcast %sub3A_312 : i32 to vector<16x256xi32>
      %sub3A_314 = arith.subi %div3A_289, %sub3A_313 : vector<16x256xi32>
      %select_n3A_315 = arith.select %and3A_311, %sub3A_314, %div3A_289 : vector<16x256xi1>, vector<16x256xi32>
      %eq3A_316 = arith.cmpi eq, %iota3A_285, %select_n3A_315 : vector<16x256xi32>
      %jit3A_317 = arith.constant 1.000000e+00 : f32
      %jit3A_318 = arith.constant 0.000000e+00 : f32
      %broadcast_in_dim3A_319 = vector.broadcast %jit3A_317 : f32 to vector<16x256xf32>
      %broadcast_in_dim3A_320 = vector.broadcast %jit3A_318 : f32 to vector<16x256xf32>
      %select_n3A_321 = arith.select %eq3A_316, %broadcast_in_dim3A_319, %broadcast_in_dim3A_320 : vector<16x256xi1>, vector<16x256xf32>
      %dot_general3A_322 = arith.constant dense<0.000000e+00> : vector<256x256xf32>
      %dot_general3A_323 = tpu.matmul %div3A_284, %select_n3A_321, %dot_general3A_322 {dimension_numbers = #tpu.dot_dimension_numbers<[1], [0], [0], [1], [0, 0, 1, 1], [], []>, transpose_lhs_hint = false} : vector<256x16xf32>, vector<16x256xf32>, vector<256x256xf32> -> vector<256x256xf32>
      %swap3A_324 = arith.constant 0 : index
      %swap3A_325 = arith.constant 0 : index
      %swap3A_326 = vector.load %arg8[%swap3A_324, %swap3A_325] : memref<256x256xf32, #tpu.memory_space<vmem>>, vector<256x256xf32>
      tpu.vector_store %arg8[%swap3A_324, %swap3A_325], %dot_general3A_323 {strides = array<i32>} : memref<256x256xf32, #tpu.memory_space<vmem>>, vector<256x256xf32>,
    } else {
    }
    return
  }
  func.func @transform_0(%arg0: i32) -> i32 {
    %c0_i32 = arith.constant 0 : i32
    %c0_i32_0 = arith.constant 0 : i32
    return %c0_i32 : i32
  }
  func.func @transform_1(%arg0: i32) -> i32 {
    %c0_i32 = arith.constant 0 : i32
    %c0_i32_0 = arith.constant 0 : i32
    return %c0_i32 : i32
  }
  func.func @transform_2(%arg0: i32) -> (i32, i32) {
    %c0_i32 = arith.constant 0 : i32
    %c0_i32_0 = arith.constant 0 : i32
    %c0_i32_1 = arith.constant 0 : i32
    return %c0_i32, %c0_i32_0 : i32, i32
  }
  func.func @transform_3(%arg0: i32) -> (i32, i32) {
    %c0_i32 = arith.constant 0 : i32
    %c0_i32_0 = arith.constant 0 : i32
    %c0_i32_1 = arith.constant 0 : i32
    return %c0_i32, %c0_i32_0 : i32, i32
  }
  func.func @transform_4(%arg0: i32) -> (i32, i32) {
    %c0_i32 = arith.constant 0 : i32
    %c0_i32_0 = arith.constant 0 : i32
    return %arg0, %c0_i32 : i32, i32
  }
  func.func @transform_5(%arg0: i32) -> (i32, i32) {
    %c0_i32 = arith.constant 0 : i32
    %c0_i32_0 = arith.constant 0 : i32
    return %arg0, %c0_i32 : i32, i32
  }
  func.func @transform_6(%arg0: i32) -> (i32, i32) {
    %c0_i32 = arith.constant 0 : i32
    %c0_i32_0 = arith.constant 0 : i32
    return %arg0, %c0_i32 : i32, i32
  }
  func.func @transform_7(%arg0: i32) -> (i32, i32) {
    %c0_i32 = arith.constant 0 : i32
    %c0_i32_0 = arith.constant 0 : i32
    return %arg0, %c0_i32 : i32, i32
  }
}

module attributes {stable_mosaic.version = 14 : i64} {
  func.func @body(%arg0: i32, %arg1: memref<4x128xf32, #tpu.memory_space<vmem>>, %arg2: memref<256x256xf32, #tpu.memory_space<vmem>>, %arg3: memref<256x128xf32, #tpu.memory_space<vmem>>, %arg4: memref<384x256xf32, #tpu.memory_space<vmem>>, %arg5: memref<1x256xf32, #tpu.memory_space<vmem>>, %arg6: memref<256x128xf32, #tpu.memory_space<vmem>>, %arg7: memref<1x128xf32, #tpu.memory_space<vmem>>, %arg8: memref<128x128xf32, #tpu.memory_space<vmem>>, %arg9: memref<1x128xf32, #tpu.memory_space<vmem>>, %arg10: memref<256x128xf32, #tpu.memory_space<vmem>>) attributes {dimension_semantics = [#tpu.dimension_semantics<arbitrary>], iteration_bounds = array<i64: 64>, scalar_prefetch = 0 : i64, scratch_operands = 0 : i64, tpu.core_type = #tpu.core_type<tc>, window_params = [{pipeline_mode = #tpu.pipeline_mode<synchronous>, transform_indices = @transform_0, window_bounds = array<i64: 4, 128>}, {transform_indices = @transform_1, window_bounds = array<i64: 256, 256>}, {transform_indices = @transform_2, window_bounds = array<i64: 256, 128>}, {pipeline_mode = #tpu.pipeline_mode<synchronous>, transform_indices = @transform_3, window_bounds = array<i64: 384, 256>}, {pipeline_mode = #tpu.pipeline_mode<synchronous>, transform_indices = @transform_4, window_bounds = array<i64: 1, 256>}, {pipeline_mode = #tpu.pipeline_mode<synchronous>, transform_indices = @transform_5, window_bounds = array<i64: 256, 128>}, {pipeline_mode = #tpu.pipeline_mode<synchronous>, transform_indices = @transform_6, window_bounds = array<i64: 1, 128>}, {pipeline_mode = #tpu.pipeline_mode<synchronous>, transform_indices = @transform_7, window_bounds = array<i64: 128, 128>}, {pipeline_mode = #tpu.pipeline_mode<synchronous>, transform_indices = @transform_8, window_bounds = array<i64: 1, 128>}, {transform_indices = @transform_9, window_bounds = array<i64: 256, 128>}]} {
    %get3A = arith.constant 0 : index
    %get3A_0 = arith.constant 0 : index
    %get3A_1 = vector.load %arg2[%get3A, %get3A_0] : memref<256x256xf32, #tpu.memory_space<vmem>>, vector<256x256xf32>
    %get3A_2 = arith.constant 0 : index
    %get3A_3 = arith.constant 0 : index
    %get3A_4 = vector.load %arg3[%get3A_2, %get3A_3] : memref<256x128xf32, #tpu.memory_space<vmem>>, vector<256x128xf32>
    %concatenate3A = tpu.concatenate %get3A_1, %get3A_4 in 1 : vector<256x256xf32>, vector<256x128xf32> -> vector<256x384xf32>
    %get3A_5 = arith.constant 0 : index
    %get3A_6 = arith.constant 0 : index
    %get3A_7 = vector.load %arg4[%get3A_5, %get3A_6] : memref<384x256xf32, #tpu.memory_space<vmem>>, vector<384x256xf32>
    %dot_general3A = arith.constant dense<0.000000e+00> : vector<256x256xf32>
    %dot_general3A_8 = tpu.matmul %concatenate3A, %get3A_7, %dot_general3A {dimension_numbers = #tpu.dot_dimension_numbers<[1], [0], [0], [1], [0, 0, 1, 1], [], []>, transpose_lhs_hint = false} : vector<256x384xf32>, vector<384x256xf32>, vector<256x256xf32> -> vector<256x256xf32>
    %get3A_9 = arith.constant 0 : index
    %get3A_10 = arith.constant 0 : index
    %get3A_11 = vector.load %arg5[%get3A_9, %get3A_10] : memref<1x256xf32, #tpu.memory_space<vmem>>, vector<1x256xf32>
    %add3A = vector.broadcast %get3A_11 : vector<1x256xf32> to vector<256x256xf32>
    %add3A_12 = arith.addf %dot_general3A_8, %add3A : vector<256x256xf32>
    %tanh3A = math.tanh %add3A_12 : vector<256x256xf32>
    %get3A_13 = arith.constant 0 : index
    %get3A_14 = arith.constant 0 : index
    %get3A_15 = vector.load %arg6[%get3A_13, %get3A_14] : memref<256x128xf32, #tpu.memory_space<vmem>>, vector<256x128xf32>
    %dot_general3A_16 = arith.constant dense<0.000000e+00> : vector<256x128xf32>
    %dot_general3A_17 = tpu.matmul %tanh3A, %get3A_15, %dot_general3A_16 {dimension_numbers = #tpu.dot_dimension_numbers<[1], [0], [0], [1], [0, 0, 1, 1], [], []>, transpose_lhs_hint = false} : vector<256x256xf32>, vector<256x128xf32>, vector<256x128xf32> -> vector<256x128xf32>
    %get3A_18 = arith.constant 0 : index
    %get3A_19 = arith.constant 0 : index
    %get3A_20 = vector.load %arg7[%get3A_18, %get3A_19] : memref<1x128xf32, #tpu.memory_space<vmem>>, vector<1x128xf32>
    %add3A_21 = vector.broadcast %get3A_20 : vector<1x128xf32> to vector<256x128xf32>
    %add3A_22 = arith.addf %dot_general3A_17, %add3A_21 : vector<256x128xf32>
    %get3A_23 = arith.constant 0 : index
    %get3A_24 = arith.constant 0 : index
    %get3A_25 = vector.load %arg1[%get3A_23, %get3A_24] : memref<4x128xf32, #tpu.memory_space<vmem>>, vector<4x128xf32>
    %get3A_26 = arith.constant 0 : index
    %get3A_27 = arith.constant 0 : index
    %get3A_28 = vector.load %arg8[%get3A_26, %get3A_27] : memref<128x128xf32, #tpu.memory_space<vmem>>, vector<128x128xf32>
    %dot_general3A_29 = arith.constant dense<0.000000e+00> : vector<4x128xf32>
    %dot_general3A_30 = tpu.matmul %get3A_25, %get3A_28, %dot_general3A_29 {dimension_numbers = #tpu.dot_dimension_numbers<[1], [0], [0], [1], [0, 0, 1, 1], [], []>, transpose_lhs_hint = false} : vector<4x128xf32>, vector<128x128xf32>, vector<4x128xf32> -> vector<4x128xf32>
    %get3A_31 = arith.constant 0 : index
    %get3A_32 = arith.constant 0 : index
    %get3A_33 = vector.load %arg9[%get3A_31, %get3A_32] : memref<1x128xf32, #tpu.memory_space<vmem>>, vector<1x128xf32>
    %add3A_34 = vector.broadcast %get3A_33 : vector<1x128xf32> to vector<4x128xf32>
    %add3A_35 = arith.addf %dot_general3A_30, %add3A_34 : vector<4x128xf32>
    %tanh3A_36 = math.tanh %add3A_35 : vector<4x128xf32>
    %jit3A = arith.constant 16 : i32
    %div3A = arith.divsi %arg0, %jit3A : i32
    %sign3A = arith.constant 0 : i32
    %sign3A_37 = arith.cmpi sgt, %arg0, %sign3A : i32
    %sign3A_38 = arith.extui %sign3A_37 : i1 to i32
    %sign3A_39 = arith.constant 0 : i32
    %sign3A_40 = arith.cmpi slt, %arg0, %sign3A_39 : i32
    %sign3A_41 = arith.extui %sign3A_40 : i1 to i32
    %sign3A_42 = arith.subi %sign3A_38, %sign3A_41 : i32
    %sign3A_43 = arith.constant 0 : i32
    %sign3A_44 = arith.cmpi sgt, %jit3A, %sign3A_43 : i32
    %sign3A_45 = arith.extui %sign3A_44 : i1 to i32
    %sign3A_46 = arith.constant 0 : i32
    %sign3A_47 = arith.cmpi slt, %jit3A, %sign3A_46 : i32
    %sign3A_48 = arith.extui %sign3A_47 : i1 to i32
    %sign3A_49 = arith.subi %sign3A_45, %sign3A_48 : i32
    %ne3A = arith.cmpi ne, %sign3A_42, %sign3A_49 : i32
    %rem3A = arith.remsi %arg0, %jit3A : i32
    %ne3A_50 = arith.constant 0 : i32
    %ne3A_51 = arith.cmpi ne, %rem3A, %ne3A_50 : i32
    %and3A = arith.andi %ne3A, %ne3A_51 : i1
    %sub3A = arith.constant 1 : i32
    %sub3A_52 = arith.subi %div3A, %sub3A : i32
    %select_n3A = arith.select %and3A, %sub3A_52, %div3A : i32
    %iota3A = tpu.iota {dimensions = array<i32: 0>} : vector<4x128xi32>
    %eq3A = vector.broadcast %select_n3A : i32 to vector<4x128xi32>
    %eq3A_53 = arith.cmpi eq, %iota3A, %eq3A : vector<4x128xi32>
    %jit3A_54 = arith.constant 0.000000e+00 : f32
    %broadcast_in_dim3A = vector.broadcast %jit3A_54 : f32 to vector<4x128xf32>
    %select_n3A_55 = arith.select %eq3A_53, %tanh3A_36, %broadcast_in_dim3A : vector<4x128xi1>, vector<4x128xf32>
    %reduce_sum3A = arith.constant dense<0.000000e+00> : vector<128xf32>
    %reduce_sum3A_56 = vector.multi_reduction <add>, %select_n3A_55, %reduce_sum3A [0] : vector<4x128xf32> to vector<128xf32>
    %broadcast_in_dim3A_57 = vector.shape_cast %reduce_sum3A_56 : vector<128xf32> to vector<1x128xf32>
    %mul3A = vector.broadcast %broadcast_in_dim3A_57 : vector<1x128xf32> to vector<256x128xf32>
    %mul3A_58 = arith.mulf %add3A_22, %mul3A : vector<256x128xf32>
    %swap3A = arith.constant 0 : index
    %swap3A_59 = arith.constant 0 : index
    %swap3A_60 = vector.load %arg10[%swap3A, %swap3A_59] : memref<256x128xf32, #tpu.memory_space<vmem>>, vector<256x128xf32>
    tpu.vector_store %arg10[%swap3A, %swap3A_59], %mul3A_58 {strides = array<i32>} : memref<256x128xf32, #tpu.memory_space<vmem>>, vector<256x128xf32>,
    return
  }
  func.func @transform_0(%arg0: i32) -> (i32, i32) {
    %c0_i32 = arith.constant 0 : i32
    %c0_i32_0 = arith.constant 0 : i32
    %c0_i32_1 = arith.constant 0 : i32
    return %c0_i32, %c0_i32_0 : i32, i32
  }
  func.func @transform_1(%arg0: i32) -> (i32, i32) {
    %c0_i32 = arith.constant 0 : i32
    %c0_i32_0 = arith.constant 0 : i32
    return %arg0, %c0_i32 : i32, i32
  }
  func.func @transform_2(%arg0: i32) -> (i32, i32) {
    %c0_i32 = arith.constant 0 : i32
    %c0_i32_0 = arith.constant 0 : i32
    return %arg0, %c0_i32 : i32, i32
  }
  func.func @transform_3(%arg0: i32) -> (i32, i32) {
    %c0_i32 = arith.constant 0 : i32
    %c0_i32_0 = arith.constant 0 : i32
    %c0_i32_1 = arith.constant 0 : i32
    return %c0_i32, %c0_i32_0 : i32, i32
  }
  func.func @transform_4(%arg0: i32) -> (i32, i32) {
    %c0_i32 = arith.constant 0 : i32
    %c0_i32_0 = arith.constant 0 : i32
    %c0_i32_1 = arith.constant 0 : i32
    return %c0_i32, %c0_i32_0 : i32, i32
  }
  func.func @transform_5(%arg0: i32) -> (i32, i32) {
    %c0_i32 = arith.constant 0 : i32
    %c0_i32_0 = arith.constant 0 : i32
    %c0_i32_1 = arith.constant 0 : i32
    return %c0_i32, %c0_i32_0 : i32, i32
  }
  func.func @transform_6(%arg0: i32) -> (i32, i32) {
    %c0_i32 = arith.constant 0 : i32
    %c0_i32_0 = arith.constant 0 : i32
    %c0_i32_1 = arith.constant 0 : i32
    return %c0_i32, %c0_i32_0 : i32, i32
  }
  func.func @transform_7(%arg0: i32) -> (i32, i32) {
    %c0_i32 = arith.constant 0 : i32
    %c0_i32_0 = arith.constant 0 : i32
    %c0_i32_1 = arith.constant 0 : i32
    return %c0_i32, %c0_i32_0 : i32, i32
  }
  func.func @transform_8(%arg0: i32) -> (i32, i32) {
    %c0_i32 = arith.constant 0 : i32
    %c0_i32_0 = arith.constant 0 : i32
    %c0_i32_1 = arith.constant 0 : i32
    return %c0_i32, %c0_i32_0 : i32, i32
  }
  func.func @transform_9(%arg0: i32) -> (i32, i32) {
    %c0_i32 = arith.constant 0 : i32
    %c0_i32_0 = arith.constant 0 : i32
    return %arg0, %c0_i32 : i32, i32
  }
}

</mosaic_0001>

<sc_bundles>
// kernel: kernel.5.cloned.1.call-start
scs
__scs_entry_jumppad:
0x0: {  	(pc) =	sbr.rel $0x88, $3  }
0x1: {  	(tag) =	ssettag $0x0;
	lr =	simm.s32 $0x1  }
0x2: {  	[smem:$0x3F94] =	sst lr;
	_ =	strace $0xD0000000  }
0x3: {  	_ = 	snop  }
0x4: {  	_ = 	snop  }
0x5: {  	_ = 	snop  }
0x6: {  	_ = 	snop  }
0x7: {  	_ = 	snop  }
__scs_overlays_trampoline_lowered:
0x8: {  	[smem:$0x3FA3] =	sst s0  }
0x9: {  	[smem:$0x3FA4] =	sst s1  }
0xa: {  	[smem:$0x3FA5] =	sst s2  }
0xb: {  	[smem:$0x3FA6] =	sst s3  }
0xc: {  	[smem:$0x3FA7] =	sst s4  }
0xd: {  	[smem:$0x3FA8] =	sst s5  }
0xe: {  	[smem:$0x3FA9] =	sst s6  }
0xf: {  	[smem:$0x3FAA] =	sst s7  }
0x10: {  	[smem:$0x3FAB] =	sst s8  }
0x11: {  	[smem:$0x3FAC] =	sst s9;
	s0 =	simm.s32 @!p0 $0x0  }
0x12: {  	s1 =	sld [smem:$0x3F92];
	s0 =	simm.s32 @p0 $0x1  }
0x13: {  	[smem:$0x3FAD] =	sst s0;
	s0 =	simm.s32 @!p1 $0x0  }
0x14: {  	s2 =	sld [smem:$0x3F91];
	s0 =	simm.s32 @p1 $0x1  }
0x15: {  	[smem:$0x3FAE] =	sst s0;
	s0 =	simm.s32 @!p2 $0x0  }
0x16: {  	s3 =	sld [smem:$0x3FDB];
	s0 =	simm.s32 @p2 $0x1  }
0x17: {  	s4 =	simm.s32 $0x1BF5;
	[smem:$0x3FB0] =	sst s0  }
0x18: {  	s0 =	sld [smem:$0x3F93];
	_ =	swait.ge [sflag:s4], $0x0  }
0x19: {  	s7 =	sld [smem:$0x3F94]  }
0x1a: {  	s8 =	sadd.s32 $0xFFFFE003, lr  }
0x1b: {  	s9 =	sadd.s32 $0xFFFFFEF7, lr;
	s5 =	simm.s32 $0xFFFFFFFF;
	p2 =	slt.u32 s8, $0xFFFFF086  }
0x1c: {  	p1 =	slt.u32 s9, $0xF7A;
	s5 =	simm.s32 @!p2 $0x0  }
0x1d: {  	s5 =	simm.s32 @p1 $0x1;
	p0 =	seq.s32 s7, s2  }
0x1e: {  	s7 =	smul.u32 @!p0 $0xF7A, s2;
	p2 =	seq.s32 @!p0 s5, $0x0  }
0x1f: {  	s9 =	smul.u32 $0xF7A, s1;
	s8 =	simm.s32 @!p0 $0x1BF5;
	p2 =	por !p2, p0  }
0x20: {  	[sflag:s8] =	ssyncset.s32 @!p0 $0xFFFFF086;
	s6 =	sadd.s32 @!p0 s3, s7;
	s7 =	simm.s32 @!p0 $0x108  }
0x21: {  	s3 =	sadd.s32 s3, s9;
	s6 =	sadd.s32 @!p0 $0x88, s6;
	s7 =	simm.s32 @p2 $0x1082  }
0x22: {  	[simem:s7], [sflag:s8] =	dma.local @!p0 [hbm:s6], $0xF7A  }
0x23: {  	s9 =	sor.u32 $0xD0000000, s2;
	s6 =	simm.s32 $0x108;
	_ =	swait.ge @!p0 [sflag:s8], $0x0  }
0x24: {  	s3 =	sadd.s32 $0x88, s3;
	s6 =	simm.s32 @!p1 $0x1082;
	[sflag:s4] =	ssyncset.s32 $0xFFFFF086  }
0x25: {  	[simem:s6], [sflag:s4] =	dma.local [hbm:s3], $0xF7A  }
0x26: {  	[smem:$0x3F94] =	sst s1;
	(tag) =	ssettag s2;
	_ =	strace s9  }
0x27: {  	s1 =	sld [smem:$0x3FA4]  }
0x28: {  	s2 =	sld [smem:$0x3FA5]  }
0x29: {  	s4 =	sld [smem:$0x3FA7]  }
0x2a: {  	p0 =	seq.s32 s5, $0x0;
	s5 =	sld [smem:$0x3FA8]  }
0x2b: {  	s6 =	sld [smem:$0x3FA9]  }
0x2c: {  	s7 =	sld [smem:$0x3FAA]  }
0x2d: {  	s3 =	simm.s32 $0x108;
	s8 =	sld [smem:$0x3FAB]  }
0x2e: {  	s3 =	simm.s32 @!p0 $0x1082;
	s9 =	sld [smem:$0x3FAC]  }
0x2f: {  	lr =	sadd.s32 s0, s3;
	s0 =	sld [smem:$0x3FA3]  }
0x30: {  	s3 =	sld [smem:$0x3FA6]  }
0x31: {  	[smem:$0x3FAF] =	sst s10  }
0x32: {  	s10 =	sld [smem:$0x3FAD];
	_ =	sdelay $0x3  }
0x33: {  	p0 =	seq.s32 s10, $0x1;
	s10 =	sld [smem:$0x3FAF];
	_ =	sdelay $0x3  }
0x34: {  	[smem:$0x3FAF] =	sst s10  }
0x35: {  	s10 =	sld [smem:$0x3FAE];
	_ =	sdelay $0x3  }
0x36: {  	p1 =	seq.s32 s10, $0x1;
	s10 =	sld [smem:$0x3FAF];
	_ =	sdelay $0x3  }
0x37: {  	[smem:$0x3FAF] =	sst s10  }
0x38: {  	s10 =	sld [smem:$0x3FB0]  }
0x39: {  	_ = 	snop;
	(pc) =	sbr.ind lr, $3  }
0x3a: {  	_ = 	snop  }
0x3b: {  	_ = 	snop  }
0x3c: {  	p2 =	seq.s32 s10, $0x1;
	s10 =	sld [smem:$0x3FAF]  }
0x3d: {  	_ =	shalt  }
0x3e: {  	_ =	shalt  }
0x3f: {  	_ =	shalt  }
0x40: {  	_ =	shalt  }
0x41: {  	_ =	shalt  }
0x42: {  	_ =	shalt  }
0x43: {  	_ =	shalt  }
0x44: {  	_ =	shalt  }
0x45: {  	_ =	shalt  }
0x46: {  	_ =	shalt  }
0x47: {  	_ =	shalt  }
0x48: {  	_ =	shalt  }
0x49: {  	_ =	shalt  }
0x4a: {  	_ =	shalt  }
0x4b: {  	_ =	shalt  }
0x4c: {  	_ =	shalt  }
0x4d: {  	_ =	shalt  }
0x4e: {  	_ =	shalt  }
0x4f: {  	_ =	shalt  }
0x50: {  	_ =	shalt  }
0x51: {  	_ =	shalt  }
0x52: {  	_ =	shalt  }
0x53: {  	_ =	shalt  }
0x54: {  	_ =	shalt  }
0x55: {  	_ =	shalt  }
0x56: {  	_ =	shalt  }
0x57: {  	_ =	shalt  }
0x58: {  	_ =	shalt  }
0x59: {  	_ =	shalt  }
0x5a: {  	_ =	shalt  }
0x5b: {  	_ =	shalt  }
0x5c: {  	_ =	shalt  }
0x5d: {  	_ =	shalt  }
0x5e: {  	_ =	shalt  }
0x5f: {  	_ =	shalt  }
0x60: {  	_ =	shalt  }
0x61: {  	_ =	shalt  }
0x62: {  	_ =	shalt  }
0x63: {  	_ =	shalt  }
0x64: {  	_ =	shalt  }
0x65: {  	_ =	shalt  }
0x66: {  	_ =	shalt  }
0x67: {  	_ =	shalt  }
0x68: {  	_ =	shalt  }
0x69: {  	_ =	shalt  }
0x6a: {  	_ =	shalt  }
0x6b: {  	_ =	shalt  }
0x6c: {  	_ =	shalt  }
0x6d: {  	_ =	shalt  }
0x6e: {  	_ =	shalt  }
0x6f: {  	_ =	shalt  }
0x70: {  	_ =	shalt  }
0x71: {  	_ =	shalt  }
0x72: {  	_ =	shalt  }
0x73: {  	_ =	shalt  }
0x74: {  	_ =	shalt  }
0x75: {  	_ =	shalt  }
0x76: {  	_ =	shalt  }
0x77: {  	_ =	shalt  }
0x78: {  	_ =	shalt  }
0x79: {  	_ =	shalt  }
0x7a: {  	_ =	shalt  }
0x7b: {  	_ =	shalt  }
0x7c: {  	_ =	shalt  }
0x7d: {  	_ =	shalt  }
0x7e: {  	_ =	shalt  }
0x7f: {  	_ =	shalt  }
0x80: {  	_ =	shalt  }
0x81: {  	_ =	shalt  }
0x82: {  	_ =	shalt  }
0x83: {  	_ =	shalt  }
0x84: {  	_ =	shalt  }
0x85: {  	_ =	shalt  }
0x86: {  	_ =	shalt  }
0x87: {  	_ =	shalt  }
.Lfunc_end0:
.L_simem_size_0:
called_computation_lowered:
.L_overlay_start_0:
0x88: {  	s2 =	sld [smem:$0x3FD9]  }
0x89: {  	s3 =	sld [smem:$0x3FFE];
	_ =	sdelay $0x1  }
0x8a: {  	s1 =	srdreg.scid  }
0x8b: {  	s0 =	sand.u32 $0x1, s1  }
0x8c: {  	s14 =	sshll.u32 s0, $0xA;
	s2 =	sadd.s32 s3, s2  }
0x8d: {  	s2 =	sadd.s32 s2, s14  }
0x8e: {  	[smem:$0x3FBB] =	sst s2  }
0x8f: {  	_ = 	snop  }
0x90: {  	s2 =	sld [smem:$0x3FD0];
	_ =	sdelay $0x2  }
0x91: {  	s4 =	simm.s32 $0xA;
	s5 =	simm.s32 $0x10;
	s15 =	sld [smem:$0x3FC8]  }
0x92: {  	[smem:s5], [sflag:s4] =	dma.local [hbm:s2], $0x1  }
0x93: {  	_ =	swait.eq [sflag:s4], $0x1  }
0x94: {  	[sflag:s4] =	ssyncset.done $0x0  }
0x95: {  	[sflag:s4] =	ssyncadd.s32 $0xFFFFFFFF  }
0x96: {  	s16 =	sld [smem:$0x10];
	(tm) =	ssettm $0x1  }
0x97: {  	s17 =	sld [smem:$0x3FFB];
	_ =	sdelay $0x3  }
0x98: {  	_ =	strace s17  }
0x99: {  	s4 =	sld [smem:$0x3FFC];
	_ =	sdelay $0x3  }
0x9a: {  	_ =	strace s4  }
0x9b: {  	s4 =	sld [smem:$0x3FFD];
	_ =	sdelay $0x3  }
0x9c: {  	_ =	strace s4  }
0x9d: {  	_ =	strace $0x8FFFFFFF  }
0x9e: {  	s18 =	sld [smem:$0x3FDB];
	_ =	sdelay $0x1  }
0x9f: {  	s19 =	simm.s32 $_scs_section_size  }
0xa0: {  	s6 =	simm.s32 $_size__tile_overlayer_lowered;
	s7 =	simm.s32 $_tile_overlayer_lowered  }
0xa1: {  	s22 =	simm.s32 $0x1BFF;
	s21 =	sshll.u32 s7, $0x1;
	s4 =	sadd.s32 s19, s18  }
0xa2: {  	s8 =	simm.s32 $0x0;
	s20 =	sshll.u32 s6, $0x1;
	s6 =	sadd.s32 s21, s4  }
0xa3: {  	[timem:s8], [sflag:s22] =	dma.local [hbm:s6], s20  }
0xa4: {  	_ =	swait.ge [sflag:s22], s20  }
0xa5: {  	s5 =	ssub.s32 $0x0, s20;
	[sflag:s22] =	ssyncset.done $0x0  }
0xa6: {  	[sflag:s22] =	ssyncadd.s32 s5;
	_ =	sdelay $0x1  }
0xa7: {  	s23 =	simm.s32 $0x1B8B  }
0xa8: {  	_ =	swait.ge [sflag:s23], $0x1  }
0xa9: {  	[sflag:s23] =	ssyncset.done $0x0  }
0xaa: {  	s25 =	simm.s32 $0x1B8E;
	s24 =	sld [smem:$0x3FFE];
	[sflag:s23] =	ssyncadd.s32 $0xFFFFFFFF  }
0xab: {  	s26 =	simm.s32 $execute0_lowered;
	[smem:$0x3FD2] =	sst s25  }
0xac: {  	s6 =	sshll.u32 s26, $0x1;
	_ =	strace $0x80000046;
	[dreg:$0x1] =	wrdreg $0xFFFFFFFF  }
0xad: {  	s28 =	simm.s32 $_size_execute0_lowered;
	s4 =	sadd.s32 s4, s6;
	[dreg:$0x0] =	wrdreg $0x0  }
0xae: {  	s6 =	sshll.u32 s28, $0x1;
	[dreg:$0x2] =	wrdreg s4  }
0xaf: {  	[dreg:$0x3] =	wrdreg s6  }
0xb0: {  	[dreg:$0x4] =	wrdreg $0xC0  }
0xb1: {  	_ =	task [dreg:s8], $0x5FFFF  }
0xb2: {  	[dreg:$0x1] =	wrdreg $0xFFFFFFFF  }
0xb3: {  	[dreg:$0x0] =	wrdreg $0x60  }
0xb4: {  	[dreg:$0x2] =	wrdreg s15  }
0xb5: {  	[dreg:$0x3] =	wrdreg s16  }
0xb6: {  	[dreg:$0x4] =	wrdreg s24  }
0xb7: {  	[dreg:$0x5] =	wrdreg $0x9  }
0xb8: {  	_ =	task.clear_ibuf [dreg:s8], $0x6FFFF;
	_ =	strace $0x90000046  }
0xb9: {  	s29 =	simm.s32 $0x9;
	_ =	strace $0x80000048  }
0xba: {  	_ =	swait.ge [sflag:s29], $0x1  }
0xbb: {  	[sflag:s29] =	ssyncadd.s32 $0xFFFFFFFF  }
0xbc: {  	_ =	strace $0x90000048  }
0xbd: {  	_ =	sfence  }
0xbe: {  	s30 =	sld [smem:$0x0];
	_ =	sdelay $0x2  }
0xbf: {  	s31 =	sshll.u32 s1, $0xD;
	s1 =	sshrl.u32 s1, $0x2  }
0xc0: {  	s3 =	sand.u32 $0x4000, s31;
	s1 =	sadd.s32 s1, s30  }
0xc1: {  	s0 =	sor.u32 s3, s0;
	s1 =	sshll.u32 s1, $0x11  }
0xc2: {  	s0 =	sor.u32 s1, s0  }
0xc3: {  	s0 =	sadd.s32 $0x8F2B, s0  }
0xc4: {  	[sflag:s0] =	ssyncadd.remote.s32 $0x1  }
0xc5: {  	_ =	sfence.sel $0xFFFF  }
0xc6: {  	[dreg:$0x0] =	wrdreg $0xFFFFFFFF;
	(pc) =	sbr.abs _section_cstart, $3  }
0xc7: {  	[dreg:$0x1] =	wrdreg $0xFFFFFFFF  }
0xc8: {  	_ =	task.clear_ibuf [dreg:s8], $0x2FFFF;
	_ =	strace $0x9FFFFFFF  }
0xc9: {  	(tm) =	ssettm $0x7FFFFFFF  }
tec
execute0_lowered:
.L_overlay_start_1:
0x0: {  	(tag) =	ssettag $0x1  }
0x1: {  	s1 =	rddreg [dreg:$0x0]  }
0x2: {  	s0 =	rddreg [dreg:$0x2]  }
0x3: {  	s3 =	simm.s32 $0x0;
	s2 =	srdreg.scid;
	s4 =	stileid.u32  }
0x4: {  	s9 =	simm.s32 $0x2;
	s28 =	simm.s32 $0x9900;
	s29 =	simm.s32 $0xA100  }
0x5: {  	s30 =	simm.s32 $0xA900;
	s31 =	simm.s32 $0xB100;
	s8 =	simm.s32 $0xC900  }
0x6: {  	s10 =	simm.s32 $0xE100;
	s11 =	simm.s32 $0xE900;
	s12 =	simm.s32 $0xF100  }
0x7: {  	s13 =	simm.s32 $0xF900;
	s14 =	simm.s32 $0x10100;
	s15 =	simm.s32 $0x10900  }
0x8: {  	s16 =	simm.s32 $0x11100;
	s17 =	simm.s32 $0x1;
	s18 =	simm.s32 $0x11900  }
0x9: {  	s20 =	simm.s32 $0x0;
	[smem:$0x7FF] =	sst s3;
	s2 =	sand.u32 $0x1, s2  }
0xa: {  	s5 =	sadd.s32 $0x2E00, s0;
	s6 =	sadd.s32 $0x82E00, s0;
	s26 =	sshll.u32 s4, $0xA  }
0xb: {  	s4 =	simm.s32 $0xC100;
	s3 =	simm.s32 $0xD900;
	s24 =	ssub.s32 $0x2, s2  }
0xc: {  	_ =	strace $0x80000047;
	s2 =	sshll.u32 s2, $0x9;
	s25 =	sshrl.u32 s24, $0x1  }
0xd: {  	v2 =	vlaneseq.u32;
	s7 =	sor.u32 s2, s26;
	s26 =	simm.s32 $0x9100;
	s0 =	ssub.s32 s24, s25  }
0xe: {  	vm0 =	vmmov $0xffff;
	v1 =	vshrl.u32 v2, $0x3;
	s2 =	simm.s32 $0xD100;
	s24 =	simm.s32 $0x8100;
	s0 =	smax.u32 s0, $0x1  }
0xf: {  	v0 =	vand.u32 $0x7, v2;
	v2 =	vor.u32 $0x8, v2;
	v1 =	vmul.u32 $0x8, v1;
	s25 =	simm.s32 $0x8900;
	[dreg:$0x4] =	wrdreg s0;
	s0 =	simm.s32 $0xB900  }
.LBB2_1:
0x10: {  	[dreg:$0x5] =	wrdreg s20;
	s19 =	simm.s32 $0x0  }
.LBB2_2:
0x11: {  	s20 =	sshll.u32 s19, $0x4  }
0x12: {  	s21 =	sadd.s32 s7, s20  }
0x13: {  	s22 =	rddreg [dreg:$0x1];
	s20 =	sshll.u32 s21, $0x4  }
0x14: {  	s22 =	sadd.s32 s22, s20;
	s20 =	simm.s32 $0x0  }
0x15: {  	[tilespmem:s20], [sflag:$0x2] =	stream.linear.gather [hbm4b:s22+s20], $0x800, $0x38;
	[tilespmem:$0x12900] =	vst v63  }
0x16: {  	_ =	swait.ge [sflag:s9], $0x800  }
0x17: {  	s21 =	sshll.u32 s21, $0x5;
	[sflag:s9] =	ssyncset.done $0x0  }
0x18: {  	s23 =	simm.s32 $0x800;
	s22 =	sadd.s32 s5, s21;
	[sflag:s9] =	ssyncadd.s32 $0xFFFFF800  }
0x19: {  	[tilespmem:s23], [sflag:$0x2] =	stream.linear.gather [hbm4b:s22+s20], $0x1000, $0x38;
	[tilespmem:$0x12900] =	vst v63  }
0x1a: {  	_ =	swait.ge [sflag:s9], $0x1000  }
0x1b: {  	[sflag:s9] =	ssyncset.done $0x0  }
0x1c: {  	[sflag:s9] =	ssyncadd.s32 $0xFFFFF000  }
0x1d: {  	v3 =	vld [tilespmem:$0x0]  }
0x1e: {  	v4 =	vld [tilespmem:$0x80]  }
0x1f: {  	v5 =	vld [tilespmem:$0x100]  }
0x20: {  	v6 =	vld [tilespmem:$0x180]  }
0x21: {  	v7 =	vld [tilespmem:$0x200]  }
0x22: {  	v8 =	vld [tilespmem:$0x280];
	[tilespmem:$0x1800] =	vst v3  }
0x23: {  	v38 =	vld [tilespmem:$0x300];
	[tilespmem:$0x1810] =	vst v4  }
0x24: {  	v39 =	vld [tilespmem:$0x380];
	[tilespmem:$0x1820] =	vst v5  }
0x25: {  	v40 =	vld [tilespmem:$0x400];
	[tilespmem:$0x1830] =	vst v6  }
0x26: {  	v41 =	vld [tilespmem:$0x480];
	[tilespmem:$0x1840] =	vst v7  }
0x27: {  	v42 =	vld [tilespmem:$0x500];
	[tilespmem:$0x1850] =	vst v8  }
0x28: {  	v43 =	vld [tilespmem:$0x580];
	[tilespmem:$0x1860] =	vst v38;
	v9 =	vshll.u32 v3, $0x1  }
0x29: {  	v44 =	vld [tilespmem:$0x600];
	[tilespmem:$0x1870] =	vst v39;
	v3 =	vand.u32 $0x7, v3;
	v9 =	vand.u32 $0xFFFFFFF0, v9  }
0x2a: {  	v45 =	vld [tilespmem:$0x680];
	[tilespmem:$0x1880] =	vst v40;
	v3 =	vor.u32 v3, v9  }
0x2b: {  	v46 =	vld [tilespmem:$0x700];
	[tilespmem:$0x1890] =	vst v41;
	v9 =	vperm.xlane v3, v0  }
0x2c: {  	v47 =	vld [tilespmem:$0x780];
	[tilespmem:$0x18A0] =	vst v42  }
0x2d: {  	[tilespmem:$0x18B0] =	vst v43;
	v3 =	vperm.xlane v3, v2;
	v48 =	vadd.s32 v1, v9  }
0x2e: {  	[tilespmem:$0x18C0] =	vst v44  }
0x2f: {  	[tilespmem:$0x18D0] =	vst v45;
	v3 =	vadd.s32 v1, v3  }
0x30: {  	[tilespmem:$0x18E0] =	vst v46  }
0x31: {  	s23 =	simm.s32 $0x1900;
	[tilespmem:$0x18F0] =	vst v47  }
0x32: {  	[tilespmem:s23], [sflag:$0x1] =	stream.indirect_vreg.gather [hbm4b:s1+s20], $0x80, v48, vm0, $0xb8;
	[tilespmem:$0x12900] =	vst v63  }
0x33: {  	s23 =	simm.s32 $0x2100  }
0x34: {  	[tilespmem:s23], [sflag:$0x1] =	stream.indirect_vreg.gather [hbm4b:s1+s20], $0x80, v3, vm0, $0xb8;
	[tilespmem:$0x12900] =	vst v63  }
0x35: {  	v3 =	vld [tilespmem:$0x1810];
	_ =	sdelay $0x4  }
0x36: {  	v49 =	vshll.u32 v3, $0x1  }
0x37: {  	v3 =	vand.u32 $0x7, v3;
	v4 =	vand.u32 $0xFFFFFFF0, v49  }
0x38: {  	v3 =	vor.u32 v3, v4  }
0x39: {  	v4 =	vperm.xlane v3, v0;
	_ =	sdelay $0x1  }
0x3a: {  	v3 =	vperm.xlane v3, v2;
	v4 =	vadd.s32 v1, v4;
	_ =	sdelay $0x1  }
0x3b: {  	v3 =	vadd.s32 v1, v3;
	_ =	sdelay $0x1  }
0x3c: {  	s23 =	simm.s32 $0x2900  }
0x3d: {  	[tilespmem:s23], [sflag:$0x1] =	stream.indirect_vreg.gather [hbm4b:s1+s20], $0x80, v4, vm0, $0xb8;
	[tilespmem:$0x12900] =	vst v63  }
0x3e: {  	s23 =	simm.s32 $0x3100  }
0x3f: {  	[tilespmem:s23], [sflag:$0x1] =	stream.indirect_vreg.gather [hbm4b:s1+s20], $0x80, v3, vm0, $0xb8;
	[tilespmem:$0x12900] =	vst v63  }
0x40: {  	v3 =	vld [tilespmem:$0x1820];
	_ =	sdelay $0x4  }
0x41: {  	v50 =	vshll.u32 v3, $0x1  }
0x42: {  	v3 =	vand.u32 $0x7, v3;
	v4 =	vand.u32 $0xFFFFFFF0, v50  }
0x43: {  	v3 =	vor.u32 v3, v4  }
0x44: {  	v4 =	vperm.xlane v3, v0;
	_ =	sdelay $0x1  }
0x45: {  	v3 =	vperm.xlane v3, v2;
	v4 =	vadd.s32 v1, v4;
	_ =	sdelay $0x1  }
0x46: {  	v3 =	vadd.s32 v1, v3;
	_ =	sdelay $0x1  }
0x47: {  	s23 =	simm.s32 $0x3900  }
0x48: {  	[tilespmem:s23], [sflag:$0x1] =	stream.indirect_vreg.gather [hbm4b:s1+s20], $0x80, v4, vm0, $0xb8;
	[tilespmem:$0x12900] =	vst v63  }
0x49: {  	s23 =	simm.s32 $0x4100  }
0x4a: {  	[tilespmem:s23], [sflag:$0x1] =	stream.indirect_vreg.gather [hbm4b:s1+s20], $0x80, v3, vm0, $0xb8;
	[tilespmem:$0x12900] =	vst v63  }
0x4b: {  	v3 =	vld [tilespmem:$0x1830];
	_ =	sdelay $0x4  }
0x4c: {  	v51 =	vshll.u32 v3, $0x1  }
0x4d: {  	v3 =	vand.u32 $0x7, v3;
	v4 =	vand.u32 $0xFFFFFFF0, v51  }
0x4e: {  	v3 =	vor.u32 v3, v4  }
0x4f: {  	v4 =	vperm.xlane v3, v0;
	_ =	sdelay $0x1  }
0x50: {  	v3 =	vperm.xlane v3, v2;
	v4 =	vadd.s32 v1, v4;
	_ =	sdelay $0x1  }
0x51: {  	v3 =	vadd.s32 v1, v3;
	_ =	sdelay $0x1  }
0x52: {  	s23 =	simm.s32 $0x4900  }
0x53: {  	[tilespmem:s23], [sflag:$0x1] =	stream.indirect_vreg.gather [hbm4b:s1+s20], $0x80, v4, vm0, $0xb8;
	[tilespmem:$0x12900] =	vst v63  }
0x54: {  	s23 =	simm.s32 $0x5100  }
0x55: {  	[tilespmem:s23], [sflag:$0x1] =	stream.indirect_vreg.gather [hbm4b:s1+s20], $0x80, v3, vm0, $0xb8;
	[tilespmem:$0x12900] =	vst v63  }
0x56: {  	v3 =	vld [tilespmem:$0x1840];
	_ =	sdelay $0x4  }
0x57: {  	v52 =	vshll.u32 v3, $0x1  }
0x58: {  	v3 =	vand.u32 $0x7, v3;
	v4 =	vand.u32 $0xFFFFFFF0, v52  }
0x59: {  	v3 =	vor.u32 v3, v4  }
0x5a: {  	v4 =	vperm.xlane v3, v0;
	_ =	sdelay $0x1  }
0x5b: {  	v3 =	vperm.xlane v3, v2;
	v4 =	vadd.s32 v1, v4;
	_ =	sdelay $0x1  }
0x5c: {  	v3 =	vadd.s32 v1, v3;
	_ =	sdelay $0x1  }
0x5d: {  	s23 =	simm.s32 $0x5900  }
0x5e: {  	[tilespmem:s23], [sflag:$0x1] =	stream.indirect_vreg.gather [hbm4b:s1+s20], $0x80, v4, vm0, $0xb8;
	[tilespmem:$0x12900] =	vst v63  }
0x5f: {  	s23 =	simm.s32 $0x6100  }
0x60: {  	[tilespmem:s23], [sflag:$0x1] =	stream.indirect_vreg.gather [hbm4b:s1+s20], $0x80, v3, vm0, $0xb8;
	[tilespmem:$0x12900] =	vst v63  }
0x61: {  	v3 =	vld [tilespmem:$0x1850];
	_ =	sdelay $0x4  }
0x62: {  	v53 =	vshll.u32 v3, $0x1  }
0x63: {  	v3 =	vand.u32 $0x7, v3;
	v4 =	vand.u32 $0xFFFFFFF0, v53  }
0x64: {  	v3 =	vor.u32 v3, v4  }
0x65: {  	v4 =	vperm.xlane v3, v0;
	_ =	sdelay $0x1  }
0x66: {  	v3 =	vperm.xlane v3, v2;
	v4 =	vadd.s32 v1, v4;
	_ =	sdelay $0x1  }
0x67: {  	v3 =	vadd.s32 v1, v3;
	_ =	sdelay $0x1  }
0x68: {  	s23 =	simm.s32 $0x6900  }
0x69: {  	[tilespmem:s23], [sflag:$0x1] =	stream.indirect_vreg.gather [hbm4b:s1+s20], $0x80, v4, vm0, $0xb8;
	[tilespmem:$0x12900] =	vst v63  }
0x6a: {  	s23 =	simm.s32 $0x7100  }
0x6b: {  	[tilespmem:s23], [sflag:$0x1] =	stream.indirect_vreg.gather [hbm4b:s1+s20], $0x80, v3, vm0, $0xb8;
	[tilespmem:$0x12900] =	vst v63  }
0x6c: {  	v3 =	vld [tilespmem:$0x1860];
	_ =	sdelay $0x4  }
0x6d: {  	v54 =	vshll.u32 v3, $0x1  }
0x6e: {  	v3 =	vand.u32 $0x7, v3;
	v4 =	vand.u32 $0xFFFFFFF0, v54  }
0x6f: {  	v3 =	vor.u32 v3, v4  }
0x70: {  	v4 =	vperm.xlane v3, v0;
	_ =	sdelay $0x1  }
0x71: {  	v3 =	vperm.xlane v3, v2;
	v4 =	vadd.s32 v1, v4;
	_ =	sdelay $0x1  }
0x72: {  	v3 =	vadd.s32 v1, v3;
	_ =	sdelay $0x1  }
0x73: {  	s23 =	simm.s32 $0x7900  }
0x74: {  	[tilespmem:s23], [sflag:$0x1] =	stream.indirect_vreg.gather [hbm4b:s1+s20], $0x80, v4, vm0, $0xb8;
	[tilespmem:$0x12900] =	vst v63  }
0x75: {  	_ = 	snop  }
0x76: {  	[tilespmem:s24], [sflag:$0x1] =	stream.indirect_vreg.gather [hbm4b:s1+s20], $0x80, v3, vm0, $0xb8;
	[tilespmem:$0x12900] =	vst v63  }
0x77: {  	v3 =	vld [tilespmem:$0x1870];
	_ =	sdelay $0x4  }
0x78: {  	v55 =	vshll.u32 v3, $0x1  }
0x79: {  	v3 =	vand.u32 $0x7, v3;
	v4 =	vand.u32 $0xFFFFFFF0, v55  }
0x7a: {  	v3 =	vor.u32 v3, v4  }
0x7b: {  	v4 =	vperm.xlane v3, v0;
	_ =	sdelay $0x1  }
0x7c: {  	v3 =	vperm.xlane v3, v2;
	v4 =	vadd.s32 v1, v4;
	_ =	sdelay $0x1  }
0x7d: {  	v3 =	vadd.s32 v1, v3;
	_ =	sdelay $0x2  }
0x7e: {  	[tilespmem:s25], [sflag:$0x1] =	stream.indirect_vreg.gather [hbm4b:s1+s20], $0x80, v4, vm0, $0xb8;
	[tilespmem:$0x12900] =	vst v63  }
0x7f: {  	_ = 	snop  }
0x80: {  	[tilespmem:s26], [sflag:$0x1] =	stream.indirect_vreg.gather [hbm4b:s1+s20], $0x80, v3, vm0, $0xb8;
	[tilespmem:$0x12900] =	vst v63  }
0x81: {  	v3 =	vld [tilespmem:$0x1880];
	_ =	sdelay $0x4  }
0x82: {  	v56 =	vshll.u32 v3, $0x1  }
0x83: {  	v3 =	vand.u32 $0x7, v3;
	v4 =	vand.u32 $0xFFFFFFF0, v56  }
0x84: {  	v3 =	vor.u32 v3, v4  }
0x85: {  	v4 =	vperm.xlane v3, v0;
	_ =	sdelay $0x1  }
0x86: {  	v3 =	vperm.xlane v3, v2;
	v4 =	vadd.s32 v1, v4;
	_ =	sdelay $0x1  }
0x87: {  	v3 =	vadd.s32 v1, v3;
	_ =	sdelay $0x2  }
0x88: {  	[tilespmem:s28], [sflag:$0x1] =	stream.indirect_vreg.gather [hbm4b:s1+s20], $0x80, v4, vm0, $0xb8;
	[tilespmem:$0x12900] =	vst v63  }
0x89: {  	_ = 	snop  }
0x8a: {  	[tilespmem:s29], [sflag:$0x1] =	stream.indirect_vreg.gather [hbm4b:s1+s20], $0x80, v3, vm0, $0xb8;
	[tilespmem:$0x12900] =	vst v63  }
0x8b: {  	v3 =	vld [tilespmem:$0x1890];
	_ =	sdelay $0x4  }
0x8c: {  	v57 =	vshll.u32 v3, $0x1  }
0x8d: {  	v3 =	vand.u32 $0x7, v3;
	v4 =	vand.u32 $0xFFFFFFF0, v57  }
0x8e: {  	v3 =	vor.u32 v3, v4  }
0x8f: {  	v4 =	vperm.xlane v3, v0;
	_ =	sdelay $0x1  }
0x90: {  	v3 =	vperm.xlane v3, v2;
	v4 =	vadd.s32 v1, v4;
	_ =	sdelay $0x1  }
0x91: {  	v3 =	vadd.s32 v1, v3;
	_ =	sdelay $0x2  }
0x92: {  	[tilespmem:s30], [sflag:$0x1] =	stream.indirect_vreg.gather [hbm4b:s1+s20], $0x80, v4, vm0, $0xb8;
	[tilespmem:$0x12900] =	vst v63  }
0x93: {  	_ = 	snop  }
0x94: {  	[tilespmem:s31], [sflag:$0x1] =	stream.indirect_vreg.gather [hbm4b:s1+s20], $0x80, v3, vm0, $0xb8;
	[tilespmem:$0x12900] =	vst v63  }
0x95: {  	v3 =	vld [tilespmem:$0x18A0];
	_ =	sdelay $0x4  }
0x96: {  	v58 =	vshll.u32 v3, $0x1  }
0x97: {  	v3 =	vand.u32 $0x7, v3;
	v4 =	vand.u32 $0xFFFFFFF0, v58  }
0x98: {  	v3 =	vor.u32 v3, v4  }
0x99: {  	v4 =	vperm.xlane v3, v0;
	_ =	sdelay $0x1  }
0x9a: {  	v3 =	vperm.xlane v3, v2;
	v4 =	vadd.s32 v1, v4;
	_ =	sdelay $0x1  }
0x9b: {  	v3 =	vadd.s32 v1, v3;
	_ =	sdelay $0x2  }
0x9c: {  	[tilespmem:s0], [sflag:$0x1] =	stream.indirect_vreg.gather [hbm4b:s1+s20], $0x80, v4, vm0, $0xb8;
	[tilespmem:$0x12900] =	vst v63  }
0x9d: {  	_ = 	snop  }
0x9e: {  	[tilespmem:s4], [sflag:$0x1] =	stream.indirect_vreg.gather [hbm4b:s1+s20], $0x80, v3, vm0, $0xb8;
	[tilespmem:$0x12900] =	vst v63  }
0x9f: {  	v3 =	vld [tilespmem:$0x18B0];
	_ =	sdelay $0x4  }
0xa0: {  	v59 =	vshll.u32 v3, $0x1  }
0xa1: {  	v3 =	vand.u32 $0x7, v3;
	v4 =	vand.u32 $0xFFFFFFF0, v59  }
0xa2: {  	v3 =	vor.u32 v3, v4  }
0xa3: {  	v4 =	vperm.xlane v3, v0;
	_ =	sdelay $0x1  }
0xa4: {  	v3 =	vperm.xlane v3, v2;
	v4 =	vadd.s32 v1, v4;
	_ =	sdelay $0x1  }
0xa5: {  	v3 =	vadd.s32 v1, v3;
	_ =	sdelay $0x2  }
0xa6: {  	[tilespmem:s8], [sflag:$0x1] =	stream.indirect_vreg.gather [hbm4b:s1+s20], $0x80, v4, vm0, $0xb8;
	[tilespmem:$0x12900] =	vst v63  }
0xa7: {  	_ = 	snop  }
0xa8: {  	[tilespmem:s2], [sflag:$0x1] =	stream.indirect_vreg.gather [hbm4b:s1+s20], $0x80, v3, vm0, $0xb8;
	[tilespmem:$0x12900] =	vst v63  }
0xa9: {  	v3 =	vld [tilespmem:$0x18C0];
	_ =	sdelay $0x4  }
0xaa: {  	v60 =	vshll.u32 v3, $0x1  }
0xab: {  	v3 =	vand.u32 $0x7, v3;
	v4 =	vand.u32 $0xFFFFFFF0, v60  }
0xac: {  	v3 =	vor.u32 v3, v4  }
0xad: {  	v4 =	vperm.xlane v3, v0;
	_ =	sdelay $0x1  }
0xae: {  	v3 =	vperm.xlane v3, v2;
	v4 =	vadd.s32 v1, v4;
	_ =	sdelay $0x1  }
0xaf: {  	v3 =	vadd.s32 v1, v3;
	_ =	sdelay $0x2  }
0xb0: {  	[tilespmem:s3], [sflag:$0x1] =	stream.indirect_vreg.gather [hbm4b:s1+s20], $0x80, v4, vm0, $0xb8;
	[tilespmem:$0x12900] =	vst v63  }
0xb1: {  	_ = 	snop  }
0xb2: {  	[tilespmem:s10], [sflag:$0x1] =	stream.indirect_vreg.gather [hbm4b:s1+s20], $0x80, v3, vm0, $0xb8;
	[tilespmem:$0x12900] =	vst v63  }
0xb3: {  	v3 =	vld [tilespmem:$0x18D0];
	_ =	sdelay $0x4  }
0xb4: {  	v61 =	vshll.u32 v3, $0x1  }
0xb5: {  	v3 =	vand.u32 $0x7, v3;
	v4 =	vand.u32 $0xFFFFFFF0, v61  }
0xb6: {  	v3 =	vor.u32 v3, v4  }
0xb7: {  	v4 =	vperm.xlane v3, v0;
	_ =	sdelay $0x1  }
0xb8: {  	v3 =	vperm.xlane v3, v2;
	v4 =	vadd.s32 v1, v4;
	_ =	sdelay $0x1  }
0xb9: {  	v3 =	vadd.s32 v1, v3;
	_ =	sdelay $0x2  }
0xba: {  	[tilespmem:s11], [sflag:$0x1] =	stream.indirect_vreg.gather [hbm4b:s1+s20], $0x80, v4, vm0, $0xb8;
	[tilespmem:$0x12900] =	vst v63  }
0xbb: {  	_ = 	snop  }
0xbc: {  	[tilespmem:s12], [sflag:$0x1] =	stream.indirect_vreg.gather [hbm4b:s1+s20], $0x80, v3, vm0, $0xb8;
	[tilespmem:$0x12900] =	vst v63  }
0xbd: {  	v3 =	vld [tilespmem:$0x18E0];
	_ =	sdelay $0x4  }
0xbe: {  	v62 =	vshll.u32 v3, $0x1  }
0xbf: {  	v3 =	vand.u32 $0x7, v3;
	v4 =	vand.u32 $0xFFFFFFF0, v62  }
0xc0: {  	v3 =	vor.u32 v3, v4  }
0xc1: {  	v4 =	vperm.xlane v3, v0;
	_ =	sdelay $0x1  }
0xc2: {  	v3 =	vperm.xlane v3, v2;
	v4 =	vadd.s32 v1, v4;
	_ =	sdelay $0x1  }
0xc3: {  	v3 =	vadd.s32 v1, v3;
	_ =	sdelay $0x2  }
0xc4: {  	[tilespmem:s13], [sflag:$0x1] =	stream.indirect_vreg.gather [hbm4b:s1+s20], $0x80, v4, vm0, $0xb8;
	[tilespmem:$0x12900] =	vst v63  }
0xc5: {  	_ = 	snop  }
0xc6: {  	[tilespmem:s14], [sflag:$0x1] =	stream.indirect_vreg.gather [hbm4b:s1+s20], $0x80, v3, vm0, $0xb8;
	[tilespmem:$0x12900] =	vst v63  }
0xc7: {  	v3 =	vld [tilespmem:$0x18F0];
	_ =	sdelay $0x4  }
0xc8: {  	v63 =	vshll.u32 v3, $0x1  }
0xc9: {  	v3 =	vand.u32 $0x7, v3;
	v4 =	vand.u32 $0xFFFFFFF0, v63  }
0xca: {  	v3 =	vor.u32 v3, v4  }
0xcb: {  	v4 =	vperm.xlane v3, v0;
	_ =	sdelay $0x1  }
0xcc: {  	v3 =	vperm.xlane v3, v2;
	v4 =	vadd.s32 v1, v4;
	_ =	sdelay $0x1  }
0xcd: {  	v3 =	vadd.s32 v1, v3;
	_ =	sdelay $0x2  }
0xce: {  	[tilespmem:s15], [sflag:$0x1] =	stream.indirect_vreg.gather [hbm4b:s1+s20], $0x80, v4, vm0, $0xb8;
	[tilespmem:$0x12900] =	vst v63  }
0xcf: {  	_ = 	snop  }
0xd0: {  	[tilespmem:s16], [sflag:$0x1] =	stream.indirect_vreg.gather [hbm4b:s1+s20], $0x80, v3, vm0, $0xb8;
	[tilespmem:$0x12900] =	vst v63  }
0xd1: {  	_ =	swait.ge [sflag:s17], $0x10000  }
0xd2: {  	[sflag:s17] =	ssyncset.done $0x0  }
0xd3: {  	[sflag:s17] =	ssyncadd.s32 $0xFFFF0000  }
.LBB2_3:
0xd4: {  	s22 =	sshll.u32 s20, $0x8;
	s23 =	sshll.u32 s20, $0x7  }
0xd5: {  	s22 =	sand.u32 $0x800, s22;
	s23 =	sand.u32 $0x380, s23  }
0xd6: {  	s22 =	sor.u32 s23, s22;
	s23 =	sshll.u32 s20, $0xC  }
0xd7: {  	v7 =	vld [tilespmem:s22+$0x800];
	s23 =	sand.u32 $0x3FFFF000, s23  }
0xd8: {  	v4 =	vld [tilespmem:s23+$0x1900]  }
0xd9: {  	v8 =	vld [tilespmem:s22+$0x810]  }
0xda: {  	v6 =	vld [tilespmem:s23+$0x1980]  }
0xdb: {  	v5 =	vld [tilespmem:s22+$0x820]  }
0xdc: {  	v9 =	vld [tilespmem:s23+$0x1A00]  }
0xdd: {  	v3 =	vld [tilespmem:s22+$0x830];
	v10 =	vmul.f32 v4, v7  }
0xde: {  	v11 =	vld [tilespmem:s23+$0x1A80]  }
0xdf: {  	v13 =	vld [tilespmem:s23+$0x1B00];
	v12 =	vmul.f32 v6, v8;
	v10 =	vadd.f32 $0.0e+00, v10  }
0xe0: {  	v4 =	vld [tilespmem:s22+$0x840]  }
0xe1: {  	v14 =	vld [tilespmem:s23+$0x1B80];
	v26 =	vmul.f32 v9, v5;
	v10 =	vadd.f32 v12, v10  }
0xe2: {  	v6 =	vld [tilespmem:s22+$0x850]  }
0xe3: {  	v15 =	vld [tilespmem:s23+$0x1C00];
	v11 =	vmul.f32 v11, v3;
	v12 =	vadd.f32 v26, v10  }
0xe4: {  	v9 =	vld [tilespmem:s22+$0x860]  }
0xe5: {  	v16 =	vld [tilespmem:s23+$0x1C80];
	v13 =	vmul.f32 v13, v4;
	v12 =	vadd.f32 v11, v12  }
0xe6: {  	v10 =	vld [tilespmem:s22+$0x870]  }
0xe7: {  	v17 =	vld [tilespmem:s23+$0x2100];
	v14 =	vmul.f32 v14, v6;
	v13 =	vadd.f32 v13, v12  }
0xe8: {  	v11 =	vld [tilespmem:s22+$0xC00]  }
0xe9: {  	v18 =	vld [tilespmem:s23+$0x2180];
	v15 =	vmul.f32 v15, v9;
	v14 =	vadd.f32 v14, v13  }
0xea: {  	v12 =	vld [tilespmem:s22+$0xC10]  }
0xeb: {  	v19 =	vld [tilespmem:s23+$0x2200];
	v16 =	vmul.f32 v16, v10;
	v15 =	vadd.f32 v15, v14  }
0xec: {  	v13 =	vld [tilespmem:s22+$0xC20]  }
0xed: {  	v20 =	vld [tilespmem:s23+$0x2280];
	v17 =	vmul.f32 v17, v11;
	v16 =	vadd.f32 v16, v15  }
0xee: {  	v14 =	vld [tilespmem:s22+$0xC30]  }
0xef: {  	v21 =	vld [tilespmem:s23+$0x2300];
	v18 =	vmul.f32 v18, v12;
	v17 =	vadd.f32 v17, v16  }
0xf0: {  	v15 =	vld [tilespmem:s22+$0xC40]  }
0xf1: {  	v22 =	vld [tilespmem:s23+$0x2380];
	v19 =	vmul.f32 v19, v13;
	v18 =	vadd.f32 v18, v17  }
0xf2: {  	v16 =	vld [tilespmem:s22+$0xC50]  }
0xf3: {  	v23 =	vld [tilespmem:s23+$0x2400];
	v20 =	vmul.f32 v20, v14;
	v19 =	vadd.f32 v19, v18  }
0xf4: {  	v17 =	vld [tilespmem:s22+$0xC60]  }
0xf5: {  	v28 =	vld [tilespmem:s23+$0x2480];
	v27 =	vmul.f32 v21, v15;
	v19 =	vadd.f32 v20, v19  }
0xf6: {  	v18 =	vld [tilespmem:s22+$0xC70]  }
0xf7: {  	v29 =	vmul.f32 v22, v16;
	v19 =	vadd.f32 v27, v19;
	_ =	sdelay $0x1  }
0xf8: {  	v30 =	vmul.f32 v23, v17;
	v19 =	vadd.f32 v29, v19;
	_ =	sdelay $0x1  }
0xf9: {  	v31 =	vmul.f32 v28, v18;
	v19 =	vadd.f32 v30, v19;
	_ =	sdelay $0x1  }
0xfa: {  	v19 =	vadd.f32 v31, v19;
	_ =	sdelay $0x1  }
0xfb: {  	[tilespmem:s22+$0x11900] =	vst v19  }
0xfc: {  	v19 =	vld [tilespmem:s23+$0x1910];
	_ =	sdelay $0x1  }
0xfd: {  	v32 =	vld [tilespmem:s23+$0x1990];
	_ =	sdelay $0x1  }
0xfe: {  	v33 =	vld [tilespmem:s23+$0x1A10]  }
0xff: {  	v19 =	vmul.f32 v19, v7  }
0x100: {  	v34 =	vld [tilespmem:s23+$0x1A90]  }
0x101: {  	v20 =	vmul.f32 v32, v8;
	v19 =	vadd.f32 $0.0e+00, v19  }
0x102: {  	v35 =	vld [tilespmem:s23+$0x1B10]  }
0x103: {  	v36 =	vmul.f32 v33, v5;
	v19 =	vadd.f32 v20, v19  }
0x104: {  	v37 =	vld [tilespmem:s23+$0x1B90]  }
0x105: {  	v38 =	vmul.f32 v34, v3;
	v19 =	vadd.f32 v36, v19  }
0x106: {  	v39 =	vld [tilespmem:s23+$0x1C10]  }
0x107: {  	v40 =	vmul.f32 v35, v4;
	v19 =	vadd.f32 v38, v19  }
0x108: {  	v41 =	vld [tilespmem:s23+$0x1C90]  }
0x109: {  	v42 =	vmul.f32 v37, v6;
	v19 =	vadd.f32 v40, v19  }
0x10a: {  	v43 =	vld [tilespmem:s23+$0x2110]  }
0x10b: {  	v44 =	vmul.f32 v39, v9;
	v19 =	vadd.f32 v42, v19  }
0x10c: {  	v45 =	vld [tilespmem:s23+$0x2190]  }
0x10d: {  	v46 =	vmul.f32 v41, v10;
	v19 =	vadd.f32 v44, v19  }
0x10e: {  	v47 =	vld [tilespmem:s23+$0x2210]  }
0x10f: {  	v48 =	vmul.f32 v43, v11;
	v19 =	vadd.f32 v46, v19  }
0x110: {  	v49 =	vld [tilespmem:s23+$0x2290]  }
0x111: {  	v50 =	vmul.f32 v45, v12;
	v19 =	vadd.f32 v48, v19  }
0x112: {  	v51 =	vld [tilespmem:s23+$0x2310]  }
0x113: {  	v52 =	vmul.f32 v47, v13;
	v19 =	vadd.f32 v50, v19  }
0x114: {  	v53 =	vld [tilespmem:s23+$0x2390]  }
0x115: {  	v54 =	vmul.f32 v49, v14;
	v19 =	vadd.f32 v52, v19  }
0x116: {  	v55 =	vld [tilespmem:s23+$0x2410]  }
0x117: {  	v56 =	vmul.f32 v51, v15;
	v19 =	vadd.f32 v54, v19  }
0x118: {  	v57 =	vld [tilespmem:s23+$0x2490]  }
0x119: {  	v58 =	vmul.f32 v53, v16;
	v19 =	vadd.f32 v56, v19;
	_ =	sdelay $0x1  }
0x11a: {  	v59 =	vmul.f32 v55, v17;
	v19 =	vadd.f32 v58, v19;
	_ =	sdelay $0x1  }
0x11b: {  	v60 =	vmul.f32 v57, v18;
	v19 =	vadd.f32 v59, v19;
	_ =	sdelay $0x1  }
0x11c: {  	v19 =	vadd.f32 v60, v19;
	_ =	sdelay $0x1  }
0x11d: {  	[tilespmem:s22+$0x11910] =	vst v19  }
0x11e: {  	v19 =	vld [tilespmem:s23+$0x1920];
	_ =	sdelay $0x1  }
0x11f: {  	v61 =	vld [tilespmem:s23+$0x19A0];
	_ =	sdelay $0x1  }
0x120: {  	v62 =	vld [tilespmem:s23+$0x1A20]  }
0x121: {  	v19 =	vmul.f32 v19, v7  }
0x122: {  	v63 =	vld [tilespmem:s23+$0x1AA0]  }
0x123: {  	v20 =	vmul.f32 v61, v8;
	v19 =	vadd.f32 $0.0e+00, v19  }
0x124: {  	v24 =	vld [tilespmem:s23+$0x1B20]  }
0x125: {  	v25 =	vmul.f32 v62, v5;
	v19 =	vadd.f32 v20, v19  }
0x126: {  	v26 =	vld [tilespmem:s23+$0x1BA0]  }
0x127: {  	v27 =	vmul.f32 v63, v3;
	v19 =	vadd.f32 v25, v19  }
0x128: {  	v28 =	vld [tilespmem:s23+$0x1C20]  }
0x129: {  	v29 =	vmul.f32 v24, v4;
	v19 =	vadd.f32 v27, v19  }
0x12a: {  	v30 =	vld [tilespmem:s23+$0x1CA0]  }
0x12b: {  	v31 =	vmul.f32 v26, v6;
	v19 =	vadd.f32 v29, v19  }
0x12c: {  	v32 =	vld [tilespmem:s23+$0x2120]  }
0x12d: {  	v33 =	vmul.f32 v28, v9;
	v19 =	vadd.f32 v31, v19  }
0x12e: {  	v34 =	vld [tilespmem:s23+$0x21A0]  }
0x12f: {  	v35 =	vmul.f32 v30, v10;
	v19 =	vadd.f32 v33, v19  }
0x130: {  	v36 =	vld [tilespmem:s23+$0x2220]  }
0x131: {  	v37 =	vmul.f32 v32, v11;
	v19 =	vadd.f32 v35, v19  }
0x132: {  	v38 =	vld [tilespmem:s23+$0x22A0]  }
0x133: {  	v39 =	vmul.f32 v34, v12;
	v19 =	vadd.f32 v37, v19  }
0x134: {  	v40 =	vld [tilespmem:s23+$0x2320]  }
0x135: {  	v41 =	vmul.f32 v36, v13;
	v19 =	vadd.f32 v39, v19  }
0x136: {  	v42 =	vld [tilespmem:s23+$0x23A0]  }
0x137: {  	v43 =	vmul.f32 v38, v14;
	v19 =	vadd.f32 v41, v19  }
0x138: {  	v44 =	vld [tilespmem:s23+$0x2420]  }
0x139: {  	v45 =	vmul.f32 v40, v15;
	v19 =	vadd.f32 v43, v19  }
0x13a: {  	v46 =	vld [tilespmem:s23+$0x24A0]  }
0x13b: {  	v47 =	vmul.f32 v42, v16;
	v19 =	vadd.f32 v45, v19;
	_ =	sdelay $0x1  }
0x13c: {  	v48 =	vmul.f32 v44, v17;
	v19 =	vadd.f32 v47, v19;
	_ =	sdelay $0x1  }
0x13d: {  	v49 =	vmul.f32 v46, v18;
	v19 =	vadd.f32 v48, v19;
	_ =	sdelay $0x1  }
0x13e: {  	v19 =	vadd.f32 v49, v19;
	_ =	sdelay $0x1  }
0x13f: {  	[tilespmem:s22+$0x11920] =	vst v19  }
0x140: {  	v19 =	vld [tilespmem:s23+$0x1930];
	_ =	sdelay $0x1  }
0x141: {  	v50 =	vld [tilespmem:s23+$0x19B0];
	_ =	sdelay $0x1  }
0x142: {  	v51 =	vld [tilespmem:s23+$0x1A30]  }
0x143: {  	v19 =	vmul.f32 v19, v7  }
0x144: {  	v52 =	vld [tilespmem:s23+$0x1AB0]  }
0x145: {  	v20 =	vmul.f32 v50, v8;
	v19 =	vadd.f32 $0.0e+00, v19  }
0x146: {  	v53 =	vld [tilespmem:s23+$0x1B30]  }
0x147: {  	v54 =	vmul.f32 v51, v5;
	v19 =	vadd.f32 v20, v19  }
0x148: {  	v55 =	vld [tilespmem:s23+$0x1BB0]  }
0x149: {  	v56 =	vmul.f32 v52, v3;
	v19 =	vadd.f32 v54, v19  }
0x14a: {  	v57 =	vld [tilespmem:s23+$0x1C30]  }
0x14b: {  	v58 =	vmul.f32 v53, v4;
	v19 =	vadd.f32 v56, v19  }
0x14c: {  	v59 =	vld [tilespmem:s23+$0x1CB0]  }
0x14d: {  	v60 =	vmul.f32 v55, v6;
	v19 =	vadd.f32 v58, v19  }
0x14e: {  	v61 =	vld [tilespmem:s23+$0x2130]  }
0x14f: {  	v62 =	vmul.f32 v57, v9;
	v19 =	vadd.f32 v60, v19  }
0x150: {  	v63 =	vld [tilespmem:s23+$0x21B0]  }
0x151: {  	v24 =	vmul.f32 v59, v10;
	v19 =	vadd.f32 v62, v19  }
0x152: {  	v25 =	vld [tilespmem:s23+$0x2230]  }
0x153: {  	v26 =	vmul.f32 v61, v11;
	v19 =	vadd.f32 v24, v19  }
0x154: {  	v27 =	vld [tilespmem:s23+$0x22B0]  }
0x155: {  	v28 =	vmul.f32 v63, v12;
	v19 =	vadd.f32 v26, v19  }
0x156: {  	v29 =	vld [tilespmem:s23+$0x2330]  }
0x157: {  	v30 =	vmul.f32 v25, v13;
	v19 =	vadd.f32 v28, v19  }
0x158: {  	v31 =	vld [tilespmem:s23+$0x23B0]  }
0x159: {  	v32 =	vmul.f32 v27, v14;
	v19 =	vadd.f32 v30, v19  }
0x15a: {  	v33 =	vld [tilespmem:s23+$0x2430]  }
0x15b: {  	v34 =	vmul.f32 v29, v15;
	v19 =	vadd.f32 v32, v19  }
0x15c: {  	v35 =	vld [tilespmem:s23+$0x24B0]  }
0x15d: {  	v36 =	vmul.f32 v31, v16;
	v19 =	vadd.f32 v34, v19;
	_ =	sdelay $0x1  }
0x15e: {  	v37 =	vmul.f32 v33, v17;
	v19 =	vadd.f32 v36, v19;
	_ =	sdelay $0x1  }
0x15f: {  	v38 =	vmul.f32 v35, v18;
	v19 =	vadd.f32 v37, v19;
	_ =	sdelay $0x1  }
0x160: {  	v19 =	vadd.f32 v38, v19;
	_ =	sdelay $0x1  }
0x161: {  	[tilespmem:s22+$0x11930] =	vst v19  }
0x162: {  	v19 =	vld [tilespmem:s23+$0x1940];
	_ =	sdelay $0x1  }
0x163: {  	v39 =	vld [tilespmem:s23+$0x19C0];
	_ =	sdelay $0x1  }
0x164: {  	v40 =	vld [tilespmem:s23+$0x1A40]  }
0x165: {  	v19 =	vmul.f32 v19, v7  }
0x166: {  	v41 =	vld [tilespmem:s23+$0x1AC0]  }
0x167: {  	v20 =	vmul.f32 v39, v8;
	v19 =	vadd.f32 $0.0e+00, v19  }
0x168: {  	v42 =	vld [tilespmem:s23+$0x1B40]  }
0x169: {  	v43 =	vmul.f32 v40, v5;
	v19 =	vadd.f32 v20, v19  }
0x16a: {  	v44 =	vld [tilespmem:s23+$0x1BC0]  }
0x16b: {  	v45 =	vmul.f32 v41, v3;
	v19 =	vadd.f32 v43, v19  }
0x16c: {  	v46 =	vld [tilespmem:s23+$0x1C40]  }
0x16d: {  	v47 =	vmul.f32 v42, v4;
	v19 =	vadd.f32 v45, v19  }
0x16e: {  	v48 =	vld [tilespmem:s23+$0x1CC0]  }
0x16f: {  	v49 =	vmul.f32 v44, v6;
	v19 =	vadd.f32 v47, v19  }
0x170: {  	v50 =	vld [tilespmem:s23+$0x2140]  }
0x171: {  	v51 =	vmul.f32 v46, v9;
	v19 =	vadd.f32 v49, v19  }
0x172: {  	v52 =	vld [tilespmem:s23+$0x21C0]  }
0x173: {  	v53 =	vmul.f32 v48, v10;
	v19 =	vadd.f32 v51, v19  }
0x174: {  	v54 =	vld [tilespmem:s23+$0x2240]  }
0x175: {  	v55 =	vmul.f32 v50, v11;
	v19 =	vadd.f32 v53, v19  }
0x176: {  	v56 =	vld [tilespmem:s23+$0x22C0]  }
0x177: {  	v57 =	vmul.f32 v52, v12;
	v19 =	vadd.f32 v55, v19  }
0x178: {  	v58 =	vld [tilespmem:s23+$0x2340]  }
0x179: {  	v59 =	vmul.f32 v54, v13;
	v19 =	vadd.f32 v57, v19  }
0x17a: {  	v60 =	vld [tilespmem:s23+$0x23C0]  }
0x17b: {  	v61 =	vmul.f32 v56, v14;
	v19 =	vadd.f32 v59, v19  }
0x17c: {  	v62 =	vld [tilespmem:s23+$0x2440]  }
0x17d: {  	v63 =	vmul.f32 v58, v15;
	v19 =	vadd.f32 v61, v19  }
0x17e: {  	v24 =	vld [tilespmem:s23+$0x24C0]  }
0x17f: {  	v25 =	vmul.f32 v60, v16;
	v19 =	vadd.f32 v63, v19;
	_ =	sdelay $0x1  }
0x180: {  	v26 =	vmul.f32 v62, v17;
	v19 =	vadd.f32 v25, v19;
	_ =	sdelay $0x1  }
0x181: {  	v27 =	vmul.f32 v24, v18;
	v19 =	vadd.f32 v26, v19;
	_ =	sdelay $0x1  }
0x182: {  	v19 =	vadd.f32 v27, v19;
	_ =	sdelay $0x1  }
0x183: {  	[tilespmem:s22+$0x11940] =	vst v19  }
0x184: {  	v19 =	vld [tilespmem:s23+$0x1950];
	_ =	sdelay $0x1  }
0x185: {  	v28 =	vld [tilespmem:s23+$0x19D0];
	_ =	sdelay $0x1  }
0x186: {  	v29 =	vld [tilespmem:s23+$0x1A50]  }
0x187: {  	v19 =	vmul.f32 v19, v7  }
0x188: {  	v30 =	vld [tilespmem:s23+$0x1AD0]  }
0x189: {  	v20 =	vmul.f32 v28, v8;
	v19 =	vadd.f32 $0.0e+00, v19  }
0x18a: {  	v31 =	vld [tilespmem:s23+$0x1B50]  }
0x18b: {  	v32 =	vmul.f32 v29, v5;
	v19 =	vadd.f32 v20, v19  }
0x18c: {  	v33 =	vld [tilespmem:s23+$0x1BD0]  }
0x18d: {  	v34 =	vmul.f32 v30, v3;
	v19 =	vadd.f32 v32, v19  }
0x18e: {  	v35 =	vld [tilespmem:s23+$0x1C50]  }
0x18f: {  	v36 =	vmul.f32 v31, v4;
	v19 =	vadd.f32 v34, v19  }
0x190: {  	v37 =	vld [tilespmem:s23+$0x1CD0]  }
0x191: {  	v38 =	vmul.f32 v33, v6;
	v19 =	vadd.f32 v36, v19  }
0x192: {  	v39 =	vld [tilespmem:s23+$0x2150]  }
0x193: {  	v40 =	vmul.f32 v35, v9;
	v19 =	vadd.f32 v38, v19  }
0x194: {  	v41 =	vld [tilespmem:s23+$0x21D0]  }
0x195: {  	v42 =	vmul.f32 v37, v10;
	v19 =	vadd.f32 v40, v19  }
0x196: {  	v43 =	vld [tilespmem:s23+$0x2250]  }
0x197: {  	v44 =	vmul.f32 v39, v11;
	v19 =	vadd.f32 v42, v19  }
0x198: {  	v45 =	vld [tilespmem:s23+$0x22D0]  }
0x199: {  	v46 =	vmul.f32 v41, v12;
	v19 =	vadd.f32 v44, v19  }
0x19a: {  	v47 =	vld [tilespmem:s23+$0x2350]  }
0x19b: {  	v48 =	vmul.f32 v43, v13;
	v19 =	vadd.f32 v46, v19  }
0x19c: {  	v49 =	vld [tilespmem:s23+$0x23D0]  }
0x19d: {  	v50 =	vmul.f32 v45, v14;
	v19 =	vadd.f32 v48, v19  }
0x19e: {  	v51 =	vld [tilespmem:s23+$0x2450]  }
0x19f: {  	v52 =	vmul.f32 v47, v15;
	v19 =	vadd.f32 v50, v19  }
0x1a0: {  	v53 =	vld [tilespmem:s23+$0x24D0]  }
0x1a1: {  	v54 =	vmul.f32 v49, v16;
	v19 =	vadd.f32 v52, v19;
	_ =	sdelay $0x1  }
0x1a2: {  	v55 =	vmul.f32 v51, v17;
	v19 =	vadd.f32 v54, v19;
	_ =	sdelay $0x1  }
0x1a3: {  	v56 =	vmul.f32 v53, v18;
	v19 =	vadd.f32 v55, v19;
	_ =	sdelay $0x1  }
0x1a4: {  	v19 =	vadd.f32 v56, v19;
	_ =	sdelay $0x1  }
0x1a5: {  	[tilespmem:s22+$0x11950] =	vst v19  }
0x1a6: {  	v19 =	vld [tilespmem:s23+$0x1960];
	_ =	sdelay $0x1  }
0x1a7: {  	v57 =	vld [tilespmem:s23+$0x19E0];
	_ =	sdelay $0x1  }
0x1a8: {  	v58 =	vld [tilespmem:s23+$0x1A60]  }
0x1a9: {  	v19 =	vmul.f32 v19, v7  }
0x1aa: {  	v59 =	vld [tilespmem:s23+$0x1AE0]  }
0x1ab: {  	v20 =	vmul.f32 v57, v8;
	v19 =	vadd.f32 $0.0e+00, v19  }
0x1ac: {  	v60 =	vld [tilespmem:s23+$0x1B60]  }
0x1ad: {  	v61 =	vmul.f32 v58, v5;
	v19 =	vadd.f32 v20, v19  }
0x1ae: {  	v62 =	vld [tilespmem:s23+$0x1BE0]  }
0x1af: {  	v63 =	vmul.f32 v59, v3;
	v19 =	vadd.f32 v61, v19  }
0x1b0: {  	v24 =	vld [tilespmem:s23+$0x1C60]  }
0x1b1: {  	v25 =	vmul.f32 v60, v4;
	v19 =	vadd.f32 v63, v19  }
0x1b2: {  	v26 =	vld [tilespmem:s23+$0x1CE0]  }
0x1b3: {  	v27 =	vmul.f32 v62, v6;
	v19 =	vadd.f32 v25, v19  }
0x1b4: {  	v28 =	vld [tilespmem:s23+$0x2160]  }
0x1b5: {  	v29 =	vmul.f32 v24, v9;
	v19 =	vadd.f32 v27, v19  }
0x1b6: {  	v30 =	vld [tilespmem:s23+$0x21E0]  }
0x1b7: {  	v31 =	vmul.f32 v26, v10;
	v19 =	vadd.f32 v29, v19  }
0x1b8: {  	v32 =	vld [tilespmem:s23+$0x2260]  }
0x1b9: {  	v33 =	vmul.f32 v28, v11;
	v19 =	vadd.f32 v31, v19  }
0x1ba: {  	v34 =	vld [tilespmem:s23+$0x22E0]  }
0x1bb: {  	v35 =	vmul.f32 v30, v12;
	v19 =	vadd.f32 v33, v19  }
0x1bc: {  	v36 =	vld [tilespmem:s23+$0x2360]  }
0x1bd: {  	v37 =	vmul.f32 v32, v13;
	v19 =	vadd.f32 v35, v19  }
0x1be: {  	v38 =	vld [tilespmem:s23+$0x23E0]  }
0x1bf: {  	v39 =	vmul.f32 v34, v14;
	v19 =	vadd.f32 v37, v19  }
0x1c0: {  	v40 =	vld [tilespmem:s23+$0x2460]  }
0x1c1: {  	v41 =	vmul.f32 v36, v15;
	v19 =	vadd.f32 v39, v19  }
0x1c2: {  	v42 =	vld [tilespmem:s23+$0x24E0]  }
0x1c3: {  	v43 =	vmul.f32 v38, v16;
	v19 =	vadd.f32 v41, v19;
	_ =	sdelay $0x1  }
0x1c4: {  	v44 =	vmul.f32 v40, v17;
	v19 =	vadd.f32 v43, v19;
	_ =	sdelay $0x1  }
0x1c5: {  	v45 =	vmul.f32 v42, v18;
	v19 =	vadd.f32 v44, v19;
	_ =	sdelay $0x1  }
0x1c6: {  	v19 =	vadd.f32 v45, v19;
	_ =	sdelay $0x1  }
0x1c7: {  	[tilespmem:s22+$0x11960] =	vst v19  }
0x1c8: {  	v19 =	vld [tilespmem:s23+$0x1970];
	_ =	sdelay $0x1  }
0x1c9: {  	v46 =	vld [tilespmem:s23+$0x19F0];
	_ =	sdelay $0x1  }
0x1ca: {  	v47 =	vld [tilespmem:s23+$0x1A70]  }
0x1cb: {  	v19 =	vmul.f32 v19, v7  }
0x1cc: {  	v48 =	vld [tilespmem:s23+$0x1AF0]  }
0x1cd: {  	v20 =	vmul.f32 v46, v8;
	v19 =	vadd.f32 $0.0e+00, v19  }
0x1ce: {  	v49 =	vld [tilespmem:s23+$0x1B70]  }
0x1cf: {  	v50 =	vmul.f32 v47, v5;
	v19 =	vadd.f32 v20, v19  }
0x1d0: {  	v51 =	vld [tilespmem:s23+$0x1BF0]  }
0x1d1: {  	v52 =	vmul.f32 v48, v3;
	v19 =	vadd.f32 v50, v19  }
0x1d2: {  	v53 =	vld [tilespmem:s23+$0x1C70]  }
0x1d3: {  	v54 =	vmul.f32 v49, v4;
	v19 =	vadd.f32 v52, v19  }
0x1d4: {  	v55 =	vld [tilespmem:s23+$0x1CF0]  }
0x1d5: {  	v56 =	vmul.f32 v51, v6;
	v19 =	vadd.f32 v54, v19  }
0x1d6: {  	v57 =	vld [tilespmem:s23+$0x2170]  }
0x1d7: {  	v58 =	vmul.f32 v53, v9;
	v19 =	vadd.f32 v56, v19  }
0x1d8: {  	v59 =	vld [tilespmem:s23+$0x21F0]  }
0x1d9: {  	v60 =	vmul.f32 v55, v10;
	v19 =	vadd.f32 v58, v19  }
0x1da: {  	v61 =	vld [tilespmem:s23+$0x2270]  }
0x1db: {  	v62 =	vmul.f32 v57, v11;
	v19 =	vadd.f32 v60, v19  }
0x1dc: {  	v63 =	vld [tilespmem:s23+$0x22F0]  }
0x1dd: {  	v24 =	vmul.f32 v59, v12;
	v19 =	vadd.f32 v62, v19  }
0x1de: {  	v25 =	vld [tilespmem:s23+$0x2370]  }
0x1df: {  	v26 =	vmul.f32 v61, v13;
	v19 =	vadd.f32 v24, v19  }
0x1e0: {  	v27 =	vld [tilespmem:s23+$0x23F0]  }
0x1e1: {  	v28 =	vmul.f32 v63, v14;
	v19 =	vadd.f32 v26, v19  }
0x1e2: {  	v29 =	vld [tilespmem:s23+$0x2470]  }
0x1e3: {  	v30 =	vmul.f32 v25, v15;
	v19 =	vadd.f32 v28, v19  }
0x1e4: {  	v31 =	vld [tilespmem:s23+$0x24F0]  }
0x1e5: {  	v32 =	vmul.f32 v27, v16;
	v19 =	vadd.f32 v30, v19;
	_ =	sdelay $0x1  }
0x1e6: {  	v33 =	vmul.f32 v29, v17;
	v19 =	vadd.f32 v32, v19;
	_ =	sdelay $0x1  }
0x1e7: {  	v34 =	vmul.f32 v31, v18;
	v19 =	vadd.f32 v33, v19;
	_ =	sdelay $0x1  }
0x1e8: {  	v19 =	vadd.f32 v34, v19;
	_ =	sdelay $0x1  }
0x1e9: {  	[tilespmem:s22+$0x11970] =	vst v19  }
0x1ea: {  	v19 =	vld [tilespmem:s23+$0x1D00];
	_ =	sdelay $0x1  }
0x1eb: {  	v35 =	vld [tilespmem:s23+$0x1D80];
	_ =	sdelay $0x1  }
0x1ec: {  	v36 =	vld [tilespmem:s23+$0x1E00]  }
0x1ed: {  	v19 =	vmul.f32 v19, v7  }
0x1ee: {  	v37 =	vld [tilespmem:s23+$0x1E80]  }
0x1ef: {  	v20 =	vmul.f32 v35, v8;
	v19 =	vadd.f32 $0.0e+00, v19  }
0x1f0: {  	v38 =	vld [tilespmem:s23+$0x1F00]  }
0x1f1: {  	v39 =	vmul.f32 v36, v5;
	v19 =	vadd.f32 v20, v19  }
0x1f2: {  	v40 =	vld [tilespmem:s23+$0x1F80]  }
0x1f3: {  	v41 =	vmul.f32 v37, v3;
	v19 =	vadd.f32 v39, v19  }
0x1f4: {  	v42 =	vld [tilespmem:s23+$0x2000]  }
0x1f5: {  	v43 =	vmul.f32 v38, v4;
	v19 =	vadd.f32 v41, v19  }
0x1f6: {  	v44 =	vld [tilespmem:s23+$0x2080]  }
0x1f7: {  	v45 =	vmul.f32 v40, v6;
	v19 =	vadd.f32 v43, v19  }
0x1f8: {  	v46 =	vld [tilespmem:s23+$0x2500]  }
0x1f9: {  	v47 =	vmul.f32 v42, v9;
	v19 =	vadd.f32 v45, v19  }
0x1fa: {  	v48 =	vld [tilespmem:s23+$0x2580]  }
0x1fb: {  	v49 =	vmul.f32 v44, v10;
	v19 =	vadd.f32 v47, v19  }
0x1fc: {  	v50 =	vld [tilespmem:s23+$0x2600]  }
0x1fd: {  	v51 =	vmul.f32 v46, v11;
	v19 =	vadd.f32 v49, v19  }
0x1fe: {  	v52 =	vld [tilespmem:s23+$0x2680]  }
0x1ff: {  	v53 =	vmul.f32 v48, v12;
	v19 =	vadd.f32 v51, v19  }
0x200: {  	v54 =	vld [tilespmem:s23+$0x2700]  }
0x201: {  	v55 =	vmul.f32 v50, v13;
	v19 =	vadd.f32 v53, v19  }
0x202: {  	v56 =	vld [tilespmem:s23+$0x2780]  }
0x203: {  	v57 =	vmul.f32 v52, v14;
	v19 =	vadd.f32 v55, v19  }
0x204: {  	v58 =	vld [tilespmem:s23+$0x2800]  }
0x205: {  	v59 =	vmul.f32 v54, v15;
	v19 =	vadd.f32 v57, v19  }
0x206: {  	v60 =	vld [tilespmem:s23+$0x2880]  }
0x207: {  	v61 =	vmul.f32 v56, v16;
	v19 =	vadd.f32 v59, v19;
	_ =	sdelay $0x1  }
0x208: {  	v62 =	vmul.f32 v58, v17;
	v19 =	vadd.f32 v61, v19;
	_ =	sdelay $0x1  }
0x209: {  	v63 =	vmul.f32 v60, v18;
	v19 =	vadd.f32 v62, v19;
	_ =	sdelay $0x1  }
0x20a: {  	v19 =	vadd.f32 v63, v19;
	_ =	sdelay $0x1  }
0x20b: {  	[tilespmem:s22+$0x11D00] =	vst v19  }
0x20c: {  	v19 =	vld [tilespmem:s23+$0x1D10];
	_ =	sdelay $0x1  }
0x20d: {  	v24 =	vld [tilespmem:s23+$0x1D90];
	_ =	sdelay $0x1  }
0x20e: {  	v25 =	vld [tilespmem:s23+$0x1E10]  }
0x20f: {  	v19 =	vmul.f32 v19, v7  }
0x210: {  	v26 =	vld [tilespmem:s23+$0x1E90]  }
0x211: {  	v20 =	vmul.f32 v24, v8;
	v19 =	vadd.f32 $0.0e+00, v19  }
0x212: {  	v27 =	vld [tilespmem:s23+$0x1F10]  }
0x213: {  	v28 =	vmul.f32 v25, v5;
	v19 =	vadd.f32 v20, v19  }
0x214: {  	v29 =	vld [tilespmem:s23+$0x1F90]  }
0x215: {  	v30 =	vmul.f32 v26, v3;
	v19 =	vadd.f32 v28, v19  }
0x216: {  	v31 =	vld [tilespmem:s23+$0x2010]  }
0x217: {  	v32 =	vmul.f32 v27, v4;
	v19 =	vadd.f32 v30, v19  }
0x218: {  	v33 =	vld [tilespmem:s23+$0x2090]  }
0x219: {  	v34 =	vmul.f32 v29, v6;
	v19 =	vadd.f32 v32, v19  }
0x21a: {  	v35 =	vld [tilespmem:s23+$0x2510]  }
0x21b: {  	v36 =	vmul.f32 v31, v9;
	v19 =	vadd.f32 v34, v19  }
0x21c: {  	v37 =	vld [tilespmem:s23+$0x2590]  }
0x21d: {  	v38 =	vmul.f32 v33, v10;
	v19 =	vadd.f32 v36, v19  }
0x21e: {  	v39 =	vld [tilespmem:s23+$0x2610]  }
0x21f: {  	v40 =	vmul.f32 v35, v11;
	v19 =	vadd.f32 v38, v19  }
0x220: {  	v41 =	vld [tilespmem:s23+$0x2690]  }
0x221: {  	v42 =	vmul.f32 v37, v12;
	v19 =	vadd.f32 v40, v19  }
0x222: {  	v43 =	vld [tilespmem:s23+$0x2710]  }
0x223: {  	v44 =	vmul.f32 v39, v13;
	v19 =	vadd.f32 v42, v19  }
0x224: {  	v45 =	vld [tilespmem:s23+$0x2790]  }
0x225: {  	v46 =	vmul.f32 v41, v14;
	v19 =	vadd.f32 v44, v19  }
0x226: {  	v47 =	vld [tilespmem:s23+$0x2810]  }
0x227: {  	v48 =	vmul.f32 v43, v15;
	v19 =	vadd.f32 v46, v19  }
0x228: {  	v49 =	vld [tilespmem:s23+$0x2890]  }
0x229: {  	v50 =	vmul.f32 v45, v16;
	v19 =	vadd.f32 v48, v19;
	_ =	sdelay $0x1  }
0x22a: {  	v51 =	vmul.f32 v47, v17;
	v19 =	vadd.f32 v50, v19;
	_ =	sdelay $0x1  }
0x22b: {  	v52 =	vmul.f32 v49, v18;
	v19 =	vadd.f32 v51, v19;
	_ =	sdelay $0x1  }
0x22c: {  	v19 =	vadd.f32 v52, v19;
	_ =	sdelay $0x1  }
0x22d: {  	[tilespmem:s22+$0x11D10] =	vst v19  }
0x22e: {  	v19 =	vld [tilespmem:s23+$0x1D20];
	_ =	sdelay $0x1  }
0x22f: {  	v53 =	vld [tilespmem:s23+$0x1DA0];
	_ =	sdelay $0x1  }
0x230: {  	v54 =	vld [tilespmem:s23+$0x1E20]  }
0x231: {  	v19 =	vmul.f32 v19, v7  }
0x232: {  	v55 =	vld [tilespmem:s23+$0x1EA0]  }
0x233: {  	v20 =	vmul.f32 v53, v8;
	v19 =	vadd.f32 $0.0e+00, v19  }
0x234: {  	v56 =	vld [tilespmem:s23+$0x1F20]  }
0x235: {  	v57 =	vmul.f32 v54, v5;
	v19 =	vadd.f32 v20, v19  }
0x236: {  	v58 =	vld [tilespmem:s23+$0x1FA0]  }
0x237: {  	v59 =	vmul.f32 v55, v3;
	v19 =	vadd.f32 v57, v19  }
0x238: {  	v60 =	vld [tilespmem:s23+$0x2020]  }
0x239: {  	v61 =	vmul.f32 v56, v4;
	v19 =	vadd.f32 v59, v19  }
0x23a: {  	v62 =	vld [tilespmem:s23+$0x20A0]  }
0x23b: {  	v63 =	vmul.f32 v58, v6;
	v19 =	vadd.f32 v61, v19  }
0x23c: {  	v24 =	vld [tilespmem:s23+$0x2520]  }
0x23d: {  	v25 =	vmul.f32 v60, v9;
	v19 =	vadd.f32 v63, v19  }
0x23e: {  	v26 =	vld [tilespmem:s23+$0x25A0]  }
0x23f: {  	v27 =	vmul.f32 v62, v10;
	v19 =	vadd.f32 v25, v19  }
0x240: {  	v28 =	vld [tilespmem:s23+$0x2620]  }
0x241: {  	v29 =	vmul.f32 v24, v11;
	v19 =	vadd.f32 v27, v19  }
0x242: {  	v30 =	vld [tilespmem:s23+$0x26A0]  }
0x243: {  	v31 =	vmul.f32 v26, v12;
	v19 =	vadd.f32 v29, v19  }
0x244: {  	v32 =	vld [tilespmem:s23+$0x2720]  }
0x245: {  	v33 =	vmul.f32 v28, v13;
	v19 =	vadd.f32 v31, v19  }
0x246: {  	v34 =	vld [tilespmem:s23+$0x27A0]  }
0x247: {  	v35 =	vmul.f32 v30, v14;
	v19 =	vadd.f32 v33, v19  }
0x248: {  	v36 =	vld [tilespmem:s23+$0x2820]  }
0x249: {  	v37 =	vmul.f32 v32, v15;
	v19 =	vadd.f32 v35, v19  }
0x24a: {  	v38 =	vld [tilespmem:s23+$0x28A0]  }
0x24b: {  	v39 =	vmul.f32 v34, v16;
	v19 =	vadd.f32 v37, v19;
	_ =	sdelay $0x1  }
0x24c: {  	v40 =	vmul.f32 v36, v17;
	v19 =	vadd.f32 v39, v19;
	_ =	sdelay $0x1  }
0x24d: {  	v41 =	vmul.f32 v38, v18;
	v19 =	vadd.f32 v40, v19;
	_ =	sdelay $0x1  }
0x24e: {  	v19 =	vadd.f32 v41, v19;
	_ =	sdelay $0x1  }
0x24f: {  	[tilespmem:s22+$0x11D20] =	vst v19  }
0x250: {  	v19 =	vld [tilespmem:s23+$0x1D30];
	_ =	sdelay $0x1  }
0x251: {  	v42 =	vld [tilespmem:s23+$0x1DB0];
	_ =	sdelay $0x1  }
0x252: {  	v43 =	vld [tilespmem:s23+$0x1E30]  }
0x253: {  	v19 =	vmul.f32 v19, v7  }
0x254: {  	v44 =	vld [tilespmem:s23+$0x1EB0]  }
0x255: {  	v20 =	vmul.f32 v42, v8;
	v19 =	vadd.f32 $0.0e+00, v19  }
0x256: {  	v45 =	vld [tilespmem:s23+$0x1F30]  }
0x257: {  	v46 =	vmul.f32 v43, v5;
	v19 =	vadd.f32 v20, v19  }
0x258: {  	v47 =	vld [tilespmem:s23+$0x1FB0]  }
0x259: {  	v48 =	vmul.f32 v44, v3;
	v19 =	vadd.f32 v46, v19  }
0x25a: {  	v49 =	vld [tilespmem:s23+$0x2030]  }
0x25b: {  	v50 =	vmul.f32 v45, v4;
	v19 =	vadd.f32 v48, v19  }
0x25c: {  	v51 =	vld [tilespmem:s23+$0x20B0]  }
0x25d: {  	v52 =	vmul.f32 v47, v6;
	v19 =	vadd.f32 v50, v19  }
0x25e: {  	v53 =	vld [tilespmem:s23+$0x2530]  }
0x25f: {  	v54 =	vmul.f32 v49, v9;
	v19 =	vadd.f32 v52, v19  }
0x260: {  	v55 =	vld [tilespmem:s23+$0x25B0]  }
0x261: {  	v56 =	vmul.f32 v51, v10;
	v19 =	vadd.f32 v54, v19  }
0x262: {  	v57 =	vld [tilespmem:s23+$0x2630]  }
0x263: {  	v58 =	vmul.f32 v53, v11;
	v19 =	vadd.f32 v56, v19  }
0x264: {  	v59 =	vld [tilespmem:s23+$0x26B0]  }
0x265: {  	v60 =	vmul.f32 v55, v12;
	v19 =	vadd.f32 v58, v19  }
0x266: {  	v61 =	vld [tilespmem:s23+$0x2730]  }
0x267: {  	v62 =	vmul.f32 v57, v13;
	v19 =	vadd.f32 v60, v19  }
0x268: {  	v63 =	vld [tilespmem:s23+$0x27B0]  }
0x269: {  	v24 =	vmul.f32 v59, v14;
	v19 =	vadd.f32 v62, v19  }
0x26a: {  	v25 =	vld [tilespmem:s23+$0x2830]  }
0x26b: {  	v26 =	vmul.f32 v61, v15;
	v19 =	vadd.f32 v24, v19  }
0x26c: {  	v27 =	vld [tilespmem:s23+$0x28B0]  }
0x26d: {  	v28 =	vmul.f32 v63, v16;
	v19 =	vadd.f32 v26, v19;
	_ =	sdelay $0x1  }
0x26e: {  	v29 =	vmul.f32 v25, v17;
	v19 =	vadd.f32 v28, v19;
	_ =	sdelay $0x1  }
0x26f: {  	v30 =	vmul.f32 v27, v18;
	v19 =	vadd.f32 v29, v19;
	_ =	sdelay $0x1  }
0x270: {  	v19 =	vadd.f32 v30, v19;
	_ =	sdelay $0x1  }
0x271: {  	[tilespmem:s22+$0x11D30] =	vst v19  }
0x272: {  	v19 =	vld [tilespmem:s23+$0x1D40];
	_ =	sdelay $0x1  }
0x273: {  	v31 =	vld [tilespmem:s23+$0x1DC0];
	_ =	sdelay $0x1  }
0x274: {  	v32 =	vld [tilespmem:s23+$0x1E40]  }
0x275: {  	v19 =	vmul.f32 v19, v7  }
0x276: {  	v33 =	vld [tilespmem:s23+$0x1EC0]  }
0x277: {  	v20 =	vmul.f32 v31, v8;
	v19 =	vadd.f32 $0.0e+00, v19  }
0x278: {  	v34 =	vld [tilespmem:s23+$0x1F40]  }
0x279: {  	v35 =	vmul.f32 v32, v5;
	v19 =	vadd.f32 v20, v19  }
0x27a: {  	v36 =	vld [tilespmem:s23+$0x1FC0]  }
0x27b: {  	v37 =	vmul.f32 v33, v3;
	v19 =	vadd.f32 v35, v19  }
0x27c: {  	v38 =	vld [tilespmem:s23+$0x2040]  }
0x27d: {  	v39 =	vmul.f32 v34, v4;
	v19 =	vadd.f32 v37, v19  }
0x27e: {  	v40 =	vld [tilespmem:s23+$0x20C0]  }
0x27f: {  	v41 =	vmul.f32 v36, v6;
	v19 =	vadd.f32 v39, v19  }
0x280: {  	v42 =	vld [tilespmem:s23+$0x2540]  }
0x281: {  	v43 =	vmul.f32 v38, v9;
	v19 =	vadd.f32 v41, v19  }
0x282: {  	v44 =	vld [tilespmem:s23+$0x25C0]  }
0x283: {  	v45 =	vmul.f32 v40, v10;
	v19 =	vadd.f32 v43, v19  }
0x284: {  	v46 =	vld [tilespmem:s23+$0x2640]  }
0x285: {  	v47 =	vmul.f32 v42, v11;
	v19 =	vadd.f32 v45, v19  }
0x286: {  	v48 =	vld [tilespmem:s23+$0x26C0]  }
0x287: {  	v49 =	vmul.f32 v44, v12;
	v19 =	vadd.f32 v47, v19  }
0x288: {  	v50 =	vld [tilespmem:s23+$0x2740]  }
0x289: {  	v51 =	vmul.f32 v46, v13;
	v19 =	vadd.f32 v49, v19  }
0x28a: {  	v52 =	vld [tilespmem:s23+$0x27C0]  }
0x28b: {  	v53 =	vmul.f32 v48, v14;
	v19 =	vadd.f32 v51, v19  }
0x28c: {  	v54 =	vld [tilespmem:s23+$0x2840]  }
0x28d: {  	v55 =	vmul.f32 v50, v15;
	v19 =	vadd.f32 v53, v19  }
0x28e: {  	v56 =	vld [tilespmem:s23+$0x28C0]  }
0x28f: {  	v57 =	vmul.f32 v52, v16;
	v19 =	vadd.f32 v55, v19;
	_ =	sdelay $0x1  }
0x290: {  	v58 =	vmul.f32 v54, v17;
	v19 =	vadd.f32 v57, v19;
	_ =	sdelay $0x1  }
0x291: {  	v59 =	vmul.f32 v56, v18;
	v19 =	vadd.f32 v58, v19;
	_ =	sdelay $0x1  }
0x292: {  	v19 =	vadd.f32 v59, v19;
	_ =	sdelay $0x1  }
0x293: {  	[tilespmem:s22+$0x11D40] =	vst v19  }
0x294: {  	v19 =	vld [tilespmem:s23+$0x1D50];
	_ =	sdelay $0x1  }
0x295: {  	v60 =	vld [tilespmem:s23+$0x1DD0];
	_ =	sdelay $0x1  }
0x296: {  	v61 =	vld [tilespmem:s23+$0x1E50]  }
0x297: {  	v19 =	vmul.f32 v19, v7  }
0x298: {  	v62 =	vld [tilespmem:s23+$0x1ED0]  }
0x299: {  	v20 =	vmul.f32 v60, v8;
	v19 =	vadd.f32 $0.0e+00, v19  }
0x29a: {  	v63 =	vld [tilespmem:s23+$0x1F50]  }
0x29b: {  	v24 =	vmul.f32 v61, v5;
	v19 =	vadd.f32 v20, v19  }
0x29c: {  	v25 =	vld [tilespmem:s23+$0x1FD0]  }
0x29d: {  	v26 =	vmul.f32 v62, v3;
	v19 =	vadd.f32 v24, v19  }
0x29e: {  	v27 =	vld [tilespmem:s23+$0x2050]  }
0x29f: {  	v28 =	vmul.f32 v63, v4;
	v19 =	vadd.f32 v26, v19  }
0x2a0: {  	v29 =	vld [tilespmem:s23+$0x20D0]  }
0x2a1: {  	v30 =	vmul.f32 v25, v6;
	v19 =	vadd.f32 v28, v19  }
0x2a2: {  	v31 =	vld [tilespmem:s23+$0x2550]  }
0x2a3: {  	v32 =	vmul.f32 v27, v9;
	v19 =	vadd.f32 v30, v19  }
0x2a4: {  	v33 =	vld [tilespmem:s23+$0x25D0]  }
0x2a5: {  	v34 =	vmul.f32 v29, v10;
	v19 =	vadd.f32 v32, v19  }
0x2a6: {  	v35 =	vld [tilespmem:s23+$0x2650]  }
0x2a7: {  	v36 =	vmul.f32 v31, v11;
	v19 =	vadd.f32 v34, v19  }
0x2a8: {  	v37 =	vld [tilespmem:s23+$0x26D0]  }
0x2a9: {  	v38 =	vmul.f32 v33, v12;
	v19 =	vadd.f32 v36, v19  }
0x2aa: {  	v39 =	vld [tilespmem:s23+$0x2750]  }
0x2ab: {  	v40 =	vmul.f32 v35, v13;
	v19 =	vadd.f32 v38, v19  }
0x2ac: {  	v41 =	vld [tilespmem:s23+$0x27D0]  }
0x2ad: {  	v42 =	vmul.f32 v37, v14;
	v19 =	vadd.f32 v40, v19  }
0x2ae: {  	v43 =	vld [tilespmem:s23+$0x2850]  }
0x2af: {  	v44 =	vmul.f32 v39, v15;
	v19 =	vadd.f32 v42, v19  }
0x2b0: {  	v45 =	vld [tilespmem:s23+$0x28D0]  }
0x2b1: {  	v46 =	vmul.f32 v41, v16;
	v19 =	vadd.f32 v44, v19;
	_ =	sdelay $0x1  }
0x2b2: {  	v47 =	vmul.f32 v43, v17;
	v19 =	vadd.f32 v46, v19;
	_ =	sdelay $0x1  }
0x2b3: {  	v48 =	vmul.f32 v45, v18;
	v19 =	vadd.f32 v47, v19;
	_ =	sdelay $0x1  }
0x2b4: {  	v19 =	vadd.f32 v48, v19;
	_ =	sdelay $0x1  }
0x2b5: {  	[tilespmem:s22+$0x11D50] =	vst v19  }
0x2b6: {  	v19 =	vld [tilespmem:s23+$0x1D60];
	_ =	sdelay $0x1  }
0x2b7: {  	v49 =	vld [tilespmem:s23+$0x1DE0];
	_ =	sdelay $0x1  }
0x2b8: {  	v50 =	vld [tilespmem:s23+$0x1E60]  }
0x2b9: {  	v19 =	vmul.f32 v19, v7  }
0x2ba: {  	v51 =	vld [tilespmem:s23+$0x1EE0]  }
0x2bb: {  	v20 =	vmul.f32 v49, v8;
	v19 =	vadd.f32 $0.0e+00, v19  }
0x2bc: {  	v52 =	vld [tilespmem:s23+$0x1F60]  }
0x2bd: {  	v53 =	vmul.f32 v50, v5;
	v19 =	vadd.f32 v20, v19  }
0x2be: {  	v54 =	vld [tilespmem:s23+$0x1FE0]  }
0x2bf: {  	v55 =	vmul.f32 v51, v3;
	v19 =	vadd.f32 v53, v19  }
0x2c0: {  	v56 =	vld [tilespmem:s23+$0x2060]  }
0x2c1: {  	v57 =	vmul.f32 v52, v4;
	v19 =	vadd.f32 v55, v19  }
0x2c2: {  	v58 =	vld [tilespmem:s23+$0x20E0]  }
0x2c3: {  	v59 =	vmul.f32 v54, v6;
	v19 =	vadd.f32 v57, v19  }
0x2c4: {  	v60 =	vld [tilespmem:s23+$0x2560]  }
0x2c5: {  	v61 =	vmul.f32 v56, v9;
	v19 =	vadd.f32 v59, v19  }
0x2c6: {  	v62 =	vld [tilespmem:s23+$0x25E0]  }
0x2c7: {  	v63 =	vmul.f32 v58, v10;
	v19 =	vadd.f32 v61, v19  }
0x2c8: {  	v24 =	vld [tilespmem:s23+$0x2660]  }
0x2c9: {  	v25 =	vmul.f32 v60, v11;
	v19 =	vadd.f32 v63, v19  }
0x2ca: {  	v26 =	vld [tilespmem:s23+$0x26E0]  }
0x2cb: {  	v27 =	vmul.f32 v62, v12;
	v19 =	vadd.f32 v25, v19  }
0x2cc: {  	v28 =	vld [tilespmem:s23+$0x2760]  }
0x2cd: {  	v29 =	vmul.f32 v24, v13;
	v19 =	vadd.f32 v27, v19  }
0x2ce: {  	v30 =	vld [tilespmem:s23+$0x27E0]  }
0x2cf: {  	v31 =	vmul.f32 v26, v14;
	v19 =	vadd.f32 v29, v19  }
0x2d0: {  	v32 =	vld [tilespmem:s23+$0x2860]  }
0x2d1: {  	v33 =	vmul.f32 v28, v15;
	v19 =	vadd.f32 v31, v19  }
0x2d2: {  	v34 =	vld [tilespmem:s23+$0x28E0]  }
0x2d3: {  	v35 =	vmul.f32 v30, v16;
	v19 =	vadd.f32 v33, v19;
	_ =	sdelay $0x1  }
0x2d4: {  	v36 =	vmul.f32 v32, v17;
	v19 =	vadd.f32 v35, v19;
	_ =	sdelay $0x1  }
0x2d5: {  	v37 =	vmul.f32 v34, v18;
	v19 =	vadd.f32 v36, v19;
	_ =	sdelay $0x1  }
0x2d6: {  	v19 =	vadd.f32 v37, v19;
	_ =	sdelay $0x1  }
0x2d7: {  	[tilespmem:s22+$0x11D60] =	vst v19  }
0x2d8: {  	v19 =	vld [tilespmem:s23+$0x1D70];
	_ =	sdelay $0x1  }
0x2d9: {  	v38 =	vld [tilespmem:s23+$0x1DF0];
	_ =	sdelay $0x1  }
0x2da: {  	v39 =	vld [tilespmem:s23+$0x1E70]  }
0x2db: {  	v7 =	vmul.f32 v19, v7  }
0x2dc: {  	v40 =	vld [tilespmem:s23+$0x1EF0]  }
0x2dd: {  	v8 =	vmul.f32 v38, v8;
	v7 =	vadd.f32 $0.0e+00, v7  }
0x2de: {  	v41 =	vld [tilespmem:s23+$0x1F70]  }
0x2df: {  	v5 =	vmul.f32 v39, v5;
	v7 =	vadd.f32 v8, v7  }
0x2e0: {  	v42 =	vld [tilespmem:s23+$0x1FF0]  }
0x2e1: {  	v3 =	vmul.f32 v40, v3;
	v5 =	vadd.f32 v5, v7  }
0x2e2: {  	v43 =	vld [tilespmem:s23+$0x2070]  }
0x2e3: {  	v4 =	vmul.f32 v41, v4;
	v3 =	vadd.f32 v3, v5  }
0x2e4: {  	v44 =	vld [tilespmem:s23+$0x20F0]  }
0x2e5: {  	v45 =	vmul.f32 v42, v6;
	v3 =	vadd.f32 v4, v3  }
0x2e6: {  	v46 =	vld [tilespmem:s23+$0x2570]  }
0x2e7: {  	v47 =	vmul.f32 v43, v9;
	v3 =	vadd.f32 v45, v3  }
0x2e8: {  	v48 =	vld [tilespmem:s23+$0x25F0]  }
0x2e9: {  	v49 =	vmul.f32 v44, v10;
	v3 =	vadd.f32 v47, v3  }
0x2ea: {  	v50 =	vld [tilespmem:s23+$0x2670]  }
0x2eb: {  	v51 =	vmul.f32 v46, v11;
	v3 =	vadd.f32 v49, v3  }
0x2ec: {  	v52 =	vld [tilespmem:s23+$0x26F0]  }
0x2ed: {  	v53 =	vmul.f32 v48, v12;
	v3 =	vadd.f32 v51, v3  }
0x2ee: {  	v54 =	vld [tilespmem:s23+$0x2770]  }
0x2ef: {  	v55 =	vmul.f32 v50, v13;
	v3 =	vadd.f32 v53, v3  }
0x2f0: {  	v56 =	vld [tilespmem:s23+$0x27F0]  }
0x2f1: {  	v57 =	vmul.f32 v52, v14;
	v3 =	vadd.f32 v55, v3  }
0x2f2: {  	v58 =	vld [tilespmem:s23+$0x2870]  }
0x2f3: {  	v59 =	vmul.f32 v54, v15;
	v3 =	vadd.f32 v57, v3  }
0x2f4: {  	v60 =	vld [tilespmem:s23+$0x28F0]  }
0x2f5: {  	v61 =	vmul.f32 v56, v16;
	v3 =	vadd.f32 v59, v3;
	_ =	sdelay $0x1  }
0x2f6: {  	v62 =	vmul.f32 v58, v17;
	v3 =	vadd.f32 v61, v3  }
0x2f7: {  	p0 =	sne.s32 s20, $0xF  }
.Ltmp0:
0x2f8: {  	v63 =	vmul.f32 v60, v18;
	v3 =	vadd.f32 v62, v3;
	(pc) =	sbr.rel @p0 .LBB2_3-.Ltmp0, $3  }
0x2f9: {  	_ = 	snop  }
0x2fa: {  	v3 =	vadd.f32 v63, v3;
	_ =	sdelay $0x1  }
0x2fb: {  	s20 =	sadd.s32 $0x1, s20;
	[tilespmem:s22+$0x11D70] =	vst v3  }
0x2fc: {  	s19 =	sadd.s32 $0x1, s19  }
0x2fd: {  	p0 =	sne.s32 s19, $0x20  }
.Ltmp1:
0x2fe: {  	s20 =	sadd.s32 s6, s21;
	s23 =	simm.s32 $0x0;
	(pc) =	sbr.rel @p0 .LBB2_2-.Ltmp1, $4  }
0x2ff: {  	[hbm4b:s20+s23] =	stream.linear.scatter [tilespmem:s18], [sflag:$0x2], $0x1000, $0x38;
	[tilespmem:$0x12900] =	vst v63  }
0x300: {  	_ =	swait.ge [sflag:s9], $0x1000  }
0x301: {  	[sflag:s9] =	ssyncset.done $0x0  }
0x302: {  	[sflag:s9] =	ssyncadd.s32 $0xFFFFF000  }
0x303: {  	s20 =	rddreg [dreg:$0x5]  }
0x304: {  	s19 =	rddreg [dreg:$0x4];
	s20 =	sadd.s32 $0x1, s20  }
0x305: {  	p0 =	sne.s32 s20, s19  }
.Ltmp2:
0x306: {  	_ = 	snop;
	(pc) =	sbr.rel @p0 .LBB2_1-.Ltmp2, $1  }
0x307: {  	_ =	sdelay $0x3  }
0x308: {  	_ =	sfence.sel $0x180000  }
0x309: {  	[bflag:$0x0] =	sbarrier.arrive $0xFFFF  }
0x30a: {  	_ =	strace $0x90000047  }
0x30b: {  	s0 =	stileid.u32;
	[bflag:$0x2] =	sbarrier.arrive $0xFFFF  }
0x30c: {  	p0 =	sne.s32 s0, $0x0;
	s0 =	rddreg [dreg:$0x3]  }
0x30d: {  	s0 =	sadd.s32 @!p0 $0x100000, s0  }
0x30e: {  	[sflag:s0] =	ssyncadd.tile.s32 @!p0 $0x1;
	_ =	shalt  }
.Lfunc_end2:
_tile_overlayer_lowered:
.L_overlay_start_2:
0x30f: {  	(tag) =	ssettag $0x2  }
0x310: {  	s0 =	rddreg [dreg:$0x0];
	s2 =	stileid.u32  }
0x311: {  	s1 =	rddreg [dreg:$0x1];
	p0 =	sne.s32 s2, $0x0  }
0x312: {  	s3 =	rddreg [dreg:$0x2];
	[bflag:$0x3] =	sbarrier.arrive $0xFFFF;
	s2 =	simm.s32 @!p0 $0x1C02  }
0x313: {  	[timem:s3], [sflag:s2] =	dma.local @!p0 [hbm:s0], s1  }
0x314: {  	s0 =	simm.s32 @!p0 $0x2  }
0x315: {  	_ =	swait.ge @!p0 [sflag:s0], s1  }
0x316: {  	s1 =	ssub.s32 @!p0 $0x0, s1;
	[sflag:s0] =	ssyncset.done @!p0 $0x0  }
0x317: {  	[sflag:s0] =	ssyncadd.s32 @!p0 s1  }
0x318: {  	[bflag:$0x3] =	sbarrier.arrive $0xFFFF  }
0x319: {  	_ =	shalt  }

</sc_bundles>
